<compile_context>
chip_gen: v7x
topology: tpu7x:2x2x1
jax: 0.10.2.dev20260603
libtpu: 0.0.44.dev20260713+nightly
codegen_flags: <defaults>
</compile_context>

<pallas_src>
import functools

import jax
import jax.numpy as jnp
from jax import lax
from jax.experimental import pallas as pl
from jax.experimental.pallas import tpu as pltpu
from jax.experimental.pallas import tpu_sc as plsc

TOKENS = 32768
CH = 256
LANES = 16
VECS = CH // LANES
NC, NS = 1, 16
NW = NC * NS

SC_ROWS = 2048
TC_ROWS = TOKENS - SC_ROWS
ROWS_PER_W = SC_ROWS // NW
CHUNK = 64
NCHUNK = ROWS_PER_W // CHUNK

_mesh = plsc.VectorSubcoreMesh(
    core_axis_name="c", subcore_axis_name="s", num_cores=NC)


@functools.partial(
    pl.kernel,
    mesh=_mesh,
    out_type=jax.ShapeDtypeStruct((SC_ROWS, CH), jnp.float32),
    scratch_types=[
        pltpu.VMEM((CH,), jnp.float32),
        pltpu.VMEM((2, CHUNK, CH), jnp.float32),
        pltpu.VMEM((2, CHUNK, CH), jnp.float32),
        pltpu.VMEM((2, CHUNK, CH), jnp.float32),
        pltpu.SemaphoreType.DMA,
        pltpu.SemaphoreType.DMA,
    ],
)
def _sc_blend(x1_hbm, x2_hbm, gate_hbm, out_hbm, g_v, a_v, b_v, o_v,
              in_sem, out_sem):
    wid = lax.axis_index("s") * NC + lax.axis_index("c")
    in_base = TC_ROWS + wid * ROWS_PER_W
    out_base = wid * ROWS_PER_W

    pltpu.sync_copy(gate_hbm, g_v)
    sig = [
        1.0 / (1.0 + jnp.exp(-g_v[pl.ds(LANES * j, LANES)]))
        for j in range(VECS)
    ]

    def start_in(ci, b):
        row0 = in_base + ci * CHUNK
        pltpu.make_async_copy(
            x1_hbm.at[pl.ds(row0, CHUNK)], a_v.at[b], in_sem).start()
        pltpu.make_async_copy(
            x2_hbm.at[pl.ds(row0, CHUNK)], b_v.at[b], in_sem).start()

    def wait_in(b):
        pltpu.make_async_copy(
            x1_hbm.at[pl.ds(in_base, CHUNK)], a_v.at[b], in_sem).wait()
        pltpu.make_async_copy(
            x2_hbm.at[pl.ds(in_base, CHUNK)], b_v.at[b], in_sem).wait()

    def start_out(ci, b):
        row0 = out_base + ci * CHUNK
        pltpu.make_async_copy(
            o_v.at[b], out_hbm.at[pl.ds(row0, CHUNK)], out_sem).start()

    def wait_out_one(b):
        pltpu.make_async_copy(
            o_v.at[b], out_hbm.at[pl.ds(out_base, CHUNK)], out_sem).wait()

    def compute(b):
        def row_body(r, c2):
            for j in range(VECS):
                sl = pl.ds(LANES * j, LANES)
                x1 = a_v[b, r, sl]
                x2 = b_v[b, r, sl]
                o_v[b, r, sl] = x2 + sig[j] * (x1 - x2)
            return c2

        lax.fori_loop(0, CHUNK, row_body, 0)

    start_in(0, 0)
    for ci in range(NCHUNK):
        b = ci % 2
        if ci + 1 < NCHUNK:
            if ci >= 1:
                wait_out_one(1 - b)
            start_in(ci + 1, 1 - b)
        wait_in(b)
        compute(b)
        start_out(ci, b)
    if NCHUNK >= 2:
        wait_out_one(1)
    wait_out_one(0)


TC_STEP = 1024
TC_NSTEP = TC_ROWS // TC_STEP
TC_NBUF = 6


def _tc_blend(x1_hbm, x2_hbm, gate_ref, out_hbm, a_v, b_v, o_v,
              in_sems, out_sems):
    g = jax.nn.sigmoid(gate_ref[...])

    def start_in(s):
        buf = s % TC_NBUF
        row0 = s * TC_STEP
        pltpu.make_async_copy(
            x1_hbm.at[pl.ds(row0, TC_STEP)], a_v.at[buf],
            in_sems.at[buf]).start()
        pltpu.make_async_copy(
            x2_hbm.at[pl.ds(row0, TC_STEP)], b_v.at[buf],
            in_sems.at[buf]).start()

    def wait_in(s):
        buf = s % TC_NBUF
        pltpu.make_async_copy(
            x1_hbm.at[pl.ds(0, TC_STEP)], a_v.at[buf],
            in_sems.at[buf]).wait()
        pltpu.make_async_copy(
            x2_hbm.at[pl.ds(0, TC_STEP)], b_v.at[buf],
            in_sems.at[buf]).wait()

    def start_out(s):
        buf = s % TC_NBUF
        row0 = s * TC_STEP
        pltpu.make_async_copy(
            o_v.at[buf], out_hbm.at[pl.ds(row0, TC_STEP)],
            out_sems.at[buf]).start()

    def wait_out(s):
        buf = s % TC_NBUF
        pltpu.make_async_copy(
            o_v.at[buf], out_hbm.at[pl.ds(0, TC_STEP)],
            out_sems.at[buf]).wait()

    for s in range(min(TC_NBUF, TC_NSTEP)):
        start_in(s)
    for s in range(TC_NSTEP):
        buf = s % TC_NBUF
        wait_in(s)
        if s >= TC_NBUF:
            wait_out(s - TC_NBUF)
        o_v[buf] = b_v[buf] + g * (a_v[buf] - b_v[buf])
        start_out(s)
        if s + TC_NBUF < TC_NSTEP:
            start_in(s + TC_NBUF)
    for s in range(max(TC_NSTEP - TC_NBUF, 0), TC_NSTEP):
        wait_out(s)


_tc_call = pl.pallas_call(
    _tc_blend,
    in_specs=[
        pl.BlockSpec(memory_space=pl.ANY),
        pl.BlockSpec(memory_space=pl.ANY),
        pl.BlockSpec((1, CH), lambda: (0, 0)),
    ],
    out_specs=pl.BlockSpec(memory_space=pl.ANY),
    out_shape=jax.ShapeDtypeStruct((TOKENS, CH), jnp.float32),
    scratch_shapes=[
        pltpu.VMEM((TC_NBUF, TC_STEP, CH), jnp.float32),
        pltpu.VMEM((TC_NBUF, TC_STEP, CH), jnp.float32),
        pltpu.VMEM((TC_NBUF, TC_STEP, CH), jnp.float32),
        pltpu.SemaphoreType.DMA((TC_NBUF,)),
        pltpu.SemaphoreType.DMA((TC_NBUF,)),
    ],
)


def kernel(x_1, x_2, gate):
    sc_part = _sc_blend(x_1, x_2, gate)
    tc_full = _tc_call(x_1, x_2, gate.reshape(1, CH))
    return lax.dynamic_update_slice(tc_full, sc_part, (TC_ROWS, 0))

# --- scband reference (transcript-rebuilt; emitter-appended) ---
"""Pipeline reference for scband-sparse-aggregator-43860206027182 (READ-ONLY COPY).

The authoritative reference and input builder live on the scoring server;
editing this copy changes nothing except your own understanding.
"""

import jax, jax.numpy as jnp
import numpy as np

TOTAL_TOKENS = 32768
CHANNELS = 256


def setup_inputs(seed: int = 0) -> dict:
    key = jax.random.key(seed)
    k1, k2, k3 = jax.random.split(key, 3)
    # Two packed/ragged feature streams, flattened to [total_tokens, channels].
    x_1 = jax.random.normal(k1, (TOTAL_TOKENS, CHANNELS), dtype=jnp.float32)
    x_2 = jax.random.normal(k2, (TOTAL_TOKENS, CHANNELS), dtype=jnp.float32)
    # Learned per-channel gate of the aggregator block produced by
    # aggregator_factory((256, 256), 256) -> gated elementwise sum.
    gate = jax.random.normal(k3, (CHANNELS,), dtype=jnp.float32) * 0.1
    return {"x_1": x_1, "x_2": x_2, "gate": gate}


def reference(x_1, x_2, gate):
    # SparseAggregator.forward with two dense (fully-present) streams:
    #   proj_1 = projs[0] = Identity (factory has no block_factory attr)
    #   loop iteration: x_1 = self._forward(x_1, x_2, proj_1, proj_2, agg)
    # Inside _forward: neither input is None, neither is a PackedTensor,
    # so the result is simply agg(x_1, x_2).
    # agg is the gated elementwise-sum aggregator block:
    #   out = sigmoid(g) * x_1 + (1 - sigmoid(g)) * x_2
    g = jax.nn.sigmoid(gate)
    out = g * x_1 + (1.0 - g) * x_2
    return out


if False:  # reference __main__ guard neutralized (emitter)
    inp = setup_inputs()
    out = reference(**inp)
    print(out.shape, out.dtype)

if __name__ == "__main__":
    import jax
    _d = setup_inputs()
    print(jax.jit(kernel)(*tuple(_d.values())))

</pallas_src>

<mosaic_0001>
#map = affine_map<(d0, d1) -> (0, 0)>
#map1 = affine_map<(d0, d1) -> (0)>
module attributes {stable_mosaic.version = 14 : i64} {
  func.func @_sc_blend(%arg0: i32, %arg1: i32, %arg2: memref<32768x256xf32, #tpu.memory_space<hbm>>, %arg3: memref<32768x256xf32, #tpu.memory_space<hbm>>, %arg4: memref<256xf32, #tpu.memory_space<hbm>>, %arg5: memref<2048x256xf32, #tpu.memory_space<hbm>>, %arg6: memref<256xf32, #tpu.memory_space<vmem>>, %arg7: memref<2x64x256xf32, #tpu.memory_space<vmem>>, %arg8: memref<2x64x256xf32, #tpu.memory_space<vmem>>, %arg9: memref<2x64x256xf32, #tpu.memory_space<vmem>>, %arg10: memref<!tpu.dma_semaphore, #tpu.memory_space<semaphore_mem>>, %arg11: memref<!tpu.dma_semaphore, #tpu.memory_space<semaphore_mem>>) attributes {dimension_semantics = [#tpu.dimension_semantics<core_parallel>, #tpu.dimension_semantics<subcore_parallel>], iteration_bounds = array<i64: 1, 16>, scalar_prefetch = 0 : i64, scratch_operands = 6 : i64, tpu.core_type = #tpu.core_type<sc_vector_subcore>, window_params = [{transform_indices = #map}, {transform_indices = #map}, {transform_indices = #map1}, {transform_indices = #map}]} {
    %mul3A = arith.constant 1 : i32
    %mul3A_0 = arith.muli %arg1, %mul3A : i32
    %add3A = arith.addi %mul3A_0, %arg0 : i32
    %mul3A_1 = arith.constant 128 : i32
    %mul3A_2 = arith.muli %add3A, %mul3A_1 : i32
    %add3A_3 = arith.constant 30720 : i32
    %add3A_4 = arith.addi %add3A_3, %mul3A_2 : i32
    %mul3A_5 = arith.constant 128 : i32
    %mul3A_6 = arith.muli %add3A, %mul3A_5 : i32
    "tpu.region"() ({
      %run_scoped3A = tpu.sem_alloc : memref<!tpu.dma_semaphore, #tpu.memory_space<semaphore_mem>>
      tpu.enqueue_dma source(%arg4 : memref<256xf32, #tpu.memory_space<hbm>>) target(%arg6 : memref<256xf32, #tpu.memory_space<vmem>>) target_semaphore(%run_scoped3A : memref<!tpu.dma_semaphore, #tpu.memory_space<semaphore_mem>>)
      tpu.wait_dma2 semaphore(%run_scoped3A : memref<!tpu.dma_semaphore, #tpu.memory_space<semaphore_mem>>) src(%arg4 : memref<256xf32, #tpu.memory_space<hbm>>) dst(%arg6 : memref<256xf32, #tpu.memory_space<vmem>>)
      tpu.yield
    }) : () -> ()
    %get3A = arith.constant 0 : index
    %get3A_7 = tpu.vector_load %arg6[%get3A] {strides = array<i32>} : memref<256xf32, #tpu.memory_space<vmem>>, vector<16xf32>,
    %get3A_8 = vector.shape_cast %get3A_7 : vector<16xf32> to vector<16xf32>
    %neg3A = arith.constant 0.000000e+00 : f32
    %neg3A_9 = vector.broadcast %neg3A : f32 to vector<16xf32>
    %neg3A_10 = arith.subf %neg3A_9, %get3A_8 : vector<16xf32>
    %exp3A = math.exp %neg3A_10 : vector<16xf32>
    %add3A_11 = arith.constant 1.000000e+00 : f32
    %add3A_12 = vector.broadcast %add3A_11 : f32 to vector<16xf32>
    %add3A_13 = arith.addf %add3A_12, %exp3A : vector<16xf32>
    %div3A = arith.constant 1.000000e+00 : f32
    %div3A_14 = vector.broadcast %div3A : f32 to vector<16xf32>
    %div3A_15 = arith.divf %div3A_14, %add3A_13 : vector<16xf32>
    %get3A_16 = arith.constant 16 : index
    %get3A_17 = tpu.vector_load %arg6[%get3A_16] {strides = array<i32>} : memref<256xf32, #tpu.memory_space<vmem>>, vector<16xf32>,
    %get3A_18 = vector.shape_cast %get3A_17 : vector<16xf32> to vector<16xf32>
    %neg3A_19 = arith.constant 0.000000e+00 : f32
    %neg3A_20 = vector.broadcast %neg3A_19 : f32 to vector<16xf32>
    %neg3A_21 = arith.subf %neg3A_20, %get3A_18 : vector<16xf32>
    %exp3A_22 = math.exp %neg3A_21 : vector<16xf32>
    %add3A_23 = arith.constant 1.000000e+00 : f32
    %add3A_24 = vector.broadcast %add3A_23 : f32 to vector<16xf32>
    %add3A_25 = arith.addf %add3A_24, %exp3A_22 : vector<16xf32>
    %div3A_26 = arith.constant 1.000000e+00 : f32
    %div3A_27 = vector.broadcast %div3A_26 : f32 to vector<16xf32>
    %div3A_28 = arith.divf %div3A_27, %add3A_25 : vector<16xf32>
    %get3A_29 = arith.constant 32 : index
    %get3A_30 = tpu.vector_load %arg6[%get3A_29] {strides = array<i32>} : memref<256xf32, #tpu.memory_space<vmem>>, vector<16xf32>,
    %get3A_31 = vector.shape_cast %get3A_30 : vector<16xf32> to vector<16xf32>
    %neg3A_32 = arith.constant 0.000000e+00 : f32
    %neg3A_33 = vector.broadcast %neg3A_32 : f32 to vector<16xf32>
    %neg3A_34 = arith.subf %neg3A_33, %get3A_31 : vector<16xf32>
    %exp3A_35 = math.exp %neg3A_34 : vector<16xf32>
    %add3A_36 = arith.constant 1.000000e+00 : f32
    %add3A_37 = vector.broadcast %add3A_36 : f32 to vector<16xf32>
    %add3A_38 = arith.addf %add3A_37, %exp3A_35 : vector<16xf32>
    %div3A_39 = arith.constant 1.000000e+00 : f32
    %div3A_40 = vector.broadcast %div3A_39 : f32 to vector<16xf32>
    %div3A_41 = arith.divf %div3A_40, %add3A_38 : vector<16xf32>
    %get3A_42 = arith.constant 48 : index
    %get3A_43 = tpu.vector_load %arg6[%get3A_42] {strides = array<i32>} : memref<256xf32, #tpu.memory_space<vmem>>, vector<16xf32>,
    %get3A_44 = vector.shape_cast %get3A_43 : vector<16xf32> to vector<16xf32>
    %neg3A_45 = arith.constant 0.000000e+00 : f32
    %neg3A_46 = vector.broadcast %neg3A_45 : f32 to vector<16xf32>
    %neg3A_47 = arith.subf %neg3A_46, %get3A_44 : vector<16xf32>
    %exp3A_48 = math.exp %neg3A_47 : vector<16xf32>
    %add3A_49 = arith.constant 1.000000e+00 : f32
    %add3A_50 = vector.broadcast %add3A_49 : f32 to vector<16xf32>
    %add3A_51 = arith.addf %add3A_50, %exp3A_48 : vector<16xf32>
    %div3A_52 = arith.constant 1.000000e+00 : f32
    %div3A_53 = vector.broadcast %div3A_52 : f32 to vector<16xf32>
    %div3A_54 = arith.divf %div3A_53, %add3A_51 : vector<16xf32>
    %get3A_55 = arith.constant 64 : index
    %get3A_56 = tpu.vector_load %arg6[%get3A_55] {strides = array<i32>} : memref<256xf32, #tpu.memory_space<vmem>>, vector<16xf32>,
    %get3A_57 = vector.shape_cast %get3A_56 : vector<16xf32> to vector<16xf32>
    %neg3A_58 = arith.constant 0.000000e+00 : f32
    %neg3A_59 = vector.broadcast %neg3A_58 : f32 to vector<16xf32>
    %neg3A_60 = arith.subf %neg3A_59, %get3A_57 : vector<16xf32>
    %exp3A_61 = math.exp %neg3A_60 : vector<16xf32>
    %add3A_62 = arith.constant 1.000000e+00 : f32
    %add3A_63 = vector.broadcast %add3A_62 : f32 to vector<16xf32>
    %add3A_64 = arith.addf %add3A_63, %exp3A_61 : vector<16xf32>
    %div3A_65 = arith.constant 1.000000e+00 : f32
    %div3A_66 = vector.broadcast %div3A_65 : f32 to vector<16xf32>
    %div3A_67 = arith.divf %div3A_66, %add3A_64 : vector<16xf32>
    %get3A_68 = arith.constant 80 : index
    %get3A_69 = tpu.vector_load %arg6[%get3A_68] {strides = array<i32>} : memref<256xf32, #tpu.memory_space<vmem>>, vector<16xf32>,
    %get3A_70 = vector.shape_cast %get3A_69 : vector<16xf32> to vector<16xf32>
    %neg3A_71 = arith.constant 0.000000e+00 : f32
    %neg3A_72 = vector.broadcast %neg3A_71 : f32 to vector<16xf32>
    %neg3A_73 = arith.subf %neg3A_72, %get3A_70 : vector<16xf32>
    %exp3A_74 = math.exp %neg3A_73 : vector<16xf32>
    %add3A_75 = arith.constant 1.000000e+00 : f32
    %add3A_76 = vector.broadcast %add3A_75 : f32 to vector<16xf32>
    %add3A_77 = arith.addf %add3A_76, %exp3A_74 : vector<16xf32>
    %div3A_78 = arith.constant 1.000000e+00 : f32
    %div3A_79 = vector.broadcast %div3A_78 : f32 to vector<16xf32>
    %div3A_80 = arith.divf %div3A_79, %add3A_77 : vector<16xf32>
    %get3A_81 = arith.constant 96 : index
    %get3A_82 = tpu.vector_load %arg6[%get3A_81] {strides = array<i32>} : memref<256xf32, #tpu.memory_space<vmem>>, vector<16xf32>,
    %get3A_83 = vector.shape_cast %get3A_82 : vector<16xf32> to vector<16xf32>
    %neg3A_84 = arith.constant 0.000000e+00 : f32
    %neg3A_85 = vector.broadcast %neg3A_84 : f32 to vector<16xf32>
    %neg3A_86 = arith.subf %neg3A_85, %get3A_83 : vector<16xf32>
    %exp3A_87 = math.exp %neg3A_86 : vector<16xf32>
    %add3A_88 = arith.constant 1.000000e+00 : f32
    %add3A_89 = vector.broadcast %add3A_88 : f32 to vector<16xf32>
    %add3A_90 = arith.addf %add3A_89, %exp3A_87 : vector<16xf32>
    %div3A_91 = arith.constant 1.000000e+00 : f32
    %div3A_92 = vector.broadcast %div3A_91 : f32 to vector<16xf32>
    %div3A_93 = arith.divf %div3A_92, %add3A_90 : vector<16xf32>
    %get3A_94 = arith.constant 112 : index
    %get3A_95 = tpu.vector_load %arg6[%get3A_94] {strides = array<i32>} : memref<256xf32, #tpu.memory_space<vmem>>, vector<16xf32>,
    %get3A_96 = vector.shape_cast %get3A_95 : vector<16xf32> to vector<16xf32>
    %neg3A_97 = arith.constant 0.000000e+00 : f32
    %neg3A_98 = vector.broadcast %neg3A_97 : f32 to vector<16xf32>
    %neg3A_99 = arith.subf %neg3A_98, %get3A_96 : vector<16xf32>
    %exp3A_100 = math.exp %neg3A_99 : vector<16xf32>
    %add3A_101 = arith.constant 1.000000e+00 : f32
    %add3A_102 = vector.broadcast %add3A_101 : f32 to vector<16xf32>
    %add3A_103 = arith.addf %add3A_102, %exp3A_100 : vector<16xf32>
    %div3A_104 = arith.constant 1.000000e+00 : f32
    %div3A_105 = vector.broadcast %div3A_104 : f32 to vector<16xf32>
    %div3A_106 = arith.divf %div3A_105, %add3A_103 : vector<16xf32>
    %get3A_107 = arith.constant 128 : index
    %get3A_108 = tpu.vector_load %arg6[%get3A_107] {strides = array<i32>} : memref<256xf32, #tpu.memory_space<vmem>>, vector<16xf32>,
    %get3A_109 = vector.shape_cast %get3A_108 : vector<16xf32> to vector<16xf32>
    %neg3A_110 = arith.constant 0.000000e+00 : f32
    %neg3A_111 = vector.broadcast %neg3A_110 : f32 to vector<16xf32>
    %neg3A_112 = arith.subf %neg3A_111, %get3A_109 : vector<16xf32>
    %exp3A_113 = math.exp %neg3A_112 : vector<16xf32>
    %add3A_114 = arith.constant 1.000000e+00 : f32
    %add3A_115 = vector.broadcast %add3A_114 : f32 to vector<16xf32>
    %add3A_116 = arith.addf %add3A_115, %exp3A_113 : vector<16xf32>
    %div3A_117 = arith.constant 1.000000e+00 : f32
    %div3A_118 = vector.broadcast %div3A_117 : f32 to vector<16xf32>
    %div3A_119 = arith.divf %div3A_118, %add3A_116 : vector<16xf32>
    %get3A_120 = arith.constant 144 : index
    %get3A_121 = tpu.vector_load %arg6[%get3A_120] {strides = array<i32>} : memref<256xf32, #tpu.memory_space<vmem>>, vector<16xf32>,
    %get3A_122 = vector.shape_cast %get3A_121 : vector<16xf32> to vector<16xf32>
    %neg3A_123 = arith.constant 0.000000e+00 : f32
    %neg3A_124 = vector.broadcast %neg3A_123 : f32 to vector<16xf32>
    %neg3A_125 = arith.subf %neg3A_124, %get3A_122 : vector<16xf32>
    %exp3A_126 = math.exp %neg3A_125 : vector<16xf32>
    %add3A_127 = arith.constant 1.000000e+00 : f32
    %add3A_128 = vector.broadcast %add3A_127 : f32 to vector<16xf32>
    %add3A_129 = arith.addf %add3A_128, %exp3A_126 : vector<16xf32>
    %div3A_130 = arith.constant 1.000000e+00 : f32
    %div3A_131 = vector.broadcast %div3A_130 : f32 to vector<16xf32>
    %div3A_132 = arith.divf %div3A_131, %add3A_129 : vector<16xf32>
    %get3A_133 = arith.constant 160 : index
    %get3A_134 = tpu.vector_load %arg6[%get3A_133] {strides = array<i32>} : memref<256xf32, #tpu.memory_space<vmem>>, vector<16xf32>,
    %get3A_135 = vector.shape_cast %get3A_134 : vector<16xf32> to vector<16xf32>
    %neg3A_136 = arith.constant 0.000000e+00 : f32
    %neg3A_137 = vector.broadcast %neg3A_136 : f32 to vector<16xf32>
    %neg3A_138 = arith.subf %neg3A_137, %get3A_135 : vector<16xf32>
    %exp3A_139 = math.exp %neg3A_138 : vector<16xf32>
    %add3A_140 = arith.constant 1.000000e+00 : f32
    %add3A_141 = vector.broadcast %add3A_140 : f32 to vector<16xf32>
    %add3A_142 = arith.addf %add3A_141, %exp3A_139 : vector<16xf32>
    %div3A_143 = arith.constant 1.000000e+00 : f32
    %div3A_144 = vector.broadcast %div3A_143 : f32 to vector<16xf32>
    %div3A_145 = arith.divf %div3A_144, %add3A_142 : vector<16xf32>
    %get3A_146 = arith.constant 176 : index
    %get3A_147 = tpu.vector_load %arg6[%get3A_146] {strides = array<i32>} : memref<256xf32, #tpu.memory_space<vmem>>, vector<16xf32>,
    %get3A_148 = vector.shape_cast %get3A_147 : vector<16xf32> to vector<16xf32>
    %neg3A_149 = arith.constant 0.000000e+00 : f32
    %neg3A_150 = vector.broadcast %neg3A_149 : f32 to vector<16xf32>
    %neg3A_151 = arith.subf %neg3A_150, %get3A_148 : vector<16xf32>
    %exp3A_152 = math.exp %neg3A_151 : vector<16xf32>
    %add3A_153 = arith.constant 1.000000e+00 : f32
    %add3A_154 = vector.broadcast %add3A_153 : f32 to vector<16xf32>
    %add3A_155 = arith.addf %add3A_154, %exp3A_152 : vector<16xf32>
    %div3A_156 = arith.constant 1.000000e+00 : f32
    %div3A_157 = vector.broadcast %div3A_156 : f32 to vector<16xf32>
    %div3A_158 = arith.divf %div3A_157, %add3A_155 : vector<16xf32>
    %get3A_159 = arith.constant 192 : index
    %get3A_160 = tpu.vector_load %arg6[%get3A_159] {strides = array<i32>} : memref<256xf32, #tpu.memory_space<vmem>>, vector<16xf32>,
    %get3A_161 = vector.shape_cast %get3A_160 : vector<16xf32> to vector<16xf32>
    %neg3A_162 = arith.constant 0.000000e+00 : f32
    %neg3A_163 = vector.broadcast %neg3A_162 : f32 to vector<16xf32>
    %neg3A_164 = arith.subf %neg3A_163, %get3A_161 : vector<16xf32>
    %exp3A_165 = math.exp %neg3A_164 : vector<16xf32>
    %add3A_166 = arith.constant 1.000000e+00 : f32
    %add3A_167 = vector.broadcast %add3A_166 : f32 to vector<16xf32>
    %add3A_168 = arith.addf %add3A_167, %exp3A_165 : vector<16xf32>
    %div3A_169 = arith.constant 1.000000e+00 : f32
    %div3A_170 = vector.broadcast %div3A_169 : f32 to vector<16xf32>
    %div3A_171 = arith.divf %div3A_170, %add3A_168 : vector<16xf32>
    %get3A_172 = arith.constant 208 : index
    %get3A_173 = tpu.vector_load %arg6[%get3A_172] {strides = array<i32>} : memref<256xf32, #tpu.memory_space<vmem>>, vector<16xf32>,
    %get3A_174 = vector.shape_cast %get3A_173 : vector<16xf32> to vector<16xf32>
    %neg3A_175 = arith.constant 0.000000e+00 : f32
    %neg3A_176 = vector.broadcast %neg3A_175 : f32 to vector<16xf32>
    %neg3A_177 = arith.subf %neg3A_176, %get3A_174 : vector<16xf32>
    %exp3A_178 = math.exp %neg3A_177 : vector<16xf32>
    %add3A_179 = arith.constant 1.000000e+00 : f32
    %add3A_180 = vector.broadcast %add3A_179 : f32 to vector<16xf32>
    %add3A_181 = arith.addf %add3A_180, %exp3A_178 : vector<16xf32>
    %div3A_182 = arith.constant 1.000000e+00 : f32
    %div3A_183 = vector.broadcast %div3A_182 : f32 to vector<16xf32>
    %div3A_184 = arith.divf %div3A_183, %add3A_181 : vector<16xf32>
    %get3A_185 = arith.constant 224 : index
    %get3A_186 = tpu.vector_load %arg6[%get3A_185] {strides = array<i32>} : memref<256xf32, #tpu.memory_space<vmem>>, vector<16xf32>,
    %get3A_187 = vector.shape_cast %get3A_186 : vector<16xf32> to vector<16xf32>
    %neg3A_188 = arith.constant 0.000000e+00 : f32
    %neg3A_189 = vector.broadcast %neg3A_188 : f32 to vector<16xf32>
    %neg3A_190 = arith.subf %neg3A_189, %get3A_187 : vector<16xf32>
    %exp3A_191 = math.exp %neg3A_190 : vector<16xf32>
    %add3A_192 = arith.constant 1.000000e+00 : f32
    %add3A_193 = vector.broadcast %add3A_192 : f32 to vector<16xf32>
    %add3A_194 = arith.addf %add3A_193, %exp3A_191 : vector<16xf32>
    %div3A_195 = arith.constant 1.000000e+00 : f32
    %div3A_196 = vector.broadcast %div3A_195 : f32 to vector<16xf32>
    %div3A_197 = arith.divf %div3A_196, %add3A_194 : vector<16xf32>
    %get3A_198 = arith.constant 240 : index
    %get3A_199 = tpu.vector_load %arg6[%get3A_198] {strides = array<i32>} : memref<256xf32, #tpu.memory_space<vmem>>, vector<16xf32>,
    %get3A_200 = vector.shape_cast %get3A_199 : vector<16xf32> to vector<16xf32>
    %neg3A_201 = arith.constant 0.000000e+00 : f32
    %neg3A_202 = vector.broadcast %neg3A_201 : f32 to vector<16xf32>
    %neg3A_203 = arith.subf %neg3A_202, %get3A_200 : vector<16xf32>
    %exp3A_204 = math.exp %neg3A_203 : vector<16xf32>
    %add3A_205 = arith.constant 1.000000e+00 : f32
    %add3A_206 = vector.broadcast %add3A_205 : f32 to vector<16xf32>
    %add3A_207 = arith.addf %add3A_206, %exp3A_204 : vector<16xf32>
    %div3A_208 = arith.constant 1.000000e+00 : f32
    %div3A_209 = vector.broadcast %div3A_208 : f32 to vector<16xf32>
    %div3A_210 = arith.divf %div3A_209, %add3A_207 : vector<16xf32>
    %add3A_211 = arith.constant 0 : i32
    %add3A_212 = arith.addi %add3A_4, %add3A_211 : i32
    %dma_start3A = arith.constant 0 : i32
    %dma_start3A_213 = arith.constant 0 : i32
    %dma_start3A_214 = arith.constant 0 : i32
    %dma_start3A_215 = tpu.memref_slice %arg7[%dma_start3A, %dma_start3A_213, %dma_start3A_214] : memref<2x64x256xf32, #tpu.memory_space<vmem>> -> memref<1x64x256xf32, #tpu.memory_space<vmem>>
    %dma_start3A_216 = tpu.memref_squeeze %dma_start3A_215 : memref<1x64x256xf32, #tpu.memory_space<vmem>> -> memref<64x256xf32, #tpu.memory_space<vmem>>
    %dma_start3A_217 = arith.constant 0 : i32
    %dma_start3A_218 = tpu.memref_slice %arg2[%add3A_212, %dma_start3A_217] : memref<32768x256xf32, #tpu.memory_space<hbm>> -> memref<64x256xf32, #tpu.memory_space<hbm>>
    %dma_start3A_219 = arith.constant 0 : i32
    %dma_start3A_220 = arith.constant 0 : i32
    %dma_start3A_221 = tpu.memref_slice %arg7[%dma_start3A, %dma_start3A_219, %dma_start3A_220] : memref<2x64x256xf32, #tpu.memory_space<vmem>> -> memref<1x64x256xf32, #tpu.memory_space<vmem>>
    %dma_start3A_222 = tpu.memref_squeeze %dma_start3A_221 : memref<1x64x256xf32, #tpu.memory_space<vmem>> -> memref<64x256xf32, #tpu.memory_space<vmem>>
    %dma_start3A_223 = arith.constant 0 : i32
    %dma_start3A_224 = tpu.memref_slice %arg2[%add3A_212, %dma_start3A_223] : memref<32768x256xf32, #tpu.memory_space<hbm>> -> memref<64x256xf32, #tpu.memory_space<hbm>>
    tpu.enqueue_dma source(%dma_start3A_224 : memref<64x256xf32, #tpu.memory_space<hbm>>) target(%dma_start3A_222 : memref<64x256xf32, #tpu.memory_space<vmem>>) target_semaphore(%arg10 : memref<!tpu.dma_semaphore, #tpu.memory_space<semaphore_mem>>)
    %dma_start3A_225 = arith.constant 0 : i32
    %dma_start3A_226 = arith.constant 0 : i32
    %dma_start3A_227 = arith.constant 0 : i32
    %dma_start3A_228 = tpu.memref_slice %arg8[%dma_start3A_225, %dma_start3A_226, %dma_start3A_227] : memref<2x64x256xf32, #tpu.memory_space<vmem>> -> memref<1x64x256xf32, #tpu.memory_space<vmem>>
    %dma_start3A_229 = tpu.memref_squeeze %dma_start3A_228 : memref<1x64x256xf32, #tpu.memory_space<vmem>> -> memref<64x256xf32, #tpu.memory_space<vmem>>
    %dma_start3A_230 = arith.constant 0 : i32
    %dma_start3A_231 = tpu.memref_slice %arg3[%add3A_212, %dma_start3A_230] : memref<32768x256xf32, #tpu.memory_space<hbm>> -> memref<64x256xf32, #tpu.memory_space<hbm>>
    %dma_start3A_232 = arith.constant 0 : i32
    %dma_start3A_233 = arith.constant 0 : i32
    %dma_start3A_234 = tpu.memref_slice %arg8[%dma_start3A_225, %dma_start3A_232, %dma_start3A_233] : memref<2x64x256xf32, #tpu.memory_space<vmem>> -> memref<1x64x256xf32, #tpu.memory_space<vmem>>
    %dma_start3A_235 = tpu.memref_squeeze %dma_start3A_234 : memref<1x64x256xf32, #tpu.memory_space<vmem>> -> memref<64x256xf32, #tpu.memory_space<vmem>>
    %dma_start3A_236 = arith.constant 0 : i32
    %dma_start3A_237 = tpu.memref_slice %arg3[%add3A_212, %dma_start3A_236] : memref<32768x256xf32, #tpu.memory_space<hbm>> -> memref<64x256xf32, #tpu.memory_space<hbm>>
    tpu.enqueue_dma source(%dma_start3A_237 : memref<64x256xf32, #tpu.memory_space<hbm>>) target(%dma_start3A_235 : memref<64x256xf32, #tpu.memory_space<vmem>>) target_semaphore(%arg10 : memref<!tpu.dma_semaphore, #tpu.memory_space<semaphore_mem>>)
    %add3A_238 = arith.constant 64 : i32
    %add3A_239 = arith.addi %add3A_4, %add3A_238 : i32
    %dma_start3A_240 = arith.constant 1 : i32
    %dma_start3A_241 = arith.constant 0 : i32
    %dma_start3A_242 = arith.constant 0 : i32
    %dma_start3A_243 = tpu.memref_slice %arg7[%dma_start3A_240, %dma_start3A_241, %dma_start3A_242] : memref<2x64x256xf32, #tpu.memory_space<vmem>> -> memref<1x64x256xf32, #tpu.memory_space<vmem>>
    %dma_start3A_244 = tpu.memref_squeeze %dma_start3A_243 : memref<1x64x256xf32, #tpu.memory_space<vmem>> -> memref<64x256xf32, #tpu.memory_space<vmem>>
    %dma_start3A_245 = arith.constant 0 : i32
    %dma_start3A_246 = tpu.memref_slice %arg2[%add3A_239, %dma_start3A_245] : memref<32768x256xf32, #tpu.memory_space<hbm>> -> memref<64x256xf32, #tpu.memory_space<hbm>>
    %dma_start3A_247 = arith.constant 0 : i32
    %dma_start3A_248 = arith.constant 0 : i32
    %dma_start3A_249 = tpu.memref_slice %arg7[%dma_start3A_240, %dma_start3A_247, %dma_start3A_248] : memref<2x64x256xf32, #tpu.memory_space<vmem>> -> memref<1x64x256xf32, #tpu.memory_space<vmem>>
    %dma_start3A_250 = tpu.memref_squeeze %dma_start3A_249 : memref<1x64x256xf32, #tpu.memory_space<vmem>> -> memref<64x256xf32, #tpu.memory_space<vmem>>
    %dma_start3A_251 = arith.constant 0 : i32
    %dma_start3A_252 = tpu.memref_slice %arg2[%add3A_239, %dma_start3A_251] : memref<32768x256xf32, #tpu.memory_space<hbm>> -> memref<64x256xf32, #tpu.memory_space<hbm>>
    tpu.enqueue_dma source(%dma_start3A_252 : memref<64x256xf32, #tpu.memory_space<hbm>>) target(%dma_start3A_250 : memref<64x256xf32, #tpu.memory_space<vmem>>) target_semaphore(%arg10 : memref<!tpu.dma_semaphore, #tpu.memory_space<semaphore_mem>>)
    %dma_start3A_253 = arith.constant 1 : i32
    %dma_start3A_254 = arith.constant 0 : i32
    %dma_start3A_255 = arith.constant 0 : i32
    %dma_start3A_256 = tpu.memref_slice %arg8[%dma_start3A_253, %dma_start3A_254, %dma_start3A_255] : memref<2x64x256xf32, #tpu.memory_space<vmem>> -> memref<1x64x256xf32, #tpu.memory_space<vmem>>
    %dma_start3A_257 = tpu.memref_squeeze %dma_start3A_256 : memref<1x64x256xf32, #tpu.memory_space<vmem>> -> memref<64x256xf32, #tpu.memory_space<vmem>>
    %dma_start3A_258 = arith.constant 0 : i32
    %dma_start3A_259 = tpu.memref_slice %arg3[%add3A_239, %dma_start3A_258] : memref<32768x256xf32, #tpu.memory_space<hbm>> -> memref<64x256xf32, #tpu.memory_space<hbm>>
    %dma_start3A_260 = arith.constant 0 : i32
    %dma_start3A_261 = arith.constant 0 : i32
    %dma_start3A_262 = tpu.memref_slice %arg8[%dma_start3A_253, %dma_start3A_260, %dma_start3A_261] : memref<2x64x256xf32, #tpu.memory_space<vmem>> -> memref<1x64x256xf32, #tpu.memory_space<vmem>>
    %dma_start3A_263 = tpu.memref_squeeze %dma_start3A_262 : memref<1x64x256xf32, #tpu.memory_space<vmem>> -> memref<64x256xf32, #tpu.memory_space<vmem>>
    %dma_start3A_264 = arith.constant 0 : i32
    %dma_start3A_265 = tpu.memref_slice %arg3[%add3A_239, %dma_start3A_264] : memref<32768x256xf32, #tpu.memory_space<hbm>> -> memref<64x256xf32, #tpu.memory_space<hbm>>
    tpu.enqueue_dma source(%dma_start3A_265 : memref<64x256xf32, #tpu.memory_space<hbm>>) target(%dma_start3A_263 : memref<64x256xf32, #tpu.memory_space<vmem>>) target_semaphore(%arg10 : memref<!tpu.dma_semaphore, #tpu.memory_space<semaphore_mem>>)
    %dma_wait3A = arith.constant 0 : i32
    %dma_wait3A_266 = arith.constant 0 : i32
    %dma_wait3A_267 = arith.constant 0 : i32
    %dma_wait3A_268 = tpu.memref_slice %arg7[%dma_wait3A, %dma_wait3A_266, %dma_wait3A_267] : memref<2x64x256xf32, #tpu.memory_space<vmem>> -> memref<1x64x256xf32, #tpu.memory_space<vmem>>
    %dma_wait3A_269 = tpu.memref_squeeze %dma_wait3A_268 : memref<1x64x256xf32, #tpu.memory_space<vmem>> -> memref<64x256xf32, #tpu.memory_space<vmem>>
    %dma_wait3A_270 = arith.constant 0 : i32
    %dma_wait3A_271 = tpu.memref_slice %arg2[%add3A_4, %dma_wait3A_270] : memref<32768x256xf32, #tpu.memory_space<hbm>> -> memref<64x256xf32, #tpu.memory_space<hbm>>
    %dma_wait3A_272 = arith.constant 0 : i32
    %dma_wait3A_273 = arith.constant 0 : i32
    %dma_wait3A_274 = tpu.memref_slice %arg7[%dma_wait3A, %dma_wait3A_272, %dma_wait3A_273] : memref<2x64x256xf32, #tpu.memory_space<vmem>> -> memref<1x64x256xf32, #tpu.memory_space<vmem>>
    %dma_wait3A_275 = tpu.memref_squeeze %dma_wait3A_274 : memref<1x64x256xf32, #tpu.memory_space<vmem>> -> memref<64x256xf32, #tpu.memory_space<vmem>>
    %dma_wait3A_276 = arith.constant 0 : i32
    %dma_wait3A_277 = tpu.memref_slice %arg2[%add3A_4, %dma_wait3A_276] : memref<32768x256xf32, #tpu.memory_space<hbm>> -> memref<64x256xf32, #tpu.memory_space<hbm>>
    tpu.wait_dma2 semaphore(%arg10 : memref<!tpu.dma_semaphore, #tpu.memory_space<semaphore_mem>>) src(%dma_wait3A_277 : memref<64x256xf32, #tpu.memory_space<hbm>>) dst(%dma_wait3A_275 : memref<64x256xf32, #tpu.memory_space<vmem>>)
    %dma_wait3A_278 = arith.constant 0 : i32
    %dma_wait3A_279 = arith.constant 0 : i32
    %dma_wait3A_280 = arith.constant 0 : i32
    %dma_wait3A_281 = tpu.memref_slice %arg8[%dma_wait3A_278, %dma_wait3A_279, %dma_wait3A_280] : memref<2x64x256xf32, #tpu.memory_space<vmem>> -> memref<1x64x256xf32, #tpu.memory_space<vmem>>
    %dma_wait3A_282 = tpu.memref_squeeze %dma_wait3A_281 : memref<1x64x256xf32, #tpu.memory_space<vmem>> -> memref<64x256xf32, #tpu.memory_space<vmem>>
    %dma_wait3A_283 = arith.constant 0 : i32
    %dma_wait3A_284 = tpu.memref_slice %arg3[%add3A_4, %dma_wait3A_283] : memref<32768x256xf32, #tpu.memory_space<hbm>> -> memref<64x256xf32, #tpu.memory_space<hbm>>
    %dma_wait3A_285 = arith.constant 0 : i32
    %dma_wait3A_286 = arith.constant 0 : i32
    %dma_wait3A_287 = tpu.memref_slice %arg8[%dma_wait3A_278, %dma_wait3A_285, %dma_wait3A_286] : memref<2x64x256xf32, #tpu.memory_space<vmem>> -> memref<1x64x256xf32, #tpu.memory_space<vmem>>
    %dma_wait3A_288 = tpu.memref_squeeze %dma_wait3A_287 : memref<1x64x256xf32, #tpu.memory_space<vmem>> -> memref<64x256xf32, #tpu.memory_space<vmem>>
    %dma_wait3A_289 = arith.constant 0 : i32
    %dma_wait3A_290 = tpu.memref_slice %arg3[%add3A_4, %dma_wait3A_289] : memref<32768x256xf32, #tpu.memory_space<hbm>> -> memref<64x256xf32, #tpu.memory_space<hbm>>
    tpu.wait_dma2 semaphore(%arg10 : memref<!tpu.dma_semaphore, #tpu.memory_space<semaphore_mem>>) src(%dma_wait3A_290 : memref<64x256xf32, #tpu.memory_space<hbm>>) dst(%dma_wait3A_288 : memref<64x256xf32, #tpu.memory_space<vmem>>)
    %scan3A = arith.constant 0 : i32
    %scan3A_291 = arith.constant 0 : i32
    %scan3A_292 = arith.constant 64 : i32
    %scan3A_293 = arith.addi %scan3A_291, %scan3A_292 : i32
    %scan3A_294 = arith.constant 1 : i32
    scf.for %scan3A_384 = %scan3A_291 to %scan3A_293 step %scan3A_294  : i32 {
      %get3A_385 = arith.constant 0 : i32
      %get3A_386 = arith.index_cast %get3A_385 : i32 to index
      %get3A_387 = arith.index_cast %scan3A_384 : i32 to index
      %get3A_388 = arith.constant 0 : index
      %get3A_389 = tpu.vector_load %arg7[%get3A_386, %get3A_387, %get3A_388] {strides = array<i32>} : memref<2x64x256xf32, #tpu.memory_space<vmem>>, vector<1x1x16xf32>,
      %get3A_390 = vector.shape_cast %get3A_389 : vector<1x1x16xf32> to vector<16xf32>
      %get3A_391 = arith.constant 0 : i32
      %get3A_392 = arith.index_cast %get3A_391 : i32 to index
      %get3A_393 = arith.index_cast %scan3A_384 : i32 to index
      %get3A_394 = arith.constant 0 : index
      %get3A_395 = tpu.vector_load %arg8[%get3A_392, %get3A_393, %get3A_394] {strides = array<i32>} : memref<2x64x256xf32, #tpu.memory_space<vmem>>, vector<1x1x16xf32>,
      %get3A_396 = vector.shape_cast %get3A_395 : vector<1x1x16xf32> to vector<16xf32>
      %sub3A = arith.subf %get3A_390, %get3A_396 : vector<16xf32>
      %mul3A_397 = arith.mulf %div3A_15, %sub3A : vector<16xf32>
      %add3A_398 = arith.addf %get3A_396, %mul3A_397 : vector<16xf32>
      %swap3A = arith.constant 0 : i32
      %swap3A_399 = arith.index_cast %swap3A : i32 to index
      %swap3A_400 = arith.index_cast %scan3A_384 : i32 to index
      %swap3A_401 = arith.constant 0 : index
      %swap3A_402 = tpu.vector_load %arg9[%swap3A_399, %swap3A_400, %swap3A_401] {strides = array<i32>} : memref<2x64x256xf32, #tpu.memory_space<vmem>>, vector<1x1x16xf32>,
      %swap3A_403 = vector.shape_cast %swap3A_402 : vector<1x1x16xf32> to vector<16xf32>
      %swap3A_404 = vector.shape_cast %add3A_398 : vector<16xf32> to vector<1x1x16xf32>
      tpu.vector_store %arg9[%swap3A_399, %swap3A_400, %swap3A_401], %swap3A_404 {strides = array<i32>} : memref<2x64x256xf32, #tpu.memory_space<vmem>>, vector<1x1x16xf32>,
      %get3A_405 = arith.constant 0 : i32
      %get3A_406 = arith.index_cast %get3A_405 : i32 to index
      %get3A_407 = arith.index_cast %scan3A_384 : i32 to index
      %get3A_408 = arith.constant 16 : index
      %get3A_409 = tpu.vector_load %arg7[%get3A_406, %get3A_407, %get3A_408] {strides = array<i32>} : memref<2x64x256xf32, #tpu.memory_space<vmem>>, vector<1x1x16xf32>,
      %get3A_410 = vector.shape_cast %get3A_409 : vector<1x1x16xf32> to vector<16xf32>
      %get3A_411 = arith.constant 0 : i32
      %get3A_412 = arith.index_cast %get3A_411 : i32 to index
      %get3A_413 = arith.index_cast %scan3A_384 : i32 to index
      %get3A_414 = arith.constant 16 : index
      %get3A_415 = tpu.vector_load %arg8[%get3A_412, %get3A_413, %get3A_414] {strides = array<i32>} : memref<2x64x256xf32, #tpu.memory_space<vmem>>, vector<1x1x16xf32>,
      %get3A_416 = vector.shape_cast %get3A_415 : vector<1x1x16xf32> to vector<16xf32>
      %sub3A_417 = arith.subf %get3A_410, %get3A_416 : vector<16xf32>
      %mul3A_418 = arith.mulf %div3A_28, %sub3A_417 : vector<16xf32>
      %add3A_419 = arith.addf %get3A_416, %mul3A_418 : vector<16xf32>
      %swap3A_420 = arith.constant 0 : i32
      %swap3A_421 = arith.index_cast %swap3A_420 : i32 to index
      %swap3A_422 = arith.index_cast %scan3A_384 : i32 to index
      %swap3A_423 = arith.constant 16 : index
      %swap3A_424 = tpu.vector_load %arg9[%swap3A_421, %swap3A_422, %swap3A_423] {strides = array<i32>} : memref<2x64x256xf32, #tpu.memory_space<vmem>>, vector<1x1x16xf32>,
      %swap3A_425 = vector.shape_cast %swap3A_424 : vector<1x1x16xf32> to vector<16xf32>
      %swap3A_426 = vector.shape_cast %add3A_419 : vector<16xf32> to vector<1x1x16xf32>
      tpu.vector_store %arg9[%swap3A_421, %swap3A_422, %swap3A_423], %swap3A_426 {strides = array<i32>} : memref<2x64x256xf32, #tpu.memory_space<vmem>>, vector<1x1x16xf32>,
      %get3A_427 = arith.constant 0 : i32
      %get3A_428 = arith.index_cast %get3A_427 : i32 to index
      %get3A_429 = arith.index_cast %scan3A_384 : i32 to index
      %get3A_430 = arith.constant 32 : index
      %get3A_431 = tpu.vector_load %arg7[%get3A_428, %get3A_429, %get3A_430] {strides = array<i32>} : memref<2x64x256xf32, #tpu.memory_space<vmem>>, vector<1x1x16xf32>,
      %get3A_432 = vector.shape_cast %get3A_431 : vector<1x1x16xf32> to vector<16xf32>
      %get3A_433 = arith.constant 0 : i32
      %get3A_434 = arith.index_cast %get3A_433 : i32 to index
      %get3A_435 = arith.index_cast %scan3A_384 : i32 to index
      %get3A_436 = arith.constant 32 : index
      %get3A_437 = tpu.vector_load %arg8[%get3A_434, %get3A_435, %get3A_436] {strides = array<i32>} : memref<2x64x256xf32, #tpu.memory_space<vmem>>, vector<1x1x16xf32>,
      %get3A_438 = vector.shape_cast %get3A_437 : vector<1x1x16xf32> to vector<16xf32>
      %sub3A_439 = arith.subf %get3A_432, %get3A_438 : vector<16xf32>
      %mul3A_440 = arith.mulf %div3A_41, %sub3A_439 : vector<16xf32>
      %add3A_441 = arith.addf %get3A_438, %mul3A_440 : vector<16xf32>
      %swap3A_442 = arith.constant 0 : i32
      %swap3A_443 = arith.index_cast %swap3A_442 : i32 to index
      %swap3A_444 = arith.index_cast %scan3A_384 : i32 to index
      %swap3A_445 = arith.constant 32 : index
      %swap3A_446 = tpu.vector_load %arg9[%swap3A_443, %swap3A_444, %swap3A_445] {strides = array<i32>} : memref<2x64x256xf32, #tpu.memory_space<vmem>>, vector<1x1x16xf32>,
      %swap3A_447 = vector.shape_cast %swap3A_446 : vector<1x1x16xf32> to vector<16xf32>
      %swap3A_448 = vector.shape_cast %add3A_441 : vector<16xf32> to vector<1x1x16xf32>
      tpu.vector_store %arg9[%swap3A_443, %swap3A_444, %swap3A_445], %swap3A_448 {strides = array<i32>} : memref<2x64x256xf32, #tpu.memory_space<vmem>>, vector<1x1x16xf32>,
      %get3A_449 = arith.constant 0 : i32
      %get3A_450 = arith.index_cast %get3A_449 : i32 to index
      %get3A_451 = arith.index_cast %scan3A_384 : i32 to index
      %get3A_452 = arith.constant 48 : index
      %get3A_453 = tpu.vector_load %arg7[%get3A_450, %get3A_451, %get3A_452] {strides = array<i32>} : memref<2x64x256xf32, #tpu.memory_space<vmem>>, vector<1x1x16xf32>,
      %get3A_454 = vector.shape_cast %get3A_453 : vector<1x1x16xf32> to vector<16xf32>
      %get3A_455 = arith.constant 0 : i32
      %get3A_456 = arith.index_cast %get3A_455 : i32 to index
      %get3A_457 = arith.index_cast %scan3A_384 : i32 to index
      %get3A_458 = arith.constant 48 : index
      %get3A_459 = tpu.vector_load %arg8[%get3A_456, %get3A_457, %get3A_458] {strides = array<i32>} : memref<2x64x256xf32, #tpu.memory_space<vmem>>, vector<1x1x16xf32>,
      %get3A_460 = vector.shape_cast %get3A_459 : vector<1x1x16xf32> to vector<16xf32>
      %sub3A_461 = arith.subf %get3A_454, %get3A_460 : vector<16xf32>
      %mul3A_462 = arith.mulf %div3A_54, %sub3A_461 : vector<16xf32>
      %add3A_463 = arith.addf %get3A_460, %mul3A_462 : vector<16xf32>
      %swap3A_464 = arith.constant 0 : i32
      %swap3A_465 = arith.index_cast %swap3A_464 : i32 to index
      %swap3A_466 = arith.index_cast %scan3A_384 : i32 to index
      %swap3A_467 = arith.constant 48 : index
      %swap3A_468 = tpu.vector_load %arg9[%swap3A_465, %swap3A_466, %swap3A_467] {strides = array<i32>} : memref<2x64x256xf32, #tpu.memory_space<vmem>>, vector<1x1x16xf32>,
      %swap3A_469 = vector.shape_cast %swap3A_468 : vector<1x1x16xf32> to vector<16xf32>
      %swap3A_470 = vector.shape_cast %add3A_463 : vector<16xf32> to vector<1x1x16xf32>
      tpu.vector_store %arg9[%swap3A_465, %swap3A_466, %swap3A_467], %swap3A_470 {strides = array<i32>} : memref<2x64x256xf32, #tpu.memory_space<vmem>>, vector<1x1x16xf32>,
      %get3A_471 = arith.constant 0 : i32
      %get3A_472 = arith.index_cast %get3A_471 : i32 to index
      %get3A_473 = arith.index_cast %scan3A_384 : i32 to index
      %get3A_474 = arith.constant 64 : index
      %get3A_475 = tpu.vector_load %arg7[%get3A_472, %get3A_473, %get3A_474] {strides = array<i32>} : memref<2x64x256xf32, #tpu.memory_space<vmem>>, vector<1x1x16xf32>,
      %get3A_476 = vector.shape_cast %get3A_475 : vector<1x1x16xf32> to vector<16xf32>
      %get3A_477 = arith.constant 0 : i32
      %get3A_478 = arith.index_cast %get3A_477 : i32 to index
      %get3A_479 = arith.index_cast %scan3A_384 : i32 to index
      %get3A_480 = arith.constant 64 : index
      %get3A_481 = tpu.vector_load %arg8[%get3A_478, %get3A_479, %get3A_480] {strides = array<i32>} : memref<2x64x256xf32, #tpu.memory_space<vmem>>, vector<1x1x16xf32>,
      %get3A_482 = vector.shape_cast %get3A_481 : vector<1x1x16xf32> to vector<16xf32>
      %sub3A_483 = arith.subf %get3A_476, %get3A_482 : vector<16xf32>
      %mul3A_484 = arith.mulf %div3A_67, %sub3A_483 : vector<16xf32>
      %add3A_485 = arith.addf %get3A_482, %mul3A_484 : vector<16xf32>
      %swap3A_486 = arith.constant 0 : i32
      %swap3A_487 = arith.index_cast %swap3A_486 : i32 to index
      %swap3A_488 = arith.index_cast %scan3A_384 : i32 to index
      %swap3A_489 = arith.constant 64 : index
      %swap3A_490 = tpu.vector_load %arg9[%swap3A_487, %swap3A_488, %swap3A_489] {strides = array<i32>} : memref<2x64x256xf32, #tpu.memory_space<vmem>>, vector<1x1x16xf32>,
      %swap3A_491 = vector.shape_cast %swap3A_490 : vector<1x1x16xf32> to vector<16xf32>
      %swap3A_492 = vector.shape_cast %add3A_485 : vector<16xf32> to vector<1x1x16xf32>
      tpu.vector_store %arg9[%swap3A_487, %swap3A_488, %swap3A_489], %swap3A_492 {strides = array<i32>} : memref<2x64x256xf32, #tpu.memory_space<vmem>>, vector<1x1x16xf32>,
      %get3A_493 = arith.constant 0 : i32
      %get3A_494 = arith.index_cast %get3A_493 : i32 to index
      %get3A_495 = arith.index_cast %scan3A_384 : i32 to index
      %get3A_496 = arith.constant 80 : index
      %get3A_497 = tpu.vector_load %arg7[%get3A_494, %get3A_495, %get3A_496] {strides = array<i32>} : memref<2x64x256xf32, #tpu.memory_space<vmem>>, vector<1x1x16xf32>,
      %get3A_498 = vector.shape_cast %get3A_497 : vector<1x1x16xf32> to vector<16xf32>
      %get3A_499 = arith.constant 0 : i32
      %get3A_500 = arith.index_cast %get3A_499 : i32 to index
      %get3A_501 = arith.index_cast %scan3A_384 : i32 to index
      %get3A_502 = arith.constant 80 : index
      %get3A_503 = tpu.vector_load %arg8[%get3A_500, %get3A_501, %get3A_502] {strides = array<i32>} : memref<2x64x256xf32, #tpu.memory_space<vmem>>, vector<1x1x16xf32>,
      %get3A_504 = vector.shape_cast %get3A_503 : vector<1x1x16xf32> to vector<16xf32>
      %sub3A_505 = arith.subf %get3A_498, %get3A_504 : vector<16xf32>
      %mul3A_506 = arith.mulf %div3A_80, %sub3A_505 : vector<16xf32>
      %add3A_507 = arith.addf %get3A_504, %mul3A_506 : vector<16xf32>
      %swap3A_508 = arith.constant 0 : i32
      %swap3A_509 = arith.index_cast %swap3A_508 : i32 to index
      %swap3A_510 = arith.index_cast %scan3A_384 : i32 to index
      %swap3A_511 = arith.constant 80 : index
      %swap3A_512 = tpu.vector_load %arg9[%swap3A_509, %swap3A_510, %swap3A_511] {strides = array<i32>} : memref<2x64x256xf32, #tpu.memory_space<vmem>>, vector<1x1x16xf32>,
      %swap3A_513 = vector.shape_cast %swap3A_512 : vector<1x1x16xf32> to vector<16xf32>
      %swap3A_514 = vector.shape_cast %add3A_507 : vector<16xf32> to vector<1x1x16xf32>
      tpu.vector_store %arg9[%swap3A_509, %swap3A_510, %swap3A_511], %swap3A_514 {strides = array<i32>} : memref<2x64x256xf32, #tpu.memory_space<vmem>>, vector<1x1x16xf32>,
      %get3A_515 = arith.constant 0 : i32
      %get3A_516 = arith.index_cast %get3A_515 : i32 to index
      %get3A_517 = arith.index_cast %scan3A_384 : i32 to index
      %get3A_518 = arith.constant 96 : index
      %get3A_519 = tpu.vector_load %arg7[%get3A_516, %get3A_517, %get3A_518] {strides = array<i32>} : memref<2x64x256xf32, #tpu.memory_space<vmem>>, vector<1x1x16xf32>,
      %get3A_520 = vector.shape_cast %get3A_519 : vector<1x1x16xf32> to vector<16xf32>
      %get3A_521 = arith.constant 0 : i32
      %get3A_522 = arith.index_cast %get3A_521 : i32 to index
      %get3A_523 = arith.index_cast %scan3A_384 : i32 to index
      %get3A_524 = arith.constant 96 : index
      %get3A_525 = tpu.vector_load %arg8[%get3A_522, %get3A_523, %get3A_524] {strides = array<i32>} : memref<2x64x256xf32, #tpu.memory_space<vmem>>, vector<1x1x16xf32>,
      %get3A_526 = vector.shape_cast %get3A_525 : vector<1x1x16xf32> to vector<16xf32>
      %sub3A_527 = arith.subf %get3A_520, %get3A_526 : vector<16xf32>
      %mul3A_528 = arith.mulf %div3A_93, %sub3A_527 : vector<16xf32>
      %add3A_529 = arith.addf %get3A_526, %mul3A_528 : vector<16xf32>
      %swap3A_530 = arith.constant 0 : i32
      %swap3A_531 = arith.index_cast %swap3A_530 : i32 to index
      %swap3A_532 = arith.index_cast %scan3A_384 : i32 to index
      %swap3A_533 = arith.constant 96 : index
      %swap3A_534 = tpu.vector_load %arg9[%swap3A_531, %swap3A_532, %swap3A_533] {strides = array<i32>} : memref<2x64x256xf32, #tpu.memory_space<vmem>>, vector<1x1x16xf32>,
      %swap3A_535 = vector.shape_cast %swap3A_534 : vector<1x1x16xf32> to vector<16xf32>
      %swap3A_536 = vector.shape_cast %add3A_529 : vector<16xf32> to vector<1x1x16xf32>
      tpu.vector_store %arg9[%swap3A_531, %swap3A_532, %swap3A_533], %swap3A_536 {strides = array<i32>} : memref<2x64x256xf32, #tpu.memory_space<vmem>>, vector<1x1x16xf32>,
      %get3A_537 = arith.constant 0 : i32
      %get3A_538 = arith.index_cast %get3A_537 : i32 to index
      %get3A_539 = arith.index_cast %scan3A_384 : i32 to index
      %get3A_540 = arith.constant 112 : index
      %get3A_541 = tpu.vector_load %arg7[%get3A_538, %get3A_539, %get3A_540] {strides = array<i32>} : memref<2x64x256xf32, #tpu.memory_space<vmem>>, vector<1x1x16xf32>,
      %get3A_542 = vector.shape_cast %get3A_541 : vector<1x1x16xf32> to vector<16xf32>
      %get3A_543 = arith.constant 0 : i32
      %get3A_544 = arith.index_cast %get3A_543 : i32 to index
      %get3A_545 = arith.index_cast %scan3A_384 : i32 to index
      %get3A_546 = arith.constant 112 : index
      %get3A_547 = tpu.vector_load %arg8[%get3A_544, %get3A_545, %get3A_546] {strides = array<i32>} : memref<2x64x256xf32, #tpu.memory_space<vmem>>, vector<1x1x16xf32>,
      %get3A_548 = vector.shape_cast %get3A_547 : vector<1x1x16xf32> to vector<16xf32>
      %sub3A_549 = arith.subf %get3A_542, %get3A_548 : vector<16xf32>
      %mul3A_550 = arith.mulf %div3A_106, %sub3A_549 : vector<16xf32>
      %add3A_551 = arith.addf %get3A_548, %mul3A_550 : vector<16xf32>
      %swap3A_552 = arith.constant 0 : i32
      %swap3A_553 = arith.index_cast %swap3A_552 : i32 to index
      %swap3A_554 = arith.index_cast %scan3A_384 : i32 to index
      %swap3A_555 = arith.constant 112 : index
      %swap3A_556 = tpu.vector_load %arg9[%swap3A_553, %swap3A_554, %swap3A_555] {strides = array<i32>} : memref<2x64x256xf32, #tpu.memory_space<vmem>>, vector<1x1x16xf32>,
      %swap3A_557 = vector.shape_cast %swap3A_556 : vector<1x1x16xf32> to vector<16xf32>
      %swap3A_558 = vector.shape_cast %add3A_551 : vector<16xf32> to vector<1x1x16xf32>
      tpu.vector_store %arg9[%swap3A_553, %swap3A_554, %swap3A_555], %swap3A_558 {strides = array<i32>} : memref<2x64x256xf32, #tpu.memory_space<vmem>>, vector<1x1x16xf32>,
      %get3A_559 = arith.constant 0 : i32
      %get3A_560 = arith.index_cast %get3A_559 : i32 to index
      %get3A_561 = arith.index_cast %scan3A_384 : i32 to index
      %get3A_562 = arith.constant 128 : index
      %get3A_563 = tpu.vector_load %arg7[%get3A_560, %get3A_561, %get3A_562] {strides = array<i32>} : memref<2x64x256xf32, #tpu.memory_space<vmem>>, vector<1x1x16xf32>,
      %get3A_564 = vector.shape_cast %get3A_563 : vector<1x1x16xf32> to vector<16xf32>
      %get3A_565 = arith.constant 0 : i32
      %get3A_566 = arith.index_cast %get3A_565 : i32 to index
      %get3A_567 = arith.index_cast %scan3A_384 : i32 to index
      %get3A_568 = arith.constant 128 : index
      %get3A_569 = tpu.vector_load %arg8[%get3A_566, %get3A_567, %get3A_568] {strides = array<i32>} : memref<2x64x256xf32, #tpu.memory_space<vmem>>, vector<1x1x16xf32>,
      %get3A_570 = vector.shape_cast %get3A_569 : vector<1x1x16xf32> to vector<16xf32>
      %sub3A_571 = arith.subf %get3A_564, %get3A_570 : vector<16xf32>
      %mul3A_572 = arith.mulf %div3A_119, %sub3A_571 : vector<16xf32>
      %add3A_573 = arith.addf %get3A_570, %mul3A_572 : vector<16xf32>
      %swap3A_574 = arith.constant 0 : i32
      %swap3A_575 = arith.index_cast %swap3A_574 : i32 to index
      %swap3A_576 = arith.index_cast %scan3A_384 : i32 to index
      %swap3A_577 = arith.constant 128 : index
      %swap3A_578 = tpu.vector_load %arg9[%swap3A_575, %swap3A_576, %swap3A_577] {strides = array<i32>} : memref<2x64x256xf32, #tpu.memory_space<vmem>>, vector<1x1x16xf32>,
      %swap3A_579 = vector.shape_cast %swap3A_578 : vector<1x1x16xf32> to vector<16xf32>
      %swap3A_580 = vector.shape_cast %add3A_573 : vector<16xf32> to vector<1x1x16xf32>
      tpu.vector_store %arg9[%swap3A_575, %swap3A_576, %swap3A_577], %swap3A_580 {strides = array<i32>} : memref<2x64x256xf32, #tpu.memory_space<vmem>>, vector<1x1x16xf32>,
      %get3A_581 = arith.constant 0 : i32
      %get3A_582 = arith.index_cast %get3A_581 : i32 to index
      %get3A_583 = arith.index_cast %scan3A_384 : i32 to index
      %get3A_584 = arith.constant 144 : index
      %get3A_585 = tpu.vector_load %arg7[%get3A_582, %get3A_583, %get3A_584] {strides = array<i32>} : memref<2x64x256xf32, #tpu.memory_space<vmem>>, vector<1x1x16xf32>,
      %get3A_586 = vector.shape_cast %get3A_585 : vector<1x1x16xf32> to vector<16xf32>
      %get3A_587 = arith.constant 0 : i32
      %get3A_588 = arith.index_cast %get3A_587 : i32 to index
      %get3A_589 = arith.index_cast %scan3A_384 : i32 to index
      %get3A_590 = arith.constant 144 : index
      %get3A_591 = tpu.vector_load %arg8[%get3A_588, %get3A_589, %get3A_590] {strides = array<i32>} : memref<2x64x256xf32, #tpu.memory_space<vmem>>, vector<1x1x16xf32>,
      %get3A_592 = vector.shape_cast %get3A_591 : vector<1x1x16xf32> to vector<16xf32>
      %sub3A_593 = arith.subf %get3A_586, %get3A_592 : vector<16xf32>
      %mul3A_594 = arith.mulf %div3A_132, %sub3A_593 : vector<16xf32>
      %add3A_595 = arith.addf %get3A_592, %mul3A_594 : vector<16xf32>
      %swap3A_596 = arith.constant 0 : i32
      %swap3A_597 = arith.index_cast %swap3A_596 : i32 to index
      %swap3A_598 = arith.index_cast %scan3A_384 : i32 to index
      %swap3A_599 = arith.constant 144 : index
      %swap3A_600 = tpu.vector_load %arg9[%swap3A_597, %swap3A_598, %swap3A_599] {strides = array<i32>} : memref<2x64x256xf32, #tpu.memory_space<vmem>>, vector<1x1x16xf32>,
      %swap3A_601 = vector.shape_cast %swap3A_600 : vector<1x1x16xf32> to vector<16xf32>
      %swap3A_602 = vector.shape_cast %add3A_595 : vector<16xf32> to vector<1x1x16xf32>
      tpu.vector_store %arg9[%swap3A_597, %swap3A_598, %swap3A_599], %swap3A_602 {strides = array<i32>} : memref<2x64x256xf32, #tpu.memory_space<vmem>>, vector<1x1x16xf32>,
      %get3A_603 = arith.constant 0 : i32
      %get3A_604 = arith.index_cast %get3A_603 : i32 to index
      %get3A_605 = arith.index_cast %scan3A_384 : i32 to index
      %get3A_606 = arith.constant 160 : index
      %get3A_607 = tpu.vector_load %arg7[%get3A_604, %get3A_605, %get3A_606] {strides = array<i32>} : memref<2x64x256xf32, #tpu.memory_space<vmem>>, vector<1x1x16xf32>,
      %get3A_608 = vector.shape_cast %get3A_607 : vector<1x1x16xf32> to vector<16xf32>
      %get3A_609 = arith.constant 0 : i32
      %get3A_610 = arith.index_cast %get3A_609 : i32 to index
      %get3A_611 = arith.index_cast %scan3A_384 : i32 to index
      %get3A_612 = arith.constant 160 : index
      %get3A_613 = tpu.vector_load %arg8[%get3A_610, %get3A_611, %get3A_612] {strides = array<i32>} : memref<2x64x256xf32, #tpu.memory_space<vmem>>, vector<1x1x16xf32>,
      %get3A_614 = vector.shape_cast %get3A_613 : vector<1x1x16xf32> to vector<16xf32>
      %sub3A_615 = arith.subf %get3A_608, %get3A_614 : vector<16xf32>
      %mul3A_616 = arith.mulf %div3A_145, %sub3A_615 : vector<16xf32>
      %add3A_617 = arith.addf %get3A_614, %mul3A_616 : vector<16xf32>
      %swap3A_618 = arith.constant 0 : i32
      %swap3A_619 = arith.index_cast %swap3A_618 : i32 to index
      %swap3A_620 = arith.index_cast %scan3A_384 : i32 to index
      %swap3A_621 = arith.constant 160 : index
      %swap3A_622 = tpu.vector_load %arg9[%swap3A_619, %swap3A_620, %swap3A_621] {strides = array<i32>} : memref<2x64x256xf32, #tpu.memory_space<vmem>>, vector<1x1x16xf32>,
      %swap3A_623 = vector.shape_cast %swap3A_622 : vector<1x1x16xf32> to vector<16xf32>
      %swap3A_624 = vector.shape_cast %add3A_617 : vector<16xf32> to vector<1x1x16xf32>
      tpu.vector_store %arg9[%swap3A_619, %swap3A_620, %swap3A_621], %swap3A_624 {strides = array<i32>} : memref<2x64x256xf32, #tpu.memory_space<vmem>>, vector<1x1x16xf32>,
      %get3A_625 = arith.constant 0 : i32
      %get3A_626 = arith.index_cast %get3A_625 : i32 to index
      %get3A_627 = arith.index_cast %scan3A_384 : i32 to index
      %get3A_628 = arith.constant 176 : index
      %get3A_629 = tpu.vector_load %arg7[%get3A_626, %get3A_627, %get3A_628] {strides = array<i32>} : memref<2x64x256xf32, #tpu.memory_space<vmem>>, vector<1x1x16xf32>,
      %get3A_630 = vector.shape_cast %get3A_629 : vector<1x1x16xf32> to vector<16xf32>
      %get3A_631 = arith.constant 0 : i32
      %get3A_632 = arith.index_cast %get3A_631 : i32 to index
      %get3A_633 = arith.index_cast %scan3A_384 : i32 to index
      %get3A_634 = arith.constant 176 : index
      %get3A_635 = tpu.vector_load %arg8[%get3A_632, %get3A_633, %get3A_634] {strides = array<i32>} : memref<2x64x256xf32, #tpu.memory_space<vmem>>, vector<1x1x16xf32>,
      %get3A_636 = vector.shape_cast %get3A_635 : vector<1x1x16xf32> to vector<16xf32>
      %sub3A_637 = arith.subf %get3A_630, %get3A_636 : vector<16xf32>
      %mul3A_638 = arith.mulf %div3A_158, %sub3A_637 : vector<16xf32>
      %add3A_639 = arith.addf %get3A_636, %mul3A_638 : vector<16xf32>
      %swap3A_640 = arith.constant 0 : i32
      %swap3A_641 = arith.index_cast %swap3A_640 : i32 to index
      %swap3A_642 = arith.index_cast %scan3A_384 : i32 to index
      %swap3A_643 = arith.constant 176 : index
      %swap3A_644 = tpu.vector_load %arg9[%swap3A_641, %swap3A_642, %swap3A_643] {strides = array<i32>} : memref<2x64x256xf32, #tpu.memory_space<vmem>>, vector<1x1x16xf32>,
      %swap3A_645 = vector.shape_cast %swap3A_644 : vector<1x1x16xf32> to vector<16xf32>
      %swap3A_646 = vector.shape_cast %add3A_639 : vector<16xf32> to vector<1x1x16xf32>
      tpu.vector_store %arg9[%swap3A_641, %swap3A_642, %swap3A_643], %swap3A_646 {strides = array<i32>} : memref<2x64x256xf32, #tpu.memory_space<vmem>>, vector<1x1x16xf32>,
      %get3A_647 = arith.constant 0 : i32
      %get3A_648 = arith.index_cast %get3A_647 : i32 to index
      %get3A_649 = arith.index_cast %scan3A_384 : i32 to index
      %get3A_650 = arith.constant 192 : index
      %get3A_651 = tpu.vector_load %arg7[%get3A_648, %get3A_649, %get3A_650] {strides = array<i32>} : memref<2x64x256xf32, #tpu.memory_space<vmem>>, vector<1x1x16xf32>,
      %get3A_652 = vector.shape_cast %get3A_651 : vector<1x1x16xf32> to vector<16xf32>
      %get3A_653 = arith.constant 0 : i32
      %get3A_654 = arith.index_cast %get3A_653 : i32 to index
      %get3A_655 = arith.index_cast %scan3A_384 : i32 to index
      %get3A_656 = arith.constant 192 : index
      %get3A_657 = tpu.vector_load %arg8[%get3A_654, %get3A_655, %get3A_656] {strides = array<i32>} : memref<2x64x256xf32, #tpu.memory_space<vmem>>, vector<1x1x16xf32>,
      %get3A_658 = vector.shape_cast %get3A_657 : vector<1x1x16xf32> to vector<16xf32>
      %sub3A_659 = arith.subf %get3A_652, %get3A_658 : vector<16xf32>
      %mul3A_660 = arith.mulf %div3A_171, %sub3A_659 : vector<16xf32>
      %add3A_661 = arith.addf %get3A_658, %mul3A_660 : vector<16xf32>
      %swap3A_662 = arith.constant 0 : i32
      %swap3A_663 = arith.index_cast %swap3A_662 : i32 to index
      %swap3A_664 = arith.index_cast %scan3A_384 : i32 to index
      %swap3A_665 = arith.constant 192 : index
      %swap3A_666 = tpu.vector_load %arg9[%swap3A_663, %swap3A_664, %swap3A_665] {strides = array<i32>} : memref<2x64x256xf32, #tpu.memory_space<vmem>>, vector<1x1x16xf32>,
      %swap3A_667 = vector.shape_cast %swap3A_666 : vector<1x1x16xf32> to vector<16xf32>
      %swap3A_668 = vector.shape_cast %add3A_661 : vector<16xf32> to vector<1x1x16xf32>
      tpu.vector_store %arg9[%swap3A_663, %swap3A_664, %swap3A_665], %swap3A_668 {strides = array<i32>} : memref<2x64x256xf32, #tpu.memory_space<vmem>>, vector<1x1x16xf32>,
      %get3A_669 = arith.constant 0 : i32
      %get3A_670 = arith.index_cast %get3A_669 : i32 to index
      %get3A_671 = arith.index_cast %scan3A_384 : i32 to index
      %get3A_672 = arith.constant 208 : index
      %get3A_673 = tpu.vector_load %arg7[%get3A_670, %get3A_671, %get3A_672] {strides = array<i32>} : memref<2x64x256xf32, #tpu.memory_space<vmem>>, vector<1x1x16xf32>,
      %get3A_674 = vector.shape_cast %get3A_673 : vector<1x1x16xf32> to vector<16xf32>
      %get3A_675 = arith.constant 0 : i32
      %get3A_676 = arith.index_cast %get3A_675 : i32 to index
      %get3A_677 = arith.index_cast %scan3A_384 : i32 to index
      %get3A_678 = arith.constant 208 : index
      %get3A_679 = tpu.vector_load %arg8[%get3A_676, %get3A_677, %get3A_678] {strides = array<i32>} : memref<2x64x256xf32, #tpu.memory_space<vmem>>, vector<1x1x16xf32>,
      %get3A_680 = vector.shape_cast %get3A_679 : vector<1x1x16xf32> to vector<16xf32>
      %sub3A_681 = arith.subf %get3A_674, %get3A_680 : vector<16xf32>
      %mul3A_682 = arith.mulf %div3A_184, %sub3A_681 : vector<16xf32>
      %add3A_683 = arith.addf %get3A_680, %mul3A_682 : vector<16xf32>
      %swap3A_684 = arith.constant 0 : i32
      %swap3A_685 = arith.index_cast %swap3A_684 : i32 to index
      %swap3A_686 = arith.index_cast %scan3A_384 : i32 to index
      %swap3A_687 = arith.constant 208 : index
      %swap3A_688 = tpu.vector_load %arg9[%swap3A_685, %swap3A_686, %swap3A_687] {strides = array<i32>} : memref<2x64x256xf32, #tpu.memory_space<vmem>>, vector<1x1x16xf32>,
      %swap3A_689 = vector.shape_cast %swap3A_688 : vector<1x1x16xf32> to vector<16xf32>
      %swap3A_690 = vector.shape_cast %add3A_683 : vector<16xf32> to vector<1x1x16xf32>
      tpu.vector_store %arg9[%swap3A_685, %swap3A_686, %swap3A_687], %swap3A_690 {strides = array<i32>} : memref<2x64x256xf32, #tpu.memory_space<vmem>>, vector<1x1x16xf32>,
      %get3A_691 = arith.constant 0 : i32
      %get3A_692 = arith.index_cast %get3A_691 : i32 to index
      %get3A_693 = arith.index_cast %scan3A_384 : i32 to index
      %get3A_694 = arith.constant 224 : index
      %get3A_695 = tpu.vector_load %arg7[%get3A_692, %get3A_693, %get3A_694] {strides = array<i32>} : memref<2x64x256xf32, #tpu.memory_space<vmem>>, vector<1x1x16xf32>,
      %get3A_696 = vector.shape_cast %get3A_695 : vector<1x1x16xf32> to vector<16xf32>
      %get3A_697 = arith.constant 0 : i32
      %get3A_698 = arith.index_cast %get3A_697 : i32 to index
      %get3A_699 = arith.index_cast %scan3A_384 : i32 to index
      %get3A_700 = arith.constant 224 : index
      %get3A_701 = tpu.vector_load %arg8[%get3A_698, %get3A_699, %get3A_700] {strides = array<i32>} : memref<2x64x256xf32, #tpu.memory_space<vmem>>, vector<1x1x16xf32>,
      %get3A_702 = vector.shape_cast %get3A_701 : vector<1x1x16xf32> to vector<16xf32>
      %sub3A_703 = arith.subf %get3A_696, %get3A_702 : vector<16xf32>
      %mul3A_704 = arith.mulf %div3A_197, %sub3A_703 : vector<16xf32>
      %add3A_705 = arith.addf %get3A_702, %mul3A_704 : vector<16xf32>
      %swap3A_706 = arith.constant 0 : i32
      %swap3A_707 = arith.index_cast %swap3A_706 : i32 to index
      %swap3A_708 = arith.index_cast %scan3A_384 : i32 to index
      %swap3A_709 = arith.constant 224 : index
      %swap3A_710 = tpu.vector_load %arg9[%swap3A_707, %swap3A_708, %swap3A_709] {strides = array<i32>} : memref<2x64x256xf32, #tpu.memory_space<vmem>>, vector<1x1x16xf32>,
      %swap3A_711 = vector.shape_cast %swap3A_710 : vector<1x1x16xf32> to vector<16xf32>
      %swap3A_712 = vector.shape_cast %add3A_705 : vector<16xf32> to vector<1x1x16xf32>
      tpu.vector_store %arg9[%swap3A_707, %swap3A_708, %swap3A_709], %swap3A_712 {strides = array<i32>} : memref<2x64x256xf32, #tpu.memory_space<vmem>>, vector<1x1x16xf32>,
      %get3A_713 = arith.constant 0 : i32
      %get3A_714 = arith.index_cast %get3A_713 : i32 to index
      %get3A_715 = arith.index_cast %scan3A_384 : i32 to index
      %get3A_716 = arith.constant 240 : index
      %get3A_717 = tpu.vector_load %arg7[%get3A_714, %get3A_715, %get3A_716] {strides = array<i32>} : memref<2x64x256xf32, #tpu.memory_space<vmem>>, vector<1x1x16xf32>,
      %get3A_718 = vector.shape_cast %get3A_717 : vector<1x1x16xf32> to vector<16xf32>
      %get3A_719 = arith.constant 0 : i32
      %get3A_720 = arith.index_cast %get3A_719 : i32 to index
      %get3A_721 = arith.index_cast %scan3A_384 : i32 to index
      %get3A_722 = arith.constant 240 : index
      %get3A_723 = tpu.vector_load %arg8[%get3A_720, %get3A_721, %get3A_722] {strides = array<i32>} : memref<2x64x256xf32, #tpu.memory_space<vmem>>, vector<1x1x16xf32>,
      %get3A_724 = vector.shape_cast %get3A_723 : vector<1x1x16xf32> to vector<16xf32>
      %sub3A_725 = arith.subf %get3A_718, %get3A_724 : vector<16xf32>
      %mul3A_726 = arith.mulf %div3A_210, %sub3A_725 : vector<16xf32>
      %add3A_727 = arith.addf %get3A_724, %mul3A_726 : vector<16xf32>
      %swap3A_728 = arith.constant 0 : i32
      %swap3A_729 = arith.index_cast %swap3A_728 : i32 to index
      %swap3A_730 = arith.index_cast %scan3A_384 : i32 to index
      %swap3A_731 = arith.constant 240 : index
      %swap3A_732 = tpu.vector_load %arg9[%swap3A_729, %swap3A_730, %swap3A_731] {strides = array<i32>} : memref<2x64x256xf32, #tpu.memory_space<vmem>>, vector<1x1x16xf32>,
      %swap3A_733 = vector.shape_cast %swap3A_732 : vector<1x1x16xf32> to vector<16xf32>
      %swap3A_734 = vector.shape_cast %add3A_727 : vector<16xf32> to vector<1x1x16xf32>
      tpu.vector_store %arg9[%swap3A_729, %swap3A_730, %swap3A_731], %swap3A_734 {strides = array<i32>} : memref<2x64x256xf32, #tpu.memory_space<vmem>>, vector<1x1x16xf32>,
    }
    %scan3A_295 = arith.constant 64 : i32
    %add3A_296 = arith.constant 0 : i32
    %add3A_297 = arith.addi %mul3A_6, %add3A_296 : i32
    %dma_start3A_298 = arith.constant 0 : i32
    %dma_start3A_299 = arith.constant 0 : i32
    %dma_start3A_300 = arith.constant 0 : i32
    %dma_start3A_301 = tpu.memref_slice %arg9[%dma_start3A_298, %dma_start3A_299, %dma_start3A_300] : memref<2x64x256xf32, #tpu.memory_space<vmem>> -> memref<1x64x256xf32, #tpu.memory_space<vmem>>
    %dma_start3A_302 = tpu.memref_squeeze %dma_start3A_301 : memref<1x64x256xf32, #tpu.memory_space<vmem>> -> memref<64x256xf32, #tpu.memory_space<vmem>>
    %dma_start3A_303 = arith.constant 0 : i32
    %dma_start3A_304 = tpu.memref_slice %arg5[%add3A_297, %dma_start3A_303] : memref<2048x256xf32, #tpu.memory_space<hbm>> -> memref<64x256xf32, #tpu.memory_space<hbm>>
    %dma_start3A_305 = arith.constant 0 : i32
    %dma_start3A_306 = tpu.memref_slice %arg5[%add3A_297, %dma_start3A_305] : memref<2048x256xf32, #tpu.memory_space<hbm>> -> memref<64x256xf32, #tpu.memory_space<hbm>>
    %dma_start3A_307 = arith.constant 0 : i32
    %dma_start3A_308 = arith.constant 0 : i32
    %dma_start3A_309 = tpu.memref_slice %arg9[%dma_start3A_298, %dma_start3A_307, %dma_start3A_308] : memref<2x64x256xf32, #tpu.memory_space<vmem>> -> memref<1x64x256xf32, #tpu.memory_space<vmem>>
    %dma_start3A_310 = tpu.memref_squeeze %dma_start3A_309 : memref<1x64x256xf32, #tpu.memory_space<vmem>> -> memref<64x256xf32, #tpu.memory_space<vmem>>
    tpu.enqueue_dma source(%dma_start3A_310 : memref<64x256xf32, #tpu.memory_space<vmem>>) target(%dma_start3A_306 : memref<64x256xf32, #tpu.memory_space<hbm>>) target_semaphore(%arg11 : memref<!tpu.dma_semaphore, #tpu.memory_space<semaphore_mem>>)
    %dma_wait3A_311 = arith.constant 1 : i32
    %dma_wait3A_312 = arith.constant 0 : i32
    %dma_wait3A_313 = arith.constant 0 : i32
    %dma_wait3A_314 = tpu.memref_slice %arg7[%dma_wait3A_311, %dma_wait3A_312, %dma_wait3A_313] : memref<2x64x256xf32, #tpu.memory_space<vmem>> -> memref<1x64x256xf32, #tpu.memory_space<vmem>>
    %dma_wait3A_315 = tpu.memref_squeeze %dma_wait3A_314 : memref<1x64x256xf32, #tpu.memory_space<vmem>> -> memref<64x256xf32, #tpu.memory_space<vmem>>
    %dma_wait3A_316 = arith.constant 0 : i32
    %dma_wait3A_317 = tpu.memref_slice %arg2[%add3A_4, %dma_wait3A_316] : memref<32768x256xf32, #tpu.memory_space<hbm>> -> memref<64x256xf32, #tpu.memory_space<hbm>>
    %dma_wait3A_318 = arith.constant 0 : i32
    %dma_wait3A_319 = arith.constant 0 : i32
    %dma_wait3A_320 = tpu.memref_slice %arg7[%dma_wait3A_311, %dma_wait3A_318, %dma_wait3A_319] : memref<2x64x256xf32, #tpu.memory_space<vmem>> -> memref<1x64x256xf32, #tpu.memory_space<vmem>>
    %dma_wait3A_321 = tpu.memref_squeeze %dma_wait3A_320 : memref<1x64x256xf32, #tpu.memory_space<vmem>> -> memref<64x256xf32, #tpu.memory_space<vmem>>
    %dma_wait3A_322 = arith.constant 0 : i32
    %dma_wait3A_323 = tpu.memref_slice %arg2[%add3A_4, %dma_wait3A_322] : memref<32768x256xf32, #tpu.memory_space<hbm>> -> memref<64x256xf32, #tpu.memory_space<hbm>>
    tpu.wait_dma2 semaphore(%arg10 : memref<!tpu.dma_semaphore, #tpu.memory_space<semaphore_mem>>) src(%dma_wait3A_323 : memref<64x256xf32, #tpu.memory_space<hbm>>) dst(%dma_wait3A_321 : memref<64x256xf32, #tpu.memory_space<vmem>>)
    %dma_wait3A_324 = arith.constant 1 : i32
    %dma_wait3A_325 = arith.constant 0 : i32
    %dma_wait3A_326 = arith.constant 0 : i32
    %dma_wait3A_327 = tpu.memref_slice %arg8[%dma_wait3A_324, %dma_wait3A_325, %dma_wait3A_326] : memref<2x64x256xf32, #tpu.memory_space<vmem>> -> memref<1x64x256xf32, #tpu.memory_space<vmem>>
    %dma_wait3A_328 = tpu.memref_squeeze %dma_wait3A_327 : memref<1x64x256xf32, #tpu.memory_space<vmem>> -> memref<64x256xf32, #tpu.memory_space<vmem>>
    %dma_wait3A_329 = arith.constant 0 : i32
    %dma_wait3A_330 = tpu.memref_slice %arg3[%add3A_4, %dma_wait3A_329] : memref<32768x256xf32, #tpu.memory_space<hbm>> -> memref<64x256xf32, #tpu.memory_space<hbm>>
    %dma_wait3A_331 = arith.constant 0 : i32
    %dma_wait3A_332 = arith.constant 0 : i32
    %dma_wait3A_333 = tpu.memref_slice %arg8[%dma_wait3A_324, %dma_wait3A_331, %dma_wait3A_332] : memref<2x64x256xf32, #tpu.memory_space<vmem>> -> memref<1x64x256xf32, #tpu.memory_space<vmem>>
    %dma_wait3A_334 = tpu.memref_squeeze %dma_wait3A_333 : memref<1x64x256xf32, #tpu.memory_space<vmem>> -> memref<64x256xf32, #tpu.memory_space<vmem>>
    %dma_wait3A_335 = arith.constant 0 : i32
    %dma_wait3A_336 = tpu.memref_slice %arg3[%add3A_4, %dma_wait3A_335] : memref<32768x256xf32, #tpu.memory_space<hbm>> -> memref<64x256xf32, #tpu.memory_space<hbm>>
    tpu.wait_dma2 semaphore(%arg10 : memref<!tpu.dma_semaphore, #tpu.memory_space<semaphore_mem>>) src(%dma_wait3A_336 : memref<64x256xf32, #tpu.memory_space<hbm>>) dst(%dma_wait3A_334 : memref<64x256xf32, #tpu.memory_space<vmem>>)
    %scan3A_337 = arith.constant 0 : i32
    %scan3A_338 = arith.constant 0 : i32
    %scan3A_339 = arith.constant 64 : i32
    %scan3A_340 = arith.addi %scan3A_338, %scan3A_339 : i32
    %scan3A_341 = arith.constant 1 : i32
    scf.for %scan3A_384 = %scan3A_338 to %scan3A_340 step %scan3A_341  : i32 {
      %get3A_385 = arith.constant 1 : i32
      %get3A_386 = arith.index_cast %get3A_385 : i32 to index
      %get3A_387 = arith.index_cast %scan3A_384 : i32 to index
      %get3A_388 = arith.constant 0 : index
      %get3A_389 = tpu.vector_load %arg7[%get3A_386, %get3A_387, %get3A_388] {strides = array<i32>} : memref<2x64x256xf32, #tpu.memory_space<vmem>>, vector<1x1x16xf32>,
      %get3A_390 = vector.shape_cast %get3A_389 : vector<1x1x16xf32> to vector<16xf32>
      %get3A_391 = arith.constant 1 : i32
      %get3A_392 = arith.index_cast %get3A_391 : i32 to index
      %get3A_393 = arith.index_cast %scan3A_384 : i32 to index
      %get3A_394 = arith.constant 0 : index
      %get3A_395 = tpu.vector_load %arg8[%get3A_392, %get3A_393, %get3A_394] {strides = array<i32>} : memref<2x64x256xf32, #tpu.memory_space<vmem>>, vector<1x1x16xf32>,
      %get3A_396 = vector.shape_cast %get3A_395 : vector<1x1x16xf32> to vector<16xf32>
      %sub3A = arith.subf %get3A_390, %get3A_396 : vector<16xf32>
      %mul3A_397 = arith.mulf %div3A_15, %sub3A : vector<16xf32>
      %add3A_398 = arith.addf %get3A_396, %mul3A_397 : vector<16xf32>
      %swap3A = arith.constant 1 : i32
      %swap3A_399 = arith.index_cast %swap3A : i32 to index
      %swap3A_400 = arith.index_cast %scan3A_384 : i32 to index
      %swap3A_401 = arith.constant 0 : index
      %swap3A_402 = tpu.vector_load %arg9[%swap3A_399, %swap3A_400, %swap3A_401] {strides = array<i32>} : memref<2x64x256xf32, #tpu.memory_space<vmem>>, vector<1x1x16xf32>,
      %swap3A_403 = vector.shape_cast %swap3A_402 : vector<1x1x16xf32> to vector<16xf32>
      %swap3A_404 = vector.shape_cast %add3A_398 : vector<16xf32> to vector<1x1x16xf32>
      tpu.vector_store %arg9[%swap3A_399, %swap3A_400, %swap3A_401], %swap3A_404 {strides = array<i32>} : memref<2x64x256xf32, #tpu.memory_space<vmem>>, vector<1x1x16xf32>,
      %get3A_405 = arith.constant 1 : i32
      %get3A_406 = arith.index_cast %get3A_405 : i32 to index
      %get3A_407 = arith.index_cast %scan3A_384 : i32 to index
      %get3A_408 = arith.constant 16 : index
      %get3A_409 = tpu.vector_load %arg7[%get3A_406, %get3A_407, %get3A_408] {strides = array<i32>} : memref<2x64x256xf32, #tpu.memory_space<vmem>>, vector<1x1x16xf32>,
      %get3A_410 = vector.shape_cast %get3A_409 : vector<1x1x16xf32> to vector<16xf32>
      %get3A_411 = arith.constant 1 : i32
      %get3A_412 = arith.index_cast %get3A_411 : i32 to index
      %get3A_413 = arith.index_cast %scan3A_384 : i32 to index
      %get3A_414 = arith.constant 16 : index
      %get3A_415 = tpu.vector_load %arg8[%get3A_412, %get3A_413, %get3A_414] {strides = array<i32>} : memref<2x64x256xf32, #tpu.memory_space<vmem>>, vector<1x1x16xf32>,
      %get3A_416 = vector.shape_cast %get3A_415 : vector<1x1x16xf32> to vector<16xf32>
      %sub3A_417 = arith.subf %get3A_410, %get3A_416 : vector<16xf32>
      %mul3A_418 = arith.mulf %div3A_28, %sub3A_417 : vector<16xf32>
      %add3A_419 = arith.addf %get3A_416, %mul3A_418 : vector<16xf32>
      %swap3A_420 = arith.constant 1 : i32
      %swap3A_421 = arith.index_cast %swap3A_420 : i32 to index
      %swap3A_422 = arith.index_cast %scan3A_384 : i32 to index
      %swap3A_423 = arith.constant 16 : index
      %swap3A_424 = tpu.vector_load %arg9[%swap3A_421, %swap3A_422, %swap3A_423] {strides = array<i32>} : memref<2x64x256xf32, #tpu.memory_space<vmem>>, vector<1x1x16xf32>,
      %swap3A_425 = vector.shape_cast %swap3A_424 : vector<1x1x16xf32> to vector<16xf32>
      %swap3A_426 = vector.shape_cast %add3A_419 : vector<16xf32> to vector<1x1x16xf32>
      tpu.vector_store %arg9[%swap3A_421, %swap3A_422, %swap3A_423], %swap3A_426 {strides = array<i32>} : memref<2x64x256xf32, #tpu.memory_space<vmem>>, vector<1x1x16xf32>,
      %get3A_427 = arith.constant 1 : i32
      %get3A_428 = arith.index_cast %get3A_427 : i32 to index
      %get3A_429 = arith.index_cast %scan3A_384 : i32 to index
      %get3A_430 = arith.constant 32 : index
      %get3A_431 = tpu.vector_load %arg7[%get3A_428, %get3A_429, %get3A_430] {strides = array<i32>} : memref<2x64x256xf32, #tpu.memory_space<vmem>>, vector<1x1x16xf32>,
      %get3A_432 = vector.shape_cast %get3A_431 : vector<1x1x16xf32> to vector<16xf32>
      %get3A_433 = arith.constant 1 : i32
      %get3A_434 = arith.index_cast %get3A_433 : i32 to index
      %get3A_435 = arith.index_cast %scan3A_384 : i32 to index
      %get3A_436 = arith.constant 32 : index
      %get3A_437 = tpu.vector_load %arg8[%get3A_434, %get3A_435, %get3A_436] {strides = array<i32>} : memref<2x64x256xf32, #tpu.memory_space<vmem>>, vector<1x1x16xf32>,
      %get3A_438 = vector.shape_cast %get3A_437 : vector<1x1x16xf32> to vector<16xf32>
      %sub3A_439 = arith.subf %get3A_432, %get3A_438 : vector<16xf32>
      %mul3A_440 = arith.mulf %div3A_41, %sub3A_439 : vector<16xf32>
      %add3A_441 = arith.addf %get3A_438, %mul3A_440 : vector<16xf32>
      %swap3A_442 = arith.constant 1 : i32
      %swap3A_443 = arith.index_cast %swap3A_442 : i32 to index
      %swap3A_444 = arith.index_cast %scan3A_384 : i32 to index
      %swap3A_445 = arith.constant 32 : index
      %swap3A_446 = tpu.vector_load %arg9[%swap3A_443, %swap3A_444, %swap3A_445] {strides = array<i32>} : memref<2x64x256xf32, #tpu.memory_space<vmem>>, vector<1x1x16xf32>,
      %swap3A_447 = vector.shape_cast %swap3A_446 : vector<1x1x16xf32> to vector<16xf32>
      %swap3A_448 = vector.shape_cast %add3A_441 : vector<16xf32> to vector<1x1x16xf32>
      tpu.vector_store %arg9[%swap3A_443, %swap3A_444, %swap3A_445], %swap3A_448 {strides = array<i32>} : memref<2x64x256xf32, #tpu.memory_space<vmem>>, vector<1x1x16xf32>,
      %get3A_449 = arith.constant 1 : i32
      %get3A_450 = arith.index_cast %get3A_449 : i32 to index
      %get3A_451 = arith.index_cast %scan3A_384 : i32 to index
      %get3A_452 = arith.constant 48 : index
      %get3A_453 = tpu.vector_load %arg7[%get3A_450, %get3A_451, %get3A_452] {strides = array<i32>} : memref<2x64x256xf32, #tpu.memory_space<vmem>>, vector<1x1x16xf32>,
      %get3A_454 = vector.shape_cast %get3A_453 : vector<1x1x16xf32> to vector<16xf32>
      %get3A_455 = arith.constant 1 : i32
      %get3A_456 = arith.index_cast %get3A_455 : i32 to index
      %get3A_457 = arith.index_cast %scan3A_384 : i32 to index
      %get3A_458 = arith.constant 48 : index
      %get3A_459 = tpu.vector_load %arg8[%get3A_456, %get3A_457, %get3A_458] {strides = array<i32>} : memref<2x64x256xf32, #tpu.memory_space<vmem>>, vector<1x1x16xf32>,
      %get3A_460 = vector.shape_cast %get3A_459 : vector<1x1x16xf32> to vector<16xf32>
      %sub3A_461 = arith.subf %get3A_454, %get3A_460 : vector<16xf32>
      %mul3A_462 = arith.mulf %div3A_54, %sub3A_461 : vector<16xf32>
      %add3A_463 = arith.addf %get3A_460, %mul3A_462 : vector<16xf32>
      %swap3A_464 = arith.constant 1 : i32
      %swap3A_465 = arith.index_cast %swap3A_464 : i32 to index
      %swap3A_466 = arith.index_cast %scan3A_384 : i32 to index
      %swap3A_467 = arith.constant 48 : index
      %swap3A_468 = tpu.vector_load %arg9[%swap3A_465, %swap3A_466, %swap3A_467] {strides = array<i32>} : memref<2x64x256xf32, #tpu.memory_space<vmem>>, vector<1x1x16xf32>,
      %swap3A_469 = vector.shape_cast %swap3A_468 : vector<1x1x16xf32> to vector<16xf32>
      %swap3A_470 = vector.shape_cast %add3A_463 : vector<16xf32> to vector<1x1x16xf32>
      tpu.vector_store %arg9[%swap3A_465, %swap3A_466, %swap3A_467], %swap3A_470 {strides = array<i32>} : memref<2x64x256xf32, #tpu.memory_space<vmem>>, vector<1x1x16xf32>,
      %get3A_471 = arith.constant 1 : i32
      %get3A_472 = arith.index_cast %get3A_471 : i32 to index
      %get3A_473 = arith.index_cast %scan3A_384 : i32 to index
      %get3A_474 = arith.constant 64 : index
      %get3A_475 = tpu.vector_load %arg7[%get3A_472, %get3A_473, %get3A_474] {strides = array<i32>} : memref<2x64x256xf32, #tpu.memory_space<vmem>>, vector<1x1x16xf32>,
      %get3A_476 = vector.shape_cast %get3A_475 : vector<1x1x16xf32> to vector<16xf32>
      %get3A_477 = arith.constant 1 : i32
      %get3A_478 = arith.index_cast %get3A_477 : i32 to index
      %get3A_479 = arith.index_cast %scan3A_384 : i32 to index
      %get3A_480 = arith.constant 64 : index
      %get3A_481 = tpu.vector_load %arg8[%get3A_478, %get3A_479, %get3A_480] {strides = array<i32>} : memref<2x64x256xf32, #tpu.memory_space<vmem>>, vector<1x1x16xf32>,
      %get3A_482 = vector.shape_cast %get3A_481 : vector<1x1x16xf32> to vector<16xf32>
      %sub3A_483 = arith.subf %get3A_476, %get3A_482 : vector<16xf32>
      %mul3A_484 = arith.mulf %div3A_67, %sub3A_483 : vector<16xf32>
      %add3A_485 = arith.addf %get3A_482, %mul3A_484 : vector<16xf32>
      %swap3A_486 = arith.constant 1 : i32
      %swap3A_487 = arith.index_cast %swap3A_486 : i32 to index
      %swap3A_488 = arith.index_cast %scan3A_384 : i32 to index
      %swap3A_489 = arith.constant 64 : index
      %swap3A_490 = tpu.vector_load %arg9[%swap3A_487, %swap3A_488, %swap3A_489] {strides = array<i32>} : memref<2x64x256xf32, #tpu.memory_space<vmem>>, vector<1x1x16xf32>,
      %swap3A_491 = vector.shape_cast %swap3A_490 : vector<1x1x16xf32> to vector<16xf32>
      %swap3A_492 = vector.shape_cast %add3A_485 : vector<16xf32> to vector<1x1x16xf32>
      tpu.vector_store %arg9[%swap3A_487, %swap3A_488, %swap3A_489], %swap3A_492 {strides = array<i32>} : memref<2x64x256xf32, #tpu.memory_space<vmem>>, vector<1x1x16xf32>,
      %get3A_493 = arith.constant 1 : i32
      %get3A_494 = arith.index_cast %get3A_493 : i32 to index
      %get3A_495 = arith.index_cast %scan3A_384 : i32 to index
      %get3A_496 = arith.constant 80 : index
      %get3A_497 = tpu.vector_load %arg7[%get3A_494, %get3A_495, %get3A_496] {strides = array<i32>} : memref<2x64x256xf32, #tpu.memory_space<vmem>>, vector<1x1x16xf32>,
      %get3A_498 = vector.shape_cast %get3A_497 : vector<1x1x16xf32> to vector<16xf32>
      %get3A_499 = arith.constant 1 : i32
      %get3A_500 = arith.index_cast %get3A_499 : i32 to index
      %get3A_501 = arith.index_cast %scan3A_384 : i32 to index
      %get3A_502 = arith.constant 80 : index
      %get3A_503 = tpu.vector_load %arg8[%get3A_500, %get3A_501, %get3A_502] {strides = array<i32>} : memref<2x64x256xf32, #tpu.memory_space<vmem>>, vector<1x1x16xf32>,
      %get3A_504 = vector.shape_cast %get3A_503 : vector<1x1x16xf32> to vector<16xf32>
      %sub3A_505 = arith.subf %get3A_498, %get3A_504 : vector<16xf32>
      %mul3A_506 = arith.mulf %div3A_80, %sub3A_505 : vector<16xf32>
      %add3A_507 = arith.addf %get3A_504, %mul3A_506 : vector<16xf32>
      %swap3A_508 = arith.constant 1 : i32
      %swap3A_509 = arith.index_cast %swap3A_508 : i32 to index
      %swap3A_510 = arith.index_cast %scan3A_384 : i32 to index
      %swap3A_511 = arith.constant 80 : index
      %swap3A_512 = tpu.vector_load %arg9[%swap3A_509, %swap3A_510, %swap3A_511] {strides = array<i32>} : memref<2x64x256xf32, #tpu.memory_space<vmem>>, vector<1x1x16xf32>,
      %swap3A_513 = vector.shape_cast %swap3A_512 : vector<1x1x16xf32> to vector<16xf32>
      %swap3A_514 = vector.shape_cast %add3A_507 : vector<16xf32> to vector<1x1x16xf32>
      tpu.vector_store %arg9[%swap3A_509, %swap3A_510, %swap3A_511], %swap3A_514 {strides = array<i32>} : memref<2x64x256xf32, #tpu.memory_space<vmem>>, vector<1x1x16xf32>,
      %get3A_515 = arith.constant 1 : i32
      %get3A_516 = arith.index_cast %get3A_515 : i32 to index
      %get3A_517 = arith.index_cast %scan3A_384 : i32 to index
      %get3A_518 = arith.constant 96 : index
      %get3A_519 = tpu.vector_load %arg7[%get3A_516, %get3A_517, %get3A_518] {strides = array<i32>} : memref<2x64x256xf32, #tpu.memory_space<vmem>>, vector<1x1x16xf32>,
      %get3A_520 = vector.shape_cast %get3A_519 : vector<1x1x16xf32> to vector<16xf32>
      %get3A_521 = arith.constant 1 : i32
      %get3A_522 = arith.index_cast %get3A_521 : i32 to index
      %get3A_523 = arith.index_cast %scan3A_384 : i32 to index
      %get3A_524 = arith.constant 96 : index
      %get3A_525 = tpu.vector_load %arg8[%get3A_522, %get3A_523, %get3A_524] {strides = array<i32>} : memref<2x64x256xf32, #tpu.memory_space<vmem>>, vector<1x1x16xf32>,
      %get3A_526 = vector.shape_cast %get3A_525 : vector<1x1x16xf32> to vector<16xf32>
      %sub3A_527 = arith.subf %get3A_520, %get3A_526 : vector<16xf32>
      %mul3A_528 = arith.mulf %div3A_93, %sub3A_527 : vector<16xf32>
      %add3A_529 = arith.addf %get3A_526, %mul3A_528 : vector<16xf32>
      %swap3A_530 = arith.constant 1 : i32
      %swap3A_531 = arith.index_cast %swap3A_530 : i32 to index
      %swap3A_532 = arith.index_cast %scan3A_384 : i32 to index
      %swap3A_533 = arith.constant 96 : index
      %swap3A_534 = tpu.vector_load %arg9[%swap3A_531, %swap3A_532, %swap3A_533] {strides = array<i32>} : memref<2x64x256xf32, #tpu.memory_space<vmem>>, vector<1x1x16xf32>,
      %swap3A_535 = vector.shape_cast %swap3A_534 : vector<1x1x16xf32> to vector<16xf32>
      %swap3A_536 = vector.shape_cast %add3A_529 : vector<16xf32> to vector<1x1x16xf32>
      tpu.vector_store %arg9[%swap3A_531, %swap3A_532, %swap3A_533], %swap3A_536 {strides = array<i32>} : memref<2x64x256xf32, #tpu.memory_space<vmem>>, vector<1x1x16xf32>,
      %get3A_537 = arith.constant 1 : i32
      %get3A_538 = arith.index_cast %get3A_537 : i32 to index
      %get3A_539 = arith.index_cast %scan3A_384 : i32 to index
      %get3A_540 = arith.constant 112 : index
      %get3A_541 = tpu.vector_load %arg7[%get3A_538, %get3A_539, %get3A_540] {strides = array<i32>} : memref<2x64x256xf32, #tpu.memory_space<vmem>>, vector<1x1x16xf32>,
      %get3A_542 = vector.shape_cast %get3A_541 : vector<1x1x16xf32> to vector<16xf32>
      %get3A_543 = arith.constant 1 : i32
      %get3A_544 = arith.index_cast %get3A_543 : i32 to index
      %get3A_545 = arith.index_cast %scan3A_384 : i32 to index
      %get3A_546 = arith.constant 112 : index
      %get3A_547 = tpu.vector_load %arg8[%get3A_544, %get3A_545, %get3A_546] {strides = array<i32>} : memref<2x64x256xf32, #tpu.memory_space<vmem>>, vector<1x1x16xf32>,
      %get3A_548 = vector.shape_cast %get3A_547 : vector<1x1x16xf32> to vector<16xf32>
      %sub3A_549 = arith.subf %get3A_542, %get3A_548 : vector<16xf32>
      %mul3A_550 = arith.mulf %div3A_106, %sub3A_549 : vector<16xf32>
      %add3A_551 = arith.addf %get3A_548, %mul3A_550 : vector<16xf32>
      %swap3A_552 = arith.constant 1 : i32
      %swap3A_553 = arith.index_cast %swap3A_552 : i32 to index
      %swap3A_554 = arith.index_cast %scan3A_384 : i32 to index
      %swap3A_555 = arith.constant 112 : index
      %swap3A_556 = tpu.vector_load %arg9[%swap3A_553, %swap3A_554, %swap3A_555] {strides = array<i32>} : memref<2x64x256xf32, #tpu.memory_space<vmem>>, vector<1x1x16xf32>,
      %swap3A_557 = vector.shape_cast %swap3A_556 : vector<1x1x16xf32> to vector<16xf32>
      %swap3A_558 = vector.shape_cast %add3A_551 : vector<16xf32> to vector<1x1x16xf32>
      tpu.vector_store %arg9[%swap3A_553, %swap3A_554, %swap3A_555], %swap3A_558 {strides = array<i32>} : memref<2x64x256xf32, #tpu.memory_space<vmem>>, vector<1x1x16xf32>,
      %get3A_559 = arith.constant 1 : i32
      %get3A_560 = arith.index_cast %get3A_559 : i32 to index
      %get3A_561 = arith.index_cast %scan3A_384 : i32 to index
      %get3A_562 = arith.constant 128 : index
      %get3A_563 = tpu.vector_load %arg7[%get3A_560, %get3A_561, %get3A_562] {strides = array<i32>} : memref<2x64x256xf32, #tpu.memory_space<vmem>>, vector<1x1x16xf32>,
      %get3A_564 = vector.shape_cast %get3A_563 : vector<1x1x16xf32> to vector<16xf32>
      %get3A_565 = arith.constant 1 : i32
      %get3A_566 = arith.index_cast %get3A_565 : i32 to index
      %get3A_567 = arith.index_cast %scan3A_384 : i32 to index
      %get3A_568 = arith.constant 128 : index
      %get3A_569 = tpu.vector_load %arg8[%get3A_566, %get3A_567, %get3A_568] {strides = array<i32>} : memref<2x64x256xf32, #tpu.memory_space<vmem>>, vector<1x1x16xf32>,
      %get3A_570 = vector.shape_cast %get3A_569 : vector<1x1x16xf32> to vector<16xf32>
      %sub3A_571 = arith.subf %get3A_564, %get3A_570 : vector<16xf32>
      %mul3A_572 = arith.mulf %div3A_119, %sub3A_571 : vector<16xf32>
      %add3A_573 = arith.addf %get3A_570, %mul3A_572 : vector<16xf32>
      %swap3A_574 = arith.constant 1 : i32
      %swap3A_575 = arith.index_cast %swap3A_574 : i32 to index
      %swap3A_576 = arith.index_cast %scan3A_384 : i32 to index
      %swap3A_577 = arith.constant 128 : index
      %swap3A_578 = tpu.vector_load %arg9[%swap3A_575, %swap3A_576, %swap3A_577] {strides = array<i32>} : memref<2x64x256xf32, #tpu.memory_space<vmem>>, vector<1x1x16xf32>,
      %swap3A_579 = vector.shape_cast %swap3A_578 : vector<1x1x16xf32> to vector<16xf32>
      %swap3A_580 = vector.shape_cast %add3A_573 : vector<16xf32> to vector<1x1x16xf32>
      tpu.vector_store %arg9[%swap3A_575, %swap3A_576, %swap3A_577], %swap3A_580 {strides = array<i32>} : memref<2x64x256xf32, #tpu.memory_space<vmem>>, vector<1x1x16xf32>,
      %get3A_581 = arith.constant 1 : i32
      %get3A_582 = arith.index_cast %get3A_581 : i32 to index
      %get3A_583 = arith.index_cast %scan3A_384 : i32 to index
      %get3A_584 = arith.constant 144 : index
      %get3A_585 = tpu.vector_load %arg7[%get3A_582, %get3A_583, %get3A_584] {strides = array<i32>} : memref<2x64x256xf32, #tpu.memory_space<vmem>>, vector<1x1x16xf32>,
      %get3A_586 = vector.shape_cast %get3A_585 : vector<1x1x16xf32> to vector<16xf32>
      %get3A_587 = arith.constant 1 : i32
      %get3A_588 = arith.index_cast %get3A_587 : i32 to index
      %get3A_589 = arith.index_cast %scan3A_384 : i32 to index
      %get3A_590 = arith.constant 144 : index
      %get3A_591 = tpu.vector_load %arg8[%get3A_588, %get3A_589, %get3A_590] {strides = array<i32>} : memref<2x64x256xf32, #tpu.memory_space<vmem>>, vector<1x1x16xf32>,
      %get3A_592 = vector.shape_cast %get3A_591 : vector<1x1x16xf32> to vector<16xf32>
      %sub3A_593 = arith.subf %get3A_586, %get3A_592 : vector<16xf32>
      %mul3A_594 = arith.mulf %div3A_132, %sub3A_593 : vector<16xf32>
      %add3A_595 = arith.addf %get3A_592, %mul3A_594 : vector<16xf32>
      %swap3A_596 = arith.constant 1 : i32
      %swap3A_597 = arith.index_cast %swap3A_596 : i32 to index
      %swap3A_598 = arith.index_cast %scan3A_384 : i32 to index
      %swap3A_599 = arith.constant 144 : index
      %swap3A_600 = tpu.vector_load %arg9[%swap3A_597, %swap3A_598, %swap3A_599] {strides = array<i32>} : memref<2x64x256xf32, #tpu.memory_space<vmem>>, vector<1x1x16xf32>,
      %swap3A_601 = vector.shape_cast %swap3A_600 : vector<1x1x16xf32> to vector<16xf32>
      %swap3A_602 = vector.shape_cast %add3A_595 : vector<16xf32> to vector<1x1x16xf32>
      tpu.vector_store %arg9[%swap3A_597, %swap3A_598, %swap3A_599], %swap3A_602 {strides = array<i32>} : memref<2x64x256xf32, #tpu.memory_space<vmem>>, vector<1x1x16xf32>,
      %get3A_603 = arith.constant 1 : i32
      %get3A_604 = arith.index_cast %get3A_603 : i32 to index
      %get3A_605 = arith.index_cast %scan3A_384 : i32 to index
      %get3A_606 = arith.constant 160 : index
      %get3A_607 = tpu.vector_load %arg7[%get3A_604, %get3A_605, %get3A_606] {strides = array<i32>} : memref<2x64x256xf32, #tpu.memory_space<vmem>>, vector<1x1x16xf32>,
      %get3A_608 = vector.shape_cast %get3A_607 : vector<1x1x16xf32> to vector<16xf32>
      %get3A_609 = arith.constant 1 : i32
      %get3A_610 = arith.index_cast %get3A_609 : i32 to index
      %get3A_611 = arith.index_cast %scan3A_384 : i32 to index
      %get3A_612 = arith.constant 160 : index
      %get3A_613 = tpu.vector_load %arg8[%get3A_610, %get3A_611, %get3A_612] {strides = array<i32>} : memref<2x64x256xf32, #tpu.memory_space<vmem>>, vector<1x1x16xf32>,
      %get3A_614 = vector.shape_cast %get3A_613 : vector<1x1x16xf32> to vector<16xf32>
      %sub3A_615 = arith.subf %get3A_608, %get3A_614 : vector<16xf32>
      %mul3A_616 = arith.mulf %div3A_145, %sub3A_615 : vector<16xf32>
      %add3A_617 = arith.addf %get3A_614, %mul3A_616 : vector<16xf32>
      %swap3A_618 = arith.constant 1 : i32
      %swap3A_619 = arith.index_cast %swap3A_618 : i32 to index
      %swap3A_620 = arith.index_cast %scan3A_384 : i32 to index
      %swap3A_621 = arith.constant 160 : index
      %swap3A_622 = tpu.vector_load %arg9[%swap3A_619, %swap3A_620, %swap3A_621] {strides = array<i32>} : memref<2x64x256xf32, #tpu.memory_space<vmem>>, vector<1x1x16xf32>,
      %swap3A_623 = vector.shape_cast %swap3A_622 : vector<1x1x16xf32> to vector<16xf32>
      %swap3A_624 = vector.shape_cast %add3A_617 : vector<16xf32> to vector<1x1x16xf32>
      tpu.vector_store %arg9[%swap3A_619, %swap3A_620, %swap3A_621], %swap3A_624 {strides = array<i32>} : memref<2x64x256xf32, #tpu.memory_space<vmem>>, vector<1x1x16xf32>,
      %get3A_625 = arith.constant 1 : i32
      %get3A_626 = arith.index_cast %get3A_625 : i32 to index
      %get3A_627 = arith.index_cast %scan3A_384 : i32 to index
      %get3A_628 = arith.constant 176 : index
      %get3A_629 = tpu.vector_load %arg7[%get3A_626, %get3A_627, %get3A_628] {strides = array<i32>} : memref<2x64x256xf32, #tpu.memory_space<vmem>>, vector<1x1x16xf32>,
      %get3A_630 = vector.shape_cast %get3A_629 : vector<1x1x16xf32> to vector<16xf32>
      %get3A_631 = arith.constant 1 : i32
      %get3A_632 = arith.index_cast %get3A_631 : i32 to index
      %get3A_633 = arith.index_cast %scan3A_384 : i32 to index
      %get3A_634 = arith.constant 176 : index
      %get3A_635 = tpu.vector_load %arg8[%get3A_632, %get3A_633, %get3A_634] {strides = array<i32>} : memref<2x64x256xf32, #tpu.memory_space<vmem>>, vector<1x1x16xf32>,
      %get3A_636 = vector.shape_cast %get3A_635 : vector<1x1x16xf32> to vector<16xf32>
      %sub3A_637 = arith.subf %get3A_630, %get3A_636 : vector<16xf32>
      %mul3A_638 = arith.mulf %div3A_158, %sub3A_637 : vector<16xf32>
      %add3A_639 = arith.addf %get3A_636, %mul3A_638 : vector<16xf32>
      %swap3A_640 = arith.constant 1 : i32
      %swap3A_641 = arith.index_cast %swap3A_640 : i32 to index
      %swap3A_642 = arith.index_cast %scan3A_384 : i32 to index
      %swap3A_643 = arith.constant 176 : index
      %swap3A_644 = tpu.vector_load %arg9[%swap3A_641, %swap3A_642, %swap3A_643] {strides = array<i32>} : memref<2x64x256xf32, #tpu.memory_space<vmem>>, vector<1x1x16xf32>,
      %swap3A_645 = vector.shape_cast %swap3A_644 : vector<1x1x16xf32> to vector<16xf32>
      %swap3A_646 = vector.shape_cast %add3A_639 : vector<16xf32> to vector<1x1x16xf32>
      tpu.vector_store %arg9[%swap3A_641, %swap3A_642, %swap3A_643], %swap3A_646 {strides = array<i32>} : memref<2x64x256xf32, #tpu.memory_space<vmem>>, vector<1x1x16xf32>,
      %get3A_647 = arith.constant 1 : i32
      %get3A_648 = arith.index_cast %get3A_647 : i32 to index
      %get3A_649 = arith.index_cast %scan3A_384 : i32 to index
      %get3A_650 = arith.constant 192 : index
      %get3A_651 = tpu.vector_load %arg7[%get3A_648, %get3A_649, %get3A_650] {strides = array<i32>} : memref<2x64x256xf32, #tpu.memory_space<vmem>>, vector<1x1x16xf32>,
      %get3A_652 = vector.shape_cast %get3A_651 : vector<1x1x16xf32> to vector<16xf32>
      %get3A_653 = arith.constant 1 : i32
      %get3A_654 = arith.index_cast %get3A_653 : i32 to index
      %get3A_655 = arith.index_cast %scan3A_384 : i32 to index
      %get3A_656 = arith.constant 192 : index
      %get3A_657 = tpu.vector_load %arg8[%get3A_654, %get3A_655, %get3A_656] {strides = array<i32>} : memref<2x64x256xf32, #tpu.memory_space<vmem>>, vector<1x1x16xf32>,
      %get3A_658 = vector.shape_cast %get3A_657 : vector<1x1x16xf32> to vector<16xf32>
      %sub3A_659 = arith.subf %get3A_652, %get3A_658 : vector<16xf32>
      %mul3A_660 = arith.mulf %div3A_171, %sub3A_659 : vector<16xf32>
      %add3A_661 = arith.addf %get3A_658, %mul3A_660 : vector<16xf32>
      %swap3A_662 = arith.constant 1 : i32
      %swap3A_663 = arith.index_cast %swap3A_662 : i32 to index
      %swap3A_664 = arith.index_cast %scan3A_384 : i32 to index
      %swap3A_665 = arith.constant 192 : index
      %swap3A_666 = tpu.vector_load %arg9[%swap3A_663, %swap3A_664, %swap3A_665] {strides = array<i32>} : memref<2x64x256xf32, #tpu.memory_space<vmem>>, vector<1x1x16xf32>,
      %swap3A_667 = vector.shape_cast %swap3A_666 : vector<1x1x16xf32> to vector<16xf32>
      %swap3A_668 = vector.shape_cast %add3A_661 : vector<16xf32> to vector<1x1x16xf32>
      tpu.vector_store %arg9[%swap3A_663, %swap3A_664, %swap3A_665], %swap3A_668 {strides = array<i32>} : memref<2x64x256xf32, #tpu.memory_space<vmem>>, vector<1x1x16xf32>,
      %get3A_669 = arith.constant 1 : i32
      %get3A_670 = arith.index_cast %get3A_669 : i32 to index
      %get3A_671 = arith.index_cast %scan3A_384 : i32 to index
      %get3A_672 = arith.constant 208 : index
      %get3A_673 = tpu.vector_load %arg7[%get3A_670, %get3A_671, %get3A_672] {strides = array<i32>} : memref<2x64x256xf32, #tpu.memory_space<vmem>>, vector<1x1x16xf32>,
      %get3A_674 = vector.shape_cast %get3A_673 : vector<1x1x16xf32> to vector<16xf32>
      %get3A_675 = arith.constant 1 : i32
      %get3A_676 = arith.index_cast %get3A_675 : i32 to index
      %get3A_677 = arith.index_cast %scan3A_384 : i32 to index
      %get3A_678 = arith.constant 208 : index
      %get3A_679 = tpu.vector_load %arg8[%get3A_676, %get3A_677, %get3A_678] {strides = array<i32>} : memref<2x64x256xf32, #tpu.memory_space<vmem>>, vector<1x1x16xf32>,
      %get3A_680 = vector.shape_cast %get3A_679 : vector<1x1x16xf32> to vector<16xf32>
      %sub3A_681 = arith.subf %get3A_674, %get3A_680 : vector<16xf32>
      %mul3A_682 = arith.mulf %div3A_184, %sub3A_681 : vector<16xf32>
      %add3A_683 = arith.addf %get3A_680, %mul3A_682 : vector<16xf32>
      %swap3A_684 = arith.constant 1 : i32
      %swap3A_685 = arith.index_cast %swap3A_684 : i32 to index
      %swap3A_686 = arith.index_cast %scan3A_384 : i32 to index
      %swap3A_687 = arith.constant 208 : index
      %swap3A_688 = tpu.vector_load %arg9[%swap3A_685, %swap3A_686, %swap3A_687] {strides = array<i32>} : memref<2x64x256xf32, #tpu.memory_space<vmem>>, vector<1x1x16xf32>,
      %swap3A_689 = vector.shape_cast %swap3A_688 : vector<1x1x16xf32> to vector<16xf32>
      %swap3A_690 = vector.shape_cast %add3A_683 : vector<16xf32> to vector<1x1x16xf32>
      tpu.vector_store %arg9[%swap3A_685, %swap3A_686, %swap3A_687], %swap3A_690 {strides = array<i32>} : memref<2x64x256xf32, #tpu.memory_space<vmem>>, vector<1x1x16xf32>,
      %get3A_691 = arith.constant 1 : i32
      %get3A_692 = arith.index_cast %get3A_691 : i32 to index
      %get3A_693 = arith.index_cast %scan3A_384 : i32 to index
      %get3A_694 = arith.constant 224 : index
      %get3A_695 = tpu.vector_load %arg7[%get3A_692, %get3A_693, %get3A_694] {strides = array<i32>} : memref<2x64x256xf32, #tpu.memory_space<vmem>>, vector<1x1x16xf32>,
      %get3A_696 = vector.shape_cast %get3A_695 : vector<1x1x16xf32> to vector<16xf32>
      %get3A_697 = arith.constant 1 : i32
      %get3A_698 = arith.index_cast %get3A_697 : i32 to index
      %get3A_699 = arith.index_cast %scan3A_384 : i32 to index
      %get3A_700 = arith.constant 224 : index
      %get3A_701 = tpu.vector_load %arg8[%get3A_698, %get3A_699, %get3A_700] {strides = array<i32>} : memref<2x64x256xf32, #tpu.memory_space<vmem>>, vector<1x1x16xf32>,
      %get3A_702 = vector.shape_cast %get3A_701 : vector<1x1x16xf32> to vector<16xf32>
      %sub3A_703 = arith.subf %get3A_696, %get3A_702 : vector<16xf32>
      %mul3A_704 = arith.mulf %div3A_197, %sub3A_703 : vector<16xf32>
      %add3A_705 = arith.addf %get3A_702, %mul3A_704 : vector<16xf32>
      %swap3A_706 = arith.constant 1 : i32
      %swap3A_707 = arith.index_cast %swap3A_706 : i32 to index
      %swap3A_708 = arith.index_cast %scan3A_384 : i32 to index
      %swap3A_709 = arith.constant 224 : index
      %swap3A_710 = tpu.vector_load %arg9[%swap3A_707, %swap3A_708, %swap3A_709] {strides = array<i32>} : memref<2x64x256xf32, #tpu.memory_space<vmem>>, vector<1x1x16xf32>,
      %swap3A_711 = vector.shape_cast %swap3A_710 : vector<1x1x16xf32> to vector<16xf32>
      %swap3A_712 = vector.shape_cast %add3A_705 : vector<16xf32> to vector<1x1x16xf32>
      tpu.vector_store %arg9[%swap3A_707, %swap3A_708, %swap3A_709], %swap3A_712 {strides = array<i32>} : memref<2x64x256xf32, #tpu.memory_space<vmem>>, vector<1x1x16xf32>,
      %get3A_713 = arith.constant 1 : i32
      %get3A_714 = arith.index_cast %get3A_713 : i32 to index
      %get3A_715 = arith.index_cast %scan3A_384 : i32 to index
      %get3A_716 = arith.constant 240 : index
      %get3A_717 = tpu.vector_load %arg7[%get3A_714, %get3A_715, %get3A_716] {strides = array<i32>} : memref<2x64x256xf32, #tpu.memory_space<vmem>>, vector<1x1x16xf32>,
      %get3A_718 = vector.shape_cast %get3A_717 : vector<1x1x16xf32> to vector<16xf32>
      %get3A_719 = arith.constant 1 : i32
      %get3A_720 = arith.index_cast %get3A_719 : i32 to index
      %get3A_721 = arith.index_cast %scan3A_384 : i32 to index
      %get3A_722 = arith.constant 240 : index
      %get3A_723 = tpu.vector_load %arg8[%get3A_720, %get3A_721, %get3A_722] {strides = array<i32>} : memref<2x64x256xf32, #tpu.memory_space<vmem>>, vector<1x1x16xf32>,
      %get3A_724 = vector.shape_cast %get3A_723 : vector<1x1x16xf32> to vector<16xf32>
      %sub3A_725 = arith.subf %get3A_718, %get3A_724 : vector<16xf32>
      %mul3A_726 = arith.mulf %div3A_210, %sub3A_725 : vector<16xf32>
      %add3A_727 = arith.addf %get3A_724, %mul3A_726 : vector<16xf32>
      %swap3A_728 = arith.constant 1 : i32
      %swap3A_729 = arith.index_cast %swap3A_728 : i32 to index
      %swap3A_730 = arith.index_cast %scan3A_384 : i32 to index
      %swap3A_731 = arith.constant 240 : index
      %swap3A_732 = tpu.vector_load %arg9[%swap3A_729, %swap3A_730, %swap3A_731] {strides = array<i32>} : memref<2x64x256xf32, #tpu.memory_space<vmem>>, vector<1x1x16xf32>,
      %swap3A_733 = vector.shape_cast %swap3A_732 : vector<1x1x16xf32> to vector<16xf32>
      %swap3A_734 = vector.shape_cast %add3A_727 : vector<16xf32> to vector<1x1x16xf32>
      tpu.vector_store %arg9[%swap3A_729, %swap3A_730, %swap3A_731], %swap3A_734 {strides = array<i32>} : memref<2x64x256xf32, #tpu.memory_space<vmem>>, vector<1x1x16xf32>,
    }
    %scan3A_342 = arith.constant 64 : i32
    %add3A_343 = arith.constant 64 : i32
    %add3A_344 = arith.addi %mul3A_6, %add3A_343 : i32
    %dma_start3A_345 = arith.constant 1 : i32
    %dma_start3A_346 = arith.constant 0 : i32
    %dma_start3A_347 = arith.constant 0 : i32
    %dma_start3A_348 = tpu.memref_slice %arg9[%dma_start3A_345, %dma_start3A_346, %dma_start3A_347] : memref<2x64x256xf32, #tpu.memory_space<vmem>> -> memref<1x64x256xf32, #tpu.memory_space<vmem>>
    %dma_start3A_349 = tpu.memref_squeeze %dma_start3A_348 : memref<1x64x256xf32, #tpu.memory_space<vmem>> -> memref<64x256xf32, #tpu.memory_space<vmem>>
    %dma_start3A_350 = arith.constant 0 : i32
    %dma_start3A_351 = tpu.memref_slice %arg5[%add3A_344, %dma_start3A_350] : memref<2048x256xf32, #tpu.memory_space<hbm>> -> memref<64x256xf32, #tpu.memory_space<hbm>>
    %dma_start3A_352 = arith.constant 0 : i32
    %dma_start3A_353 = tpu.memref_slice %arg5[%add3A_344, %dma_start3A_352] : memref<2048x256xf32, #tpu.memory_space<hbm>> -> memref<64x256xf32, #tpu.memory_space<hbm>>
    %dma_start3A_354 = arith.constant 0 : i32
    %dma_start3A_355 = arith.constant 0 : i32
    %dma_start3A_356 = tpu.memref_slice %arg9[%dma_start3A_345, %dma_start3A_354, %dma_start3A_355] : memref<2x64x256xf32, #tpu.memory_space<vmem>> -> memref<1x64x256xf32, #tpu.memory_space<vmem>>
    %dma_start3A_357 = tpu.memref_squeeze %dma_start3A_356 : memref<1x64x256xf32, #tpu.memory_space<vmem>> -> memref<64x256xf32, #tpu.memory_space<vmem>>
    tpu.enqueue_dma source(%dma_start3A_357 : memref<64x256xf32, #tpu.memory_space<vmem>>) target(%dma_start3A_353 : memref<64x256xf32, #tpu.memory_space<hbm>>) target_semaphore(%arg11 : memref<!tpu.dma_semaphore, #tpu.memory_space<semaphore_mem>>)
    %dma_wait3A_358 = arith.constant 1 : i32
    %dma_wait3A_359 = arith.constant 0 : i32
    %dma_wait3A_360 = arith.constant 0 : i32
    %dma_wait3A_361 = tpu.memref_slice %arg9[%dma_wait3A_358, %dma_wait3A_359, %dma_wait3A_360] : memref<2x64x256xf32, #tpu.memory_space<vmem>> -> memref<1x64x256xf32, #tpu.memory_space<vmem>>
    %dma_wait3A_362 = tpu.memref_squeeze %dma_wait3A_361 : memref<1x64x256xf32, #tpu.memory_space<vmem>> -> memref<64x256xf32, #tpu.memory_space<vmem>>
    %dma_wait3A_363 = arith.constant 0 : i32
    %dma_wait3A_364 = tpu.memref_slice %arg5[%mul3A_6, %dma_wait3A_363] : memref<2048x256xf32, #tpu.memory_space<hbm>> -> memref<64x256xf32, #tpu.memory_space<hbm>>
    %dma_wait3A_365 = arith.constant 0 : i32
    %dma_wait3A_366 = tpu.memref_slice %arg5[%mul3A_6, %dma_wait3A_365] : memref<2048x256xf32, #tpu.memory_space<hbm>> -> memref<64x256xf32, #tpu.memory_space<hbm>>
    %dma_wait3A_367 = arith.constant 0 : i32
    %dma_wait3A_368 = arith.constant 0 : i32
    %dma_wait3A_369 = tpu.memref_slice %arg9[%dma_wait3A_358, %dma_wait3A_367, %dma_wait3A_368] : memref<2x64x256xf32, #tpu.memory_space<vmem>> -> memref<1x64x256xf32, #tpu.memory_space<vmem>>
    %dma_wait3A_370 = tpu.memref_squeeze %dma_wait3A_369 : memref<1x64x256xf32, #tpu.memory_space<vmem>> -> memref<64x256xf32, #tpu.memory_space<vmem>>
    tpu.wait_dma2 semaphore(%arg11 : memref<!tpu.dma_semaphore, #tpu.memory_space<semaphore_mem>>) src(%dma_wait3A_370 : memref<64x256xf32, #tpu.memory_space<vmem>>) dst(%dma_wait3A_366 : memref<64x256xf32, #tpu.memory_space<hbm>>)
    %dma_wait3A_371 = arith.constant 0 : i32
    %dma_wait3A_372 = arith.constant 0 : i32
    %dma_wait3A_373 = arith.constant 0 : i32
    %dma_wait3A_374 = tpu.memref_slice %arg9[%dma_wait3A_371, %dma_wait3A_372, %dma_wait3A_373] : memref<2x64x256xf32, #tpu.memory_space<vmem>> -> memref<1x64x256xf32, #tpu.memory_space<vmem>>
    %dma_wait3A_375 = tpu.memref_squeeze %dma_wait3A_374 : memref<1x64x256xf32, #tpu.memory_space<vmem>> -> memref<64x256xf32, #tpu.memory_space<vmem>>
    %dma_wait3A_376 = arith.constant 0 : i32
    %dma_wait3A_377 = tpu.memref_slice %arg5[%mul3A_6, %dma_wait3A_376] : memref<2048x256xf32, #tpu.memory_space<hbm>> -> memref<64x256xf32, #tpu.memory_space<hbm>>
    %dma_wait3A_378 = arith.constant 0 : i32
    %dma_wait3A_379 = tpu.memref_slice %arg5[%mul3A_6, %dma_wait3A_378] : memref<2048x256xf32, #tpu.memory_space<hbm>> -> memref<64x256xf32, #tpu.memory_space<hbm>>
    %dma_wait3A_380 = arith.constant 0 : i32
    %dma_wait3A_381 = arith.constant 0 : i32
    %dma_wait3A_382 = tpu.memref_slice %arg9[%dma_wait3A_371, %dma_wait3A_380, %dma_wait3A_381] : memref<2x64x256xf32, #tpu.memory_space<vmem>> -> memref<1x64x256xf32, #tpu.memory_space<vmem>>
    %dma_wait3A_383 = tpu.memref_squeeze %dma_wait3A_382 : memref<1x64x256xf32, #tpu.memory_space<vmem>> -> memref<64x256xf32, #tpu.memory_space<vmem>>
    tpu.wait_dma2 semaphore(%arg11 : memref<!tpu.dma_semaphore, #tpu.memory_space<semaphore_mem>>) src(%dma_wait3A_383 : memref<64x256xf32, #tpu.memory_space<vmem>>) dst(%dma_wait3A_379 : memref<64x256xf32, #tpu.memory_space<hbm>>)
    return
  }
}

module attributes {stable_mosaic.version = 14 : i64} {
  func.func @_tc_blend(%arg0: memref<32768x256xf32, #tpu.memory_space<any>>, %arg1: memref<32768x256xf32, #tpu.memory_space<any>>, %arg2: memref<1x256xf32, #tpu.memory_space<vmem>>, %arg3: memref<32768x256xf32, #tpu.memory_space<any>>, %arg4: memref<6x1024x256xf32, #tpu.memory_space<vmem>>, %arg5: memref<6x1024x256xf32, #tpu.memory_space<vmem>>, %arg6: memref<6x1024x256xf32, #tpu.memory_space<vmem>>, %arg7: memref<6x!tpu.dma_semaphore, #tpu.memory_space<semaphore_mem>>, %arg8: memref<6x!tpu.dma_semaphore, #tpu.memory_space<semaphore_mem>>) attributes {dimension_semantics = [], scalar_prefetch = 0 : i64, scratch_operands = 5 : i64, tpu.core_type = #tpu.core_type<tc>} {
    %get3A = arith.constant 0 : index
    %get3A_0 = arith.constant 0 : index
    %get3A_1 = vector.load %arg2[%get3A, %get3A_0] : memref<1x256xf32, #tpu.memory_space<vmem>>, vector<1x256xf32>
    %logistic3A = arith.negf %get3A_1 : vector<1x256xf32>
    %logistic3A_2 = math.exp %logistic3A : vector<1x256xf32>
    %logistic3A_3 = arith.constant 1.000000e+00 : f32
    %logistic3A_4 = vector.broadcast %logistic3A_3 : f32 to vector<1x256xf32>
    %logistic3A_5 = arith.addf %logistic3A_4, %logistic3A_2 : vector<1x256xf32>
    %logistic3A_6 = arith.divf %logistic3A_4, %logistic3A_5 : vector<1x256xf32>
    %dma_start3A = arith.constant 0 : i32
    %dma_start3A_7 = arith.constant 0 : i32
    %dma_start3A_8 = tpu.memref_slice %arg7[%dma_start3A_7] : memref<6x!tpu.dma_semaphore, #tpu.memory_space<semaphore_mem>> -> memref<1x!tpu.dma_semaphore, #tpu.memory_space<semaphore_mem>>
    %dma_start3A_9 = tpu.memref_squeeze %dma_start3A_8 : memref<1x!tpu.dma_semaphore, #tpu.memory_space<semaphore_mem>> -> memref<!tpu.dma_semaphore, #tpu.memory_space<semaphore_mem>>
    %dma_start3A_10 = arith.constant 0 : i32
    %dma_start3A_11 = arith.constant 0 : i32
    %dma_start3A_12 = tpu.memref_slice %arg4[%dma_start3A, %dma_start3A_10, %dma_start3A_11] : memref<6x1024x256xf32, #tpu.memory_space<vmem>> -> memref<1x1024x256xf32, #tpu.memory_space<vmem>>
    %dma_start3A_13 = tpu.memref_squeeze %dma_start3A_12 : memref<1x1024x256xf32, #tpu.memory_space<vmem>> -> memref<1024x256xf32, #tpu.memory_space<vmem>>
    %dma_start3A_14 = arith.constant 0 : i32
    %dma_start3A_15 = arith.constant 0 : i32
    %dma_start3A_16 = tpu.memref_slice %arg0[%dma_start3A_14, %dma_start3A_15] : memref<32768x256xf32, #tpu.memory_space<any>> -> memref<1024x256xf32, #tpu.memory_space<any>>
    tpu.enqueue_dma source(%dma_start3A_16 : memref<1024x256xf32, #tpu.memory_space<any>>) target(%dma_start3A_13 : memref<1024x256xf32, #tpu.memory_space<vmem>>) target_semaphore(%dma_start3A_9 : memref<!tpu.dma_semaphore, #tpu.memory_space<semaphore_mem>>)
    %dma_start3A_17 = arith.constant 0 : i32
    %dma_start3A_18 = arith.constant 0 : i32
    %dma_start3A_19 = tpu.memref_slice %arg7[%dma_start3A_18] : memref<6x!tpu.dma_semaphore, #tpu.memory_space<semaphore_mem>> -> memref<1x!tpu.dma_semaphore, #tpu.memory_space<semaphore_mem>>
    %dma_start3A_20 = tpu.memref_squeeze %dma_start3A_19 : memref<1x!tpu.dma_semaphore, #tpu.memory_space<semaphore_mem>> -> memref<!tpu.dma_semaphore, #tpu.memory_space<semaphore_mem>>
    %dma_start3A_21 = arith.constant 0 : i32
    %dma_start3A_22 = arith.constant 0 : i32
    %dma_start3A_23 = tpu.memref_slice %arg5[%dma_start3A_17, %dma_start3A_21, %dma_start3A_22] : memref<6x1024x256xf32, #tpu.memory_space<vmem>> -> memref<1x1024x256xf32, #tpu.memory_space<vmem>>
    %dma_start3A_24 = tpu.memref_squeeze %dma_start3A_23 : memref<1x1024x256xf32, #tpu.memory_space<vmem>> -> memref<1024x256xf32, #tpu.memory_space<vmem>>
    %dma_start3A_25 = arith.constant 0 : i32
    %dma_start3A_26 = arith.constant 0 : i32
    %dma_start3A_27 = tpu.memref_slice %arg1[%dma_start3A_25, %dma_start3A_26] : memref<32768x256xf32, #tpu.memory_space<any>> -> memref<1024x256xf32, #tpu.memory_space<any>>
    tpu.enqueue_dma source(%dma_start3A_27 : memref<1024x256xf32, #tpu.memory_space<any>>) target(%dma_start3A_24 : memref<1024x256xf32, #tpu.memory_space<vmem>>) target_semaphore(%dma_start3A_20 : memref<!tpu.dma_semaphore, #tpu.memory_space<semaphore_mem>>)
    %dma_start3A_28 = arith.constant 1 : i32
    %dma_start3A_29 = arith.constant 1 : i32
    %dma_start3A_30 = tpu.memref_slice %arg7[%dma_start3A_29] : memref<6x!tpu.dma_semaphore, #tpu.memory_space<semaphore_mem>> -> memref<1x!tpu.dma_semaphore, #tpu.memory_space<semaphore_mem>>
    %dma_start3A_31 = tpu.memref_squeeze %dma_start3A_30 : memref<1x!tpu.dma_semaphore, #tpu.memory_space<semaphore_mem>> -> memref<!tpu.dma_semaphore, #tpu.memory_space<semaphore_mem>>
    %dma_start3A_32 = arith.constant 0 : i32
    %dma_start3A_33 = arith.constant 0 : i32
    %dma_start3A_34 = tpu.memref_slice %arg4[%dma_start3A_28, %dma_start3A_32, %dma_start3A_33] : memref<6x1024x256xf32, #tpu.memory_space<vmem>> -> memref<1x1024x256xf32, #tpu.memory_space<vmem>>
    %dma_start3A_35 = tpu.memref_squeeze %dma_start3A_34 : memref<1x1024x256xf32, #tpu.memory_space<vmem>> -> memref<1024x256xf32, #tpu.memory_space<vmem>>
    %dma_start3A_36 = arith.constant 1024 : i32
    %dma_start3A_37 = arith.constant 0 : i32
    %dma_start3A_38 = tpu.memref_slice %arg0[%dma_start3A_36, %dma_start3A_37] : memref<32768x256xf32, #tpu.memory_space<any>> -> memref<1024x256xf32, #tpu.memory_space<any>>
    tpu.enqueue_dma source(%dma_start3A_38 : memref<1024x256xf32, #tpu.memory_space<any>>) target(%dma_start3A_35 : memref<1024x256xf32, #tpu.memory_space<vmem>>) target_semaphore(%dma_start3A_31 : memref<!tpu.dma_semaphore, #tpu.memory_space<semaphore_mem>>)
    %dma_start3A_39 = arith.constant 1 : i32
    %dma_start3A_40 = arith.constant 1 : i32
    %dma_start3A_41 = tpu.memref_slice %arg7[%dma_start3A_40] : memref<6x!tpu.dma_semaphore, #tpu.memory_space<semaphore_mem>> -> memref<1x!tpu.dma_semaphore, #tpu.memory_space<semaphore_mem>>
    %dma_start3A_42 = tpu.memref_squeeze %dma_start3A_41 : memref<1x!tpu.dma_semaphore, #tpu.memory_space<semaphore_mem>> -> memref<!tpu.dma_semaphore, #tpu.memory_space<semaphore_mem>>
    %dma_start3A_43 = arith.constant 0 : i32
    %dma_start3A_44 = arith.constant 0 : i32
    %dma_start3A_45 = tpu.memref_slice %arg5[%dma_start3A_39, %dma_start3A_43, %dma_start3A_44] : memref<6x1024x256xf32, #tpu.memory_space<vmem>> -> memref<1x1024x256xf32, #tpu.memory_space<vmem>>
    %dma_start3A_46 = tpu.memref_squeeze %dma_start3A_45 : memref<1x1024x256xf32, #tpu.memory_space<vmem>> -> memref<1024x256xf32, #tpu.memory_space<vmem>>
    %dma_start3A_47 = arith.constant 1024 : i32
    %dma_start3A_48 = arith.constant 0 : i32
    %dma_start3A_49 = tpu.memref_slice %arg1[%dma_start3A_47, %dma_start3A_48] : memref<32768x256xf32, #tpu.memory_space<any>> -> memref<1024x256xf32, #tpu.memory_space<any>>
    tpu.enqueue_dma source(%dma_start3A_49 : memref<1024x256xf32, #tpu.memory_space<any>>) target(%dma_start3A_46 : memref<1024x256xf32, #tpu.memory_space<vmem>>) target_semaphore(%dma_start3A_42 : memref<!tpu.dma_semaphore, #tpu.memory_space<semaphore_mem>>)
    %dma_start3A_50 = arith.constant 2 : i32
    %dma_start3A_51 = arith.constant 2 : i32
    %dma_start3A_52 = tpu.memref_slice %arg7[%dma_start3A_51] : memref<6x!tpu.dma_semaphore, #tpu.memory_space<semaphore_mem>> -> memref<1x!tpu.dma_semaphore, #tpu.memory_space<semaphore_mem>>
    %dma_start3A_53 = tpu.memref_squeeze %dma_start3A_52 : memref<1x!tpu.dma_semaphore, #tpu.memory_space<semaphore_mem>> -> memref<!tpu.dma_semaphore, #tpu.memory_space<semaphore_mem>>
    %dma_start3A_54 = arith.constant 0 : i32
    %dma_start3A_55 = arith.constant 0 : i32
    %dma_start3A_56 = tpu.memref_slice %arg4[%dma_start3A_50, %dma_start3A_54, %dma_start3A_55] : memref<6x1024x256xf32, #tpu.memory_space<vmem>> -> memref<1x1024x256xf32, #tpu.memory_space<vmem>>
    %dma_start3A_57 = tpu.memref_squeeze %dma_start3A_56 : memref<1x1024x256xf32, #tpu.memory_space<vmem>> -> memref<1024x256xf32, #tpu.memory_space<vmem>>
    %dma_start3A_58 = arith.constant 2048 : i32
    %dma_start3A_59 = arith.constant 0 : i32
    %dma_start3A_60 = tpu.memref_slice %arg0[%dma_start3A_58, %dma_start3A_59] : memref<32768x256xf32, #tpu.memory_space<any>> -> memref<1024x256xf32, #tpu.memory_space<any>>
    tpu.enqueue_dma source(%dma_start3A_60 : memref<1024x256xf32, #tpu.memory_space<any>>) target(%dma_start3A_57 : memref<1024x256xf32, #tpu.memory_space<vmem>>) target_semaphore(%dma_start3A_53 : memref<!tpu.dma_semaphore, #tpu.memory_space<semaphore_mem>>)
    %dma_start3A_61 = arith.constant 2 : i32
    %dma_start3A_62 = arith.constant 2 : i32
    %dma_start3A_63 = tpu.memref_slice %arg7[%dma_start3A_62] : memref<6x!tpu.dma_semaphore, #tpu.memory_space<semaphore_mem>> -> memref<1x!tpu.dma_semaphore, #tpu.memory_space<semaphore_mem>>
    %dma_start3A_64 = tpu.memref_squeeze %dma_start3A_63 : memref<1x!tpu.dma_semaphore, #tpu.memory_space<semaphore_mem>> -> memref<!tpu.dma_semaphore, #tpu.memory_space<semaphore_mem>>
    %dma_start3A_65 = arith.constant 0 : i32
    %dma_start3A_66 = arith.constant 0 : i32
    %dma_start3A_67 = tpu.memref_slice %arg5[%dma_start3A_61, %dma_start3A_65, %dma_start3A_66] : memref<6x1024x256xf32, #tpu.memory_space<vmem>> -> memref<1x1024x256xf32, #tpu.memory_space<vmem>>
    %dma_start3A_68 = tpu.memref_squeeze %dma_start3A_67 : memref<1x1024x256xf32, #tpu.memory_space<vmem>> -> memref<1024x256xf32, #tpu.memory_space<vmem>>
    %dma_start3A_69 = arith.constant 2048 : i32
    %dma_start3A_70 = arith.constant 0 : i32
    %dma_start3A_71 = tpu.memref_slice %arg1[%dma_start3A_69, %dma_start3A_70] : memref<32768x256xf32, #tpu.memory_space<any>> -> memref<1024x256xf32, #tpu.memory_space<any>>
    tpu.enqueue_dma source(%dma_start3A_71 : memref<1024x256xf32, #tpu.memory_space<any>>) target(%dma_start3A_68 : memref<1024x256xf32, #tpu.memory_space<vmem>>) target_semaphore(%dma_start3A_64 : memref<!tpu.dma_semaphore, #tpu.memory_space<semaphore_mem>>)
    %dma_start3A_72 = arith.constant 3 : i32
    %dma_start3A_73 = arith.constant 3 : i32
    %dma_start3A_74 = tpu.memref_slice %arg7[%dma_start3A_73] : memref<6x!tpu.dma_semaphore, #tpu.memory_space<semaphore_mem>> -> memref<1x!tpu.dma_semaphore, #tpu.memory_space<semaphore_mem>>
    %dma_start3A_75 = tpu.memref_squeeze %dma_start3A_74 : memref<1x!tpu.dma_semaphore, #tpu.memory_space<semaphore_mem>> -> memref<!tpu.dma_semaphore, #tpu.memory_space<semaphore_mem>>
    %dma_start3A_76 = arith.constant 0 : i32
    %dma_start3A_77 = arith.constant 0 : i32
    %dma_start3A_78 = tpu.memref_slice %arg4[%dma_start3A_72, %dma_start3A_76, %dma_start3A_77] : memref<6x1024x256xf32, #tpu.memory_space<vmem>> -> memref<1x1024x256xf32, #tpu.memory_space<vmem>>
    %dma_start3A_79 = tpu.memref_squeeze %dma_start3A_78 : memref<1x1024x256xf32, #tpu.memory_space<vmem>> -> memref<1024x256xf32, #tpu.memory_space<vmem>>
    %dma_start3A_80 = arith.constant 3072 : i32
    %dma_start3A_81 = arith.constant 0 : i32
    %dma_start3A_82 = tpu.memref_slice %arg0[%dma_start3A_80, %dma_start3A_81] : memref<32768x256xf32, #tpu.memory_space<any>> -> memref<1024x256xf32, #tpu.memory_space<any>>
    tpu.enqueue_dma source(%dma_start3A_82 : memref<1024x256xf32, #tpu.memory_space<any>>) target(%dma_start3A_79 : memref<1024x256xf32, #tpu.memory_space<vmem>>) target_semaphore(%dma_start3A_75 : memref<!tpu.dma_semaphore, #tpu.memory_space<semaphore_mem>>)
    %dma_start3A_83 = arith.constant 3 : i32
    %dma_start3A_84 = arith.constant 3 : i32
    %dma_start3A_85 = tpu.memref_slice %arg7[%dma_start3A_84] : memref<6x!tpu.dma_semaphore, #tpu.memory_space<semaphore_mem>> -> memref<1x!tpu.dma_semaphore, #tpu.memory_space<semaphore_mem>>
    %dma_start3A_86 = tpu.memref_squeeze %dma_start3A_85 : memref<1x!tpu.dma_semaphore, #tpu.memory_space<semaphore_mem>> -> memref<!tpu.dma_semaphore, #tpu.memory_space<semaphore_mem>>
    %dma_start3A_87 = arith.constant 0 : i32
    %dma_start3A_88 = arith.constant 0 : i32
    %dma_start3A_89 = tpu.memref_slice %arg5[%dma_start3A_83, %dma_start3A_87, %dma_start3A_88] : memref<6x1024x256xf32, #tpu.memory_space<vmem>> -> memref<1x1024x256xf32, #tpu.memory_space<vmem>>
    %dma_start3A_90 = tpu.memref_squeeze %dma_start3A_89 : memref<1x1024x256xf32, #tpu.memory_space<vmem>> -> memref<1024x256xf32, #tpu.memory_space<vmem>>
    %dma_start3A_91 = arith.constant 3072 : i32
    %dma_start3A_92 = arith.constant 0 : i32
    %dma_start3A_93 = tpu.memref_slice %arg1[%dma_start3A_91, %dma_start3A_92] : memref<32768x256xf32, #tpu.memory_space<any>> -> memref<1024x256xf32, #tpu.memory_space<any>>
    tpu.enqueue_dma source(%dma_start3A_93 : memref<1024x256xf32, #tpu.memory_space<any>>) target(%dma_start3A_90 : memref<1024x256xf32, #tpu.memory_space<vmem>>) target_semaphore(%dma_start3A_86 : memref<!tpu.dma_semaphore, #tpu.memory_space<semaphore_mem>>)
    %dma_start3A_94 = arith.constant 4 : i32
    %dma_start3A_95 = arith.constant 4 : i32
    %dma_start3A_96 = tpu.memref_slice %arg7[%dma_start3A_95] : memref<6x!tpu.dma_semaphore, #tpu.memory_space<semaphore_mem>> -> memref<1x!tpu.dma_semaphore, #tpu.memory_space<semaphore_mem>>
    %dma_start3A_97 = tpu.memref_squeeze %dma_start3A_96 : memref<1x!tpu.dma_semaphore, #tpu.memory_space<semaphore_mem>> -> memref<!tpu.dma_semaphore, #tpu.memory_space<semaphore_mem>>
    %dma_start3A_98 = arith.constant 0 : i32
    %dma_start3A_99 = arith.constant 0 : i32
    %dma_start3A_100 = tpu.memref_slice %arg4[%dma_start3A_94, %dma_start3A_98, %dma_start3A_99] : memref<6x1024x256xf32, #tpu.memory_space<vmem>> -> memref<1x1024x256xf32, #tpu.memory_space<vmem>>
    %dma_start3A_101 = tpu.memref_squeeze %dma_start3A_100 : memref<1x1024x256xf32, #tpu.memory_space<vmem>> -> memref<1024x256xf32, #tpu.memory_space<vmem>>
    %dma_start3A_102 = arith.constant 4096 : i32
    %dma_start3A_103 = arith.constant 0 : i32
    %dma_start3A_104 = tpu.memref_slice %arg0[%dma_start3A_102, %dma_start3A_103] : memref<32768x256xf32, #tpu.memory_space<any>> -> memref<1024x256xf32, #tpu.memory_space<any>>
    tpu.enqueue_dma source(%dma_start3A_104 : memref<1024x256xf32, #tpu.memory_space<any>>) target(%dma_start3A_101 : memref<1024x256xf32, #tpu.memory_space<vmem>>) target_semaphore(%dma_start3A_97 : memref<!tpu.dma_semaphore, #tpu.memory_space<semaphore_mem>>)
    %dma_start3A_105 = arith.constant 4 : i32
    %dma_start3A_106 = arith.constant 4 : i32
    %dma_start3A_107 = tpu.memref_slice %arg7[%dma_start3A_106] : memref<6x!tpu.dma_semaphore, #tpu.memory_space<semaphore_mem>> -> memref<1x!tpu.dma_semaphore, #tpu.memory_space<semaphore_mem>>
    %dma_start3A_108 = tpu.memref_squeeze %dma_start3A_107 : memref<1x!tpu.dma_semaphore, #tpu.memory_space<semaphore_mem>> -> memref<!tpu.dma_semaphore, #tpu.memory_space<semaphore_mem>>
    %dma_start3A_109 = arith.constant 0 : i32
    %dma_start3A_110 = arith.constant 0 : i32
    %dma_start3A_111 = tpu.memref_slice %arg5[%dma_start3A_105, %dma_start3A_109, %dma_start3A_110] : memref<6x1024x256xf32, #tpu.memory_space<vmem>> -> memref<1x1024x256xf32, #tpu.memory_space<vmem>>
    %dma_start3A_112 = tpu.memref_squeeze %dma_start3A_111 : memref<1x1024x256xf32, #tpu.memory_space<vmem>> -> memref<1024x256xf32, #tpu.memory_space<vmem>>
    %dma_start3A_113 = arith.constant 4096 : i32
    %dma_start3A_114 = arith.constant 0 : i32
    %dma_start3A_115 = tpu.memref_slice %arg1[%dma_start3A_113, %dma_start3A_114] : memref<32768x256xf32, #tpu.memory_space<any>> -> memref<1024x256xf32, #tpu.memory_space<any>>
    tpu.enqueue_dma source(%dma_start3A_115 : memref<1024x256xf32, #tpu.memory_space<any>>) target(%dma_start3A_112 : memref<1024x256xf32, #tpu.memory_space<vmem>>) target_semaphore(%dma_start3A_108 : memref<!tpu.dma_semaphore, #tpu.memory_space<semaphore_mem>>)
    %dma_start3A_116 = arith.constant 5 : i32
    %dma_start3A_117 = arith.constant 5 : i32
    %dma_start3A_118 = tpu.memref_slice %arg7[%dma_start3A_117] : memref<6x!tpu.dma_semaphore, #tpu.memory_space<semaphore_mem>> -> memref<1x!tpu.dma_semaphore, #tpu.memory_space<semaphore_mem>>
    %dma_start3A_119 = tpu.memref_squeeze %dma_start3A_118 : memref<1x!tpu.dma_semaphore, #tpu.memory_space<semaphore_mem>> -> memref<!tpu.dma_semaphore, #tpu.memory_space<semaphore_mem>>
    %dma_start3A_120 = arith.constant 0 : i32
    %dma_start3A_121 = arith.constant 0 : i32
    %dma_start3A_122 = tpu.memref_slice %arg4[%dma_start3A_116, %dma_start3A_120, %dma_start3A_121] : memref<6x1024x256xf32, #tpu.memory_space<vmem>> -> memref<1x1024x256xf32, #tpu.memory_space<vmem>>
    %dma_start3A_123 = tpu.memref_squeeze %dma_start3A_122 : memref<1x1024x256xf32, #tpu.memory_space<vmem>> -> memref<1024x256xf32, #tpu.memory_space<vmem>>
    %dma_start3A_124 = arith.constant 5120 : i32
    %dma_start3A_125 = arith.constant 0 : i32
    %dma_start3A_126 = tpu.memref_slice %arg0[%dma_start3A_124, %dma_start3A_125] : memref<32768x256xf32, #tpu.memory_space<any>> -> memref<1024x256xf32, #tpu.memory_space<any>>
    tpu.enqueue_dma source(%dma_start3A_126 : memref<1024x256xf32, #tpu.memory_space<any>>) target(%dma_start3A_123 : memref<1024x256xf32, #tpu.memory_space<vmem>>) target_semaphore(%dma_start3A_119 : memref<!tpu.dma_semaphore, #tpu.memory_space<semaphore_mem>>)
    %dma_start3A_127 = arith.constant 5 : i32
    %dma_start3A_128 = arith.constant 5 : i32
    %dma_start3A_129 = tpu.memref_slice %arg7[%dma_start3A_128] : memref<6x!tpu.dma_semaphore, #tpu.memory_space<semaphore_mem>> -> memref<1x!tpu.dma_semaphore, #tpu.memory_space<semaphore_mem>>
    %dma_start3A_130 = tpu.memref_squeeze %dma_start3A_129 : memref<1x!tpu.dma_semaphore, #tpu.memory_space<semaphore_mem>> -> memref<!tpu.dma_semaphore, #tpu.memory_space<semaphore_mem>>
    %dma_start3A_131 = arith.constant 0 : i32
    %dma_start3A_132 = arith.constant 0 : i32
    %dma_start3A_133 = tpu.memref_slice %arg5[%dma_start3A_127, %dma_start3A_131, %dma_start3A_132] : memref<6x1024x256xf32, #tpu.memory_space<vmem>> -> memref<1x1024x256xf32, #tpu.memory_space<vmem>>
    %dma_start3A_134 = tpu.memref_squeeze %dma_start3A_133 : memref<1x1024x256xf32, #tpu.memory_space<vmem>> -> memref<1024x256xf32, #tpu.memory_space<vmem>>
    %dma_start3A_135 = arith.constant 5120 : i32
    %dma_start3A_136 = arith.constant 0 : i32
    %dma_start3A_137 = tpu.memref_slice %arg1[%dma_start3A_135, %dma_start3A_136] : memref<32768x256xf32, #tpu.memory_space<any>> -> memref<1024x256xf32, #tpu.memory_space<any>>
    tpu.enqueue_dma source(%dma_start3A_137 : memref<1024x256xf32, #tpu.memory_space<any>>) target(%dma_start3A_134 : memref<1024x256xf32, #tpu.memory_space<vmem>>) target_semaphore(%dma_start3A_130 : memref<!tpu.dma_semaphore, #tpu.memory_space<semaphore_mem>>)
    %dma_wait3A = arith.constant 0 : i32
    %dma_wait3A_138 = arith.constant 0 : i32
    %dma_wait3A_139 = tpu.memref_slice %arg7[%dma_wait3A_138] : memref<6x!tpu.dma_semaphore, #tpu.memory_space<semaphore_mem>> -> memref<1x!tpu.dma_semaphore, #tpu.memory_space<semaphore_mem>>
    %dma_wait3A_140 = tpu.memref_squeeze %dma_wait3A_139 : memref<1x!tpu.dma_semaphore, #tpu.memory_space<semaphore_mem>> -> memref<!tpu.dma_semaphore, #tpu.memory_space<semaphore_mem>>
    %dma_wait3A_141 = arith.constant 0 : i32
    %dma_wait3A_142 = arith.constant 0 : i32
    %dma_wait3A_143 = tpu.memref_slice %arg4[%dma_wait3A, %dma_wait3A_141, %dma_wait3A_142] : memref<6x1024x256xf32, #tpu.memory_space<vmem>> -> memref<1x1024x256xf32, #tpu.memory_space<vmem>>
    %dma_wait3A_144 = tpu.memref_squeeze %dma_wait3A_143 : memref<1x1024x256xf32, #tpu.memory_space<vmem>> -> memref<1024x256xf32, #tpu.memory_space<vmem>>
    %dma_wait3A_145 = arith.constant 0 : i32
    %dma_wait3A_146 = arith.constant 0 : i32
    %dma_wait3A_147 = tpu.memref_slice %arg0[%dma_wait3A_145, %dma_wait3A_146] : memref<32768x256xf32, #tpu.memory_space<any>> -> memref<1024x256xf32, #tpu.memory_space<any>>
    tpu.wait_dma2 semaphore(%dma_wait3A_140 : memref<!tpu.dma_semaphore, #tpu.memory_space<semaphore_mem>>) src(%dma_wait3A_147 : memref<1024x256xf32, #tpu.memory_space<any>>) dst(%dma_wait3A_144 : memref<1024x256xf32, #tpu.memory_space<vmem>>)
    %dma_wait3A_148 = arith.constant 0 : i32
    %dma_wait3A_149 = arith.constant 0 : i32
    %dma_wait3A_150 = tpu.memref_slice %arg7[%dma_wait3A_149] : memref<6x!tpu.dma_semaphore, #tpu.memory_space<semaphore_mem>> -> memref<1x!tpu.dma_semaphore, #tpu.memory_space<semaphore_mem>>
    %dma_wait3A_151 = tpu.memref_squeeze %dma_wait3A_150 : memref<1x!tpu.dma_semaphore, #tpu.memory_space<semaphore_mem>> -> memref<!tpu.dma_semaphore, #tpu.memory_space<semaphore_mem>>
    %dma_wait3A_152 = arith.constant 0 : i32
    %dma_wait3A_153 = arith.constant 0 : i32
    %dma_wait3A_154 = tpu.memref_slice %arg5[%dma_wait3A_148, %dma_wait3A_152, %dma_wait3A_153] : memref<6x1024x256xf32, #tpu.memory_space<vmem>> -> memref<1x1024x256xf32, #tpu.memory_space<vmem>>
    %dma_wait3A_155 = tpu.memref_squeeze %dma_wait3A_154 : memref<1x1024x256xf32, #tpu.memory_space<vmem>> -> memref<1024x256xf32, #tpu.memory_space<vmem>>
    %dma_wait3A_156 = arith.constant 0 : i32
    %dma_wait3A_157 = arith.constant 0 : i32
    %dma_wait3A_158 = tpu.memref_slice %arg1[%dma_wait3A_156, %dma_wait3A_157] : memref<32768x256xf32, #tpu.memory_space<any>> -> memref<1024x256xf32, #tpu.memory_space<any>>
    tpu.wait_dma2 semaphore(%dma_wait3A_151 : memref<!tpu.dma_semaphore, #tpu.memory_space<semaphore_mem>>) src(%dma_wait3A_158 : memref<1024x256xf32, #tpu.memory_space<any>>) dst(%dma_wait3A_155 : memref<1024x256xf32, #tpu.memory_space<vmem>>)
    %get3A_159 = arith.constant 0 : index
    %get3A_160 = arith.constant 0 : index
    %get3A_161 = arith.constant 0 : index
    %get3A_162 = vector.load %arg5[%get3A_159, %get3A_160, %get3A_161] : memref<6x1024x256xf32, #tpu.memory_space<vmem>>, vector<1x1024x256xf32>
    %get3A_163 = vector.shape_cast %get3A_162 : vector<1x1024x256xf32> to vector<1024x256xf32>
    %get3A_164 = arith.constant 0 : index
    %get3A_165 = arith.constant 0 : index
    %get3A_166 = arith.constant 0 : index
    %get3A_167 = vector.load %arg4[%get3A_164, %get3A_165, %get3A_166] : memref<6x1024x256xf32, #tpu.memory_space<vmem>>, vector<1x1024x256xf32>
    %get3A_168 = vector.shape_cast %get3A_167 : vector<1x1024x256xf32> to vector<1024x256xf32>
    %get3A_169 = arith.constant 0 : index
    %get3A_170 = arith.constant 0 : index
    %get3A_171 = arith.constant 0 : index
    %get3A_172 = vector.load %arg5[%get3A_169, %get3A_170, %get3A_171] : memref<6x1024x256xf32, #tpu.memory_space<vmem>>, vector<1x1024x256xf32>
    %get3A_173 = vector.shape_cast %get3A_172 : vector<1x1024x256xf32> to vector<1024x256xf32>
    %sub3A = arith.subf %get3A_168, %get3A_173 : vector<1024x256xf32>
    %mul3A = vector.broadcast %logistic3A_6 : vector<1x256xf32> to vector<1024x256xf32>
    %mul3A_174 = arith.mulf %mul3A, %sub3A : vector<1024x256xf32>
    %add3A = arith.addf %get3A_163, %mul3A_174 : vector<1024x256xf32>
    %swap3A = arith.constant 0 : index
    %swap3A_175 = arith.constant 0 : index
    %swap3A_176 = arith.constant 0 : index
    %swap3A_177 = vector.load %arg6[%swap3A, %swap3A_175, %swap3A_176] : memref<6x1024x256xf32, #tpu.memory_space<vmem>>, vector<1x1024x256xf32>
    %swap3A_178 = vector.shape_cast %swap3A_177 : vector<1x1024x256xf32> to vector<1024x256xf32>
    %swap3A_179 = vector.shape_cast %add3A : vector<1024x256xf32> to vector<1x1024x256xf32>
    tpu.vector_store %arg6[%swap3A, %swap3A_175, %swap3A_176], %swap3A_179 {strides = array<i32>} : memref<6x1024x256xf32, #tpu.memory_space<vmem>>, vector<1x1024x256xf32>,
    %dma_start3A_180 = arith.constant 0 : i32
    %dma_start3A_181 = arith.constant 0 : i32
    %dma_start3A_182 = tpu.memref_slice %arg8[%dma_start3A_181] : memref<6x!tpu.dma_semaphore, #tpu.memory_space<semaphore_mem>> -> memref<1x!tpu.dma_semaphore, #tpu.memory_space<semaphore_mem>>
    %dma_start3A_183 = tpu.memref_squeeze %dma_start3A_182 : memref<1x!tpu.dma_semaphore, #tpu.memory_space<semaphore_mem>> -> memref<!tpu.dma_semaphore, #tpu.memory_space<semaphore_mem>>
    %dma_start3A_184 = arith.constant 0 : i32
    %dma_start3A_185 = arith.constant 0 : i32
    %dma_start3A_186 = tpu.memref_slice %arg3[%dma_start3A_184, %dma_start3A_185] : memref<32768x256xf32, #tpu.memory_space<any>> -> memref<1024x256xf32, #tpu.memory_space<any>>
    %dma_start3A_187 = arith.constant 0 : i32
    %dma_start3A_188 = arith.constant 0 : i32
    %dma_start3A_189 = tpu.memref_slice %arg6[%dma_start3A_180, %dma_start3A_187, %dma_start3A_188] : memref<6x1024x256xf32, #tpu.memory_space<vmem>> -> memref<1x1024x256xf32, #tpu.memory_space<vmem>>
    %dma_start3A_190 = tpu.memref_squeeze %dma_start3A_189 : memref<1x1024x256xf32, #tpu.memory_space<vmem>> -> memref<1024x256xf32, #tpu.memory_space<vmem>>
    tpu.enqueue_dma source(%dma_start3A_190 : memref<1024x256xf32, #tpu.memory_space<vmem>>) target(%dma_start3A_186 : memref<1024x256xf32, #tpu.memory_space<any>>) target_semaphore(%dma_start3A_183 : memref<!tpu.dma_semaphore, #tpu.memory_space<semaphore_mem>>)
    %dma_start3A_191 = arith.constant 0 : i32
    %dma_start3A_192 = arith.constant 0 : i32
    %dma_start3A_193 = tpu.memref_slice %arg7[%dma_start3A_192] : memref<6x!tpu.dma_semaphore, #tpu.memory_space<semaphore_mem>> -> memref<1x!tpu.dma_semaphore, #tpu.memory_space<semaphore_mem>>
    %dma_start3A_194 = tpu.memref_squeeze %dma_start3A_193 : memref<1x!tpu.dma_semaphore, #tpu.memory_space<semaphore_mem>> -> memref<!tpu.dma_semaphore, #tpu.memory_space<semaphore_mem>>
    %dma_start3A_195 = arith.constant 0 : i32
    %dma_start3A_196 = arith.constant 0 : i32
    %dma_start3A_197 = tpu.memref_slice %arg4[%dma_start3A_191, %dma_start3A_195, %dma_start3A_196] : memref<6x1024x256xf32, #tpu.memory_space<vmem>> -> memref<1x1024x256xf32, #tpu.memory_space<vmem>>
    %dma_start3A_198 = tpu.memref_squeeze %dma_start3A_197 : memref<1x1024x256xf32, #tpu.memory_space<vmem>> -> memref<1024x256xf32, #tpu.memory_space<vmem>>
    %dma_start3A_199 = arith.constant 6144 : i32
    %dma_start3A_200 = arith.constant 0 : i32
    %dma_start3A_201 = tpu.memref_slice %arg0[%dma_start3A_199, %dma_start3A_200] : memref<32768x256xf32, #tpu.memory_space<any>> -> memref<1024x256xf32, #tpu.memory_space<any>>
    tpu.enqueue_dma source(%dma_start3A_201 : memref<1024x256xf32, #tpu.memory_space<any>>) target(%dma_start3A_198 : memref<1024x256xf32, #tpu.memory_space<vmem>>) target_semaphore(%dma_start3A_194 : memref<!tpu.dma_semaphore, #tpu.memory_space<semaphore_mem>>)
    %dma_start3A_202 = arith.constant 0 : i32
    %dma_start3A_203 = arith.constant 0 : i32
    %dma_start3A_204 = tpu.memref_slice %arg7[%dma_start3A_203] : memref<6x!tpu.dma_semaphore, #tpu.memory_space<semaphore_mem>> -> memref<1x!tpu.dma_semaphore, #tpu.memory_space<semaphore_mem>>
    %dma_start3A_205 = tpu.memref_squeeze %dma_start3A_204 : memref<1x!tpu.dma_semaphore, #tpu.memory_space<semaphore_mem>> -> memref<!tpu.dma_semaphore, #tpu.memory_space<semaphore_mem>>
    %dma_start3A_206 = arith.constant 0 : i32
    %dma_start3A_207 = arith.constant 0 : i32
    %dma_start3A_208 = tpu.memref_slice %arg5[%dma_start3A_202, %dma_start3A_206, %dma_start3A_207] : memref<6x1024x256xf32, #tpu.memory_space<vmem>> -> memref<1x1024x256xf32, #tpu.memory_space<vmem>>
    %dma_start3A_209 = tpu.memref_squeeze %dma_start3A_208 : memref<1x1024x256xf32, #tpu.memory_space<vmem>> -> memref<1024x256xf32, #tpu.memory_space<vmem>>
    %dma_start3A_210 = arith.constant 6144 : i32
    %dma_start3A_211 = arith.constant 0 : i32
    %dma_start3A_212 = tpu.memref_slice %arg1[%dma_start3A_210, %dma_start3A_211] : memref<32768x256xf32, #tpu.memory_space<any>> -> memref<1024x256xf32, #tpu.memory_space<any>>
    tpu.enqueue_dma source(%dma_start3A_212 : memref<1024x256xf32, #tpu.memory_space<any>>) target(%dma_start3A_209 : memref<1024x256xf32, #tpu.memory_space<vmem>>) target_semaphore(%dma_start3A_205 : memref<!tpu.dma_semaphore, #tpu.memory_space<semaphore_mem>>)
    %dma_wait3A_213 = arith.constant 1 : i32
    %dma_wait3A_214 = arith.constant 1 : i32
    %dma_wait3A_215 = tpu.memref_slice %arg7[%dma_wait3A_214] : memref<6x!tpu.dma_semaphore, #tpu.memory_space<semaphore_mem>> -> memref<1x!tpu.dma_semaphore, #tpu.memory_space<semaphore_mem>>
    %dma_wait3A_216 = tpu.memref_squeeze %dma_wait3A_215 : memref<1x!tpu.dma_semaphore, #tpu.memory_space<semaphore_mem>> -> memref<!tpu.dma_semaphore, #tpu.memory_space<semaphore_mem>>
    %dma_wait3A_217 = arith.constant 0 : i32
    %dma_wait3A_218 = arith.constant 0 : i32
    %dma_wait3A_219 = tpu.memref_slice %arg4[%dma_wait3A_213, %dma_wait3A_217, %dma_wait3A_218] : memref<6x1024x256xf32, #tpu.memory_space<vmem>> -> memref<1x1024x256xf32, #tpu.memory_space<vmem>>
    %dma_wait3A_220 = tpu.memref_squeeze %dma_wait3A_219 : memref<1x1024x256xf32, #tpu.memory_space<vmem>> -> memref<1024x256xf32, #tpu.memory_space<vmem>>
    %dma_wait3A_221 = arith.constant 0 : i32
    %dma_wait3A_222 = arith.constant 0 : i32
    %dma_wait3A_223 = tpu.memref_slice %arg0[%dma_wait3A_221, %dma_wait3A_222] : memref<32768x256xf32, #tpu.memory_space<any>> -> memref<1024x256xf32, #tpu.memory_space<any>>
    tpu.wait_dma2 semaphore(%dma_wait3A_216 : memref<!tpu.dma_semaphore, #tpu.memory_space<semaphore_mem>>) src(%dma_wait3A_223 : memref<1024x256xf32, #tpu.memory_space<any>>) dst(%dma_wait3A_220 : memref<1024x256xf32, #tpu.memory_space<vmem>>)
    %dma_wait3A_224 = arith.constant 1 : i32
    %dma_wait3A_225 = arith.constant 1 : i32
    %dma_wait3A_226 = tpu.memref_slice %arg7[%dma_wait3A_225] : memref<6x!tpu.dma_semaphore, #tpu.memory_space<semaphore_mem>> -> memref<1x!tpu.dma_semaphore, #tpu.memory_space<semaphore_mem>>
    %dma_wait3A_227 = tpu.memref_squeeze %dma_wait3A_226 : memref<1x!tpu.dma_semaphore, #tpu.memory_space<semaphore_mem>> -> memref<!tpu.dma_semaphore, #tpu.memory_space<semaphore_mem>>
    %dma_wait3A_228 = arith.constant 0 : i32
    %dma_wait3A_229 = arith.constant 0 : i32
    %dma_wait3A_230 = tpu.memref_slice %arg5[%dma_wait3A_224, %dma_wait3A_228, %dma_wait3A_229] : memref<6x1024x256xf32, #tpu.memory_space<vmem>> -> memref<1x1024x256xf32, #tpu.memory_space<vmem>>
    %dma_wait3A_231 = tpu.memref_squeeze %dma_wait3A_230 : memref<1x1024x256xf32, #tpu.memory_space<vmem>> -> memref<1024x256xf32, #tpu.memory_space<vmem>>
    %dma_wait3A_232 = arith.constant 0 : i32
    %dma_wait3A_233 = arith.constant 0 : i32
    %dma_wait3A_234 = tpu.memref_slice %arg1[%dma_wait3A_232, %dma_wait3A_233] : memref<32768x256xf32, #tpu.memory_space<any>> -> memref<1024x256xf32, #tpu.memory_space<any>>
    tpu.wait_dma2 semaphore(%dma_wait3A_227 : memref<!tpu.dma_semaphore, #tpu.memory_space<semaphore_mem>>) src(%dma_wait3A_234 : memref<1024x256xf32, #tpu.memory_space<any>>) dst(%dma_wait3A_231 : memref<1024x256xf32, #tpu.memory_space<vmem>>)
    %get3A_235 = arith.constant 1 : index
    %get3A_236 = arith.constant 0 : index
    %get3A_237 = arith.constant 0 : index
    %get3A_238 = vector.load %arg5[%get3A_235, %get3A_236, %get3A_237] : memref<6x1024x256xf32, #tpu.memory_space<vmem>>, vector<1x1024x256xf32>
    %get3A_239 = vector.shape_cast %get3A_238 : vector<1x1024x256xf32> to vector<1024x256xf32>
    %get3A_240 = arith.constant 1 : index
    %get3A_241 = arith.constant 0 : index
    %get3A_242 = arith.constant 0 : index
    %get3A_243 = vector.load %arg4[%get3A_240, %get3A_241, %get3A_242] : memref<6x1024x256xf32, #tpu.memory_space<vmem>>, vector<1x1024x256xf32>
    %get3A_244 = vector.shape_cast %get3A_243 : vector<1x1024x256xf32> to vector<1024x256xf32>
    %get3A_245 = arith.constant 1 : index
    %get3A_246 = arith.constant 0 : index
    %get3A_247 = arith.constant 0 : index
    %get3A_248 = vector.load %arg5[%get3A_245, %get3A_246, %get3A_247] : memref<6x1024x256xf32, #tpu.memory_space<vmem>>, vector<1x1024x256xf32>
    %get3A_249 = vector.shape_cast %get3A_248 : vector<1x1024x256xf32> to vector<1024x256xf32>
    %sub3A_250 = arith.subf %get3A_244, %get3A_249 : vector<1024x256xf32>
    %mul3A_251 = vector.broadcast %logistic3A_6 : vector<1x256xf32> to vector<1024x256xf32>
    %mul3A_252 = arith.mulf %mul3A_251, %sub3A_250 : vector<1024x256xf32>
    %add3A_253 = arith.addf %get3A_239, %mul3A_252 : vector<1024x256xf32>
    %swap3A_254 = arith.constant 1 : index
    %swap3A_255 = arith.constant 0 : index
    %swap3A_256 = arith.constant 0 : index
    %swap3A_257 = vector.load %arg6[%swap3A_254, %swap3A_255, %swap3A_256] : memref<6x1024x256xf32, #tpu.memory_space<vmem>>, vector<1x1024x256xf32>
    %swap3A_258 = vector.shape_cast %swap3A_257 : vector<1x1024x256xf32> to vector<1024x256xf32>
    %swap3A_259 = vector.shape_cast %add3A_253 : vector<1024x256xf32> to vector<1x1024x256xf32>
    tpu.vector_store %arg6[%swap3A_254, %swap3A_255, %swap3A_256], %swap3A_259 {strides = array<i32>} : memref<6x1024x256xf32, #tpu.memory_space<vmem>>, vector<1x1024x256xf32>,
    %dma_start3A_260 = arith.constant 1 : i32
    %dma_start3A_261 = arith.constant 1 : i32
    %dma_start3A_262 = tpu.memref_slice %arg8[%dma_start3A_261] : memref<6x!tpu.dma_semaphore, #tpu.memory_space<semaphore_mem>> -> memref<1x!tpu.dma_semaphore, #tpu.memory_space<semaphore_mem>>
    %dma_start3A_263 = tpu.memref_squeeze %dma_start3A_262 : memref<1x!tpu.dma_semaphore, #tpu.memory_space<semaphore_mem>> -> memref<!tpu.dma_semaphore, #tpu.memory_space<semaphore_mem>>
    %dma_start3A_264 = arith.constant 1024 : i32
    %dma_start3A_265 = arith.constant 0 : i32
    %dma_start3A_266 = tpu.memref_slice %arg3[%dma_start3A_264, %dma_start3A_265] : memref<32768x256xf32, #tpu.memory_space<any>> -> memref<1024x256xf32, #tpu.memory_space<any>>
    %dma_start3A_267 = arith.constant 0 : i32
    %dma_start3A_268 = arith.constant 0 : i32
    %dma_start3A_269 = tpu.memref_slice %arg6[%dma_start3A_260, %dma_start3A_267, %dma_start3A_268] : memref<6x1024x256xf32, #tpu.memory_space<vmem>> -> memref<1x1024x256xf32, #tpu.memory_space<vmem>>
    %dma_start3A_270 = tpu.memref_squeeze %dma_start3A_269 : memref<1x1024x256xf32, #tpu.memory_space<vmem>> -> memref<1024x256xf32, #tpu.memory_space<vmem>>
    tpu.enqueue_dma source(%dma_start3A_270 : memref<1024x256xf32, #tpu.memory_space<vmem>>) target(%dma_start3A_266 : memref<1024x256xf32, #tpu.memory_space<any>>) target_semaphore(%dma_start3A_263 : memref<!tpu.dma_semaphore, #tpu.memory_space<semaphore_mem>>)
    %dma_start3A_271 = arith.constant 1 : i32
    %dma_start3A_272 = arith.constant 1 : i32
    %dma_start3A_273 = tpu.memref_slice %arg7[%dma_start3A_272] : memref<6x!tpu.dma_semaphore, #tpu.memory_space<semaphore_mem>> -> memref<1x!tpu.dma_semaphore, #tpu.memory_space<semaphore_mem>>
    %dma_start3A_274 = tpu.memref_squeeze %dma_start3A_273 : memref<1x!tpu.dma_semaphore, #tpu.memory_space<semaphore_mem>> -> memref<!tpu.dma_semaphore, #tpu.memory_space<semaphore_mem>>
    %dma_start3A_275 = arith.constant 0 : i32
    %dma_start3A_276 = arith.constant 0 : i32
    %dma_start3A_277 = tpu.memref_slice %arg4[%dma_start3A_271, %dma_start3A_275, %dma_start3A_276] : memref<6x1024x256xf32, #tpu.memory_space<vmem>> -> memref<1x1024x256xf32, #tpu.memory_space<vmem>>
    %dma_start3A_278 = tpu.memref_squeeze %dma_start3A_277 : memref<1x1024x256xf32, #tpu.memory_space<vmem>> -> memref<1024x256xf32, #tpu.memory_space<vmem>>
    %dma_start3A_279 = arith.constant 7168 : i32
    %dma_start3A_280 = arith.constant 0 : i32
    %dma_start3A_281 = tpu.memref_slice %arg0[%dma_start3A_279, %dma_start3A_280] : memref<32768x256xf32, #tpu.memory_space<any>> -> memref<1024x256xf32, #tpu.memory_space<any>>
    tpu.enqueue_dma source(%dma_start3A_281 : memref<1024x256xf32, #tpu.memory_space<any>>) target(%dma_start3A_278 : memref<1024x256xf32, #tpu.memory_space<vmem>>) target_semaphore(%dma_start3A_274 : memref<!tpu.dma_semaphore, #tpu.memory_space<semaphore_mem>>)
    %dma_start3A_282 = arith.constant 1 : i32
    %dma_start3A_283 = arith.constant 1 : i32
    %dma_start3A_284 = tpu.memref_slice %arg7[%dma_start3A_283] : memref<6x!tpu.dma_semaphore, #tpu.memory_space<semaphore_mem>> -> memref<1x!tpu.dma_semaphore, #tpu.memory_space<semaphore_mem>>
    %dma_start3A_285 = tpu.memref_squeeze %dma_start3A_284 : memref<1x!tpu.dma_semaphore, #tpu.memory_space<semaphore_mem>> -> memref<!tpu.dma_semaphore, #tpu.memory_space<semaphore_mem>>
    %dma_start3A_286 = arith.constant 0 : i32
    %dma_start3A_287 = arith.constant 0 : i32
    %dma_start3A_288 = tpu.memref_slice %arg5[%dma_start3A_282, %dma_start3A_286, %dma_start3A_287] : memref<6x1024x256xf32, #tpu.memory_space<vmem>> -> memref<1x1024x256xf32, #tpu.memory_space<vmem>>
    %dma_start3A_289 = tpu.memref_squeeze %dma_start3A_288 : memref<1x1024x256xf32, #tpu.memory_space<vmem>> -> memref<1024x256xf32, #tpu.memory_space<vmem>>
    %dma_start3A_290 = arith.constant 7168 : i32
    %dma_start3A_291 = arith.constant 0 : i32
    %dma_start3A_292 = tpu.memref_slice %arg1[%dma_start3A_290, %dma_start3A_291] : memref<32768x256xf32, #tpu.memory_space<any>> -> memref<1024x256xf32, #tpu.memory_space<any>>
    tpu.enqueue_dma source(%dma_start3A_292 : memref<1024x256xf32, #tpu.memory_space<any>>) target(%dma_start3A_289 : memref<1024x256xf32, #tpu.memory_space<vmem>>) target_semaphore(%dma_start3A_285 : memref<!tpu.dma_semaphore, #tpu.memory_space<semaphore_mem>>)
    %dma_wait3A_293 = arith.constant 2 : i32
    %dma_wait3A_294 = arith.constant 2 : i32
    %dma_wait3A_295 = tpu.memref_slice %arg7[%dma_wait3A_294] : memref<6x!tpu.dma_semaphore, #tpu.memory_space<semaphore_mem>> -> memref<1x!tpu.dma_semaphore, #tpu.memory_space<semaphore_mem>>
    %dma_wait3A_296 = tpu.memref_squeeze %dma_wait3A_295 : memref<1x!tpu.dma_semaphore, #tpu.memory_space<semaphore_mem>> -> memref<!tpu.dma_semaphore, #tpu.memory_space<semaphore_mem>>
    %dma_wait3A_297 = arith.constant 0 : i32
    %dma_wait3A_298 = arith.constant 0 : i32
    %dma_wait3A_299 = tpu.memref_slice %arg4[%dma_wait3A_293, %dma_wait3A_297, %dma_wait3A_298] : memref<6x1024x256xf32, #tpu.memory_space<vmem>> -> memref<1x1024x256xf32, #tpu.memory_space<vmem>>
    %dma_wait3A_300 = tpu.memref_squeeze %dma_wait3A_299 : memref<1x1024x256xf32, #tpu.memory_space<vmem>> -> memref<1024x256xf32, #tpu.memory_space<vmem>>
    %dma_wait3A_301 = arith.constant 0 : i32
    %dma_wait3A_302 = arith.constant 0 : i32
    %dma_wait3A_303 = tpu.memref_slice %arg0[%dma_wait3A_301, %dma_wait3A_302] : memref<32768x256xf32, #tpu.memory_space<any>> -> memref<1024x256xf32, #tpu.memory_space<any>>
    tpu.wait_dma2 semaphore(%dma_wait3A_296 : memref<!tpu.dma_semaphore, #tpu.memory_space<semaphore_mem>>) src(%dma_wait3A_303 : memref<1024x256xf32, #tpu.memory_space<any>>) dst(%dma_wait3A_300 : memref<1024x256xf32, #tpu.memory_space<vmem>>)
    %dma_wait3A_304 = arith.constant 2 : i32
    %dma_wait3A_305 = arith.constant 2 : i32
    %dma_wait3A_306 = tpu.memref_slice %arg7[%dma_wait3A_305] : memref<6x!tpu.dma_semaphore, #tpu.memory_space<semaphore_mem>> -> memref<1x!tpu.dma_semaphore, #tpu.memory_space<semaphore_mem>>
    %dma_wait3A_307 = tpu.memref_squeeze %dma_wait3A_306 : memref<1x!tpu.dma_semaphore, #tpu.memory_space<semaphore_mem>> -> memref<!tpu.dma_semaphore, #tpu.memory_space<semaphore_mem>>
    %dma_wait3A_308 = arith.constant 0 : i32
    %dma_wait3A_309 = arith.constant 0 : i32
    %dma_wait3A_310 = tpu.memref_slice %arg5[%dma_wait3A_304, %dma_wait3A_308, %dma_wait3A_309] : memref<6x1024x256xf32, #tpu.memory_space<vmem>> -> memref<1x1024x256xf32, #tpu.memory_space<vmem>>
    %dma_wait3A_311 = tpu.memref_squeeze %dma_wait3A_310 : memref<1x1024x256xf32, #tpu.memory_space<vmem>> -> memref<1024x256xf32, #tpu.memory_space<vmem>>
    %dma_wait3A_312 = arith.constant 0 : i32
    %dma_wait3A_313 = arith.constant 0 : i32
    %dma_wait3A_314 = tpu.memref_slice %arg1[%dma_wait3A_312, %dma_wait3A_313] : memref<32768x256xf32, #tpu.memory_space<any>> -> memref<1024x256xf32, #tpu.memory_space<any>>
    tpu.wait_dma2 semaphore(%dma_wait3A_307 : memref<!tpu.dma_semaphore, #tpu.memory_space<semaphore_mem>>) src(%dma_wait3A_314 : memref<1024x256xf32, #tpu.memory_space<any>>) dst(%dma_wait3A_311 : memref<1024x256xf32, #tpu.memory_space<vmem>>)
    %get3A_315 = arith.constant 2 : index
    %get3A_316 = arith.constant 0 : index
    %get3A_317 = arith.constant 0 : index
    %get3A_318 = vector.load %arg5[%get3A_315, %get3A_316, %get3A_317] : memref<6x1024x256xf32, #tpu.memory_space<vmem>>, vector<1x1024x256xf32>
    %get3A_319 = vector.shape_cast %get3A_318 : vector<1x1024x256xf32> to vector<1024x256xf32>
    %get3A_320 = arith.constant 2 : index
    %get3A_321 = arith.constant 0 : index
    %get3A_322 = arith.constant 0 : index
    %get3A_323 = vector.load %arg4[%get3A_320, %get3A_321, %get3A_322] : memref<6x1024x256xf32, #tpu.memory_space<vmem>>, vector<1x1024x256xf32>
    %get3A_324 = vector.shape_cast %get3A_323 : vector<1x1024x256xf32> to vector<1024x256xf32>
    %get3A_325 = arith.constant 2 : index
    %get3A_326 = arith.constant 0 : index
    %get3A_327 = arith.constant 0 : index
    %get3A_328 = vector.load %arg5[%get3A_325, %get3A_326, %get3A_327] : memref<6x1024x256xf32, #tpu.memory_space<vmem>>, vector<1x1024x256xf32>
    %get3A_329 = vector.shape_cast %get3A_328 : vector<1x1024x256xf32> to vector<1024x256xf32>
    %sub3A_330 = arith.subf %get3A_324, %get3A_329 : vector<1024x256xf32>
    %mul3A_331 = vector.broadcast %logistic3A_6 : vector<1x256xf32> to vector<1024x256xf32>
    %mul3A_332 = arith.mulf %mul3A_331, %sub3A_330 : vector<1024x256xf32>
    %add3A_333 = arith.addf %get3A_319, %mul3A_332 : vector<1024x256xf32>
    %swap3A_334 = arith.constant 2 : index
    %swap3A_335 = arith.constant 0 : index
    %swap3A_336 = arith.constant 0 : index
    %swap3A_337 = vector.load %arg6[%swap3A_334, %swap3A_335, %swap3A_336] : memref<6x1024x256xf32, #tpu.memory_space<vmem>>, vector<1x1024x256xf32>
    %swap3A_338 = vector.shape_cast %swap3A_337 : vector<1x1024x256xf32> to vector<1024x256xf32>
    %swap3A_339 = vector.shape_cast %add3A_333 : vector<1024x256xf32> to vector<1x1024x256xf32>
    tpu.vector_store %arg6[%swap3A_334, %swap3A_335, %swap3A_336], %swap3A_339 {strides = array<i32>} : memref<6x1024x256xf32, #tpu.memory_space<vmem>>, vector<1x1024x256xf32>,
    %dma_start3A_340 = arith.constant 2 : i32
    %dma_start3A_341 = arith.constant 2 : i32
    %dma_start3A_342 = tpu.memref_slice %arg8[%dma_start3A_341] : memref<6x!tpu.dma_semaphore, #tpu.memory_space<semaphore_mem>> -> memref<1x!tpu.dma_semaphore, #tpu.memory_space<semaphore_mem>>
    %dma_start3A_343 = tpu.memref_squeeze %dma_start3A_342 : memref<1x!tpu.dma_semaphore, #tpu.memory_space<semaphore_mem>> -> memref<!tpu.dma_semaphore, #tpu.memory_space<semaphore_mem>>
    %dma_start3A_344 = arith.constant 2048 : i32
    %dma_start3A_345 = arith.constant 0 : i32
    %dma_start3A_346 = tpu.memref_slice %arg3[%dma_start3A_344, %dma_start3A_345] : memref<32768x256xf32, #tpu.memory_space<any>> -> memref<1024x256xf32, #tpu.memory_space<any>>
    %dma_start3A_347 = arith.constant 0 : i32
    %dma_start3A_348 = arith.constant 0 : i32
    %dma_start3A_349 = tpu.memref_slice %arg6[%dma_start3A_340, %dma_start3A_347, %dma_start3A_348] : memref<6x1024x256xf32, #tpu.memory_space<vmem>> -> memref<1x1024x256xf32, #tpu.memory_space<vmem>>
    %dma_start3A_350 = tpu.memref_squeeze %dma_start3A_349 : memref<1x1024x256xf32, #tpu.memory_space<vmem>> -> memref<1024x256xf32, #tpu.memory_space<vmem>>
    tpu.enqueue_dma source(%dma_start3A_350 : memref<1024x256xf32, #tpu.memory_space<vmem>>) target(%dma_start3A_346 : memref<1024x256xf32, #tpu.memory_space<any>>) target_semaphore(%dma_start3A_343 : memref<!tpu.dma_semaphore, #tpu.memory_space<semaphore_mem>>)
    %dma_start3A_351 = arith.constant 2 : i32
    %dma_start3A_352 = arith.constant 2 : i32
    %dma_start3A_353 = tpu.memref_slice %arg7[%dma_start3A_352] : memref<6x!tpu.dma_semaphore, #tpu.memory_space<semaphore_mem>> -> memref<1x!tpu.dma_semaphore, #tpu.memory_space<semaphore_mem>>
    %dma_start3A_354 = tpu.memref_squeeze %dma_start3A_353 : memref<1x!tpu.dma_semaphore, #tpu.memory_space<semaphore_mem>> -> memref<!tpu.dma_semaphore, #tpu.memory_space<semaphore_mem>>
    %dma_start3A_355 = arith.constant 0 : i32
    %dma_start3A_356 = arith.constant 0 : i32
    %dma_start3A_357 = tpu.memref_slice %arg4[%dma_start3A_351, %dma_start3A_355, %dma_start3A_356] : memref<6x1024x256xf32, #tpu.memory_space<vmem>> -> memref<1x1024x256xf32, #tpu.memory_space<vmem>>
    %dma_start3A_358 = tpu.memref_squeeze %dma_start3A_357 : memref<1x1024x256xf32, #tpu.memory_space<vmem>> -> memref<1024x256xf32, #tpu.memory_space<vmem>>
    %dma_start3A_359 = arith.constant 8192 : i32
    %dma_start3A_360 = arith.constant 0 : i32
    %dma_start3A_361 = tpu.memref_slice %arg0[%dma_start3A_359, %dma_start3A_360] : memref<32768x256xf32, #tpu.memory_space<any>> -> memref<1024x256xf32, #tpu.memory_space<any>>
    tpu.enqueue_dma source(%dma_start3A_361 : memref<1024x256xf32, #tpu.memory_space<any>>) target(%dma_start3A_358 : memref<1024x256xf32, #tpu.memory_space<vmem>>) target_semaphore(%dma_start3A_354 : memref<!tpu.dma_semaphore, #tpu.memory_space<semaphore_mem>>)
    %dma_start3A_362 = arith.constant 2 : i32
    %dma_start3A_363 = arith.constant 2 : i32
    %dma_start3A_364 = tpu.memref_slice %arg7[%dma_start3A_363] : memref<6x!tpu.dma_semaphore, #tpu.memory_space<semaphore_mem>> -> memref<1x!tpu.dma_semaphore, #tpu.memory_space<semaphore_mem>>
    %dma_start3A_365 = tpu.memref_squeeze %dma_start3A_364 : memref<1x!tpu.dma_semaphore, #tpu.memory_space<semaphore_mem>> -> memref<!tpu.dma_semaphore, #tpu.memory_space<semaphore_mem>>
    %dma_start3A_366 = arith.constant 0 : i32
    %dma_start3A_367 = arith.constant 0 : i32
    %dma_start3A_368 = tpu.memref_slice %arg5[%dma_start3A_362, %dma_start3A_366, %dma_start3A_367] : memref<6x1024x256xf32, #tpu.memory_space<vmem>> -> memref<1x1024x256xf32, #tpu.memory_space<vmem>>
    %dma_start3A_369 = tpu.memref_squeeze %dma_start3A_368 : memref<1x1024x256xf32, #tpu.memory_space<vmem>> -> memref<1024x256xf32, #tpu.memory_space<vmem>>
    %dma_start3A_370 = arith.constant 8192 : i32
    %dma_start3A_371 = arith.constant 0 : i32
    %dma_start3A_372 = tpu.memref_slice %arg1[%dma_start3A_370, %dma_start3A_371] : memref<32768x256xf32, #tpu.memory_space<any>> -> memref<1024x256xf32, #tpu.memory_space<any>>
    tpu.enqueue_dma source(%dma_start3A_372 : memref<1024x256xf32, #tpu.memory_space<any>>) target(%dma_start3A_369 : memref<1024x256xf32, #tpu.memory_space<vmem>>) target_semaphore(%dma_start3A_365 : memref<!tpu.dma_semaphore, #tpu.memory_space<semaphore_mem>>)
    %dma_wait3A_373 = arith.constant 3 : i32
    %dma_wait3A_374 = arith.constant 3 : i32
    %dma_wait3A_375 = tpu.memref_slice %arg7[%dma_wait3A_374] : memref<6x!tpu.dma_semaphore, #tpu.memory_space<semaphore_mem>> -> memref<1x!tpu.dma_semaphore, #tpu.memory_space<semaphore_mem>>
    %dma_wait3A_376 = tpu.memref_squeeze %dma_wait3A_375 : memref<1x!tpu.dma_semaphore, #tpu.memory_space<semaphore_mem>> -> memref<!tpu.dma_semaphore, #tpu.memory_space<semaphore_mem>>
    %dma_wait3A_377 = arith.constant 0 : i32
    %dma_wait3A_378 = arith.constant 0 : i32
    %dma_wait3A_379 = tpu.memref_slice %arg4[%dma_wait3A_373, %dma_wait3A_377, %dma_wait3A_378] : memref<6x1024x256xf32, #tpu.memory_space<vmem>> -> memref<1x1024x256xf32, #tpu.memory_space<vmem>>
    %dma_wait3A_380 = tpu.memref_squeeze %dma_wait3A_379 : memref<1x1024x256xf32, #tpu.memory_space<vmem>> -> memref<1024x256xf32, #tpu.memory_space<vmem>>
    %dma_wait3A_381 = arith.constant 0 : i32
    %dma_wait3A_382 = arith.constant 0 : i32
    %dma_wait3A_383 = tpu.memref_slice %arg0[%dma_wait3A_381, %dma_wait3A_382] : memref<32768x256xf32, #tpu.memory_space<any>> -> memref<1024x256xf32, #tpu.memory_space<any>>
    tpu.wait_dma2 semaphore(%dma_wait3A_376 : memref<!tpu.dma_semaphore, #tpu.memory_space<semaphore_mem>>) src(%dma_wait3A_383 : memref<1024x256xf32, #tpu.memory_space<any>>) dst(%dma_wait3A_380 : memref<1024x256xf32, #tpu.memory_space<vmem>>)
    %dma_wait3A_384 = arith.constant 3 : i32
    %dma_wait3A_385 = arith.constant 3 : i32
    %dma_wait3A_386 = tpu.memref_slice %arg7[%dma_wait3A_385] : memref<6x!tpu.dma_semaphore, #tpu.memory_space<semaphore_mem>> -> memref<1x!tpu.dma_semaphore, #tpu.memory_space<semaphore_mem>>
    %dma_wait3A_387 = tpu.memref_squeeze %dma_wait3A_386 : memref<1x!tpu.dma_semaphore, #tpu.memory_space<semaphore_mem>> -> memref<!tpu.dma_semaphore, #tpu.memory_space<semaphore_mem>>
    %dma_wait3A_388 = arith.constant 0 : i32
    %dma_wait3A_389 = arith.constant 0 : i32
    %dma_wait3A_390 = tpu.memref_slice %arg5[%dma_wait3A_384, %dma_wait3A_388, %dma_wait3A_389] : memref<6x1024x256xf32, #tpu.memory_space<vmem>> -> memref<1x1024x256xf32, #tpu.memory_space<vmem>>
    %dma_wait3A_391 = tpu.memref_squeeze %dma_wait3A_390 : memref<1x1024x256xf32, #tpu.memory_space<vmem>> -> memref<1024x256xf32, #tpu.memory_space<vmem>>
    %dma_wait3A_392 = arith.constant 0 : i32
    %dma_wait3A_393 = arith.constant 0 : i32
    %dma_wait3A_394 = tpu.memref_slice %arg1[%dma_wait3A_392, %dma_wait3A_393] : memref<32768x256xf32, #tpu.memory_space<any>> -> memref<1024x256xf32, #tpu.memory_space<any>>
    tpu.wait_dma2 semaphore(%dma_wait3A_387 : memref<!tpu.dma_semaphore, #tpu.memory_space<semaphore_mem>>) src(%dma_wait3A_394 : memref<1024x256xf32, #tpu.memory_space<any>>) dst(%dma_wait3A_391 : memref<1024x256xf32, #tpu.memory_space<vmem>>)
    %get3A_395 = arith.constant 3 : index
    %get3A_396 = arith.constant 0 : index
    %get3A_397 = arith.constant 0 : index
    %get3A_398 = vector.load %arg5[%get3A_395, %get3A_396, %get3A_397] : memref<6x1024x256xf32, #tpu.memory_space<vmem>>, vector<1x1024x256xf32>
    %get3A_399 = vector.shape_cast %get3A_398 : vector<1x1024x256xf32> to vector<1024x256xf32>
    %get3A_400 = arith.constant 3 : index
    %get3A_401 = arith.constant 0 : index
    %get3A_402 = arith.constant 0 : index
    %get3A_403 = vector.load %arg4[%get3A_400, %get3A_401, %get3A_402] : memref<6x1024x256xf32, #tpu.memory_space<vmem>>, vector<1x1024x256xf32>
    %get3A_404 = vector.shape_cast %get3A_403 : vector<1x1024x256xf32> to vector<1024x256xf32>
    %get3A_405 = arith.constant 3 : index
    %get3A_406 = arith.constant 0 : index
    %get3A_407 = arith.constant 0 : index
    %get3A_408 = vector.load %arg5[%get3A_405, %get3A_406, %get3A_407] : memref<6x1024x256xf32, #tpu.memory_space<vmem>>, vector<1x1024x256xf32>
    %get3A_409 = vector.shape_cast %get3A_408 : vector<1x1024x256xf32> to vector<1024x256xf32>
    %sub3A_410 = arith.subf %get3A_404, %get3A_409 : vector<1024x256xf32>
    %mul3A_411 = vector.broadcast %logistic3A_6 : vector<1x256xf32> to vector<1024x256xf32>
    %mul3A_412 = arith.mulf %mul3A_411, %sub3A_410 : vector<1024x256xf32>
    %add3A_413 = arith.addf %get3A_399, %mul3A_412 : vector<1024x256xf32>
    %swap3A_414 = arith.constant 3 : index
    %swap3A_415 = arith.constant 0 : index
    %swap3A_416 = arith.constant 0 : index
    %swap3A_417 = vector.load %arg6[%swap3A_414, %swap3A_415, %swap3A_416] : memref<6x1024x256xf32, #tpu.memory_space<vmem>>, vector<1x1024x256xf32>
    %swap3A_418 = vector.shape_cast %swap3A_417 : vector<1x1024x256xf32> to vector<1024x256xf32>
    %swap3A_419 = vector.shape_cast %add3A_413 : vector<1024x256xf32> to vector<1x1024x256xf32>
    tpu.vector_store %arg6[%swap3A_414, %swap3A_415, %swap3A_416], %swap3A_419 {strides = array<i32>} : memref<6x1024x256xf32, #tpu.memory_space<vmem>>, vector<1x1024x256xf32>,
    %dma_start3A_420 = arith.constant 3 : i32
    %dma_start3A_421 = arith.constant 3 : i32
    %dma_start3A_422 = tpu.memref_slice %arg8[%dma_start3A_421] : memref<6x!tpu.dma_semaphore, #tpu.memory_space<semaphore_mem>> -> memref<1x!tpu.dma_semaphore, #tpu.memory_space<semaphore_mem>>
    %dma_start3A_423 = tpu.memref_squeeze %dma_start3A_422 : memref<1x!tpu.dma_semaphore, #tpu.memory_space<semaphore_mem>> -> memref<!tpu.dma_semaphore, #tpu.memory_space<semaphore_mem>>
    %dma_start3A_424 = arith.constant 3072 : i32
    %dma_start3A_425 = arith.constant 0 : i32
    %dma_start3A_426 = tpu.memref_slice %arg3[%dma_start3A_424, %dma_start3A_425] : memref<32768x256xf32, #tpu.memory_space<any>> -> memref<1024x256xf32, #tpu.memory_space<any>>
    %dma_start3A_427 = arith.constant 0 : i32
    %dma_start3A_428 = arith.constant 0 : i32
    %dma_start3A_429 = tpu.memref_slice %arg6[%dma_start3A_420, %dma_start3A_427, %dma_start3A_428] : memref<6x1024x256xf32, #tpu.memory_space<vmem>> -> memref<1x1024x256xf32, #tpu.memory_space<vmem>>
    %dma_start3A_430 = tpu.memref_squeeze %dma_start3A_429 : memref<1x1024x256xf32, #tpu.memory_space<vmem>> -> memref<1024x256xf32, #tpu.memory_space<vmem>>
    tpu.enqueue_dma source(%dma_start3A_430 : memref<1024x256xf32, #tpu.memory_space<vmem>>) target(%dma_start3A_426 : memref<1024x256xf32, #tpu.memory_space<any>>) target_semaphore(%dma_start3A_423 : memref<!tpu.dma_semaphore, #tpu.memory_space<semaphore_mem>>)
    %dma_start3A_431 = arith.constant 3 : i32
    %dma_start3A_432 = arith.constant 3 : i32
    %dma_start3A_433 = tpu.memref_slice %arg7[%dma_start3A_432] : memref<6x!tpu.dma_semaphore, #tpu.memory_space<semaphore_mem>> -> memref<1x!tpu.dma_semaphore, #tpu.memory_space<semaphore_mem>>
    %dma_start3A_434 = tpu.memref_squeeze %dma_start3A_433 : memref<1x!tpu.dma_semaphore, #tpu.memory_space<semaphore_mem>> -> memref<!tpu.dma_semaphore, #tpu.memory_space<semaphore_mem>>
    %dma_start3A_435 = arith.constant 0 : i32
    %dma_start3A_436 = arith.constant 0 : i32
    %dma_start3A_437 = tpu.memref_slice %arg4[%dma_start3A_431, %dma_start3A_435, %dma_start3A_436] : memref<6x1024x256xf32, #tpu.memory_space<vmem>> -> memref<1x1024x256xf32, #tpu.memory_space<vmem>>
    %dma_start3A_438 = tpu.memref_squeeze %dma_start3A_437 : memref<1x1024x256xf32, #tpu.memory_space<vmem>> -> memref<1024x256xf32, #tpu.memory_space<vmem>>
    %dma_start3A_439 = arith.constant 9216 : i32
    %dma_start3A_440 = arith.constant 0 : i32
    %dma_start3A_441 = tpu.memref_slice %arg0[%dma_start3A_439, %dma_start3A_440] : memref<32768x256xf32, #tpu.memory_space<any>> -> memref<1024x256xf32, #tpu.memory_space<any>>
    tpu.enqueue_dma source(%dma_start3A_441 : memref<1024x256xf32, #tpu.memory_space<any>>) target(%dma_start3A_438 : memref<1024x256xf32, #tpu.memory_space<vmem>>) target_semaphore(%dma_start3A_434 : memref<!tpu.dma_semaphore, #tpu.memory_space<semaphore_mem>>)
    %dma_start3A_442 = arith.constant 3 : i32
    %dma_start3A_443 = arith.constant 3 : i32
    %dma_start3A_444 = tpu.memref_slice %arg7[%dma_start3A_443] : memref<6x!tpu.dma_semaphore, #tpu.memory_space<semaphore_mem>> -> memref<1x!tpu.dma_semaphore, #tpu.memory_space<semaphore_mem>>
    %dma_start3A_445 = tpu.memref_squeeze %dma_start3A_444 : memref<1x!tpu.dma_semaphore, #tpu.memory_space<semaphore_mem>> -> memref<!tpu.dma_semaphore, #tpu.memory_space<semaphore_mem>>
    %dma_start3A_446 = arith.constant 0 : i32
    %dma_start3A_447 = arith.constant 0 : i32
    %dma_start3A_448 = tpu.memref_slice %arg5[%dma_start3A_442, %dma_start3A_446, %dma_start3A_447] : memref<6x1024x256xf32, #tpu.memory_space<vmem>> -> memref<1x1024x256xf32, #tpu.memory_space<vmem>>
    %dma_start3A_449 = tpu.memref_squeeze %dma_start3A_448 : memref<1x1024x256xf32, #tpu.memory_space<vmem>> -> memref<1024x256xf32, #tpu.memory_space<vmem>>
    %dma_start3A_450 = arith.constant 9216 : i32
    %dma_start3A_451 = arith.constant 0 : i32
    %dma_start3A_452 = tpu.memref_slice %arg1[%dma_start3A_450, %dma_start3A_451] : memref<32768x256xf32, #tpu.memory_space<any>> -> memref<1024x256xf32, #tpu.memory_space<any>>
    tpu.enqueue_dma source(%dma_start3A_452 : memref<1024x256xf32, #tpu.memory_space<any>>) target(%dma_start3A_449 : memref<1024x256xf32, #tpu.memory_space<vmem>>) target_semaphore(%dma_start3A_445 : memref<!tpu.dma_semaphore, #tpu.memory_space<semaphore_mem>>)
    %dma_wait3A_453 = arith.constant 4 : i32
    %dma_wait3A_454 = arith.constant 4 : i32
    %dma_wait3A_455 = tpu.memref_slice %arg7[%dma_wait3A_454] : memref<6x!tpu.dma_semaphore, #tpu.memory_space<semaphore_mem>> -> memref<1x!tpu.dma_semaphore, #tpu.memory_space<semaphore_mem>>
    %dma_wait3A_456 = tpu.memref_squeeze %dma_wait3A_455 : memref<1x!tpu.dma_semaphore, #tpu.memory_space<semaphore_mem>> -> memref<!tpu.dma_semaphore, #tpu.memory_space<semaphore_mem>>
    %dma_wait3A_457 = arith.constant 0 : i32
    %dma_wait3A_458 = arith.constant 0 : i32
    %dma_wait3A_459 = tpu.memref_slice %arg4[%dma_wait3A_453, %dma_wait3A_457, %dma_wait3A_458] : memref<6x1024x256xf32, #tpu.memory_space<vmem>> -> memref<1x1024x256xf32, #tpu.memory_space<vmem>>
    %dma_wait3A_460 = tpu.memref_squeeze %dma_wait3A_459 : memref<1x1024x256xf32, #tpu.memory_space<vmem>> -> memref<1024x256xf32, #tpu.memory_space<vmem>>
    %dma_wait3A_461 = arith.constant 0 : i32
    %dma_wait3A_462 = arith.constant 0 : i32
    %dma_wait3A_463 = tpu.memref_slice %arg0[%dma_wait3A_461, %dma_wait3A_462] : memref<32768x256xf32, #tpu.memory_space<any>> -> memref<1024x256xf32, #tpu.memory_space<any>>
    tpu.wait_dma2 semaphore(%dma_wait3A_456 : memref<!tpu.dma_semaphore, #tpu.memory_space<semaphore_mem>>) src(%dma_wait3A_463 : memref<1024x256xf32, #tpu.memory_space<any>>) dst(%dma_wait3A_460 : memref<1024x256xf32, #tpu.memory_space<vmem>>)
    %dma_wait3A_464 = arith.constant 4 : i32
    %dma_wait3A_465 = arith.constant 4 : i32
    %dma_wait3A_466 = tpu.memref_slice %arg7[%dma_wait3A_465] : memref<6x!tpu.dma_semaphore, #tpu.memory_space<semaphore_mem>> -> memref<1x!tpu.dma_semaphore, #tpu.memory_space<semaphore_mem>>
    %dma_wait3A_467 = tpu.memref_squeeze %dma_wait3A_466 : memref<1x!tpu.dma_semaphore, #tpu.memory_space<semaphore_mem>> -> memref<!tpu.dma_semaphore, #tpu.memory_space<semaphore_mem>>
    %dma_wait3A_468 = arith.constant 0 : i32
    %dma_wait3A_469 = arith.constant 0 : i32
    %dma_wait3A_470 = tpu.memref_slice %arg5[%dma_wait3A_464, %dma_wait3A_468, %dma_wait3A_469] : memref<6x1024x256xf32, #tpu.memory_space<vmem>> -> memref<1x1024x256xf32, #tpu.memory_space<vmem>>
    %dma_wait3A_471 = tpu.memref_squeeze %dma_wait3A_470 : memref<1x1024x256xf32, #tpu.memory_space<vmem>> -> memref<1024x256xf32, #tpu.memory_space<vmem>>
    %dma_wait3A_472 = arith.constant 0 : i32
    %dma_wait3A_473 = arith.constant 0 : i32
    %dma_wait3A_474 = tpu.memref_slice %arg1[%dma_wait3A_472, %dma_wait3A_473] : memref<32768x256xf32, #tpu.memory_space<any>> -> memref<1024x256xf32, #tpu.memory_space<any>>
    tpu.wait_dma2 semaphore(%dma_wait3A_467 : memref<!tpu.dma_semaphore, #tpu.memory_space<semaphore_mem>>) src(%dma_wait3A_474 : memref<1024x256xf32, #tpu.memory_space<any>>) dst(%dma_wait3A_471 : memref<1024x256xf32, #tpu.memory_space<vmem>>)
    %get3A_475 = arith.constant 4 : index
    %get3A_476 = arith.constant 0 : index
    %get3A_477 = arith.constant 0 : index
    %get3A_478 = vector.load %arg5[%get3A_475, %get3A_476, %get3A_477] : memref<6x1024x256xf32, #tpu.memory_space<vmem>>, vector<1x1024x256xf32>
    %get3A_479 = vector.shape_cast %get3A_478 : vector<1x1024x256xf32> to vector<1024x256xf32>
    %get3A_480 = arith.constant 4 : index
    %get3A_481 = arith.constant 0 : index
    %get3A_482 = arith.constant 0 : index
    %get3A_483 = vector.load %arg4[%get3A_480, %get3A_481, %get3A_482] : memref<6x1024x256xf32, #tpu.memory_space<vmem>>, vector<1x1024x256xf32>
    %get3A_484 = vector.shape_cast %get3A_483 : vector<1x1024x256xf32> to vector<1024x256xf32>
    %get3A_485 = arith.constant 4 : index
    %get3A_486 = arith.constant 0 : index
    %get3A_487 = arith.constant 0 : index
    %get3A_488 = vector.load %arg5[%get3A_485, %get3A_486, %get3A_487] : memref<6x1024x256xf32, #tpu.memory_space<vmem>>, vector<1x1024x256xf32>
    %get3A_489 = vector.shape_cast %get3A_488 : vector<1x1024x256xf32> to vector<1024x256xf32>
    %sub3A_490 = arith.subf %get3A_484, %get3A_489 : vector<1024x256xf32>
    %mul3A_491 = vector.broadcast %logistic3A_6 : vector<1x256xf32> to vector<1024x256xf32>
    %mul3A_492 = arith.mulf %mul3A_491, %sub3A_490 : vector<1024x256xf32>
    %add3A_493 = arith.addf %get3A_479, %mul3A_492 : vector<1024x256xf32>
    %swap3A_494 = arith.constant 4 : index
    %swap3A_495 = arith.constant 0 : index
    %swap3A_496 = arith.constant 0 : index
    %swap3A_497 = vector.load %arg6[%swap3A_494, %swap3A_495, %swap3A_496] : memref<6x1024x256xf32, #tpu.memory_space<vmem>>, vector<1x1024x256xf32>
    %swap3A_498 = vector.shape_cast %swap3A_497 : vector<1x1024x256xf32> to vector<1024x256xf32>
    %swap3A_499 = vector.shape_cast %add3A_493 : vector<1024x256xf32> to vector<1x1024x256xf32>
    tpu.vector_store %arg6[%swap3A_494, %swap3A_495, %swap3A_496], %swap3A_499 {strides = array<i32>} : memref<6x1024x256xf32, #tpu.memory_space<vmem>>, vector<1x1024x256xf32>,
    %dma_start3A_500 = arith.constant 4 : i32
    %dma_start3A_501 = arith.constant 4 : i32
    %dma_start3A_502 = tpu.memref_slice %arg8[%dma_start3A_501] : memref<6x!tpu.dma_semaphore, #tpu.memory_space<semaphore_mem>> -> memref<1x!tpu.dma_semaphore, #tpu.memory_space<semaphore_mem>>
    %dma_start3A_503 = tpu.memref_squeeze %dma_start3A_502 : memref<1x!tpu.dma_semaphore, #tpu.memory_space<semaphore_mem>> -> memref<!tpu.dma_semaphore, #tpu.memory_space<semaphore_mem>>
    %dma_start3A_504 = arith.constant 4096 : i32
    %dma_start3A_505 = arith.constant 0 : i32
    %dma_start3A_506 = tpu.memref_slice %arg3[%dma_start3A_504, %dma_start3A_505] : memref<32768x256xf32, #tpu.memory_space<any>> -> memref<1024x256xf32, #tpu.memory_space<any>>
    %dma_start3A_507 = arith.constant 0 : i32
    %dma_start3A_508 = arith.constant 0 : i32
    %dma_start3A_509 = tpu.memref_slice %arg6[%dma_start3A_500, %dma_start3A_507, %dma_start3A_508] : memref<6x1024x256xf32, #tpu.memory_space<vmem>> -> memref<1x1024x256xf32, #tpu.memory_space<vmem>>
    %dma_start3A_510 = tpu.memref_squeeze %dma_start3A_509 : memref<1x1024x256xf32, #tpu.memory_space<vmem>> -> memref<1024x256xf32, #tpu.memory_space<vmem>>
    tpu.enqueue_dma source(%dma_start3A_510 : memref<1024x256xf32, #tpu.memory_space<vmem>>) target(%dma_start3A_506 : memref<1024x256xf32, #tpu.memory_space<any>>) target_semaphore(%dma_start3A_503 : memref<!tpu.dma_semaphore, #tpu.memory_space<semaphore_mem>>)
    %dma_start3A_511 = arith.constant 4 : i32
    %dma_start3A_512 = arith.constant 4 : i32
    %dma_start3A_513 = tpu.memref_slice %arg7[%dma_start3A_512] : memref<6x!tpu.dma_semaphore, #tpu.memory_space<semaphore_mem>> -> memref<1x!tpu.dma_semaphore, #tpu.memory_space<semaphore_mem>>
    %dma_start3A_514 = tpu.memref_squeeze %dma_start3A_513 : memref<1x!tpu.dma_semaphore, #tpu.memory_space<semaphore_mem>> -> memref<!tpu.dma_semaphore, #tpu.memory_space<semaphore_mem>>
    %dma_start3A_515 = arith.constant 0 : i32
    %dma_start3A_516 = arith.constant 0 : i32
    %dma_start3A_517 = tpu.memref_slice %arg4[%dma_start3A_511, %dma_start3A_515, %dma_start3A_516] : memref<6x1024x256xf32, #tpu.memory_space<vmem>> -> memref<1x1024x256xf32, #tpu.memory_space<vmem>>
    %dma_start3A_518 = tpu.memref_squeeze %dma_start3A_517 : memref<1x1024x256xf32, #tpu.memory_space<vmem>> -> memref<1024x256xf32, #tpu.memory_space<vmem>>
    %dma_start3A_519 = arith.constant 10240 : i32
    %dma_start3A_520 = arith.constant 0 : i32
    %dma_start3A_521 = tpu.memref_slice %arg0[%dma_start3A_519, %dma_start3A_520] : memref<32768x256xf32, #tpu.memory_space<any>> -> memref<1024x256xf32, #tpu.memory_space<any>>
    tpu.enqueue_dma source(%dma_start3A_521 : memref<1024x256xf32, #tpu.memory_space<any>>) target(%dma_start3A_518 : memref<1024x256xf32, #tpu.memory_space<vmem>>) target_semaphore(%dma_start3A_514 : memref<!tpu.dma_semaphore, #tpu.memory_space<semaphore_mem>>)
    %dma_start3A_522 = arith.constant 4 : i32
    %dma_start3A_523 = arith.constant 4 : i32
    %dma_start3A_524 = tpu.memref_slice %arg7[%dma_start3A_523] : memref<6x!tpu.dma_semaphore, #tpu.memory_space<semaphore_mem>> -> memref<1x!tpu.dma_semaphore, #tpu.memory_space<semaphore_mem>>
    %dma_start3A_525 = tpu.memref_squeeze %dma_start3A_524 : memref<1x!tpu.dma_semaphore, #tpu.memory_space<semaphore_mem>> -> memref<!tpu.dma_semaphore, #tpu.memory_space<semaphore_mem>>
    %dma_start3A_526 = arith.constant 0 : i32
    %dma_start3A_527 = arith.constant 0 : i32
    %dma_start3A_528 = tpu.memref_slice %arg5[%dma_start3A_522, %dma_start3A_526, %dma_start3A_527] : memref<6x1024x256xf32, #tpu.memory_space<vmem>> -> memref<1x1024x256xf32, #tpu.memory_space<vmem>>
    %dma_start3A_529 = tpu.memref_squeeze %dma_start3A_528 : memref<1x1024x256xf32, #tpu.memory_space<vmem>> -> memref<1024x256xf32, #tpu.memory_space<vmem>>
    %dma_start3A_530 = arith.constant 10240 : i32
    %dma_start3A_531 = arith.constant 0 : i32
    %dma_start3A_532 = tpu.memref_slice %arg1[%dma_start3A_530, %dma_start3A_531] : memref<32768x256xf32, #tpu.memory_space<any>> -> memref<1024x256xf32, #tpu.memory_space<any>>
    tpu.enqueue_dma source(%dma_start3A_532 : memref<1024x256xf32, #tpu.memory_space<any>>) target(%dma_start3A_529 : memref<1024x256xf32, #tpu.memory_space<vmem>>) target_semaphore(%dma_start3A_525 : memref<!tpu.dma_semaphore, #tpu.memory_space<semaphore_mem>>)
    %dma_wait3A_533 = arith.constant 5 : i32
    %dma_wait3A_534 = arith.constant 5 : i32
    %dma_wait3A_535 = tpu.memref_slice %arg7[%dma_wait3A_534] : memref<6x!tpu.dma_semaphore, #tpu.memory_space<semaphore_mem>> -> memref<1x!tpu.dma_semaphore, #tpu.memory_space<semaphore_mem>>
    %dma_wait3A_536 = tpu.memref_squeeze %dma_wait3A_535 : memref<1x!tpu.dma_semaphore, #tpu.memory_space<semaphore_mem>> -> memref<!tpu.dma_semaphore, #tpu.memory_space<semaphore_mem>>
    %dma_wait3A_537 = arith.constant 0 : i32
    %dma_wait3A_538 = arith.constant 0 : i32
    %dma_wait3A_539 = tpu.memref_slice %arg4[%dma_wait3A_533, %dma_wait3A_537, %dma_wait3A_538] : memref<6x1024x256xf32, #tpu.memory_space<vmem>> -> memref<1x1024x256xf32, #tpu.memory_space<vmem>>
    %dma_wait3A_540 = tpu.memref_squeeze %dma_wait3A_539 : memref<1x1024x256xf32, #tpu.memory_space<vmem>> -> memref<1024x256xf32, #tpu.memory_space<vmem>>
    %dma_wait3A_541 = arith.constant 0 : i32
    %dma_wait3A_542 = arith.constant 0 : i32
    %dma_wait3A_543 = tpu.memref_slice %arg0[%dma_wait3A_541, %dma_wait3A_542] : memref<32768x256xf32, #tpu.memory_space<any>> -> memref<1024x256xf32, #tpu.memory_space<any>>
    tpu.wait_dma2 semaphore(%dma_wait3A_536 : memref<!tpu.dma_semaphore, #tpu.memory_space<semaphore_mem>>) src(%dma_wait3A_543 : memref<1024x256xf32, #tpu.memory_space<any>>) dst(%dma_wait3A_540 : memref<1024x256xf32, #tpu.memory_space<vmem>>)
    %dma_wait3A_544 = arith.constant 5 : i32
    %dma_wait3A_545 = arith.constant 5 : i32
    %dma_wait3A_546 = tpu.memref_slice %arg7[%dma_wait3A_545] : memref<6x!tpu.dma_semaphore, #tpu.memory_space<semaphore_mem>> -> memref<1x!tpu.dma_semaphore, #tpu.memory_space<semaphore_mem>>
    %dma_wait3A_547 = tpu.memref_squeeze %dma_wait3A_546 : memref<1x!tpu.dma_semaphore, #tpu.memory_space<semaphore_mem>> -> memref<!tpu.dma_semaphore, #tpu.memory_space<semaphore_mem>>
    %dma_wait3A_548 = arith.constant 0 : i32
    %dma_wait3A_549 = arith.constant 0 : i32
    %dma_wait3A_550 = tpu.memref_slice %arg5[%dma_wait3A_544, %dma_wait3A_548, %dma_wait3A_549] : memref<6x1024x256xf32, #tpu.memory_space<vmem>> -> memref<1x1024x256xf32, #tpu.memory_space<vmem>>
    %dma_wait3A_551 = tpu.memref_squeeze %dma_wait3A_550 : memref<1x1024x256xf32, #tpu.memory_space<vmem>> -> memref<1024x256xf32, #tpu.memory_space<vmem>>
    %dma_wait3A_552 = arith.constant 0 : i32
    %dma_wait3A_553 = arith.constant 0 : i32
    %dma_wait3A_554 = tpu.memref_slice %arg1[%dma_wait3A_552, %dma_wait3A_553] : memref<32768x256xf32, #tpu.memory_space<any>> -> memref<1024x256xf32, #tpu.memory_space<any>>
    tpu.wait_dma2 semaphore(%dma_wait3A_547 : memref<!tpu.dma_semaphore, #tpu.memory_space<semaphore_mem>>) src(%dma_wait3A_554 : memref<1024x256xf32, #tpu.memory_space<any>>) dst(%dma_wait3A_551 : memref<1024x256xf32, #tpu.memory_space<vmem>>)
    %get3A_555 = arith.constant 5 : index
    %get3A_556 = arith.constant 0 : index
    %get3A_557 = arith.constant 0 : index
    %get3A_558 = vector.load %arg5[%get3A_555, %get3A_556, %get3A_557] : memref<6x1024x256xf32, #tpu.memory_space<vmem>>, vector<1x1024x256xf32>
    %get3A_559 = vector.shape_cast %get3A_558 : vector<1x1024x256xf32> to vector<1024x256xf32>
    %get3A_560 = arith.constant 5 : index
    %get3A_561 = arith.constant 0 : index
    %get3A_562 = arith.constant 0 : index
    %get3A_563 = vector.load %arg4[%get3A_560, %get3A_561, %get3A_562] : memref<6x1024x256xf32, #tpu.memory_space<vmem>>, vector<1x1024x256xf32>
    %get3A_564 = vector.shape_cast %get3A_563 : vector<1x1024x256xf32> to vector<1024x256xf32>
    %get3A_565 = arith.constant 5 : index
    %get3A_566 = arith.constant 0 : index
    %get3A_567 = arith.constant 0 : index
    %get3A_568 = vector.load %arg5[%get3A_565, %get3A_566, %get3A_567] : memref<6x1024x256xf32, #tpu.memory_space<vmem>>, vector<1x1024x256xf32>
    %get3A_569 = vector.shape_cast %get3A_568 : vector<1x1024x256xf32> to vector<1024x256xf32>
    %sub3A_570 = arith.subf %get3A_564, %get3A_569 : vector<1024x256xf32>
    %mul3A_571 = vector.broadcast %logistic3A_6 : vector<1x256xf32> to vector<1024x256xf32>
    %mul3A_572 = arith.mulf %mul3A_571, %sub3A_570 : vector<1024x256xf32>
    %add3A_573 = arith.addf %get3A_559, %mul3A_572 : vector<1024x256xf32>
    %swap3A_574 = arith.constant 5 : index
    %swap3A_575 = arith.constant 0 : index
    %swap3A_576 = arith.constant 0 : index
    %swap3A_577 = vector.load %arg6[%swap3A_574, %swap3A_575, %swap3A_576] : memref<6x1024x256xf32, #tpu.memory_space<vmem>>, vector<1x1024x256xf32>
    %swap3A_578 = vector.shape_cast %swap3A_577 : vector<1x1024x256xf32> to vector<1024x256xf32>
    %swap3A_579 = vector.shape_cast %add3A_573 : vector<1024x256xf32> to vector<1x1024x256xf32>
    tpu.vector_store %arg6[%swap3A_574, %swap3A_575, %swap3A_576], %swap3A_579 {strides = array<i32>} : memref<6x1024x256xf32, #tpu.memory_space<vmem>>, vector<1x1024x256xf32>,
    %dma_start3A_580 = arith.constant 5 : i32
    %dma_start3A_581 = arith.constant 5 : i32
    %dma_start3A_582 = tpu.memref_slice %arg8[%dma_start3A_581] : memref<6x!tpu.dma_semaphore, #tpu.memory_space<semaphore_mem>> -> memref<1x!tpu.dma_semaphore, #tpu.memory_space<semaphore_mem>>
    %dma_start3A_583 = tpu.memref_squeeze %dma_start3A_582 : memref<1x!tpu.dma_semaphore, #tpu.memory_space<semaphore_mem>> -> memref<!tpu.dma_semaphore, #tpu.memory_space<semaphore_mem>>
    %dma_start3A_584 = arith.constant 5120 : i32
    %dma_start3A_585 = arith.constant 0 : i32
    %dma_start3A_586 = tpu.memref_slice %arg3[%dma_start3A_584, %dma_start3A_585] : memref<32768x256xf32, #tpu.memory_space<any>> -> memref<1024x256xf32, #tpu.memory_space<any>>
    %dma_start3A_587 = arith.constant 0 : i32
    %dma_start3A_588 = arith.constant 0 : i32
    %dma_start3A_589 = tpu.memref_slice %arg6[%dma_start3A_580, %dma_start3A_587, %dma_start3A_588] : memref<6x1024x256xf32, #tpu.memory_space<vmem>> -> memref<1x1024x256xf32, #tpu.memory_space<vmem>>
    %dma_start3A_590 = tpu.memref_squeeze %dma_start3A_589 : memref<1x1024x256xf32, #tpu.memory_space<vmem>> -> memref<1024x256xf32, #tpu.memory_space<vmem>>
    tpu.enqueue_dma source(%dma_start3A_590 : memref<1024x256xf32, #tpu.memory_space<vmem>>) target(%dma_start3A_586 : memref<1024x256xf32, #tpu.memory_space<any>>) target_semaphore(%dma_start3A_583 : memref<!tpu.dma_semaphore, #tpu.memory_space<semaphore_mem>>)
    %dma_start3A_591 = arith.constant 5 : i32
    %dma_start3A_592 = arith.constant 5 : i32
    %dma_start3A_593 = tpu.memref_slice %arg7[%dma_start3A_592] : memref<6x!tpu.dma_semaphore, #tpu.memory_space<semaphore_mem>> -> memref<1x!tpu.dma_semaphore, #tpu.memory_space<semaphore_mem>>
    %dma_start3A_594 = tpu.memref_squeeze %dma_start3A_593 : memref<1x!tpu.dma_semaphore, #tpu.memory_space<semaphore_mem>> -> memref<!tpu.dma_semaphore, #tpu.memory_space<semaphore_mem>>
    %dma_start3A_595 = arith.constant 0 : i32
    %dma_start3A_596 = arith.constant 0 : i32
    %dma_start3A_597 = tpu.memref_slice %arg4[%dma_start3A_591, %dma_start3A_595, %dma_start3A_596] : memref<6x1024x256xf32, #tpu.memory_space<vmem>> -> memref<1x1024x256xf32, #tpu.memory_space<vmem>>
    %dma_start3A_598 = tpu.memref_squeeze %dma_start3A_597 : memref<1x1024x256xf32, #tpu.memory_space<vmem>> -> memref<1024x256xf32, #tpu.memory_space<vmem>>
    %dma_start3A_599 = arith.constant 11264 : i32
    %dma_start3A_600 = arith.constant 0 : i32
    %dma_start3A_601 = tpu.memref_slice %arg0[%dma_start3A_599, %dma_start3A_600] : memref<32768x256xf32, #tpu.memory_space<any>> -> memref<1024x256xf32, #tpu.memory_space<any>>
    tpu.enqueue_dma source(%dma_start3A_601 : memref<1024x256xf32, #tpu.memory_space<any>>) target(%dma_start3A_598 : memref<1024x256xf32, #tpu.memory_space<vmem>>) target_semaphore(%dma_start3A_594 : memref<!tpu.dma_semaphore, #tpu.memory_space<semaphore_mem>>)
    %dma_start3A_602 = arith.constant 5 : i32
    %dma_start3A_603 = arith.constant 5 : i32
    %dma_start3A_604 = tpu.memref_slice %arg7[%dma_start3A_603] : memref<6x!tpu.dma_semaphore, #tpu.memory_space<semaphore_mem>> -> memref<1x!tpu.dma_semaphore, #tpu.memory_space<semaphore_mem>>
    %dma_start3A_605 = tpu.memref_squeeze %dma_start3A_604 : memref<1x!tpu.dma_semaphore, #tpu.memory_space<semaphore_mem>> -> memref<!tpu.dma_semaphore, #tpu.memory_space<semaphore_mem>>
    %dma_start3A_606 = arith.constant 0 : i32
    %dma_start3A_607 = arith.constant 0 : i32
    %dma_start3A_608 = tpu.memref_slice %arg5[%dma_start3A_602, %dma_start3A_606, %dma_start3A_607] : memref<6x1024x256xf32, #tpu.memory_space<vmem>> -> memref<1x1024x256xf32, #tpu.memory_space<vmem>>
    %dma_start3A_609 = tpu.memref_squeeze %dma_start3A_608 : memref<1x1024x256xf32, #tpu.memory_space<vmem>> -> memref<1024x256xf32, #tpu.memory_space<vmem>>
    %dma_start3A_610 = arith.constant 11264 : i32
    %dma_start3A_611 = arith.constant 0 : i32
    %dma_start3A_612 = tpu.memref_slice %arg1[%dma_start3A_610, %dma_start3A_611] : memref<32768x256xf32, #tpu.memory_space<any>> -> memref<1024x256xf32, #tpu.memory_space<any>>
    tpu.enqueue_dma source(%dma_start3A_612 : memref<1024x256xf32, #tpu.memory_space<any>>) target(%dma_start3A_609 : memref<1024x256xf32, #tpu.memory_space<vmem>>) target_semaphore(%dma_start3A_605 : memref<!tpu.dma_semaphore, #tpu.memory_space<semaphore_mem>>)
    %dma_wait3A_613 = arith.constant 0 : i32
    %dma_wait3A_614 = arith.constant 0 : i32
    %dma_wait3A_615 = tpu.memref_slice %arg7[%dma_wait3A_614] : memref<6x!tpu.dma_semaphore, #tpu.memory_space<semaphore_mem>> -> memref<1x!tpu.dma_semaphore, #tpu.memory_space<semaphore_mem>>
    %dma_wait3A_616 = tpu.memref_squeeze %dma_wait3A_615 : memref<1x!tpu.dma_semaphore, #tpu.memory_space<semaphore_mem>> -> memref<!tpu.dma_semaphore, #tpu.memory_space<semaphore_mem>>
    %dma_wait3A_617 = arith.constant 0 : i32
    %dma_wait3A_618 = arith.constant 0 : i32
    %dma_wait3A_619 = tpu.memref_slice %arg4[%dma_wait3A_613, %dma_wait3A_617, %dma_wait3A_618] : memref<6x1024x256xf32, #tpu.memory_space<vmem>> -> memref<1x1024x256xf32, #tpu.memory_space<vmem>>
    %dma_wait3A_620 = tpu.memref_squeeze %dma_wait3A_619 : memref<1x1024x256xf32, #tpu.memory_space<vmem>> -> memref<1024x256xf32, #tpu.memory_space<vmem>>
    %dma_wait3A_621 = arith.constant 0 : i32
    %dma_wait3A_622 = arith.constant 0 : i32
    %dma_wait3A_623 = tpu.memref_slice %arg0[%dma_wait3A_621, %dma_wait3A_622] : memref<32768x256xf32, #tpu.memory_space<any>> -> memref<1024x256xf32, #tpu.memory_space<any>>
    tpu.wait_dma2 semaphore(%dma_wait3A_616 : memref<!tpu.dma_semaphore, #tpu.memory_space<semaphore_mem>>) src(%dma_wait3A_623 : memref<1024x256xf32, #tpu.memory_space<any>>) dst(%dma_wait3A_620 : memref<1024x256xf32, #tpu.memory_space<vmem>>)
    %dma_wait3A_624 = arith.constant 0 : i32
    %dma_wait3A_625 = arith.constant 0 : i32
    %dma_wait3A_626 = tpu.memref_slice %arg7[%dma_wait3A_625] : memref<6x!tpu.dma_semaphore, #tpu.memory_space<semaphore_mem>> -> memref<1x!tpu.dma_semaphore, #tpu.memory_space<semaphore_mem>>
    %dma_wait3A_627 = tpu.memref_squeeze %dma_wait3A_626 : memref<1x!tpu.dma_semaphore, #tpu.memory_space<semaphore_mem>> -> memref<!tpu.dma_semaphore, #tpu.memory_space<semaphore_mem>>
    %dma_wait3A_628 = arith.constant 0 : i32
    %dma_wait3A_629 = arith.constant 0 : i32
    %dma_wait3A_630 = tpu.memref_slice %arg5[%dma_wait3A_624, %dma_wait3A_628, %dma_wait3A_629] : memref<6x1024x256xf32, #tpu.memory_space<vmem>> -> memref<1x1024x256xf32, #tpu.memory_space<vmem>>
    %dma_wait3A_631 = tpu.memref_squeeze %dma_wait3A_630 : memref<1x1024x256xf32, #tpu.memory_space<vmem>> -> memref<1024x256xf32, #tpu.memory_space<vmem>>
    %dma_wait3A_632 = arith.constant 0 : i32
    %dma_wait3A_633 = arith.constant 0 : i32
    %dma_wait3A_634 = tpu.memref_slice %arg1[%dma_wait3A_632, %dma_wait3A_633] : memref<32768x256xf32, #tpu.memory_space<any>> -> memref<1024x256xf32, #tpu.memory_space<any>>
    tpu.wait_dma2 semaphore(%dma_wait3A_627 : memref<!tpu.dma_semaphore, #tpu.memory_space<semaphore_mem>>) src(%dma_wait3A_634 : memref<1024x256xf32, #tpu.memory_space<any>>) dst(%dma_wait3A_631 : memref<1024x256xf32, #tpu.memory_space<vmem>>)
    %dma_wait3A_635 = arith.constant 0 : i32
    %dma_wait3A_636 = arith.constant 0 : i32
    %dma_wait3A_637 = tpu.memref_slice %arg8[%dma_wait3A_636] : memref<6x!tpu.dma_semaphore, #tpu.memory_space<semaphore_mem>> -> memref<1x!tpu.dma_semaphore, #tpu.memory_space<semaphore_mem>>
    %dma_wait3A_638 = tpu.memref_squeeze %dma_wait3A_637 : memref<1x!tpu.dma_semaphore, #tpu.memory_space<semaphore_mem>> -> memref<!tpu.dma_semaphore, #tpu.memory_space<semaphore_mem>>
    %dma_wait3A_639 = arith.constant 0 : i32
    %dma_wait3A_640 = arith.constant 0 : i32
    %dma_wait3A_641 = tpu.memref_slice %arg3[%dma_wait3A_639, %dma_wait3A_640] : memref<32768x256xf32, #tpu.memory_space<any>> -> memref<1024x256xf32, #tpu.memory_space<any>>
    %dma_wait3A_642 = arith.constant 0 : i32
    %dma_wait3A_643 = arith.constant 0 : i32
    %dma_wait3A_644 = tpu.memref_slice %arg6[%dma_wait3A_635, %dma_wait3A_642, %dma_wait3A_643] : memref<6x1024x256xf32, #tpu.memory_space<vmem>> -> memref<1x1024x256xf32, #tpu.memory_space<vmem>>
    %dma_wait3A_645 = tpu.memref_squeeze %dma_wait3A_644 : memref<1x1024x256xf32, #tpu.memory_space<vmem>> -> memref<1024x256xf32, #tpu.memory_space<vmem>>
    tpu.wait_dma2 semaphore(%dma_wait3A_638 : memref<!tpu.dma_semaphore, #tpu.memory_space<semaphore_mem>>) src(%dma_wait3A_645 : memref<1024x256xf32, #tpu.memory_space<vmem>>) dst(%dma_wait3A_641 : memref<1024x256xf32, #tpu.memory_space<any>>)
    %get3A_646 = arith.constant 0 : index
    %get3A_647 = arith.constant 0 : index
    %get3A_648 = arith.constant 0 : index
    %get3A_649 = vector.load %arg5[%get3A_646, %get3A_647, %get3A_648] : memref<6x1024x256xf32, #tpu.memory_space<vmem>>, vector<1x1024x256xf32>
    %get3A_650 = vector.shape_cast %get3A_649 : vector<1x1024x256xf32> to vector<1024x256xf32>
    %get3A_651 = arith.constant 0 : index
    %get3A_652 = arith.constant 0 : index
    %get3A_653 = arith.constant 0 : index
    %get3A_654 = vector.load %arg4[%get3A_651, %get3A_652, %get3A_653] : memref<6x1024x256xf32, #tpu.memory_space<vmem>>, vector<1x1024x256xf32>
    %get3A_655 = vector.shape_cast %get3A_654 : vector<1x1024x256xf32> to vector<1024x256xf32>
    %get3A_656 = arith.constant 0 : index
    %get3A_657 = arith.constant 0 : index
    %get3A_658 = arith.constant 0 : index
    %get3A_659 = vector.load %arg5[%get3A_656, %get3A_657, %get3A_658] : memref<6x1024x256xf32, #tpu.memory_space<vmem>>, vector<1x1024x256xf32>
    %get3A_660 = vector.shape_cast %get3A_659 : vector<1x1024x256xf32> to vector<1024x256xf32>
    %sub3A_661 = arith.subf %get3A_655, %get3A_660 : vector<1024x256xf32>
    %mul3A_662 = vector.broadcast %logistic3A_6 : vector<1x256xf32> to vector<1024x256xf32>
    %mul3A_663 = arith.mulf %mul3A_662, %sub3A_661 : vector<1024x256xf32>
    %add3A_664 = arith.addf %get3A_650, %mul3A_663 : vector<1024x256xf32>
    %swap3A_665 = arith.constant 0 : index
    %swap3A_666 = arith.constant 0 : index
    %swap3A_667 = arith.constant 0 : index
    %swap3A_668 = vector.load %arg6[%swap3A_665, %swap3A_666, %swap3A_667] : memref<6x1024x256xf32, #tpu.memory_space<vmem>>, vector<1x1024x256xf32>
    %swap3A_669 = vector.shape_cast %swap3A_668 : vector<1x1024x256xf32> to vector<1024x256xf32>
    %swap3A_670 = vector.shape_cast %add3A_664 : vector<1024x256xf32> to vector<1x1024x256xf32>
    tpu.vector_store %arg6[%swap3A_665, %swap3A_666, %swap3A_667], %swap3A_670 {strides = array<i32>} : memref<6x1024x256xf32, #tpu.memory_space<vmem>>, vector<1x1024x256xf32>,
    %dma_start3A_671 = arith.constant 0 : i32
    %dma_start3A_672 = arith.constant 0 : i32
    %dma_start3A_673 = tpu.memref_slice %arg8[%dma_start3A_672] : memref<6x!tpu.dma_semaphore, #tpu.memory_space<semaphore_mem>> -> memref<1x!tpu.dma_semaphore, #tpu.memory_space<semaphore_mem>>
    %dma_start3A_674 = tpu.memref_squeeze %dma_start3A_673 : memref<1x!tpu.dma_semaphore, #tpu.memory_space<semaphore_mem>> -> memref<!tpu.dma_semaphore, #tpu.memory_space<semaphore_mem>>
    %dma_start3A_675 = arith.constant 6144 : i32
    %dma_start3A_676 = arith.constant 0 : i32
    %dma_start3A_677 = tpu.memref_slice %arg3[%dma_start3A_675, %dma_start3A_676] : memref<32768x256xf32, #tpu.memory_space<any>> -> memref<1024x256xf32, #tpu.memory_space<any>>
    %dma_start3A_678 = arith.constant 0 : i32
    %dma_start3A_679 = arith.constant 0 : i32
    %dma_start3A_680 = tpu.memref_slice %arg6[%dma_start3A_671, %dma_start3A_678, %dma_start3A_679] : memref<6x1024x256xf32, #tpu.memory_space<vmem>> -> memref<1x1024x256xf32, #tpu.memory_space<vmem>>
    %dma_start3A_681 = tpu.memref_squeeze %dma_start3A_680 : memref<1x1024x256xf32, #tpu.memory_space<vmem>> -> memref<1024x256xf32, #tpu.memory_space<vmem>>
    tpu.enqueue_dma source(%dma_start3A_681 : memref<1024x256xf32, #tpu.memory_space<vmem>>) target(%dma_start3A_677 : memref<1024x256xf32, #tpu.memory_space<any>>) target_semaphore(%dma_start3A_674 : memref<!tpu.dma_semaphore, #tpu.memory_space<semaphore_mem>>)
    %dma_start3A_682 = arith.constant 0 : i32
    %dma_start3A_683 = arith.constant 0 : i32
    %dma_start3A_684 = tpu.memref_slice %arg7[%dma_start3A_683] : memref<6x!tpu.dma_semaphore, #tpu.memory_space<semaphore_mem>> -> memref<1x!tpu.dma_semaphore, #tpu.memory_space<semaphore_mem>>
    %dma_start3A_685 = tpu.memref_squeeze %dma_start3A_684 : memref<1x!tpu.dma_semaphore, #tpu.memory_space<semaphore_mem>> -> memref<!tpu.dma_semaphore, #tpu.memory_space<semaphore_mem>>
    %dma_start3A_686 = arith.constant 0 : i32
    %dma_start3A_687 = arith.constant 0 : i32
    %dma_start3A_688 = tpu.memref_slice %arg4[%dma_start3A_682, %dma_start3A_686, %dma_start3A_687] : memref<6x1024x256xf32, #tpu.memory_space<vmem>> -> memref<1x1024x256xf32, #tpu.memory_space<vmem>>
    %dma_start3A_689 = tpu.memref_squeeze %dma_start3A_688 : memref<1x1024x256xf32, #tpu.memory_space<vmem>> -> memref<1024x256xf32, #tpu.memory_space<vmem>>
    %dma_start3A_690 = arith.constant 12288 : i32
    %dma_start3A_691 = arith.constant 0 : i32
    %dma_start3A_692 = tpu.memref_slice %arg0[%dma_start3A_690, %dma_start3A_691] : memref<32768x256xf32, #tpu.memory_space<any>> -> memref<1024x256xf32, #tpu.memory_space<any>>
    tpu.enqueue_dma source(%dma_start3A_692 : memref<1024x256xf32, #tpu.memory_space<any>>) target(%dma_start3A_689 : memref<1024x256xf32, #tpu.memory_space<vmem>>) target_semaphore(%dma_start3A_685 : memref<!tpu.dma_semaphore, #tpu.memory_space<semaphore_mem>>)
    %dma_start3A_693 = arith.constant 0 : i32
    %dma_start3A_694 = arith.constant 0 : i32
    %dma_start3A_695 = tpu.memref_slice %arg7[%dma_start3A_694] : memref<6x!tpu.dma_semaphore, #tpu.memory_space<semaphore_mem>> -> memref<1x!tpu.dma_semaphore, #tpu.memory_space<semaphore_mem>>
    %dma_start3A_696 = tpu.memref_squeeze %dma_start3A_695 : memref<1x!tpu.dma_semaphore, #tpu.memory_space<semaphore_mem>> -> memref<!tpu.dma_semaphore, #tpu.memory_space<semaphore_mem>>
    %dma_start3A_697 = arith.constant 0 : i32
    %dma_start3A_698 = arith.constant 0 : i32
    %dma_start3A_699 = tpu.memref_slice %arg5[%dma_start3A_693, %dma_start3A_697, %dma_start3A_698] : memref<6x1024x256xf32, #tpu.memory_space<vmem>> -> memref<1x1024x256xf32, #tpu.memory_space<vmem>>
    %dma_start3A_700 = tpu.memref_squeeze %dma_start3A_699 : memref<1x1024x256xf32, #tpu.memory_space<vmem>> -> memref<1024x256xf32, #tpu.memory_space<vmem>>
    %dma_start3A_701 = arith.constant 12288 : i32
    %dma_start3A_702 = arith.constant 0 : i32
    %dma_start3A_703 = tpu.memref_slice %arg1[%dma_start3A_701, %dma_start3A_702] : memref<32768x256xf32, #tpu.memory_space<any>> -> memref<1024x256xf32, #tpu.memory_space<any>>
    tpu.enqueue_dma source(%dma_start3A_703 : memref<1024x256xf32, #tpu.memory_space<any>>) target(%dma_start3A_700 : memref<1024x256xf32, #tpu.memory_space<vmem>>) target_semaphore(%dma_start3A_696 : memref<!tpu.dma_semaphore, #tpu.memory_space<semaphore_mem>>)
    %dma_wait3A_704 = arith.constant 1 : i32
    %dma_wait3A_705 = arith.constant 1 : i32
    %dma_wait3A_706 = tpu.memref_slice %arg7[%dma_wait3A_705] : memref<6x!tpu.dma_semaphore, #tpu.memory_space<semaphore_mem>> -> memref<1x!tpu.dma_semaphore, #tpu.memory_space<semaphore_mem>>
    %dma_wait3A_707 = tpu.memref_squeeze %dma_wait3A_706 : memref<1x!tpu.dma_semaphore, #tpu.memory_space<semaphore_mem>> -> memref<!tpu.dma_semaphore, #tpu.memory_space<semaphore_mem>>
    %dma_wait3A_708 = arith.constant 0 : i32
    %dma_wait3A_709 = arith.constant 0 : i32
    %dma_wait3A_710 = tpu.memref_slice %arg4[%dma_wait3A_704, %dma_wait3A_708, %dma_wait3A_709] : memref<6x1024x256xf32, #tpu.memory_space<vmem>> -> memref<1x1024x256xf32, #tpu.memory_space<vmem>>
    %dma_wait3A_711 = tpu.memref_squeeze %dma_wait3A_710 : memref<1x1024x256xf32, #tpu.memory_space<vmem>> -> memref<1024x256xf32, #tpu.memory_space<vmem>>
    %dma_wait3A_712 = arith.constant 0 : i32
    %dma_wait3A_713 = arith.constant 0 : i32
    %dma_wait3A_714 = tpu.memref_slice %arg0[%dma_wait3A_712, %dma_wait3A_713] : memref<32768x256xf32, #tpu.memory_space<any>> -> memref<1024x256xf32, #tpu.memory_space<any>>
    tpu.wait_dma2 semaphore(%dma_wait3A_707 : memref<!tpu.dma_semaphore, #tpu.memory_space<semaphore_mem>>) src(%dma_wait3A_714 : memref<1024x256xf32, #tpu.memory_space<any>>) dst(%dma_wait3A_711 : memref<1024x256xf32, #tpu.memory_space<vmem>>)
    %dma_wait3A_715 = arith.constant 1 : i32
    %dma_wait3A_716 = arith.constant 1 : i32
    %dma_wait3A_717 = tpu.memref_slice %arg7[%dma_wait3A_716] : memref<6x!tpu.dma_semaphore, #tpu.memory_space<semaphore_mem>> -> memref<1x!tpu.dma_semaphore, #tpu.memory_space<semaphore_mem>>
    %dma_wait3A_718 = tpu.memref_squeeze %dma_wait3A_717 : memref<1x!tpu.dma_semaphore, #tpu.memory_space<semaphore_mem>> -> memref<!tpu.dma_semaphore, #tpu.memory_space<semaphore_mem>>
    %dma_wait3A_719 = arith.constant 0 : i32
    %dma_wait3A_720 = arith.constant 0 : i32
    %dma_wait3A_721 = tpu.memref_slice %arg5[%dma_wait3A_715, %dma_wait3A_719, %dma_wait3A_720] : memref<6x1024x256xf32, #tpu.memory_space<vmem>> -> memref<1x1024x256xf32, #tpu.memory_space<vmem>>
    %dma_wait3A_722 = tpu.memref_squeeze %dma_wait3A_721 : memref<1x1024x256xf32, #tpu.memory_space<vmem>> -> memref<1024x256xf32, #tpu.memory_space<vmem>>
    %dma_wait3A_723 = arith.constant 0 : i32
    %dma_wait3A_724 = arith.constant 0 : i32
    %dma_wait3A_725 = tpu.memref_slice %arg1[%dma_wait3A_723, %dma_wait3A_724] : memref<32768x256xf32, #tpu.memory_space<any>> -> memref<1024x256xf32, #tpu.memory_space<any>>
    tpu.wait_dma2 semaphore(%dma_wait3A_718 : memref<!tpu.dma_semaphore, #tpu.memory_space<semaphore_mem>>) src(%dma_wait3A_725 : memref<1024x256xf32, #tpu.memory_space<any>>) dst(%dma_wait3A_722 : memref<1024x256xf32, #tpu.memory_space<vmem>>)
    %dma_wait3A_726 = arith.constant 1 : i32
    %dma_wait3A_727 = arith.constant 1 : i32
    %dma_wait3A_728 = tpu.memref_slice %arg8[%dma_wait3A_727] : memref<6x!tpu.dma_semaphore, #tpu.memory_space<semaphore_mem>> -> memref<1x!tpu.dma_semaphore, #tpu.memory_space<semaphore_mem>>
    %dma_wait3A_729 = tpu.memref_squeeze %dma_wait3A_728 : memref<1x!tpu.dma_semaphore, #tpu.memory_space<semaphore_mem>> -> memref<!tpu.dma_semaphore, #tpu.memory_space<semaphore_mem>>
    %dma_wait3A_730 = arith.constant 0 : i32
    %dma_wait3A_731 = arith.constant 0 : i32
    %dma_wait3A_732 = tpu.memref_slice %arg3[%dma_wait3A_730, %dma_wait3A_731] : memref<32768x256xf32, #tpu.memory_space<any>> -> memref<1024x256xf32, #tpu.memory_space<any>>
    %dma_wait3A_733 = arith.constant 0 : i32
    %dma_wait3A_734 = arith.constant 0 : i32
    %dma_wait3A_735 = tpu.memref_slice %arg6[%dma_wait3A_726, %dma_wait3A_733, %dma_wait3A_734] : memref<6x1024x256xf32, #tpu.memory_space<vmem>> -> memref<1x1024x256xf32, #tpu.memory_space<vmem>>
    %dma_wait3A_736 = tpu.memref_squeeze %dma_wait3A_735 : memref<1x1024x256xf32, #tpu.memory_space<vmem>> -> memref<1024x256xf32, #tpu.memory_space<vmem>>
    tpu.wait_dma2 semaphore(%dma_wait3A_729 : memref<!tpu.dma_semaphore, #tpu.memory_space<semaphore_mem>>) src(%dma_wait3A_736 : memref<1024x256xf32, #tpu.memory_space<vmem>>) dst(%dma_wait3A_732 : memref<1024x256xf32, #tpu.memory_space<any>>)
    %get3A_737 = arith.constant 1 : index
    %get3A_738 = arith.constant 0 : index
    %get3A_739 = arith.constant 0 : index
    %get3A_740 = vector.load %arg5[%get3A_737, %get3A_738, %get3A_739] : memref<6x1024x256xf32, #tpu.memory_space<vmem>>, vector<1x1024x256xf32>
    %get3A_741 = vector.shape_cast %get3A_740 : vector<1x1024x256xf32> to vector<1024x256xf32>
    %get3A_742 = arith.constant 1 : index
    %get3A_743 = arith.constant 0 : index
    %get3A_744 = arith.constant 0 : index
    %get3A_745 = vector.load %arg4[%get3A_742, %get3A_743, %get3A_744] : memref<6x1024x256xf32, #tpu.memory_space<vmem>>, vector<1x1024x256xf32>
    %get3A_746 = vector.shape_cast %get3A_745 : vector<1x1024x256xf32> to vector<1024x256xf32>
    %get3A_747 = arith.constant 1 : index
    %get3A_748 = arith.constant 0 : index
    %get3A_749 = arith.constant 0 : index
    %get3A_750 = vector.load %arg5[%get3A_747, %get3A_748, %get3A_749] : memref<6x1024x256xf32, #tpu.memory_space<vmem>>, vector<1x1024x256xf32>
    %get3A_751 = vector.shape_cast %get3A_750 : vector<1x1024x256xf32> to vector<1024x256xf32>
    %sub3A_752 = arith.subf %get3A_746, %get3A_751 : vector<1024x256xf32>
    %mul3A_753 = vector.broadcast %logistic3A_6 : vector<1x256xf32> to vector<1024x256xf32>
    %mul3A_754 = arith.mulf %mul3A_753, %sub3A_752 : vector<1024x256xf32>
    %add3A_755 = arith.addf %get3A_741, %mul3A_754 : vector<1024x256xf32>
    %swap3A_756 = arith.constant 1 : index
    %swap3A_757 = arith.constant 0 : index
    %swap3A_758 = arith.constant 0 : index
    %swap3A_759 = vector.load %arg6[%swap3A_756, %swap3A_757, %swap3A_758] : memref<6x1024x256xf32, #tpu.memory_space<vmem>>, vector<1x1024x256xf32>
    %swap3A_760 = vector.shape_cast %swap3A_759 : vector<1x1024x256xf32> to vector<1024x256xf32>
    %swap3A_761 = vector.shape_cast %add3A_755 : vector<1024x256xf32> to vector<1x1024x256xf32>
    tpu.vector_store %arg6[%swap3A_756, %swap3A_757, %swap3A_758], %swap3A_761 {strides = array<i32>} : memref<6x1024x256xf32, #tpu.memory_space<vmem>>, vector<1x1024x256xf32>,
    %dma_start3A_762 = arith.constant 1 : i32
    %dma_start3A_763 = arith.constant 1 : i32
    %dma_start3A_764 = tpu.memref_slice %arg8[%dma_start3A_763] : memref<6x!tpu.dma_semaphore, #tpu.memory_space<semaphore_mem>> -> memref<1x!tpu.dma_semaphore, #tpu.memory_space<semaphore_mem>>
    %dma_start3A_765 = tpu.memref_squeeze %dma_start3A_764 : memref<1x!tpu.dma_semaphore, #tpu.memory_space<semaphore_mem>> -> memref<!tpu.dma_semaphore, #tpu.memory_space<semaphore_mem>>
    %dma_start3A_766 = arith.constant 7168 : i32
    %dma_start3A_767 = arith.constant 0 : i32
    %dma_start3A_768 = tpu.memref_slice %arg3[%dma_start3A_766, %dma_start3A_767] : memref<32768x256xf32, #tpu.memory_space<any>> -> memref<1024x256xf32, #tpu.memory_space<any>>
    %dma_start3A_769 = arith.constant 0 : i32
    %dma_start3A_770 = arith.constant 0 : i32
    %dma_start3A_771 = tpu.memref_slice %arg6[%dma_start3A_762, %dma_start3A_769, %dma_start3A_770] : memref<6x1024x256xf32, #tpu.memory_space<vmem>> -> memref<1x1024x256xf32, #tpu.memory_space<vmem>>
    %dma_start3A_772 = tpu.memref_squeeze %dma_start3A_771 : memref<1x1024x256xf32, #tpu.memory_space<vmem>> -> memref<1024x256xf32, #tpu.memory_space<vmem>>
    tpu.enqueue_dma source(%dma_start3A_772 : memref<1024x256xf32, #tpu.memory_space<vmem>>) target(%dma_start3A_768 : memref<1024x256xf32, #tpu.memory_space<any>>) target_semaphore(%dma_start3A_765 : memref<!tpu.dma_semaphore, #tpu.memory_space<semaphore_mem>>)
    %dma_start3A_773 = arith.constant 1 : i32
    %dma_start3A_774 = arith.constant 1 : i32
    %dma_start3A_775 = tpu.memref_slice %arg7[%dma_start3A_774] : memref<6x!tpu.dma_semaphore, #tpu.memory_space<semaphore_mem>> -> memref<1x!tpu.dma_semaphore, #tpu.memory_space<semaphore_mem>>
    %dma_start3A_776 = tpu.memref_squeeze %dma_start3A_775 : memref<1x!tpu.dma_semaphore, #tpu.memory_space<semaphore_mem>> -> memref<!tpu.dma_semaphore, #tpu.memory_space<semaphore_mem>>
    %dma_start3A_777 = arith.constant 0 : i32
    %dma_start3A_778 = arith.constant 0 : i32
    %dma_start3A_779 = tpu.memref_slice %arg4[%dma_start3A_773, %dma_start3A_777, %dma_start3A_778] : memref<6x1024x256xf32, #tpu.memory_space<vmem>> -> memref<1x1024x256xf32, #tpu.memory_space<vmem>>
    %dma_start3A_780 = tpu.memref_squeeze %dma_start3A_779 : memref<1x1024x256xf32, #tpu.memory_space<vmem>> -> memref<1024x256xf32, #tpu.memory_space<vmem>>
    %dma_start3A_781 = arith.constant 13312 : i32
    %dma_start3A_782 = arith.constant 0 : i32
    %dma_start3A_783 = tpu.memref_slice %arg0[%dma_start3A_781, %dma_start3A_782] : memref<32768x256xf32, #tpu.memory_space<any>> -> memref<1024x256xf32, #tpu.memory_space<any>>
    tpu.enqueue_dma source(%dma_start3A_783 : memref<1024x256xf32, #tpu.memory_space<any>>) target(%dma_start3A_780 : memref<1024x256xf32, #tpu.memory_space<vmem>>) target_semaphore(%dma_start3A_776 : memref<!tpu.dma_semaphore, #tpu.memory_space<semaphore_mem>>)
    %dma_start3A_784 = arith.constant 1 : i32
    %dma_start3A_785 = arith.constant 1 : i32
    %dma_start3A_786 = tpu.memref_slice %arg7[%dma_start3A_785] : memref<6x!tpu.dma_semaphore, #tpu.memory_space<semaphore_mem>> -> memref<1x!tpu.dma_semaphore, #tpu.memory_space<semaphore_mem>>
    %dma_start3A_787 = tpu.memref_squeeze %dma_start3A_786 : memref<1x!tpu.dma_semaphore, #tpu.memory_space<semaphore_mem>> -> memref<!tpu.dma_semaphore, #tpu.memory_space<semaphore_mem>>
    %dma_start3A_788 = arith.constant 0 : i32
    %dma_start3A_789 = arith.constant 0 : i32
    %dma_start3A_790 = tpu.memref_slice %arg5[%dma_start3A_784, %dma_start3A_788, %dma_start3A_789] : memref<6x1024x256xf32, #tpu.memory_space<vmem>> -> memref<1x1024x256xf32, #tpu.memory_space<vmem>>
    %dma_start3A_791 = tpu.memref_squeeze %dma_start3A_790 : memref<1x1024x256xf32, #tpu.memory_space<vmem>> -> memref<1024x256xf32, #tpu.memory_space<vmem>>
    %dma_start3A_792 = arith.constant 13312 : i32
    %dma_start3A_793 = arith.constant 0 : i32
    %dma_start3A_794 = tpu.memref_slice %arg1[%dma_start3A_792, %dma_start3A_793] : memref<32768x256xf32, #tpu.memory_space<any>> -> memref<1024x256xf32, #tpu.memory_space<any>>
    tpu.enqueue_dma source(%dma_start3A_794 : memref<1024x256xf32, #tpu.memory_space<any>>) target(%dma_start3A_791 : memref<1024x256xf32, #tpu.memory_space<vmem>>) target_semaphore(%dma_start3A_787 : memref<!tpu.dma_semaphore, #tpu.memory_space<semaphore_mem>>)
    %dma_wait3A_795 = arith.constant 2 : i32
    %dma_wait3A_796 = arith.constant 2 : i32
    %dma_wait3A_797 = tpu.memref_slice %arg7[%dma_wait3A_796] : memref<6x!tpu.dma_semaphore, #tpu.memory_space<semaphore_mem>> -> memref<1x!tpu.dma_semaphore, #tpu.memory_space<semaphore_mem>>
    %dma_wait3A_798 = tpu.memref_squeeze %dma_wait3A_797 : memref<1x!tpu.dma_semaphore, #tpu.memory_space<semaphore_mem>> -> memref<!tpu.dma_semaphore, #tpu.memory_space<semaphore_mem>>
    %dma_wait3A_799 = arith.constant 0 : i32
    %dma_wait3A_800 = arith.constant 0 : i32
    %dma_wait3A_801 = tpu.memref_slice %arg4[%dma_wait3A_795, %dma_wait3A_799, %dma_wait3A_800] : memref<6x1024x256xf32, #tpu.memory_space<vmem>> -> memref<1x1024x256xf32, #tpu.memory_space<vmem>>
    %dma_wait3A_802 = tpu.memref_squeeze %dma_wait3A_801 : memref<1x1024x256xf32, #tpu.memory_space<vmem>> -> memref<1024x256xf32, #tpu.memory_space<vmem>>
    %dma_wait3A_803 = arith.constant 0 : i32
    %dma_wait3A_804 = arith.constant 0 : i32
    %dma_wait3A_805 = tpu.memref_slice %arg0[%dma_wait3A_803, %dma_wait3A_804] : memref<32768x256xf32, #tpu.memory_space<any>> -> memref<1024x256xf32, #tpu.memory_space<any>>
    tpu.wait_dma2 semaphore(%dma_wait3A_798 : memref<!tpu.dma_semaphore, #tpu.memory_space<semaphore_mem>>) src(%dma_wait3A_805 : memref<1024x256xf32, #tpu.memory_space<any>>) dst(%dma_wait3A_802 : memref<1024x256xf32, #tpu.memory_space<vmem>>)
    %dma_wait3A_806 = arith.constant 2 : i32
    %dma_wait3A_807 = arith.constant 2 : i32
    %dma_wait3A_808 = tpu.memref_slice %arg7[%dma_wait3A_807] : memref<6x!tpu.dma_semaphore, #tpu.memory_space<semaphore_mem>> -> memref<1x!tpu.dma_semaphore, #tpu.memory_space<semaphore_mem>>
    %dma_wait3A_809 = tpu.memref_squeeze %dma_wait3A_808 : memref<1x!tpu.dma_semaphore, #tpu.memory_space<semaphore_mem>> -> memref<!tpu.dma_semaphore, #tpu.memory_space<semaphore_mem>>
    %dma_wait3A_810 = arith.constant 0 : i32
    %dma_wait3A_811 = arith.constant 0 : i32
    %dma_wait3A_812 = tpu.memref_slice %arg5[%dma_wait3A_806, %dma_wait3A_810, %dma_wait3A_811] : memref<6x1024x256xf32, #tpu.memory_space<vmem>> -> memref<1x1024x256xf32, #tpu.memory_space<vmem>>
    %dma_wait3A_813 = tpu.memref_squeeze %dma_wait3A_812 : memref<1x1024x256xf32, #tpu.memory_space<vmem>> -> memref<1024x256xf32, #tpu.memory_space<vmem>>
    %dma_wait3A_814 = arith.constant 0 : i32
    %dma_wait3A_815 = arith.constant 0 : i32
    %dma_wait3A_816 = tpu.memref_slice %arg1[%dma_wait3A_814, %dma_wait3A_815] : memref<32768x256xf32, #tpu.memory_space<any>> -> memref<1024x256xf32, #tpu.memory_space<any>>
    tpu.wait_dma2 semaphore(%dma_wait3A_809 : memref<!tpu.dma_semaphore, #tpu.memory_space<semaphore_mem>>) src(%dma_wait3A_816 : memref<1024x256xf32, #tpu.memory_space<any>>) dst(%dma_wait3A_813 : memref<1024x256xf32, #tpu.memory_space<vmem>>)
    %dma_wait3A_817 = arith.constant 2 : i32
    %dma_wait3A_818 = arith.constant 2 : i32
    %dma_wait3A_819 = tpu.memref_slice %arg8[%dma_wait3A_818] : memref<6x!tpu.dma_semaphore, #tpu.memory_space<semaphore_mem>> -> memref<1x!tpu.dma_semaphore, #tpu.memory_space<semaphore_mem>>
    %dma_wait3A_820 = tpu.memref_squeeze %dma_wait3A_819 : memref<1x!tpu.dma_semaphore, #tpu.memory_space<semaphore_mem>> -> memref<!tpu.dma_semaphore, #tpu.memory_space<semaphore_mem>>
    %dma_wait3A_821 = arith.constant 0 : i32
    %dma_wait3A_822 = arith.constant 0 : i32
    %dma_wait3A_823 = tpu.memref_slice %arg3[%dma_wait3A_821, %dma_wait3A_822] : memref<32768x256xf32, #tpu.memory_space<any>> -> memref<1024x256xf32, #tpu.memory_space<any>>
    %dma_wait3A_824 = arith.constant 0 : i32
    %dma_wait3A_825 = arith.constant 0 : i32
    %dma_wait3A_826 = tpu.memref_slice %arg6[%dma_wait3A_817, %dma_wait3A_824, %dma_wait3A_825] : memref<6x1024x256xf32, #tpu.memory_space<vmem>> -> memref<1x1024x256xf32, #tpu.memory_space<vmem>>
    %dma_wait3A_827 = tpu.memref_squeeze %dma_wait3A_826 : memref<1x1024x256xf32, #tpu.memory_space<vmem>> -> memref<1024x256xf32, #tpu.memory_space<vmem>>
    tpu.wait_dma2 semaphore(%dma_wait3A_820 : memref<!tpu.dma_semaphore, #tpu.memory_space<semaphore_mem>>) src(%dma_wait3A_827 : memref<1024x256xf32, #tpu.memory_space<vmem>>) dst(%dma_wait3A_823 : memref<1024x256xf32, #tpu.memory_space<any>>)
    %get3A_828 = arith.constant 2 : index
    %get3A_829 = arith.constant 0 : index
    %get3A_830 = arith.constant 0 : index
    %get3A_831 = vector.load %arg5[%get3A_828, %get3A_829, %get3A_830] : memref<6x1024x256xf32, #tpu.memory_space<vmem>>, vector<1x1024x256xf32>
    %get3A_832 = vector.shape_cast %get3A_831 : vector<1x1024x256xf32> to vector<1024x256xf32>
    %get3A_833 = arith.constant 2 : index
    %get3A_834 = arith.constant 0 : index
    %get3A_835 = arith.constant 0 : index
    %get3A_836 = vector.load %arg4[%get3A_833, %get3A_834, %get3A_835] : memref<6x1024x256xf32, #tpu.memory_space<vmem>>, vector<1x1024x256xf32>
    %get3A_837 = vector.shape_cast %get3A_836 : vector<1x1024x256xf32> to vector<1024x256xf32>
    %get3A_838 = arith.constant 2 : index
    %get3A_839 = arith.constant 0 : index
    %get3A_840 = arith.constant 0 : index
    %get3A_841 = vector.load %arg5[%get3A_838, %get3A_839, %get3A_840] : memref<6x1024x256xf32, #tpu.memory_space<vmem>>, vector<1x1024x256xf32>
    %get3A_842 = vector.shape_cast %get3A_841 : vector<1x1024x256xf32> to vector<1024x256xf32>
    %sub3A_843 = arith.subf %get3A_837, %get3A_842 : vector<1024x256xf32>
    %mul3A_844 = vector.broadcast %logistic3A_6 : vector<1x256xf32> to vector<1024x256xf32>
    %mul3A_845 = arith.mulf %mul3A_844, %sub3A_843 : vector<1024x256xf32>
    %add3A_846 = arith.addf %get3A_832, %mul3A_845 : vector<1024x256xf32>
    %swap3A_847 = arith.constant 2 : index
    %swap3A_848 = arith.constant 0 : index
    %swap3A_849 = arith.constant 0 : index
    %swap3A_850 = vector.load %arg6[%swap3A_847, %swap3A_848, %swap3A_849] : memref<6x1024x256xf32, #tpu.memory_space<vmem>>, vector<1x1024x256xf32>
    %swap3A_851 = vector.shape_cast %swap3A_850 : vector<1x1024x256xf32> to vector<1024x256xf32>
    %swap3A_852 = vector.shape_cast %add3A_846 : vector<1024x256xf32> to vector<1x1024x256xf32>
    tpu.vector_store %arg6[%swap3A_847, %swap3A_848, %swap3A_849], %swap3A_852 {strides = array<i32>} : memref<6x1024x256xf32, #tpu.memory_space<vmem>>, vector<1x1024x256xf32>,
    %dma_start3A_853 = arith.constant 2 : i32
    %dma_start3A_854 = arith.constant 2 : i32
    %dma_start3A_855 = tpu.memref_slice %arg8[%dma_start3A_854] : memref<6x!tpu.dma_semaphore, #tpu.memory_space<semaphore_mem>> -> memref<1x!tpu.dma_semaphore, #tpu.memory_space<semaphore_mem>>
    %dma_start3A_856 = tpu.memref_squeeze %dma_start3A_855 : memref<1x!tpu.dma_semaphore, #tpu.memory_space<semaphore_mem>> -> memref<!tpu.dma_semaphore, #tpu.memory_space<semaphore_mem>>
    %dma_start3A_857 = arith.constant 8192 : i32
    %dma_start3A_858 = arith.constant 0 : i32
    %dma_start3A_859 = tpu.memref_slice %arg3[%dma_start3A_857, %dma_start3A_858] : memref<32768x256xf32, #tpu.memory_space<any>> -> memref<1024x256xf32, #tpu.memory_space<any>>
    %dma_start3A_860 = arith.constant 0 : i32
    %dma_start3A_861 = arith.constant 0 : i32
    %dma_start3A_862 = tpu.memref_slice %arg6[%dma_start3A_853, %dma_start3A_860, %dma_start3A_861] : memref<6x1024x256xf32, #tpu.memory_space<vmem>> -> memref<1x1024x256xf32, #tpu.memory_space<vmem>>
    %dma_start3A_863 = tpu.memref_squeeze %dma_start3A_862 : memref<1x1024x256xf32, #tpu.memory_space<vmem>> -> memref<1024x256xf32, #tpu.memory_space<vmem>>
    tpu.enqueue_dma source(%dma_start3A_863 : memref<1024x256xf32, #tpu.memory_space<vmem>>) target(%dma_start3A_859 : memref<1024x256xf32, #tpu.memory_space<any>>) target_semaphore(%dma_start3A_856 : memref<!tpu.dma_semaphore, #tpu.memory_space<semaphore_mem>>)
    %dma_start3A_864 = arith.constant 2 : i32
    %dma_start3A_865 = arith.constant 2 : i32
    %dma_start3A_866 = tpu.memref_slice %arg7[%dma_start3A_865] : memref<6x!tpu.dma_semaphore, #tpu.memory_space<semaphore_mem>> -> memref<1x!tpu.dma_semaphore, #tpu.memory_space<semaphore_mem>>
    %dma_start3A_867 = tpu.memref_squeeze %dma_start3A_866 : memref<1x!tpu.dma_semaphore, #tpu.memory_space<semaphore_mem>> -> memref<!tpu.dma_semaphore, #tpu.memory_space<semaphore_mem>>
    %dma_start3A_868 = arith.constant 0 : i32
    %dma_start3A_869 = arith.constant 0 : i32
    %dma_start3A_870 = tpu.memref_slice %arg4[%dma_start3A_864, %dma_start3A_868, %dma_start3A_869] : memref<6x1024x256xf32, #tpu.memory_space<vmem>> -> memref<1x1024x256xf32, #tpu.memory_space<vmem>>
    %dma_start3A_871 = tpu.memref_squeeze %dma_start3A_870 : memref<1x1024x256xf32, #tpu.memory_space<vmem>> -> memref<1024x256xf32, #tpu.memory_space<vmem>>
    %dma_start3A_872 = arith.constant 14336 : i32
    %dma_start3A_873 = arith.constant 0 : i32
    %dma_start3A_874 = tpu.memref_slice %arg0[%dma_start3A_872, %dma_start3A_873] : memref<32768x256xf32, #tpu.memory_space<any>> -> memref<1024x256xf32, #tpu.memory_space<any>>
    tpu.enqueue_dma source(%dma_start3A_874 : memref<1024x256xf32, #tpu.memory_space<any>>) target(%dma_start3A_871 : memref<1024x256xf32, #tpu.memory_space<vmem>>) target_semaphore(%dma_start3A_867 : memref<!tpu.dma_semaphore, #tpu.memory_space<semaphore_mem>>)
    %dma_start3A_875 = arith.constant 2 : i32
    %dma_start3A_876 = arith.constant 2 : i32
    %dma_start3A_877 = tpu.memref_slice %arg7[%dma_start3A_876] : memref<6x!tpu.dma_semaphore, #tpu.memory_space<semaphore_mem>> -> memref<1x!tpu.dma_semaphore, #tpu.memory_space<semaphore_mem>>
    %dma_start3A_878 = tpu.memref_squeeze %dma_start3A_877 : memref<1x!tpu.dma_semaphore, #tpu.memory_space<semaphore_mem>> -> memref<!tpu.dma_semaphore, #tpu.memory_space<semaphore_mem>>
    %dma_start3A_879 = arith.constant 0 : i32
    %dma_start3A_880 = arith.constant 0 : i32
    %dma_start3A_881 = tpu.memref_slice %arg5[%dma_start3A_875, %dma_start3A_879, %dma_start3A_880] : memref<6x1024x256xf32, #tpu.memory_space<vmem>> -> memref<1x1024x256xf32, #tpu.memory_space<vmem>>
    %dma_start3A_882 = tpu.memref_squeeze %dma_start3A_881 : memref<1x1024x256xf32, #tpu.memory_space<vmem>> -> memref<1024x256xf32, #tpu.memory_space<vmem>>
    %dma_start3A_883 = arith.constant 14336 : i32
    %dma_start3A_884 = arith.constant 0 : i32
    %dma_start3A_885 = tpu.memref_slice %arg1[%dma_start3A_883, %dma_start3A_884] : memref<32768x256xf32, #tpu.memory_space<any>> -> memref<1024x256xf32, #tpu.memory_space<any>>
    tpu.enqueue_dma source(%dma_start3A_885 : memref<1024x256xf32, #tpu.memory_space<any>>) target(%dma_start3A_882 : memref<1024x256xf32, #tpu.memory_space<vmem>>) target_semaphore(%dma_start3A_878 : memref<!tpu.dma_semaphore, #tpu.memory_space<semaphore_mem>>)
    %dma_wait3A_886 = arith.constant 3 : i32
    %dma_wait3A_887 = arith.constant 3 : i32
    %dma_wait3A_888 = tpu.memref_slice %arg7[%dma_wait3A_887] : memref<6x!tpu.dma_semaphore, #tpu.memory_space<semaphore_mem>> -> memref<1x!tpu.dma_semaphore, #tpu.memory_space<semaphore_mem>>
    %dma_wait3A_889 = tpu.memref_squeeze %dma_wait3A_888 : memref<1x!tpu.dma_semaphore, #tpu.memory_space<semaphore_mem>> -> memref<!tpu.dma_semaphore, #tpu.memory_space<semaphore_mem>>
    %dma_wait3A_890 = arith.constant 0 : i32
    %dma_wait3A_891 = arith.constant 0 : i32
    %dma_wait3A_892 = tpu.memref_slice %arg4[%dma_wait3A_886, %dma_wait3A_890, %dma_wait3A_891] : memref<6x1024x256xf32, #tpu.memory_space<vmem>> -> memref<1x1024x256xf32, #tpu.memory_space<vmem>>
    %dma_wait3A_893 = tpu.memref_squeeze %dma_wait3A_892 : memref<1x1024x256xf32, #tpu.memory_space<vmem>> -> memref<1024x256xf32, #tpu.memory_space<vmem>>
    %dma_wait3A_894 = arith.constant 0 : i32
    %dma_wait3A_895 = arith.constant 0 : i32
    %dma_wait3A_896 = tpu.memref_slice %arg0[%dma_wait3A_894, %dma_wait3A_895] : memref<32768x256xf32, #tpu.memory_space<any>> -> memref<1024x256xf32, #tpu.memory_space<any>>
    tpu.wait_dma2 semaphore(%dma_wait3A_889 : memref<!tpu.dma_semaphore, #tpu.memory_space<semaphore_mem>>) src(%dma_wait3A_896 : memref<1024x256xf32, #tpu.memory_space<any>>) dst(%dma_wait3A_893 : memref<1024x256xf32, #tpu.memory_space<vmem>>)
    %dma_wait3A_897 = arith.constant 3 : i32
    %dma_wait3A_898 = arith.constant 3 : i32
    %dma_wait3A_899 = tpu.memref_slice %arg7[%dma_wait3A_898] : memref<6x!tpu.dma_semaphore, #tpu.memory_space<semaphore_mem>> -> memref<1x!tpu.dma_semaphore, #tpu.memory_space<semaphore_mem>>
    %dma_wait3A_900 = tpu.memref_squeeze %dma_wait3A_899 : memref<1x!tpu.dma_semaphore, #tpu.memory_space<semaphore_mem>> -> memref<!tpu.dma_semaphore, #tpu.memory_space<semaphore_mem>>
    %dma_wait3A_901 = arith.constant 0 : i32
    %dma_wait3A_902 = arith.constant 0 : i32
    %dma_wait3A_903 = tpu.memref_slice %arg5[%dma_wait3A_897, %dma_wait3A_901, %dma_wait3A_902] : memref<6x1024x256xf32, #tpu.memory_space<vmem>> -> memref<1x1024x256xf32, #tpu.memory_space<vmem>>
    %dma_wait3A_904 = tpu.memref_squeeze %dma_wait3A_903 : memref<1x1024x256xf32, #tpu.memory_space<vmem>> -> memref<1024x256xf32, #tpu.memory_space<vmem>>
    %dma_wait3A_905 = arith.constant 0 : i32
    %dma_wait3A_906 = arith.constant 0 : i32
    %dma_wait3A_907 = tpu.memref_slice %arg1[%dma_wait3A_905, %dma_wait3A_906] : memref<32768x256xf32, #tpu.memory_space<any>> -> memref<1024x256xf32, #tpu.memory_space<any>>
    tpu.wait_dma2 semaphore(%dma_wait3A_900 : memref<!tpu.dma_semaphore, #tpu.memory_space<semaphore_mem>>) src(%dma_wait3A_907 : memref<1024x256xf32, #tpu.memory_space<any>>) dst(%dma_wait3A_904 : memref<1024x256xf32, #tpu.memory_space<vmem>>)
    %dma_wait3A_908 = arith.constant 3 : i32
    %dma_wait3A_909 = arith.constant 3 : i32
    %dma_wait3A_910 = tpu.memref_slice %arg8[%dma_wait3A_909] : memref<6x!tpu.dma_semaphore, #tpu.memory_space<semaphore_mem>> -> memref<1x!tpu.dma_semaphore, #tpu.memory_space<semaphore_mem>>
    %dma_wait3A_911 = tpu.memref_squeeze %dma_wait3A_910 : memref<1x!tpu.dma_semaphore, #tpu.memory_space<semaphore_mem>> -> memref<!tpu.dma_semaphore, #tpu.memory_space<semaphore_mem>>
    %dma_wait3A_912 = arith.constant 0 : i32
    %dma_wait3A_913 = arith.constant 0 : i32
    %dma_wait3A_914 = tpu.memref_slice %arg3[%dma_wait3A_912, %dma_wait3A_913] : memref<32768x256xf32, #tpu.memory_space<any>> -> memref<1024x256xf32, #tpu.memory_space<any>>
    %dma_wait3A_915 = arith.constant 0 : i32
    %dma_wait3A_916 = arith.constant 0 : i32
    %dma_wait3A_917 = tpu.memref_slice %arg6[%dma_wait3A_908, %dma_wait3A_915, %dma_wait3A_916] : memref<6x1024x256xf32, #tpu.memory_space<vmem>> -> memref<1x1024x256xf32, #tpu.memory_space<vmem>>
    %dma_wait3A_918 = tpu.memref_squeeze %dma_wait3A_917 : memref<1x1024x256xf32, #tpu.memory_space<vmem>> -> memref<1024x256xf32, #tpu.memory_space<vmem>>
    tpu.wait_dma2 semaphore(%dma_wait3A_911 : memref<!tpu.dma_semaphore, #tpu.memory_space<semaphore_mem>>) src(%dma_wait3A_918 : memref<1024x256xf32, #tpu.memory_space<vmem>>) dst(%dma_wait3A_914 : memref<1024x256xf32, #tpu.memory_space<any>>)
    %get3A_919 = arith.constant 3 : index
    %get3A_920 = arith.constant 0 : index
    %get3A_921 = arith.constant 0 : index
    %get3A_922 = vector.load %arg5[%get3A_919, %get3A_920, %get3A_921] : memref<6x1024x256xf32, #tpu.memory_space<vmem>>, vector<1x1024x256xf32>
    %get3A_923 = vector.shape_cast %get3A_922 : vector<1x1024x256xf32> to vector<1024x256xf32>
    %get3A_924 = arith.constant 3 : index
    %get3A_925 = arith.constant 0 : index
    %get3A_926 = arith.constant 0 : index
    %get3A_927 = vector.load %arg4[%get3A_924, %get3A_925, %get3A_926] : memref<6x1024x256xf32, #tpu.memory_space<vmem>>, vector<1x1024x256xf32>
    %get3A_928 = vector.shape_cast %get3A_927 : vector<1x1024x256xf32> to vector<1024x256xf32>
    %get3A_929 = arith.constant 3 : index
    %get3A_930 = arith.constant 0 : index
    %get3A_931 = arith.constant 0 : index
    %get3A_932 = vector.load %arg5[%get3A_929, %get3A_930, %get3A_931] : memref<6x1024x256xf32, #tpu.memory_space<vmem>>, vector<1x1024x256xf32>
    %get3A_933 = vector.shape_cast %get3A_932 : vector<1x1024x256xf32> to vector<1024x256xf32>
    %sub3A_934 = arith.subf %get3A_928, %get3A_933 : vector<1024x256xf32>
    %mul3A_935 = vector.broadcast %logistic3A_6 : vector<1x256xf32> to vector<1024x256xf32>
    %mul3A_936 = arith.mulf %mul3A_935, %sub3A_934 : vector<1024x256xf32>
    %add3A_937 = arith.addf %get3A_923, %mul3A_936 : vector<1024x256xf32>
    %swap3A_938 = arith.constant 3 : index
    %swap3A_939 = arith.constant 0 : index
    %swap3A_940 = arith.constant 0 : index
    %swap3A_941 = vector.load %arg6[%swap3A_938, %swap3A_939, %swap3A_940] : memref<6x1024x256xf32, #tpu.memory_space<vmem>>, vector<1x1024x256xf32>
    %swap3A_942 = vector.shape_cast %swap3A_941 : vector<1x1024x256xf32> to vector<1024x256xf32>
    %swap3A_943 = vector.shape_cast %add3A_937 : vector<1024x256xf32> to vector<1x1024x256xf32>
    tpu.vector_store %arg6[%swap3A_938, %swap3A_939, %swap3A_940], %swap3A_943 {strides = array<i32>} : memref<6x1024x256xf32, #tpu.memory_space<vmem>>, vector<1x1024x256xf32>,
    %dma_start3A_944 = arith.constant 3 : i32
    %dma_start3A_945 = arith.constant 3 : i32
    %dma_start3A_946 = tpu.memref_slice %arg8[%dma_start3A_945] : memref<6x!tpu.dma_semaphore, #tpu.memory_space<semaphore_mem>> -> memref<1x!tpu.dma_semaphore, #tpu.memory_space<semaphore_mem>>
    %dma_start3A_947 = tpu.memref_squeeze %dma_start3A_946 : memref<1x!tpu.dma_semaphore, #tpu.memory_space<semaphore_mem>> -> memref<!tpu.dma_semaphore, #tpu.memory_space<semaphore_mem>>
    %dma_start3A_948 = arith.constant 9216 : i32
    %dma_start3A_949 = arith.constant 0 : i32
    %dma_start3A_950 = tpu.memref_slice %arg3[%dma_start3A_948, %dma_start3A_949] : memref<32768x256xf32, #tpu.memory_space<any>> -> memref<1024x256xf32, #tpu.memory_space<any>>
    %dma_start3A_951 = arith.constant 0 : i32
    %dma_start3A_952 = arith.constant 0 : i32
    %dma_start3A_953 = tpu.memref_slice %arg6[%dma_start3A_944, %dma_start3A_951, %dma_start3A_952] : memref<6x1024x256xf32, #tpu.memory_space<vmem>> -> memref<1x1024x256xf32, #tpu.memory_space<vmem>>
    %dma_start3A_954 = tpu.memref_squeeze %dma_start3A_953 : memref<1x1024x256xf32, #tpu.memory_space<vmem>> -> memref<1024x256xf32, #tpu.memory_space<vmem>>
    tpu.enqueue_dma source(%dma_start3A_954 : memref<1024x256xf32, #tpu.memory_space<vmem>>) target(%dma_start3A_950 : memref<1024x256xf32, #tpu.memory_space<any>>) target_semaphore(%dma_start3A_947 : memref<!tpu.dma_semaphore, #tpu.memory_space<semaphore_mem>>)
    %dma_start3A_955 = arith.constant 3 : i32
    %dma_start3A_956 = arith.constant 3 : i32
    %dma_start3A_957 = tpu.memref_slice %arg7[%dma_start3A_956] : memref<6x!tpu.dma_semaphore, #tpu.memory_space<semaphore_mem>> -> memref<1x!tpu.dma_semaphore, #tpu.memory_space<semaphore_mem>>
    %dma_start3A_958 = tpu.memref_squeeze %dma_start3A_957 : memref<1x!tpu.dma_semaphore, #tpu.memory_space<semaphore_mem>> -> memref<!tpu.dma_semaphore, #tpu.memory_space<semaphore_mem>>
    %dma_start3A_959 = arith.constant 0 : i32
    %dma_start3A_960 = arith.constant 0 : i32
    %dma_start3A_961 = tpu.memref_slice %arg4[%dma_start3A_955, %dma_start3A_959, %dma_start3A_960] : memref<6x1024x256xf32, #tpu.memory_space<vmem>> -> memref<1x1024x256xf32, #tpu.memory_space<vmem>>
    %dma_start3A_962 = tpu.memref_squeeze %dma_start3A_961 : memref<1x1024x256xf32, #tpu.memory_space<vmem>> -> memref<1024x256xf32, #tpu.memory_space<vmem>>
    %dma_start3A_963 = arith.constant 15360 : i32
    %dma_start3A_964 = arith.constant 0 : i32
    %dma_start3A_965 = tpu.memref_slice %arg0[%dma_start3A_963, %dma_start3A_964] : memref<32768x256xf32, #tpu.memory_space<any>> -> memref<1024x256xf32, #tpu.memory_space<any>>
    tpu.enqueue_dma source(%dma_start3A_965 : memref<1024x256xf32, #tpu.memory_space<any>>) target(%dma_start3A_962 : memref<1024x256xf32, #tpu.memory_space<vmem>>) target_semaphore(%dma_start3A_958 : memref<!tpu.dma_semaphore, #tpu.memory_space<semaphore_mem>>)
    %dma_start3A_966 = arith.constant 3 : i32
    %dma_start3A_967 = arith.constant 3 : i32
    %dma_start3A_968 = tpu.memref_slice %arg7[%dma_start3A_967] : memref<6x!tpu.dma_semaphore, #tpu.memory_space<semaphore_mem>> -> memref<1x!tpu.dma_semaphore, #tpu.memory_space<semaphore_mem>>
    %dma_start3A_969 = tpu.memref_squeeze %dma_start3A_968 : memref<1x!tpu.dma_semaphore, #tpu.memory_space<semaphore_mem>> -> memref<!tpu.dma_semaphore, #tpu.memory_space<semaphore_mem>>
    %dma_start3A_970 = arith.constant 0 : i32
    %dma_start3A_971 = arith.constant 0 : i32
    %dma_start3A_972 = tpu.memref_slice %arg5[%dma_start3A_966, %dma_start3A_970, %dma_start3A_971] : memref<6x1024x256xf32, #tpu.memory_space<vmem>> -> memref<1x1024x256xf32, #tpu.memory_space<vmem>>
    %dma_start3A_973 = tpu.memref_squeeze %dma_start3A_972 : memref<1x1024x256xf32, #tpu.memory_space<vmem>> -> memref<1024x256xf32, #tpu.memory_space<vmem>>
    %dma_start3A_974 = arith.constant 15360 : i32
    %dma_start3A_975 = arith.constant 0 : i32
    %dma_start3A_976 = tpu.memref_slice %arg1[%dma_start3A_974, %dma_start3A_975] : memref<32768x256xf32, #tpu.memory_space<any>> -> memref<1024x256xf32, #tpu.memory_space<any>>
    tpu.enqueue_dma source(%dma_start3A_976 : memref<1024x256xf32, #tpu.memory_space<any>>) target(%dma_start3A_973 : memref<1024x256xf32, #tpu.memory_space<vmem>>) target_semaphore(%dma_start3A_969 : memref<!tpu.dma_semaphore, #tpu.memory_space<semaphore_mem>>)
    %dma_wait3A_977 = arith.constant 4 : i32
    %dma_wait3A_978 = arith.constant 4 : i32
    %dma_wait3A_979 = tpu.memref_slice %arg7[%dma_wait3A_978] : memref<6x!tpu.dma_semaphore, #tpu.memory_space<semaphore_mem>> -> memref<1x!tpu.dma_semaphore, #tpu.memory_space<semaphore_mem>>
    %dma_wait3A_980 = tpu.memref_squeeze %dma_wait3A_979 : memref<1x!tpu.dma_semaphore, #tpu.memory_space<semaphore_mem>> -> memref<!tpu.dma_semaphore, #tpu.memory_space<semaphore_mem>>
    %dma_wait3A_981 = arith.constant 0 : i32
    %dma_wait3A_982 = arith.constant 0 : i32
    %dma_wait3A_983 = tpu.memref_slice %arg4[%dma_wait3A_977, %dma_wait3A_981, %dma_wait3A_982] : memref<6x1024x256xf32, #tpu.memory_space<vmem>> -> memref<1x1024x256xf32, #tpu.memory_space<vmem>>
    %dma_wait3A_984 = tpu.memref_squeeze %dma_wait3A_983 : memref<1x1024x256xf32, #tpu.memory_space<vmem>> -> memref<1024x256xf32, #tpu.memory_space<vmem>>
    %dma_wait3A_985 = arith.constant 0 : i32
    %dma_wait3A_986 = arith.constant 0 : i32
    %dma_wait3A_987 = tpu.memref_slice %arg0[%dma_wait3A_985, %dma_wait3A_986] : memref<32768x256xf32, #tpu.memory_space<any>> -> memref<1024x256xf32, #tpu.memory_space<any>>
    tpu.wait_dma2 semaphore(%dma_wait3A_980 : memref<!tpu.dma_semaphore, #tpu.memory_space<semaphore_mem>>) src(%dma_wait3A_987 : memref<1024x256xf32, #tpu.memory_space<any>>) dst(%dma_wait3A_984 : memref<1024x256xf32, #tpu.memory_space<vmem>>)
    %dma_wait3A_988 = arith.constant 4 : i32
    %dma_wait3A_989 = arith.constant 4 : i32
    %dma_wait3A_990 = tpu.memref_slice %arg7[%dma_wait3A_989] : memref<6x!tpu.dma_semaphore, #tpu.memory_space<semaphore_mem>> -> memref<1x!tpu.dma_semaphore, #tpu.memory_space<semaphore_mem>>
    %dma_wait3A_991 = tpu.memref_squeeze %dma_wait3A_990 : memref<1x!tpu.dma_semaphore, #tpu.memory_space<semaphore_mem>> -> memref<!tpu.dma_semaphore, #tpu.memory_space<semaphore_mem>>
    %dma_wait3A_992 = arith.constant 0 : i32
    %dma_wait3A_993 = arith.constant 0 : i32
    %dma_wait3A_994 = tpu.memref_slice %arg5[%dma_wait3A_988, %dma_wait3A_992, %dma_wait3A_993] : memref<6x1024x256xf32, #tpu.memory_space<vmem>> -> memref<1x1024x256xf32, #tpu.memory_space<vmem>>
    %dma_wait3A_995 = tpu.memref_squeeze %dma_wait3A_994 : memref<1x1024x256xf32, #tpu.memory_space<vmem>> -> memref<1024x256xf32, #tpu.memory_space<vmem>>
    %dma_wait3A_996 = arith.constant 0 : i32
    %dma_wait3A_997 = arith.constant 0 : i32
    %dma_wait3A_998 = tpu.memref_slice %arg1[%dma_wait3A_996, %dma_wait3A_997] : memref<32768x256xf32, #tpu.memory_space<any>> -> memref<1024x256xf32, #tpu.memory_space<any>>
    tpu.wait_dma2 semaphore(%dma_wait3A_991 : memref<!tpu.dma_semaphore, #tpu.memory_space<semaphore_mem>>) src(%dma_wait3A_998 : memref<1024x256xf32, #tpu.memory_space<any>>) dst(%dma_wait3A_995 : memref<1024x256xf32, #tpu.memory_space<vmem>>)
    %dma_wait3A_999 = arith.constant 4 : i32
    %dma_wait3A_1000 = arith.constant 4 : i32
    %dma_wait3A_1001 = tpu.memref_slice %arg8[%dma_wait3A_1000] : memref<6x!tpu.dma_semaphore, #tpu.memory_space<semaphore_mem>> -> memref<1x!tpu.dma_semaphore, #tpu.memory_space<semaphore_mem>>
    %dma_wait3A_1002 = tpu.memref_squeeze %dma_wait3A_1001 : memref<1x!tpu.dma_semaphore, #tpu.memory_space<semaphore_mem>> -> memref<!tpu.dma_semaphore, #tpu.memory_space<semaphore_mem>>
    %dma_wait3A_1003 = arith.constant 0 : i32
    %dma_wait3A_1004 = arith.constant 0 : i32
    %dma_wait3A_1005 = tpu.memref_slice %arg3[%dma_wait3A_1003, %dma_wait3A_1004] : memref<32768x256xf32, #tpu.memory_space<any>> -> memref<1024x256xf32, #tpu.memory_space<any>>
    %dma_wait3A_1006 = arith.constant 0 : i32
    %dma_wait3A_1007 = arith.constant 0 : i32
    %dma_wait3A_1008 = tpu.memref_slice %arg6[%dma_wait3A_999, %dma_wait3A_1006, %dma_wait3A_1007] : memref<6x1024x256xf32, #tpu.memory_space<vmem>> -> memref<1x1024x256xf32, #tpu.memory_space<vmem>>
    %dma_wait3A_1009 = tpu.memref_squeeze %dma_wait3A_1008 : memref<1x1024x256xf32, #tpu.memory_space<vmem>> -> memref<1024x256xf32, #tpu.memory_space<vmem>>
    tpu.wait_dma2 semaphore(%dma_wait3A_1002 : memref<!tpu.dma_semaphore, #tpu.memory_space<semaphore_mem>>) src(%dma_wait3A_1009 : memref<1024x256xf32, #tpu.memory_space<vmem>>) dst(%dma_wait3A_1005 : memref<1024x256xf32, #tpu.memory_space<any>>)
    %get3A_1010 = arith.constant 4 : index
    %get3A_1011 = arith.constant 0 : index
    %get3A_1012 = arith.constant 0 : index
    %get3A_1013 = vector.load %arg5[%get3A_1010, %get3A_1011, %get3A_1012] : memref<6x1024x256xf32, #tpu.memory_space<vmem>>, vector<1x1024x256xf32>
    %get3A_1014 = vector.shape_cast %get3A_1013 : vector<1x1024x256xf32> to vector<1024x256xf32>
    %get3A_1015 = arith.constant 4 : index
    %get3A_1016 = arith.constant 0 : index
    %get3A_1017 = arith.constant 0 : index
    %get3A_1018 = vector.load %arg4[%get3A_1015, %get3A_1016, %get3A_1017] : memref<6x1024x256xf32, #tpu.memory_space<vmem>>, vector<1x1024x256xf32>
    %get3A_1019 = vector.shape_cast %get3A_1018 : vector<1x1024x256xf32> to vector<1024x256xf32>
    %get3A_1020 = arith.constant 4 : index
    %get3A_1021 = arith.constant 0 : index
    %get3A_1022 = arith.constant 0 : index
    %get3A_1023 = vector.load %arg5[%get3A_1020, %get3A_1021, %get3A_1022] : memref<6x1024x256xf32, #tpu.memory_space<vmem>>, vector<1x1024x256xf32>
    %get3A_1024 = vector.shape_cast %get3A_1023 : vector<1x1024x256xf32> to vector<1024x256xf32>
    %sub3A_1025 = arith.subf %get3A_1019, %get3A_1024 : vector<1024x256xf32>
    %mul3A_1026 = vector.broadcast %logistic3A_6 : vector<1x256xf32> to vector<1024x256xf32>
    %mul3A_1027 = arith.mulf %mul3A_1026, %sub3A_1025 : vector<1024x256xf32>
    %add3A_1028 = arith.addf %get3A_1014, %mul3A_1027 : vector<1024x256xf32>
    %swap3A_1029 = arith.constant 4 : index
    %swap3A_1030 = arith.constant 0 : index
    %swap3A_1031 = arith.constant 0 : index
    %swap3A_1032 = vector.load %arg6[%swap3A_1029, %swap3A_1030, %swap3A_1031] : memref<6x1024x256xf32, #tpu.memory_space<vmem>>, vector<1x1024x256xf32>
    %swap3A_1033 = vector.shape_cast %swap3A_1032 : vector<1x1024x256xf32> to vector<1024x256xf32>
    %swap3A_1034 = vector.shape_cast %add3A_1028 : vector<1024x256xf32> to vector<1x1024x256xf32>
    tpu.vector_store %arg6[%swap3A_1029, %swap3A_1030, %swap3A_1031], %swap3A_1034 {strides = array<i32>} : memref<6x1024x256xf32, #tpu.memory_space<vmem>>, vector<1x1024x256xf32>,
    %dma_start3A_1035 = arith.constant 4 : i32
    %dma_start3A_1036 = arith.constant 4 : i32
    %dma_start3A_1037 = tpu.memref_slice %arg8[%dma_start3A_1036] : memref<6x!tpu.dma_semaphore, #tpu.memory_space<semaphore_mem>> -> memref<1x!tpu.dma_semaphore, #tpu.memory_space<semaphore_mem>>
    %dma_start3A_1038 = tpu.memref_squeeze %dma_start3A_1037 : memref<1x!tpu.dma_semaphore, #tpu.memory_space<semaphore_mem>> -> memref<!tpu.dma_semaphore, #tpu.memory_space<semaphore_mem>>
    %dma_start3A_1039 = arith.constant 10240 : i32
    %dma_start3A_1040 = arith.constant 0 : i32
    %dma_start3A_1041 = tpu.memref_slice %arg3[%dma_start3A_1039, %dma_start3A_1040] : memref<32768x256xf32, #tpu.memory_space<any>> -> memref<1024x256xf32, #tpu.memory_space<any>>
    %dma_start3A_1042 = arith.constant 0 : i32
    %dma_start3A_1043 = arith.constant 0 : i32
    %dma_start3A_1044 = tpu.memref_slice %arg6[%dma_start3A_1035, %dma_start3A_1042, %dma_start3A_1043] : memref<6x1024x256xf32, #tpu.memory_space<vmem>> -> memref<1x1024x256xf32, #tpu.memory_space<vmem>>
    %dma_start3A_1045 = tpu.memref_squeeze %dma_start3A_1044 : memref<1x1024x256xf32, #tpu.memory_space<vmem>> -> memref<1024x256xf32, #tpu.memory_space<vmem>>
    tpu.enqueue_dma source(%dma_start3A_1045 : memref<1024x256xf32, #tpu.memory_space<vmem>>) target(%dma_start3A_1041 : memref<1024x256xf32, #tpu.memory_space<any>>) target_semaphore(%dma_start3A_1038 : memref<!tpu.dma_semaphore, #tpu.memory_space<semaphore_mem>>)
    %dma_start3A_1046 = arith.constant 4 : i32
    %dma_start3A_1047 = arith.constant 4 : i32
    %dma_start3A_1048 = tpu.memref_slice %arg7[%dma_start3A_1047] : memref<6x!tpu.dma_semaphore, #tpu.memory_space<semaphore_mem>> -> memref<1x!tpu.dma_semaphore, #tpu.memory_space<semaphore_mem>>
    %dma_start3A_1049 = tpu.memref_squeeze %dma_start3A_1048 : memref<1x!tpu.dma_semaphore, #tpu.memory_space<semaphore_mem>> -> memref<!tpu.dma_semaphore, #tpu.memory_space<semaphore_mem>>
    %dma_start3A_1050 = arith.constant 0 : i32
    %dma_start3A_1051 = arith.constant 0 : i32
    %dma_start3A_1052 = tpu.memref_slice %arg4[%dma_start3A_1046, %dma_start3A_1050, %dma_start3A_1051] : memref<6x1024x256xf32, #tpu.memory_space<vmem>> -> memref<1x1024x256xf32, #tpu.memory_space<vmem>>
    %dma_start3A_1053 = tpu.memref_squeeze %dma_start3A_1052 : memref<1x1024x256xf32, #tpu.memory_space<vmem>> -> memref<1024x256xf32, #tpu.memory_space<vmem>>
    %dma_start3A_1054 = arith.constant 16384 : i32
    %dma_start3A_1055 = arith.constant 0 : i32
    %dma_start3A_1056 = tpu.memref_slice %arg0[%dma_start3A_1054, %dma_start3A_1055] : memref<32768x256xf32, #tpu.memory_space<any>> -> memref<1024x256xf32, #tpu.memory_space<any>>
    tpu.enqueue_dma source(%dma_start3A_1056 : memref<1024x256xf32, #tpu.memory_space<any>>) target(%dma_start3A_1053 : memref<1024x256xf32, #tpu.memory_space<vmem>>) target_semaphore(%dma_start3A_1049 : memref<!tpu.dma_semaphore, #tpu.memory_space<semaphore_mem>>)
    %dma_start3A_1057 = arith.constant 4 : i32
    %dma_start3A_1058 = arith.constant 4 : i32
    %dma_start3A_1059 = tpu.memref_slice %arg7[%dma_start3A_1058] : memref<6x!tpu.dma_semaphore, #tpu.memory_space<semaphore_mem>> -> memref<1x!tpu.dma_semaphore, #tpu.memory_space<semaphore_mem>>
    %dma_start3A_1060 = tpu.memref_squeeze %dma_start3A_1059 : memref<1x!tpu.dma_semaphore, #tpu.memory_space<semaphore_mem>> -> memref<!tpu.dma_semaphore, #tpu.memory_space<semaphore_mem>>
    %dma_start3A_1061 = arith.constant 0 : i32
    %dma_start3A_1062 = arith.constant 0 : i32
    %dma_start3A_1063 = tpu.memref_slice %arg5[%dma_start3A_1057, %dma_start3A_1061, %dma_start3A_1062] : memref<6x1024x256xf32, #tpu.memory_space<vmem>> -> memref<1x1024x256xf32, #tpu.memory_space<vmem>>
    %dma_start3A_1064 = tpu.memref_squeeze %dma_start3A_1063 : memref<1x1024x256xf32, #tpu.memory_space<vmem>> -> memref<1024x256xf32, #tpu.memory_space<vmem>>
    %dma_start3A_1065 = arith.constant 16384 : i32
    %dma_start3A_1066 = arith.constant 0 : i32
    %dma_start3A_1067 = tpu.memref_slice %arg1[%dma_start3A_1065, %dma_start3A_1066] : memref<32768x256xf32, #tpu.memory_space<any>> -> memref<1024x256xf32, #tpu.memory_space<any>>
    tpu.enqueue_dma source(%dma_start3A_1067 : memref<1024x256xf32, #tpu.memory_space<any>>) target(%dma_start3A_1064 : memref<1024x256xf32, #tpu.memory_space<vmem>>) target_semaphore(%dma_start3A_1060 : memref<!tpu.dma_semaphore, #tpu.memory_space<semaphore_mem>>)
    %dma_wait3A_1068 = arith.constant 5 : i32
    %dma_wait3A_1069 = arith.constant 5 : i32
    %dma_wait3A_1070 = tpu.memref_slice %arg7[%dma_wait3A_1069] : memref<6x!tpu.dma_semaphore, #tpu.memory_space<semaphore_mem>> -> memref<1x!tpu.dma_semaphore, #tpu.memory_space<semaphore_mem>>
    %dma_wait3A_1071 = tpu.memref_squeeze %dma_wait3A_1070 : memref<1x!tpu.dma_semaphore, #tpu.memory_space<semaphore_mem>> -> memref<!tpu.dma_semaphore, #tpu.memory_space<semaphore_mem>>
    %dma_wait3A_1072 = arith.constant 0 : i32
    %dma_wait3A_1073 = arith.constant 0 : i32
    %dma_wait3A_1074 = tpu.memref_slice %arg4[%dma_wait3A_1068, %dma_wait3A_1072, %dma_wait3A_1073] : memref<6x1024x256xf32, #tpu.memory_space<vmem>> -> memref<1x1024x256xf32, #tpu.memory_space<vmem>>
    %dma_wait3A_1075 = tpu.memref_squeeze %dma_wait3A_1074 : memref<1x1024x256xf32, #tpu.memory_space<vmem>> -> memref<1024x256xf32, #tpu.memory_space<vmem>>
    %dma_wait3A_1076 = arith.constant 0 : i32
    %dma_wait3A_1077 = arith.constant 0 : i32
    %dma_wait3A_1078 = tpu.memref_slice %arg0[%dma_wait3A_1076, %dma_wait3A_1077] : memref<32768x256xf32, #tpu.memory_space<any>> -> memref<1024x256xf32, #tpu.memory_space<any>>
    tpu.wait_dma2 semaphore(%dma_wait3A_1071 : memref<!tpu.dma_semaphore, #tpu.memory_space<semaphore_mem>>) src(%dma_wait3A_1078 : memref<1024x256xf32, #tpu.memory_space<any>>) dst(%dma_wait3A_1075 : memref<1024x256xf32, #tpu.memory_space<vmem>>)
    %dma_wait3A_1079 = arith.constant 5 : i32
    %dma_wait3A_1080 = arith.constant 5 : i32
    %dma_wait3A_1081 = tpu.memref_slice %arg7[%dma_wait3A_1080] : memref<6x!tpu.dma_semaphore, #tpu.memory_space<semaphore_mem>> -> memref<1x!tpu.dma_semaphore, #tpu.memory_space<semaphore_mem>>
    %dma_wait3A_1082 = tpu.memref_squeeze %dma_wait3A_1081 : memref<1x!tpu.dma_semaphore, #tpu.memory_space<semaphore_mem>> -> memref<!tpu.dma_semaphore, #tpu.memory_space<semaphore_mem>>
    %dma_wait3A_1083 = arith.constant 0 : i32
    %dma_wait3A_1084 = arith.constant 0 : i32
    %dma_wait3A_1085 = tpu.memref_slice %arg5[%dma_wait3A_1079, %dma_wait3A_1083, %dma_wait3A_1084] : memref<6x1024x256xf32, #tpu.memory_space<vmem>> -> memref<1x1024x256xf32, #tpu.memory_space<vmem>>
    %dma_wait3A_1086 = tpu.memref_squeeze %dma_wait3A_1085 : memref<1x1024x256xf32, #tpu.memory_space<vmem>> -> memref<1024x256xf32, #tpu.memory_space<vmem>>
    %dma_wait3A_1087 = arith.constant 0 : i32
    %dma_wait3A_1088 = arith.constant 0 : i32
    %dma_wait3A_1089 = tpu.memref_slice %arg1[%dma_wait3A_1087, %dma_wait3A_1088] : memref<32768x256xf32, #tpu.memory_space<any>> -> memref<1024x256xf32, #tpu.memory_space<any>>
    tpu.wait_dma2 semaphore(%dma_wait3A_1082 : memref<!tpu.dma_semaphore, #tpu.memory_space<semaphore_mem>>) src(%dma_wait3A_1089 : memref<1024x256xf32, #tpu.memory_space<any>>) dst(%dma_wait3A_1086 : memref<1024x256xf32, #tpu.memory_space<vmem>>)
    %dma_wait3A_1090 = arith.constant 5 : i32
    %dma_wait3A_1091 = arith.constant 5 : i32
    %dma_wait3A_1092 = tpu.memref_slice %arg8[%dma_wait3A_1091] : memref<6x!tpu.dma_semaphore, #tpu.memory_space<semaphore_mem>> -> memref<1x!tpu.dma_semaphore, #tpu.memory_space<semaphore_mem>>
    %dma_wait3A_1093 = tpu.memref_squeeze %dma_wait3A_1092 : memref<1x!tpu.dma_semaphore, #tpu.memory_space<semaphore_mem>> -> memref<!tpu.dma_semaphore, #tpu.memory_space<semaphore_mem>>
    %dma_wait3A_1094 = arith.constant 0 : i32
    %dma_wait3A_1095 = arith.constant 0 : i32
    %dma_wait3A_1096 = tpu.memref_slice %arg3[%dma_wait3A_1094, %dma_wait3A_1095] : memref<32768x256xf32, #tpu.memory_space<any>> -> memref<1024x256xf32, #tpu.memory_space<any>>
    %dma_wait3A_1097 = arith.constant 0 : i32
    %dma_wait3A_1098 = arith.constant 0 : i32
    %dma_wait3A_1099 = tpu.memref_slice %arg6[%dma_wait3A_1090, %dma_wait3A_1097, %dma_wait3A_1098] : memref<6x1024x256xf32, #tpu.memory_space<vmem>> -> memref<1x1024x256xf32, #tpu.memory_space<vmem>>
    %dma_wait3A_1100 = tpu.memref_squeeze %dma_wait3A_1099 : memref<1x1024x256xf32, #tpu.memory_space<vmem>> -> memref<1024x256xf32, #tpu.memory_space<vmem>>
    tpu.wait_dma2 semaphore(%dma_wait3A_1093 : memref<!tpu.dma_semaphore, #tpu.memory_space<semaphore_mem>>) src(%dma_wait3A_1100 : memref<1024x256xf32, #tpu.memory_space<vmem>>) dst(%dma_wait3A_1096 : memref<1024x256xf32, #tpu.memory_space<any>>)
    %get3A_1101 = arith.constant 5 : index
    %get3A_1102 = arith.constant 0 : index
    %get3A_1103 = arith.constant 0 : index
    %get3A_1104 = vector.load %arg5[%get3A_1101, %get3A_1102, %get3A_1103] : memref<6x1024x256xf32, #tpu.memory_space<vmem>>, vector<1x1024x256xf32>
    %get3A_1105 = vector.shape_cast %get3A_1104 : vector<1x1024x256xf32> to vector<1024x256xf32>
    %get3A_1106 = arith.constant 5 : index
    %get3A_1107 = arith.constant 0 : index
    %get3A_1108 = arith.constant 0 : index
    %get3A_1109 = vector.load %arg4[%get3A_1106, %get3A_1107, %get3A_1108] : memref<6x1024x256xf32, #tpu.memory_space<vmem>>, vector<1x1024x256xf32>
    %get3A_1110 = vector.shape_cast %get3A_1109 : vector<1x1024x256xf32> to vector<1024x256xf32>
    %get3A_1111 = arith.constant 5 : index
    %get3A_1112 = arith.constant 0 : index
    %get3A_1113 = arith.constant 0 : index
    %get3A_1114 = vector.load %arg5[%get3A_1111, %get3A_1112, %get3A_1113] : memref<6x1024x256xf32, #tpu.memory_space<vmem>>, vector<1x1024x256xf32>
    %get3A_1115 = vector.shape_cast %get3A_1114 : vector<1x1024x256xf32> to vector<1024x256xf32>
    %sub3A_1116 = arith.subf %get3A_1110, %get3A_1115 : vector<1024x256xf32>
    %mul3A_1117 = vector.broadcast %logistic3A_6 : vector<1x256xf32> to vector<1024x256xf32>
    %mul3A_1118 = arith.mulf %mul3A_1117, %sub3A_1116 : vector<1024x256xf32>
    %add3A_1119 = arith.addf %get3A_1105, %mul3A_1118 : vector<1024x256xf32>
    %swap3A_1120 = arith.constant 5 : index
    %swap3A_1121 = arith.constant 0 : index
    %swap3A_1122 = arith.constant 0 : index
    %swap3A_1123 = vector.load %arg6[%swap3A_1120, %swap3A_1121, %swap3A_1122] : memref<6x1024x256xf32, #tpu.memory_space<vmem>>, vector<1x1024x256xf32>
    %swap3A_1124 = vector.shape_cast %swap3A_1123 : vector<1x1024x256xf32> to vector<1024x256xf32>
    %swap3A_1125 = vector.shape_cast %add3A_1119 : vector<1024x256xf32> to vector<1x1024x256xf32>
    tpu.vector_store %arg6[%swap3A_1120, %swap3A_1121, %swap3A_1122], %swap3A_1125 {strides = array<i32>} : memref<6x1024x256xf32, #tpu.memory_space<vmem>>, vector<1x1024x256xf32>,
    %dma_start3A_1126 = arith.constant 5 : i32
    %dma_start3A_1127 = arith.constant 5 : i32
    %dma_start3A_1128 = tpu.memref_slice %arg8[%dma_start3A_1127] : memref<6x!tpu.dma_semaphore, #tpu.memory_space<semaphore_mem>> -> memref<1x!tpu.dma_semaphore, #tpu.memory_space<semaphore_mem>>
    %dma_start3A_1129 = tpu.memref_squeeze %dma_start3A_1128 : memref<1x!tpu.dma_semaphore, #tpu.memory_space<semaphore_mem>> -> memref<!tpu.dma_semaphore, #tpu.memory_space<semaphore_mem>>
    %dma_start3A_1130 = arith.constant 11264 : i32
    %dma_start3A_1131 = arith.constant 0 : i32
    %dma_start3A_1132 = tpu.memref_slice %arg3[%dma_start3A_1130, %dma_start3A_1131] : memref<32768x256xf32, #tpu.memory_space<any>> -> memref<1024x256xf32, #tpu.memory_space<any>>
    %dma_start3A_1133 = arith.constant 0 : i32
    %dma_start3A_1134 = arith.constant 0 : i32
    %dma_start3A_1135 = tpu.memref_slice %arg6[%dma_start3A_1126, %dma_start3A_1133, %dma_start3A_1134] : memref<6x1024x256xf32, #tpu.memory_space<vmem>> -> memref<1x1024x256xf32, #tpu.memory_space<vmem>>
    %dma_start3A_1136 = tpu.memref_squeeze %dma_start3A_1135 : memref<1x1024x256xf32, #tpu.memory_space<vmem>> -> memref<1024x256xf32, #tpu.memory_space<vmem>>
    tpu.enqueue_dma source(%dma_start3A_1136 : memref<1024x256xf32, #tpu.memory_space<vmem>>) target(%dma_start3A_1132 : memref<1024x256xf32, #tpu.memory_space<any>>) target_semaphore(%dma_start3A_1129 : memref<!tpu.dma_semaphore, #tpu.memory_space<semaphore_mem>>)
    %dma_start3A_1137 = arith.constant 5 : i32
    %dma_start3A_1138 = arith.constant 5 : i32
    %dma_start3A_1139 = tpu.memref_slice %arg7[%dma_start3A_1138] : memref<6x!tpu.dma_semaphore, #tpu.memory_space<semaphore_mem>> -> memref<1x!tpu.dma_semaphore, #tpu.memory_space<semaphore_mem>>
    %dma_start3A_1140 = tpu.memref_squeeze %dma_start3A_1139 : memref<1x!tpu.dma_semaphore, #tpu.memory_space<semaphore_mem>> -> memref<!tpu.dma_semaphore, #tpu.memory_space<semaphore_mem>>
    %dma_start3A_1141 = arith.constant 0 : i32
    %dma_start3A_1142 = arith.constant 0 : i32
    %dma_start3A_1143 = tpu.memref_slice %arg4[%dma_start3A_1137, %dma_start3A_1141, %dma_start3A_1142] : memref<6x1024x256xf32, #tpu.memory_space<vmem>> -> memref<1x1024x256xf32, #tpu.memory_space<vmem>>
    %dma_start3A_1144 = tpu.memref_squeeze %dma_start3A_1143 : memref<1x1024x256xf32, #tpu.memory_space<vmem>> -> memref<1024x256xf32, #tpu.memory_space<vmem>>
    %dma_start3A_1145 = arith.constant 17408 : i32
    %dma_start3A_1146 = arith.constant 0 : i32
    %dma_start3A_1147 = tpu.memref_slice %arg0[%dma_start3A_1145, %dma_start3A_1146] : memref<32768x256xf32, #tpu.memory_space<any>> -> memref<1024x256xf32, #tpu.memory_space<any>>
    tpu.enqueue_dma source(%dma_start3A_1147 : memref<1024x256xf32, #tpu.memory_space<any>>) target(%dma_start3A_1144 : memref<1024x256xf32, #tpu.memory_space<vmem>>) target_semaphore(%dma_start3A_1140 : memref<!tpu.dma_semaphore, #tpu.memory_space<semaphore_mem>>)
    %dma_start3A_1148 = arith.constant 5 : i32
    %dma_start3A_1149 = arith.constant 5 : i32
    %dma_start3A_1150 = tpu.memref_slice %arg7[%dma_start3A_1149] : memref<6x!tpu.dma_semaphore, #tpu.memory_space<semaphore_mem>> -> memref<1x!tpu.dma_semaphore, #tpu.memory_space<semaphore_mem>>
    %dma_start3A_1151 = tpu.memref_squeeze %dma_start3A_1150 : memref<1x!tpu.dma_semaphore, #tpu.memory_space<semaphore_mem>> -> memref<!tpu.dma_semaphore, #tpu.memory_space<semaphore_mem>>
    %dma_start3A_1152 = arith.constant 0 : i32
    %dma_start3A_1153 = arith.constant 0 : i32
    %dma_start3A_1154 = tpu.memref_slice %arg5[%dma_start3A_1148, %dma_start3A_1152, %dma_start3A_1153] : memref<6x1024x256xf32, #tpu.memory_space<vmem>> -> memref<1x1024x256xf32, #tpu.memory_space<vmem>>
    %dma_start3A_1155 = tpu.memref_squeeze %dma_start3A_1154 : memref<1x1024x256xf32, #tpu.memory_space<vmem>> -> memref<1024x256xf32, #tpu.memory_space<vmem>>
    %dma_start3A_1156 = arith.constant 17408 : i32
    %dma_start3A_1157 = arith.constant 0 : i32
    %dma_start3A_1158 = tpu.memref_slice %arg1[%dma_start3A_1156, %dma_start3A_1157] : memref<32768x256xf32, #tpu.memory_space<any>> -> memref<1024x256xf32, #tpu.memory_space<any>>
    tpu.enqueue_dma source(%dma_start3A_1158 : memref<1024x256xf32, #tpu.memory_space<any>>) target(%dma_start3A_1155 : memref<1024x256xf32, #tpu.memory_space<vmem>>) target_semaphore(%dma_start3A_1151 : memref<!tpu.dma_semaphore, #tpu.memory_space<semaphore_mem>>)
    %dma_wait3A_1159 = arith.constant 0 : i32
    %dma_wait3A_1160 = arith.constant 0 : i32
    %dma_wait3A_1161 = tpu.memref_slice %arg7[%dma_wait3A_1160] : memref<6x!tpu.dma_semaphore, #tpu.memory_space<semaphore_mem>> -> memref<1x!tpu.dma_semaphore, #tpu.memory_space<semaphore_mem>>
    %dma_wait3A_1162 = tpu.memref_squeeze %dma_wait3A_1161 : memref<1x!tpu.dma_semaphore, #tpu.memory_space<semaphore_mem>> -> memref<!tpu.dma_semaphore, #tpu.memory_space<semaphore_mem>>
    %dma_wait3A_1163 = arith.constant 0 : i32
    %dma_wait3A_1164 = arith.constant 0 : i32
    %dma_wait3A_1165 = tpu.memref_slice %arg4[%dma_wait3A_1159, %dma_wait3A_1163, %dma_wait3A_1164] : memref<6x1024x256xf32, #tpu.memory_space<vmem>> -> memref<1x1024x256xf32, #tpu.memory_space<vmem>>
    %dma_wait3A_1166 = tpu.memref_squeeze %dma_wait3A_1165 : memref<1x1024x256xf32, #tpu.memory_space<vmem>> -> memref<1024x256xf32, #tpu.memory_space<vmem>>
    %dma_wait3A_1167 = arith.constant 0 : i32
    %dma_wait3A_1168 = arith.constant 0 : i32
    %dma_wait3A_1169 = tpu.memref_slice %arg0[%dma_wait3A_1167, %dma_wait3A_1168] : memref<32768x256xf32, #tpu.memory_space<any>> -> memref<1024x256xf32, #tpu.memory_space<any>>
    tpu.wait_dma2 semaphore(%dma_wait3A_1162 : memref<!tpu.dma_semaphore, #tpu.memory_space<semaphore_mem>>) src(%dma_wait3A_1169 : memref<1024x256xf32, #tpu.memory_space<any>>) dst(%dma_wait3A_1166 : memref<1024x256xf32, #tpu.memory_space<vmem>>)
    %dma_wait3A_1170 = arith.constant 0 : i32
    %dma_wait3A_1171 = arith.constant 0 : i32
    %dma_wait3A_1172 = tpu.memref_slice %arg7[%dma_wait3A_1171] : memref<6x!tpu.dma_semaphore, #tpu.memory_space<semaphore_mem>> -> memref<1x!tpu.dma_semaphore, #tpu.memory_space<semaphore_mem>>
    %dma_wait3A_1173 = tpu.memref_squeeze %dma_wait3A_1172 : memref<1x!tpu.dma_semaphore, #tpu.memory_space<semaphore_mem>> -> memref<!tpu.dma_semaphore, #tpu.memory_space<semaphore_mem>>
    %dma_wait3A_1174 = arith.constant 0 : i32
    %dma_wait3A_1175 = arith.constant 0 : i32
    %dma_wait3A_1176 = tpu.memref_slice %arg5[%dma_wait3A_1170, %dma_wait3A_1174, %dma_wait3A_1175] : memref<6x1024x256xf32, #tpu.memory_space<vmem>> -> memref<1x1024x256xf32, #tpu.memory_space<vmem>>
    %dma_wait3A_1177 = tpu.memref_squeeze %dma_wait3A_1176 : memref<1x1024x256xf32, #tpu.memory_space<vmem>> -> memref<1024x256xf32, #tpu.memory_space<vmem>>
    %dma_wait3A_1178 = arith.constant 0 : i32
    %dma_wait3A_1179 = arith.constant 0 : i32
    %dma_wait3A_1180 = tpu.memref_slice %arg1[%dma_wait3A_1178, %dma_wait3A_1179] : memref<32768x256xf32, #tpu.memory_space<any>> -> memref<1024x256xf32, #tpu.memory_space<any>>
    tpu.wait_dma2 semaphore(%dma_wait3A_1173 : memref<!tpu.dma_semaphore, #tpu.memory_space<semaphore_mem>>) src(%dma_wait3A_1180 : memref<1024x256xf32, #tpu.memory_space<any>>) dst(%dma_wait3A_1177 : memref<1024x256xf32, #tpu.memory_space<vmem>>)
    %dma_wait3A_1181 = arith.constant 0 : i32
    %dma_wait3A_1182 = arith.constant 0 : i32
    %dma_wait3A_1183 = tpu.memref_slice %arg8[%dma_wait3A_1182] : memref<6x!tpu.dma_semaphore, #tpu.memory_space<semaphore_mem>> -> memref<1x!tpu.dma_semaphore, #tpu.memory_space<semaphore_mem>>
    %dma_wait3A_1184 = tpu.memref_squeeze %dma_wait3A_1183 : memref<1x!tpu.dma_semaphore, #tpu.memory_space<semaphore_mem>> -> memref<!tpu.dma_semaphore, #tpu.memory_space<semaphore_mem>>
    %dma_wait3A_1185 = arith.constant 0 : i32
    %dma_wait3A_1186 = arith.constant 0 : i32
    %dma_wait3A_1187 = tpu.memref_slice %arg3[%dma_wait3A_1185, %dma_wait3A_1186] : memref<32768x256xf32, #tpu.memory_space<any>> -> memref<1024x256xf32, #tpu.memory_space<any>>
    %dma_wait3A_1188 = arith.constant 0 : i32
    %dma_wait3A_1189 = arith.constant 0 : i32
    %dma_wait3A_1190 = tpu.memref_slice %arg6[%dma_wait3A_1181, %dma_wait3A_1188, %dma_wait3A_1189] : memref<6x1024x256xf32, #tpu.memory_space<vmem>> -> memref<1x1024x256xf32, #tpu.memory_space<vmem>>
    %dma_wait3A_1191 = tpu.memref_squeeze %dma_wait3A_1190 : memref<1x1024x256xf32, #tpu.memory_space<vmem>> -> memref<1024x256xf32, #tpu.memory_space<vmem>>
    tpu.wait_dma2 semaphore(%dma_wait3A_1184 : memref<!tpu.dma_semaphore, #tpu.memory_space<semaphore_mem>>) src(%dma_wait3A_1191 : memref<1024x256xf32, #tpu.memory_space<vmem>>) dst(%dma_wait3A_1187 : memref<1024x256xf32, #tpu.memory_space<any>>)
    %get3A_1192 = arith.constant 0 : index
    %get3A_1193 = arith.constant 0 : index
    %get3A_1194 = arith.constant 0 : index
    %get3A_1195 = vector.load %arg5[%get3A_1192, %get3A_1193, %get3A_1194] : memref<6x1024x256xf32, #tpu.memory_space<vmem>>, vector<1x1024x256xf32>
    %get3A_1196 = vector.shape_cast %get3A_1195 : vector<1x1024x256xf32> to vector<1024x256xf32>
    %get3A_1197 = arith.constant 0 : index
    %get3A_1198 = arith.constant 0 : index
    %get3A_1199 = arith.constant 0 : index
    %get3A_1200 = vector.load %arg4[%get3A_1197, %get3A_1198, %get3A_1199] : memref<6x1024x256xf32, #tpu.memory_space<vmem>>, vector<1x1024x256xf32>
    %get3A_1201 = vector.shape_cast %get3A_1200 : vector<1x1024x256xf32> to vector<1024x256xf32>
    %get3A_1202 = arith.constant 0 : index
    %get3A_1203 = arith.constant 0 : index
    %get3A_1204 = arith.constant 0 : index
    %get3A_1205 = vector.load %arg5[%get3A_1202, %get3A_1203, %get3A_1204] : memref<6x1024x256xf32, #tpu.memory_space<vmem>>, vector<1x1024x256xf32>
    %get3A_1206 = vector.shape_cast %get3A_1205 : vector<1x1024x256xf32> to vector<1024x256xf32>
    %sub3A_1207 = arith.subf %get3A_1201, %get3A_1206 : vector<1024x256xf32>
    %mul3A_1208 = vector.broadcast %logistic3A_6 : vector<1x256xf32> to vector<1024x256xf32>
    %mul3A_1209 = arith.mulf %mul3A_1208, %sub3A_1207 : vector<1024x256xf32>
    %add3A_1210 = arith.addf %get3A_1196, %mul3A_1209 : vector<1024x256xf32>
    %swap3A_1211 = arith.constant 0 : index
    %swap3A_1212 = arith.constant 0 : index
    %swap3A_1213 = arith.constant 0 : index
    %swap3A_1214 = vector.load %arg6[%swap3A_1211, %swap3A_1212, %swap3A_1213] : memref<6x1024x256xf32, #tpu.memory_space<vmem>>, vector<1x1024x256xf32>
    %swap3A_1215 = vector.shape_cast %swap3A_1214 : vector<1x1024x256xf32> to vector<1024x256xf32>
    %swap3A_1216 = vector.shape_cast %add3A_1210 : vector<1024x256xf32> to vector<1x1024x256xf32>
    tpu.vector_store %arg6[%swap3A_1211, %swap3A_1212, %swap3A_1213], %swap3A_1216 {strides = array<i32>} : memref<6x1024x256xf32, #tpu.memory_space<vmem>>, vector<1x1024x256xf32>,
    %dma_start3A_1217 = arith.constant 0 : i32
    %dma_start3A_1218 = arith.constant 0 : i32
    %dma_start3A_1219 = tpu.memref_slice %arg8[%dma_start3A_1218] : memref<6x!tpu.dma_semaphore, #tpu.memory_space<semaphore_mem>> -> memref<1x!tpu.dma_semaphore, #tpu.memory_space<semaphore_mem>>
    %dma_start3A_1220 = tpu.memref_squeeze %dma_start3A_1219 : memref<1x!tpu.dma_semaphore, #tpu.memory_space<semaphore_mem>> -> memref<!tpu.dma_semaphore, #tpu.memory_space<semaphore_mem>>
    %dma_start3A_1221 = arith.constant 12288 : i32
    %dma_start3A_1222 = arith.constant 0 : i32
    %dma_start3A_1223 = tpu.memref_slice %arg3[%dma_start3A_1221, %dma_start3A_1222] : memref<32768x256xf32, #tpu.memory_space<any>> -> memref<1024x256xf32, #tpu.memory_space<any>>
    %dma_start3A_1224 = arith.constant 0 : i32
    %dma_start3A_1225 = arith.constant 0 : i32
    %dma_start3A_1226 = tpu.memref_slice %arg6[%dma_start3A_1217, %dma_start3A_1224, %dma_start3A_1225] : memref<6x1024x256xf32, #tpu.memory_space<vmem>> -> memref<1x1024x256xf32, #tpu.memory_space<vmem>>
    %dma_start3A_1227 = tpu.memref_squeeze %dma_start3A_1226 : memref<1x1024x256xf32, #tpu.memory_space<vmem>> -> memref<1024x256xf32, #tpu.memory_space<vmem>>
    tpu.enqueue_dma source(%dma_start3A_1227 : memref<1024x256xf32, #tpu.memory_space<vmem>>) target(%dma_start3A_1223 : memref<1024x256xf32, #tpu.memory_space<any>>) target_semaphore(%dma_start3A_1220 : memref<!tpu.dma_semaphore, #tpu.memory_space<semaphore_mem>>)
    %dma_start3A_1228 = arith.constant 0 : i32
    %dma_start3A_1229 = arith.constant 0 : i32
    %dma_start3A_1230 = tpu.memref_slice %arg7[%dma_start3A_1229] : memref<6x!tpu.dma_semaphore, #tpu.memory_space<semaphore_mem>> -> memref<1x!tpu.dma_semaphore, #tpu.memory_space<semaphore_mem>>
    %dma_start3A_1231 = tpu.memref_squeeze %dma_start3A_1230 : memref<1x!tpu.dma_semaphore, #tpu.memory_space<semaphore_mem>> -> memref<!tpu.dma_semaphore, #tpu.memory_space<semaphore_mem>>
    %dma_start3A_1232 = arith.constant 0 : i32
    %dma_start3A_1233 = arith.constant 0 : i32
    %dma_start3A_1234 = tpu.memref_slice %arg4[%dma_start3A_1228, %dma_start3A_1232, %dma_start3A_1233] : memref<6x1024x256xf32, #tpu.memory_space<vmem>> -> memref<1x1024x256xf32, #tpu.memory_space<vmem>>
    %dma_start3A_1235 = tpu.memref_squeeze %dma_start3A_1234 : memref<1x1024x256xf32, #tpu.memory_space<vmem>> -> memref<1024x256xf32, #tpu.memory_space<vmem>>
    %dma_start3A_1236 = arith.constant 18432 : i32
    %dma_start3A_1237 = arith.constant 0 : i32
    %dma_start3A_1238 = tpu.memref_slice %arg0[%dma_start3A_1236, %dma_start3A_1237] : memref<32768x256xf32, #tpu.memory_space<any>> -> memref<1024x256xf32, #tpu.memory_space<any>>
    tpu.enqueue_dma source(%dma_start3A_1238 : memref<1024x256xf32, #tpu.memory_space<any>>) target(%dma_start3A_1235 : memref<1024x256xf32, #tpu.memory_space<vmem>>) target_semaphore(%dma_start3A_1231 : memref<!tpu.dma_semaphore, #tpu.memory_space<semaphore_mem>>)
    %dma_start3A_1239 = arith.constant 0 : i32
    %dma_start3A_1240 = arith.constant 0 : i32
    %dma_start3A_1241 = tpu.memref_slice %arg7[%dma_start3A_1240] : memref<6x!tpu.dma_semaphore, #tpu.memory_space<semaphore_mem>> -> memref<1x!tpu.dma_semaphore, #tpu.memory_space<semaphore_mem>>
    %dma_start3A_1242 = tpu.memref_squeeze %dma_start3A_1241 : memref<1x!tpu.dma_semaphore, #tpu.memory_space<semaphore_mem>> -> memref<!tpu.dma_semaphore, #tpu.memory_space<semaphore_mem>>
    %dma_start3A_1243 = arith.constant 0 : i32
    %dma_start3A_1244 = arith.constant 0 : i32
    %dma_start3A_1245 = tpu.memref_slice %arg5[%dma_start3A_1239, %dma_start3A_1243, %dma_start3A_1244] : memref<6x1024x256xf32, #tpu.memory_space<vmem>> -> memref<1x1024x256xf32, #tpu.memory_space<vmem>>
    %dma_start3A_1246 = tpu.memref_squeeze %dma_start3A_1245 : memref<1x1024x256xf32, #tpu.memory_space<vmem>> -> memref<1024x256xf32, #tpu.memory_space<vmem>>
    %dma_start3A_1247 = arith.constant 18432 : i32
    %dma_start3A_1248 = arith.constant 0 : i32
    %dma_start3A_1249 = tpu.memref_slice %arg1[%dma_start3A_1247, %dma_start3A_1248] : memref<32768x256xf32, #tpu.memory_space<any>> -> memref<1024x256xf32, #tpu.memory_space<any>>
    tpu.enqueue_dma source(%dma_start3A_1249 : memref<1024x256xf32, #tpu.memory_space<any>>) target(%dma_start3A_1246 : memref<1024x256xf32, #tpu.memory_space<vmem>>) target_semaphore(%dma_start3A_1242 : memref<!tpu.dma_semaphore, #tpu.memory_space<semaphore_mem>>)
    %dma_wait3A_1250 = arith.constant 1 : i32
    %dma_wait3A_1251 = arith.constant 1 : i32
    %dma_wait3A_1252 = tpu.memref_slice %arg7[%dma_wait3A_1251] : memref<6x!tpu.dma_semaphore, #tpu.memory_space<semaphore_mem>> -> memref<1x!tpu.dma_semaphore, #tpu.memory_space<semaphore_mem>>
    %dma_wait3A_1253 = tpu.memref_squeeze %dma_wait3A_1252 : memref<1x!tpu.dma_semaphore, #tpu.memory_space<semaphore_mem>> -> memref<!tpu.dma_semaphore, #tpu.memory_space<semaphore_mem>>
    %dma_wait3A_1254 = arith.constant 0 : i32
    %dma_wait3A_1255 = arith.constant 0 : i32
    %dma_wait3A_1256 = tpu.memref_slice %arg4[%dma_wait3A_1250, %dma_wait3A_1254, %dma_wait3A_1255] : memref<6x1024x256xf32, #tpu.memory_space<vmem>> -> memref<1x1024x256xf32, #tpu.memory_space<vmem>>
    %dma_wait3A_1257 = tpu.memref_squeeze %dma_wait3A_1256 : memref<1x1024x256xf32, #tpu.memory_space<vmem>> -> memref<1024x256xf32, #tpu.memory_space<vmem>>
    %dma_wait3A_1258 = arith.constant 0 : i32
    %dma_wait3A_1259 = arith.constant 0 : i32
    %dma_wait3A_1260 = tpu.memref_slice %arg0[%dma_wait3A_1258, %dma_wait3A_1259] : memref<32768x256xf32, #tpu.memory_space<any>> -> memref<1024x256xf32, #tpu.memory_space<any>>
    tpu.wait_dma2 semaphore(%dma_wait3A_1253 : memref<!tpu.dma_semaphore, #tpu.memory_space<semaphore_mem>>) src(%dma_wait3A_1260 : memref<1024x256xf32, #tpu.memory_space<any>>) dst(%dma_wait3A_1257 : memref<1024x256xf32, #tpu.memory_space<vmem>>)
    %dma_wait3A_1261 = arith.constant 1 : i32
    %dma_wait3A_1262 = arith.constant 1 : i32
    %dma_wait3A_1263 = tpu.memref_slice %arg7[%dma_wait3A_1262] : memref<6x!tpu.dma_semaphore, #tpu.memory_space<semaphore_mem>> -> memref<1x!tpu.dma_semaphore, #tpu.memory_space<semaphore_mem>>
    %dma_wait3A_1264 = tpu.memref_squeeze %dma_wait3A_1263 : memref<1x!tpu.dma_semaphore, #tpu.memory_space<semaphore_mem>> -> memref<!tpu.dma_semaphore, #tpu.memory_space<semaphore_mem>>
    %dma_wait3A_1265 = arith.constant 0 : i32
    %dma_wait3A_1266 = arith.constant 0 : i32
    %dma_wait3A_1267 = tpu.memref_slice %arg5[%dma_wait3A_1261, %dma_wait3A_1265, %dma_wait3A_1266] : memref<6x1024x256xf32, #tpu.memory_space<vmem>> -> memref<1x1024x256xf32, #tpu.memory_space<vmem>>
    %dma_wait3A_1268 = tpu.memref_squeeze %dma_wait3A_1267 : memref<1x1024x256xf32, #tpu.memory_space<vmem>> -> memref<1024x256xf32, #tpu.memory_space<vmem>>
    %dma_wait3A_1269 = arith.constant 0 : i32
    %dma_wait3A_1270 = arith.constant 0 : i32
    %dma_wait3A_1271 = tpu.memref_slice %arg1[%dma_wait3A_1269, %dma_wait3A_1270] : memref<32768x256xf32, #tpu.memory_space<any>> -> memref<1024x256xf32, #tpu.memory_space<any>>
    tpu.wait_dma2 semaphore(%dma_wait3A_1264 : memref<!tpu.dma_semaphore, #tpu.memory_space<semaphore_mem>>) src(%dma_wait3A_1271 : memref<1024x256xf32, #tpu.memory_space<any>>) dst(%dma_wait3A_1268 : memref<1024x256xf32, #tpu.memory_space<vmem>>)
    %dma_wait3A_1272 = arith.constant 1 : i32
    %dma_wait3A_1273 = arith.constant 1 : i32
    %dma_wait3A_1274 = tpu.memref_slice %arg8[%dma_wait3A_1273] : memref<6x!tpu.dma_semaphore, #tpu.memory_space<semaphore_mem>> -> memref<1x!tpu.dma_semaphore, #tpu.memory_space<semaphore_mem>>
    %dma_wait3A_1275 = tpu.memref_squeeze %dma_wait3A_1274 : memref<1x!tpu.dma_semaphore, #tpu.memory_space<semaphore_mem>> -> memref<!tpu.dma_semaphore, #tpu.memory_space<semaphore_mem>>
    %dma_wait3A_1276 = arith.constant 0 : i32
    %dma_wait3A_1277 = arith.constant 0 : i32
    %dma_wait3A_1278 = tpu.memref_slice %arg3[%dma_wait3A_1276, %dma_wait3A_1277] : memref<32768x256xf32, #tpu.memory_space<any>> -> memref<1024x256xf32, #tpu.memory_space<any>>
    %dma_wait3A_1279 = arith.constant 0 : i32
    %dma_wait3A_1280 = arith.constant 0 : i32
    %dma_wait3A_1281 = tpu.memref_slice %arg6[%dma_wait3A_1272, %dma_wait3A_1279, %dma_wait3A_1280] : memref<6x1024x256xf32, #tpu.memory_space<vmem>> -> memref<1x1024x256xf32, #tpu.memory_space<vmem>>
    %dma_wait3A_1282 = tpu.memref_squeeze %dma_wait3A_1281 : memref<1x1024x256xf32, #tpu.memory_space<vmem>> -> memref<1024x256xf32, #tpu.memory_space<vmem>>
    tpu.wait_dma2 semaphore(%dma_wait3A_1275 : memref<!tpu.dma_semaphore, #tpu.memory_space<semaphore_mem>>) src(%dma_wait3A_1282 : memref<1024x256xf32, #tpu.memory_space<vmem>>) dst(%dma_wait3A_1278 : memref<1024x256xf32, #tpu.memory_space<any>>)
    %get3A_1283 = arith.constant 1 : index
    %get3A_1284 = arith.constant 0 : index
    %get3A_1285 = arith.constant 0 : index
    %get3A_1286 = vector.load %arg5[%get3A_1283, %get3A_1284, %get3A_1285] : memref<6x1024x256xf32, #tpu.memory_space<vmem>>, vector<1x1024x256xf32>
    %get3A_1287 = vector.shape_cast %get3A_1286 : vector<1x1024x256xf32> to vector<1024x256xf32>
    %get3A_1288 = arith.constant 1 : index
    %get3A_1289 = arith.constant 0 : index
    %get3A_1290 = arith.constant 0 : index
    %get3A_1291 = vector.load %arg4[%get3A_1288, %get3A_1289, %get3A_1290] : memref<6x1024x256xf32, #tpu.memory_space<vmem>>, vector<1x1024x256xf32>
    %get3A_1292 = vector.shape_cast %get3A_1291 : vector<1x1024x256xf32> to vector<1024x256xf32>
    %get3A_1293 = arith.constant 1 : index
    %get3A_1294 = arith.constant 0 : index
    %get3A_1295 = arith.constant 0 : index
    %get3A_1296 = vector.load %arg5[%get3A_1293, %get3A_1294, %get3A_1295] : memref<6x1024x256xf32, #tpu.memory_space<vmem>>, vector<1x1024x256xf32>
    %get3A_1297 = vector.shape_cast %get3A_1296 : vector<1x1024x256xf32> to vector<1024x256xf32>
    %sub3A_1298 = arith.subf %get3A_1292, %get3A_1297 : vector<1024x256xf32>
    %mul3A_1299 = vector.broadcast %logistic3A_6 : vector<1x256xf32> to vector<1024x256xf32>
    %mul3A_1300 = arith.mulf %mul3A_1299, %sub3A_1298 : vector<1024x256xf32>
    %add3A_1301 = arith.addf %get3A_1287, %mul3A_1300 : vector<1024x256xf32>
    %swap3A_1302 = arith.constant 1 : index
    %swap3A_1303 = arith.constant 0 : index
    %swap3A_1304 = arith.constant 0 : index
    %swap3A_1305 = vector.load %arg6[%swap3A_1302, %swap3A_1303, %swap3A_1304] : memref<6x1024x256xf32, #tpu.memory_space<vmem>>, vector<1x1024x256xf32>
    %swap3A_1306 = vector.shape_cast %swap3A_1305 : vector<1x1024x256xf32> to vector<1024x256xf32>
    %swap3A_1307 = vector.shape_cast %add3A_1301 : vector<1024x256xf32> to vector<1x1024x256xf32>
    tpu.vector_store %arg6[%swap3A_1302, %swap3A_1303, %swap3A_1304], %swap3A_1307 {strides = array<i32>} : memref<6x1024x256xf32, #tpu.memory_space<vmem>>, vector<1x1024x256xf32>,
    %dma_start3A_1308 = arith.constant 1 : i32
    %dma_start3A_1309 = arith.constant 1 : i32
    %dma_start3A_1310 = tpu.memref_slice %arg8[%dma_start3A_1309] : memref<6x!tpu.dma_semaphore, #tpu.memory_space<semaphore_mem>> -> memref<1x!tpu.dma_semaphore, #tpu.memory_space<semaphore_mem>>
    %dma_start3A_1311 = tpu.memref_squeeze %dma_start3A_1310 : memref<1x!tpu.dma_semaphore, #tpu.memory_space<semaphore_mem>> -> memref<!tpu.dma_semaphore, #tpu.memory_space<semaphore_mem>>
    %dma_start3A_1312 = arith.constant 13312 : i32
    %dma_start3A_1313 = arith.constant 0 : i32
    %dma_start3A_1314 = tpu.memref_slice %arg3[%dma_start3A_1312, %dma_start3A_1313] : memref<32768x256xf32, #tpu.memory_space<any>> -> memref<1024x256xf32, #tpu.memory_space<any>>
    %dma_start3A_1315 = arith.constant 0 : i32
    %dma_start3A_1316 = arith.constant 0 : i32
    %dma_start3A_1317 = tpu.memref_slice %arg6[%dma_start3A_1308, %dma_start3A_1315, %dma_start3A_1316] : memref<6x1024x256xf32, #tpu.memory_space<vmem>> -> memref<1x1024x256xf32, #tpu.memory_space<vmem>>
    %dma_start3A_1318 = tpu.memref_squeeze %dma_start3A_1317 : memref<1x1024x256xf32, #tpu.memory_space<vmem>> -> memref<1024x256xf32, #tpu.memory_space<vmem>>
    tpu.enqueue_dma source(%dma_start3A_1318 : memref<1024x256xf32, #tpu.memory_space<vmem>>) target(%dma_start3A_1314 : memref<1024x256xf32, #tpu.memory_space<any>>) target_semaphore(%dma_start3A_1311 : memref<!tpu.dma_semaphore, #tpu.memory_space<semaphore_mem>>)
    %dma_start3A_1319 = arith.constant 1 : i32
    %dma_start3A_1320 = arith.constant 1 : i32
    %dma_start3A_1321 = tpu.memref_slice %arg7[%dma_start3A_1320] : memref<6x!tpu.dma_semaphore, #tpu.memory_space<semaphore_mem>> -> memref<1x!tpu.dma_semaphore, #tpu.memory_space<semaphore_mem>>
    %dma_start3A_1322 = tpu.memref_squeeze %dma_start3A_1321 : memref<1x!tpu.dma_semaphore, #tpu.memory_space<semaphore_mem>> -> memref<!tpu.dma_semaphore, #tpu.memory_space<semaphore_mem>>
    %dma_start3A_1323 = arith.constant 0 : i32
    %dma_start3A_1324 = arith.constant 0 : i32
    %dma_start3A_1325 = tpu.memref_slice %arg4[%dma_start3A_1319, %dma_start3A_1323, %dma_start3A_1324] : memref<6x1024x256xf32, #tpu.memory_space<vmem>> -> memref<1x1024x256xf32, #tpu.memory_space<vmem>>
    %dma_start3A_1326 = tpu.memref_squeeze %dma_start3A_1325 : memref<1x1024x256xf32, #tpu.memory_space<vmem>> -> memref<1024x256xf32, #tpu.memory_space<vmem>>
    %dma_start3A_1327 = arith.constant 19456 : i32
    %dma_start3A_1328 = arith.constant 0 : i32
    %dma_start3A_1329 = tpu.memref_slice %arg0[%dma_start3A_1327, %dma_start3A_1328] : memref<32768x256xf32, #tpu.memory_space<any>> -> memref<1024x256xf32, #tpu.memory_space<any>>
    tpu.enqueue_dma source(%dma_start3A_1329 : memref<1024x256xf32, #tpu.memory_space<any>>) target(%dma_start3A_1326 : memref<1024x256xf32, #tpu.memory_space<vmem>>) target_semaphore(%dma_start3A_1322 : memref<!tpu.dma_semaphore, #tpu.memory_space<semaphore_mem>>)
    %dma_start3A_1330 = arith.constant 1 : i32
    %dma_start3A_1331 = arith.constant 1 : i32
    %dma_start3A_1332 = tpu.memref_slice %arg7[%dma_start3A_1331] : memref<6x!tpu.dma_semaphore, #tpu.memory_space<semaphore_mem>> -> memref<1x!tpu.dma_semaphore, #tpu.memory_space<semaphore_mem>>
    %dma_start3A_1333 = tpu.memref_squeeze %dma_start3A_1332 : memref<1x!tpu.dma_semaphore, #tpu.memory_space<semaphore_mem>> -> memref<!tpu.dma_semaphore, #tpu.memory_space<semaphore_mem>>
    %dma_start3A_1334 = arith.constant 0 : i32
    %dma_start3A_1335 = arith.constant 0 : i32
    %dma_start3A_1336 = tpu.memref_slice %arg5[%dma_start3A_1330, %dma_start3A_1334, %dma_start3A_1335] : memref<6x1024x256xf32, #tpu.memory_space<vmem>> -> memref<1x1024x256xf32, #tpu.memory_space<vmem>>
    %dma_start3A_1337 = tpu.memref_squeeze %dma_start3A_1336 : memref<1x1024x256xf32, #tpu.memory_space<vmem>> -> memref<1024x256xf32, #tpu.memory_space<vmem>>
    %dma_start3A_1338 = arith.constant 19456 : i32
    %dma_start3A_1339 = arith.constant 0 : i32
    %dma_start3A_1340 = tpu.memref_slice %arg1[%dma_start3A_1338, %dma_start3A_1339] : memref<32768x256xf32, #tpu.memory_space<any>> -> memref<1024x256xf32, #tpu.memory_space<any>>
    tpu.enqueue_dma source(%dma_start3A_1340 : memref<1024x256xf32, #tpu.memory_space<any>>) target(%dma_start3A_1337 : memref<1024x256xf32, #tpu.memory_space<vmem>>) target_semaphore(%dma_start3A_1333 : memref<!tpu.dma_semaphore, #tpu.memory_space<semaphore_mem>>)
    %dma_wait3A_1341 = arith.constant 2 : i32
    %dma_wait3A_1342 = arith.constant 2 : i32
    %dma_wait3A_1343 = tpu.memref_slice %arg7[%dma_wait3A_1342] : memref<6x!tpu.dma_semaphore, #tpu.memory_space<semaphore_mem>> -> memref<1x!tpu.dma_semaphore, #tpu.memory_space<semaphore_mem>>
    %dma_wait3A_1344 = tpu.memref_squeeze %dma_wait3A_1343 : memref<1x!tpu.dma_semaphore, #tpu.memory_space<semaphore_mem>> -> memref<!tpu.dma_semaphore, #tpu.memory_space<semaphore_mem>>
    %dma_wait3A_1345 = arith.constant 0 : i32
    %dma_wait3A_1346 = arith.constant 0 : i32
    %dma_wait3A_1347 = tpu.memref_slice %arg4[%dma_wait3A_1341, %dma_wait3A_1345, %dma_wait3A_1346] : memref<6x1024x256xf32, #tpu.memory_space<vmem>> -> memref<1x1024x256xf32, #tpu.memory_space<vmem>>
    %dma_wait3A_1348 = tpu.memref_squeeze %dma_wait3A_1347 : memref<1x1024x256xf32, #tpu.memory_space<vmem>> -> memref<1024x256xf32, #tpu.memory_space<vmem>>
    %dma_wait3A_1349 = arith.constant 0 : i32
    %dma_wait3A_1350 = arith.constant 0 : i32
    %dma_wait3A_1351 = tpu.memref_slice %arg0[%dma_wait3A_1349, %dma_wait3A_1350] : memref<32768x256xf32, #tpu.memory_space<any>> -> memref<1024x256xf32, #tpu.memory_space<any>>
    tpu.wait_dma2 semaphore(%dma_wait3A_1344 : memref<!tpu.dma_semaphore, #tpu.memory_space<semaphore_mem>>) src(%dma_wait3A_1351 : memref<1024x256xf32, #tpu.memory_space<any>>) dst(%dma_wait3A_1348 : memref<1024x256xf32, #tpu.memory_space<vmem>>)
    %dma_wait3A_1352 = arith.constant 2 : i32
    %dma_wait3A_1353 = arith.constant 2 : i32
    %dma_wait3A_1354 = tpu.memref_slice %arg7[%dma_wait3A_1353] : memref<6x!tpu.dma_semaphore, #tpu.memory_space<semaphore_mem>> -> memref<1x!tpu.dma_semaphore, #tpu.memory_space<semaphore_mem>>
    %dma_wait3A_1355 = tpu.memref_squeeze %dma_wait3A_1354 : memref<1x!tpu.dma_semaphore, #tpu.memory_space<semaphore_mem>> -> memref<!tpu.dma_semaphore, #tpu.memory_space<semaphore_mem>>
    %dma_wait3A_1356 = arith.constant 0 : i32
    %dma_wait3A_1357 = arith.constant 0 : i32
    %dma_wait3A_1358 = tpu.memref_slice %arg5[%dma_wait3A_1352, %dma_wait3A_1356, %dma_wait3A_1357] : memref<6x1024x256xf32, #tpu.memory_space<vmem>> -> memref<1x1024x256xf32, #tpu.memory_space<vmem>>
    %dma_wait3A_1359 = tpu.memref_squeeze %dma_wait3A_1358 : memref<1x1024x256xf32, #tpu.memory_space<vmem>> -> memref<1024x256xf32, #tpu.memory_space<vmem>>
    %dma_wait3A_1360 = arith.constant 0 : i32
    %dma_wait3A_1361 = arith.constant 0 : i32
    %dma_wait3A_1362 = tpu.memref_slice %arg1[%dma_wait3A_1360, %dma_wait3A_1361] : memref<32768x256xf32, #tpu.memory_space<any>> -> memref<1024x256xf32, #tpu.memory_space<any>>
    tpu.wait_dma2 semaphore(%dma_wait3A_1355 : memref<!tpu.dma_semaphore, #tpu.memory_space<semaphore_mem>>) src(%dma_wait3A_1362 : memref<1024x256xf32, #tpu.memory_space<any>>) dst(%dma_wait3A_1359 : memref<1024x256xf32, #tpu.memory_space<vmem>>)
    %dma_wait3A_1363 = arith.constant 2 : i32
    %dma_wait3A_1364 = arith.constant 2 : i32
    %dma_wait3A_1365 = tpu.memref_slice %arg8[%dma_wait3A_1364] : memref<6x!tpu.dma_semaphore, #tpu.memory_space<semaphore_mem>> -> memref<1x!tpu.dma_semaphore, #tpu.memory_space<semaphore_mem>>
    %dma_wait3A_1366 = tpu.memref_squeeze %dma_wait3A_1365 : memref<1x!tpu.dma_semaphore, #tpu.memory_space<semaphore_mem>> -> memref<!tpu.dma_semaphore, #tpu.memory_space<semaphore_mem>>
    %dma_wait3A_1367 = arith.constant 0 : i32
    %dma_wait3A_1368 = arith.constant 0 : i32
    %dma_wait3A_1369 = tpu.memref_slice %arg3[%dma_wait3A_1367, %dma_wait3A_1368] : memref<32768x256xf32, #tpu.memory_space<any>> -> memref<1024x256xf32, #tpu.memory_space<any>>
    %dma_wait3A_1370 = arith.constant 0 : i32
    %dma_wait3A_1371 = arith.constant 0 : i32
    %dma_wait3A_1372 = tpu.memref_slice %arg6[%dma_wait3A_1363, %dma_wait3A_1370, %dma_wait3A_1371] : memref<6x1024x256xf32, #tpu.memory_space<vmem>> -> memref<1x1024x256xf32, #tpu.memory_space<vmem>>
    %dma_wait3A_1373 = tpu.memref_squeeze %dma_wait3A_1372 : memref<1x1024x256xf32, #tpu.memory_space<vmem>> -> memref<1024x256xf32, #tpu.memory_space<vmem>>
    tpu.wait_dma2 semaphore(%dma_wait3A_1366 : memref<!tpu.dma_semaphore, #tpu.memory_space<semaphore_mem>>) src(%dma_wait3A_1373 : memref<1024x256xf32, #tpu.memory_space<vmem>>) dst(%dma_wait3A_1369 : memref<1024x256xf32, #tpu.memory_space<any>>)
    %get3A_1374 = arith.constant 2 : index
    %get3A_1375 = arith.constant 0 : index
    %get3A_1376 = arith.constant 0 : index
    %get3A_1377 = vector.load %arg5[%get3A_1374, %get3A_1375, %get3A_1376] : memref<6x1024x256xf32, #tpu.memory_space<vmem>>, vector<1x1024x256xf32>
    %get3A_1378 = vector.shape_cast %get3A_1377 : vector<1x1024x256xf32> to vector<1024x256xf32>
    %get3A_1379 = arith.constant 2 : index
    %get3A_1380 = arith.constant 0 : index
    %get3A_1381 = arith.constant 0 : index
    %get3A_1382 = vector.load %arg4[%get3A_1379, %get3A_1380, %get3A_1381] : memref<6x1024x256xf32, #tpu.memory_space<vmem>>, vector<1x1024x256xf32>
    %get3A_1383 = vector.shape_cast %get3A_1382 : vector<1x1024x256xf32> to vector<1024x256xf32>
    %get3A_1384 = arith.constant 2 : index
    %get3A_1385 = arith.constant 0 : index
    %get3A_1386 = arith.constant 0 : index
    %get3A_1387 = vector.load %arg5[%get3A_1384, %get3A_1385, %get3A_1386] : memref<6x1024x256xf32, #tpu.memory_space<vmem>>, vector<1x1024x256xf32>
    %get3A_1388 = vector.shape_cast %get3A_1387 : vector<1x1024x256xf32> to vector<1024x256xf32>
    %sub3A_1389 = arith.subf %get3A_1383, %get3A_1388 : vector<1024x256xf32>
    %mul3A_1390 = vector.broadcast %logistic3A_6 : vector<1x256xf32> to vector<1024x256xf32>
    %mul3A_1391 = arith.mulf %mul3A_1390, %sub3A_1389 : vector<1024x256xf32>
    %add3A_1392 = arith.addf %get3A_1378, %mul3A_1391 : vector<1024x256xf32>
    %swap3A_1393 = arith.constant 2 : index
    %swap3A_1394 = arith.constant 0 : index
    %swap3A_1395 = arith.constant 0 : index
    %swap3A_1396 = vector.load %arg6[%swap3A_1393, %swap3A_1394, %swap3A_1395] : memref<6x1024x256xf32, #tpu.memory_space<vmem>>, vector<1x1024x256xf32>
    %swap3A_1397 = vector.shape_cast %swap3A_1396 : vector<1x1024x256xf32> to vector<1024x256xf32>
    %swap3A_1398 = vector.shape_cast %add3A_1392 : vector<1024x256xf32> to vector<1x1024x256xf32>
    tpu.vector_store %arg6[%swap3A_1393, %swap3A_1394, %swap3A_1395], %swap3A_1398 {strides = array<i32>} : memref<6x1024x256xf32, #tpu.memory_space<vmem>>, vector<1x1024x256xf32>,
    %dma_start3A_1399 = arith.constant 2 : i32
    %dma_start3A_1400 = arith.constant 2 : i32
    %dma_start3A_1401 = tpu.memref_slice %arg8[%dma_start3A_1400] : memref<6x!tpu.dma_semaphore, #tpu.memory_space<semaphore_mem>> -> memref<1x!tpu.dma_semaphore, #tpu.memory_space<semaphore_mem>>
    %dma_start3A_1402 = tpu.memref_squeeze %dma_start3A_1401 : memref<1x!tpu.dma_semaphore, #tpu.memory_space<semaphore_mem>> -> memref<!tpu.dma_semaphore, #tpu.memory_space<semaphore_mem>>
    %dma_start3A_1403 = arith.constant 14336 : i32
    %dma_start3A_1404 = arith.constant 0 : i32
    %dma_start3A_1405 = tpu.memref_slice %arg3[%dma_start3A_1403, %dma_start3A_1404] : memref<32768x256xf32, #tpu.memory_space<any>> -> memref<1024x256xf32, #tpu.memory_space<any>>
    %dma_start3A_1406 = arith.constant 0 : i32
    %dma_start3A_1407 = arith.constant 0 : i32
    %dma_start3A_1408 = tpu.memref_slice %arg6[%dma_start3A_1399, %dma_start3A_1406, %dma_start3A_1407] : memref<6x1024x256xf32, #tpu.memory_space<vmem>> -> memref<1x1024x256xf32, #tpu.memory_space<vmem>>
    %dma_start3A_1409 = tpu.memref_squeeze %dma_start3A_1408 : memref<1x1024x256xf32, #tpu.memory_space<vmem>> -> memref<1024x256xf32, #tpu.memory_space<vmem>>
    tpu.enqueue_dma source(%dma_start3A_1409 : memref<1024x256xf32, #tpu.memory_space<vmem>>) target(%dma_start3A_1405 : memref<1024x256xf32, #tpu.memory_space<any>>) target_semaphore(%dma_start3A_1402 : memref<!tpu.dma_semaphore, #tpu.memory_space<semaphore_mem>>)
    %dma_start3A_1410 = arith.constant 2 : i32
    %dma_start3A_1411 = arith.constant 2 : i32
    %dma_start3A_1412 = tpu.memref_slice %arg7[%dma_start3A_1411] : memref<6x!tpu.dma_semaphore, #tpu.memory_space<semaphore_mem>> -> memref<1x!tpu.dma_semaphore, #tpu.memory_space<semaphore_mem>>
    %dma_start3A_1413 = tpu.memref_squeeze %dma_start3A_1412 : memref<1x!tpu.dma_semaphore, #tpu.memory_space<semaphore_mem>> -> memref<!tpu.dma_semaphore, #tpu.memory_space<semaphore_mem>>
    %dma_start3A_1414 = arith.constant 0 : i32
    %dma_start3A_1415 = arith.constant 0 : i32
    %dma_start3A_1416 = tpu.memref_slice %arg4[%dma_start3A_1410, %dma_start3A_1414, %dma_start3A_1415] : memref<6x1024x256xf32, #tpu.memory_space<vmem>> -> memref<1x1024x256xf32, #tpu.memory_space<vmem>>
    %dma_start3A_1417 = tpu.memref_squeeze %dma_start3A_1416 : memref<1x1024x256xf32, #tpu.memory_space<vmem>> -> memref<1024x256xf32, #tpu.memory_space<vmem>>
    %dma_start3A_1418 = arith.constant 20480 : i32
    %dma_start3A_1419 = arith.constant 0 : i32
    %dma_start3A_1420 = tpu.memref_slice %arg0[%dma_start3A_1418, %dma_start3A_1419] : memref<32768x256xf32, #tpu.memory_space<any>> -> memref<1024x256xf32, #tpu.memory_space<any>>
    tpu.enqueue_dma source(%dma_start3A_1420 : memref<1024x256xf32, #tpu.memory_space<any>>) target(%dma_start3A_1417 : memref<1024x256xf32, #tpu.memory_space<vmem>>) target_semaphore(%dma_start3A_1413 : memref<!tpu.dma_semaphore, #tpu.memory_space<semaphore_mem>>)
    %dma_start3A_1421 = arith.constant 2 : i32
    %dma_start3A_1422 = arith.constant 2 : i32
    %dma_start3A_1423 = tpu.memref_slice %arg7[%dma_start3A_1422] : memref<6x!tpu.dma_semaphore, #tpu.memory_space<semaphore_mem>> -> memref<1x!tpu.dma_semaphore, #tpu.memory_space<semaphore_mem>>
    %dma_start3A_1424 = tpu.memref_squeeze %dma_start3A_1423 : memref<1x!tpu.dma_semaphore, #tpu.memory_space<semaphore_mem>> -> memref<!tpu.dma_semaphore, #tpu.memory_space<semaphore_mem>>
    %dma_start3A_1425 = arith.constant 0 : i32
    %dma_start3A_1426 = arith.constant 0 : i32
    %dma_start3A_1427 = tpu.memref_slice %arg5[%dma_start3A_1421, %dma_start3A_1425, %dma_start3A_1426] : memref<6x1024x256xf32, #tpu.memory_space<vmem>> -> memref<1x1024x256xf32, #tpu.memory_space<vmem>>
    %dma_start3A_1428 = tpu.memref_squeeze %dma_start3A_1427 : memref<1x1024x256xf32, #tpu.memory_space<vmem>> -> memref<1024x256xf32, #tpu.memory_space<vmem>>
    %dma_start3A_1429 = arith.constant 20480 : i32
    %dma_start3A_1430 = arith.constant 0 : i32
    %dma_start3A_1431 = tpu.memref_slice %arg1[%dma_start3A_1429, %dma_start3A_1430] : memref<32768x256xf32, #tpu.memory_space<any>> -> memref<1024x256xf32, #tpu.memory_space<any>>
    tpu.enqueue_dma source(%dma_start3A_1431 : memref<1024x256xf32, #tpu.memory_space<any>>) target(%dma_start3A_1428 : memref<1024x256xf32, #tpu.memory_space<vmem>>) target_semaphore(%dma_start3A_1424 : memref<!tpu.dma_semaphore, #tpu.memory_space<semaphore_mem>>)
    %dma_wait3A_1432 = arith.constant 3 : i32
    %dma_wait3A_1433 = arith.constant 3 : i32
    %dma_wait3A_1434 = tpu.memref_slice %arg7[%dma_wait3A_1433] : memref<6x!tpu.dma_semaphore, #tpu.memory_space<semaphore_mem>> -> memref<1x!tpu.dma_semaphore, #tpu.memory_space<semaphore_mem>>
    %dma_wait3A_1435 = tpu.memref_squeeze %dma_wait3A_1434 : memref<1x!tpu.dma_semaphore, #tpu.memory_space<semaphore_mem>> -> memref<!tpu.dma_semaphore, #tpu.memory_space<semaphore_mem>>
    %dma_wait3A_1436 = arith.constant 0 : i32
    %dma_wait3A_1437 = arith.constant 0 : i32
    %dma_wait3A_1438 = tpu.memref_slice %arg4[%dma_wait3A_1432, %dma_wait3A_1436, %dma_wait3A_1437] : memref<6x1024x256xf32, #tpu.memory_space<vmem>> -> memref<1x1024x256xf32, #tpu.memory_space<vmem>>
    %dma_wait3A_1439 = tpu.memref_squeeze %dma_wait3A_1438 : memref<1x1024x256xf32, #tpu.memory_space<vmem>> -> memref<1024x256xf32, #tpu.memory_space<vmem>>
    %dma_wait3A_1440 = arith.constant 0 : i32
    %dma_wait3A_1441 = arith.constant 0 : i32
    %dma_wait3A_1442 = tpu.memref_slice %arg0[%dma_wait3A_1440, %dma_wait3A_1441] : memref<32768x256xf32, #tpu.memory_space<any>> -> memref<1024x256xf32, #tpu.memory_space<any>>
    tpu.wait_dma2 semaphore(%dma_wait3A_1435 : memref<!tpu.dma_semaphore, #tpu.memory_space<semaphore_mem>>) src(%dma_wait3A_1442 : memref<1024x256xf32, #tpu.memory_space<any>>) dst(%dma_wait3A_1439 : memref<1024x256xf32, #tpu.memory_space<vmem>>)
    %dma_wait3A_1443 = arith.constant 3 : i32
    %dma_wait3A_1444 = arith.constant 3 : i32
    %dma_wait3A_1445 = tpu.memref_slice %arg7[%dma_wait3A_1444] : memref<6x!tpu.dma_semaphore, #tpu.memory_space<semaphore_mem>> -> memref<1x!tpu.dma_semaphore, #tpu.memory_space<semaphore_mem>>
    %dma_wait3A_1446 = tpu.memref_squeeze %dma_wait3A_1445 : memref<1x!tpu.dma_semaphore, #tpu.memory_space<semaphore_mem>> -> memref<!tpu.dma_semaphore, #tpu.memory_space<semaphore_mem>>
    %dma_wait3A_1447 = arith.constant 0 : i32
    %dma_wait3A_1448 = arith.constant 0 : i32
    %dma_wait3A_1449 = tpu.memref_slice %arg5[%dma_wait3A_1443, %dma_wait3A_1447, %dma_wait3A_1448] : memref<6x1024x256xf32, #tpu.memory_space<vmem>> -> memref<1x1024x256xf32, #tpu.memory_space<vmem>>
    %dma_wait3A_1450 = tpu.memref_squeeze %dma_wait3A_1449 : memref<1x1024x256xf32, #tpu.memory_space<vmem>> -> memref<1024x256xf32, #tpu.memory_space<vmem>>
    %dma_wait3A_1451 = arith.constant 0 : i32
    %dma_wait3A_1452 = arith.constant 0 : i32
    %dma_wait3A_1453 = tpu.memref_slice %arg1[%dma_wait3A_1451, %dma_wait3A_1452] : memref<32768x256xf32, #tpu.memory_space<any>> -> memref<1024x256xf32, #tpu.memory_space<any>>
    tpu.wait_dma2 semaphore(%dma_wait3A_1446 : memref<!tpu.dma_semaphore, #tpu.memory_space<semaphore_mem>>) src(%dma_wait3A_1453 : memref<1024x256xf32, #tpu.memory_space<any>>) dst(%dma_wait3A_1450 : memref<1024x256xf32, #tpu.memory_space<vmem>>)
    %dma_wait3A_1454 = arith.constant 3 : i32
    %dma_wait3A_1455 = arith.constant 3 : i32
    %dma_wait3A_1456 = tpu.memref_slice %arg8[%dma_wait3A_1455] : memref<6x!tpu.dma_semaphore, #tpu.memory_space<semaphore_mem>> -> memref<1x!tpu.dma_semaphore, #tpu.memory_space<semaphore_mem>>
    %dma_wait3A_1457 = tpu.memref_squeeze %dma_wait3A_1456 : memref<1x!tpu.dma_semaphore, #tpu.memory_space<semaphore_mem>> -> memref<!tpu.dma_semaphore, #tpu.memory_space<semaphore_mem>>
    %dma_wait3A_1458 = arith.constant 0 : i32
    %dma_wait3A_1459 = arith.constant 0 : i32
    %dma_wait3A_1460 = tpu.memref_slice %arg3[%dma_wait3A_1458, %dma_wait3A_1459] : memref<32768x256xf32, #tpu.memory_space<any>> -> memref<1024x256xf32, #tpu.memory_space<any>>
    %dma_wait3A_1461 = arith.constant 0 : i32
    %dma_wait3A_1462 = arith.constant 0 : i32
    %dma_wait3A_1463 = tpu.memref_slice %arg6[%dma_wait3A_1454, %dma_wait3A_1461, %dma_wait3A_1462] : memref<6x1024x256xf32, #tpu.memory_space<vmem>> -> memref<1x1024x256xf32, #tpu.memory_space<vmem>>
    %dma_wait3A_1464 = tpu.memref_squeeze %dma_wait3A_1463 : memref<1x1024x256xf32, #tpu.memory_space<vmem>> -> memref<1024x256xf32, #tpu.memory_space<vmem>>
    tpu.wait_dma2 semaphore(%dma_wait3A_1457 : memref<!tpu.dma_semaphore, #tpu.memory_space<semaphore_mem>>) src(%dma_wait3A_1464 : memref<1024x256xf32, #tpu.memory_space<vmem>>) dst(%dma_wait3A_1460 : memref<1024x256xf32, #tpu.memory_space<any>>)
    %get3A_1465 = arith.constant 3 : index
    %get3A_1466 = arith.constant 0 : index
    %get3A_1467 = arith.constant 0 : index
    %get3A_1468 = vector.load %arg5[%get3A_1465, %get3A_1466, %get3A_1467] : memref<6x1024x256xf32, #tpu.memory_space<vmem>>, vector<1x1024x256xf32>
    %get3A_1469 = vector.shape_cast %get3A_1468 : vector<1x1024x256xf32> to vector<1024x256xf32>
    %get3A_1470 = arith.constant 3 : index
    %get3A_1471 = arith.constant 0 : index
    %get3A_1472 = arith.constant 0 : index
    %get3A_1473 = vector.load %arg4[%get3A_1470, %get3A_1471, %get3A_1472] : memref<6x1024x256xf32, #tpu.memory_space<vmem>>, vector<1x1024x256xf32>
    %get3A_1474 = vector.shape_cast %get3A_1473 : vector<1x1024x256xf32> to vector<1024x256xf32>
    %get3A_1475 = arith.constant 3 : index
    %get3A_1476 = arith.constant 0 : index
    %get3A_1477 = arith.constant 0 : index
    %get3A_1478 = vector.load %arg5[%get3A_1475, %get3A_1476, %get3A_1477] : memref<6x1024x256xf32, #tpu.memory_space<vmem>>, vector<1x1024x256xf32>
    %get3A_1479 = vector.shape_cast %get3A_1478 : vector<1x1024x256xf32> to vector<1024x256xf32>
    %sub3A_1480 = arith.subf %get3A_1474, %get3A_1479 : vector<1024x256xf32>
    %mul3A_1481 = vector.broadcast %logistic3A_6 : vector<1x256xf32> to vector<1024x256xf32>
    %mul3A_1482 = arith.mulf %mul3A_1481, %sub3A_1480 : vector<1024x256xf32>
    %add3A_1483 = arith.addf %get3A_1469, %mul3A_1482 : vector<1024x256xf32>
    %swap3A_1484 = arith.constant 3 : index
    %swap3A_1485 = arith.constant 0 : index
    %swap3A_1486 = arith.constant 0 : index
    %swap3A_1487 = vector.load %arg6[%swap3A_1484, %swap3A_1485, %swap3A_1486] : memref<6x1024x256xf32, #tpu.memory_space<vmem>>, vector<1x1024x256xf32>
    %swap3A_1488 = vector.shape_cast %swap3A_1487 : vector<1x1024x256xf32> to vector<1024x256xf32>
    %swap3A_1489 = vector.shape_cast %add3A_1483 : vector<1024x256xf32> to vector<1x1024x256xf32>
    tpu.vector_store %arg6[%swap3A_1484, %swap3A_1485, %swap3A_1486], %swap3A_1489 {strides = array<i32>} : memref<6x1024x256xf32, #tpu.memory_space<vmem>>, vector<1x1024x256xf32>,
    %dma_start3A_1490 = arith.constant 3 : i32
    %dma_start3A_1491 = arith.constant 3 : i32
    %dma_start3A_1492 = tpu.memref_slice %arg8[%dma_start3A_1491] : memref<6x!tpu.dma_semaphore, #tpu.memory_space<semaphore_mem>> -> memref<1x!tpu.dma_semaphore, #tpu.memory_space<semaphore_mem>>
    %dma_start3A_1493 = tpu.memref_squeeze %dma_start3A_1492 : memref<1x!tpu.dma_semaphore, #tpu.memory_space<semaphore_mem>> -> memref<!tpu.dma_semaphore, #tpu.memory_space<semaphore_mem>>
    %dma_start3A_1494 = arith.constant 15360 : i32
    %dma_start3A_1495 = arith.constant 0 : i32
    %dma_start3A_1496 = tpu.memref_slice %arg3[%dma_start3A_1494, %dma_start3A_1495] : memref<32768x256xf32, #tpu.memory_space<any>> -> memref<1024x256xf32, #tpu.memory_space<any>>
    %dma_start3A_1497 = arith.constant 0 : i32
    %dma_start3A_1498 = arith.constant 0 : i32
    %dma_start3A_1499 = tpu.memref_slice %arg6[%dma_start3A_1490, %dma_start3A_1497, %dma_start3A_1498] : memref<6x1024x256xf32, #tpu.memory_space<vmem>> -> memref<1x1024x256xf32, #tpu.memory_space<vmem>>
    %dma_start3A_1500 = tpu.memref_squeeze %dma_start3A_1499 : memref<1x1024x256xf32, #tpu.memory_space<vmem>> -> memref<1024x256xf32, #tpu.memory_space<vmem>>
    tpu.enqueue_dma source(%dma_start3A_1500 : memref<1024x256xf32, #tpu.memory_space<vmem>>) target(%dma_start3A_1496 : memref<1024x256xf32, #tpu.memory_space<any>>) target_semaphore(%dma_start3A_1493 : memref<!tpu.dma_semaphore, #tpu.memory_space<semaphore_mem>>)
    %dma_start3A_1501 = arith.constant 3 : i32
    %dma_start3A_1502 = arith.constant 3 : i32
    %dma_start3A_1503 = tpu.memref_slice %arg7[%dma_start3A_1502] : memref<6x!tpu.dma_semaphore, #tpu.memory_space<semaphore_mem>> -> memref<1x!tpu.dma_semaphore, #tpu.memory_space<semaphore_mem>>
    %dma_start3A_1504 = tpu.memref_squeeze %dma_start3A_1503 : memref<1x!tpu.dma_semaphore, #tpu.memory_space<semaphore_mem>> -> memref<!tpu.dma_semaphore, #tpu.memory_space<semaphore_mem>>
    %dma_start3A_1505 = arith.constant 0 : i32
    %dma_start3A_1506 = arith.constant 0 : i32
    %dma_start3A_1507 = tpu.memref_slice %arg4[%dma_start3A_1501, %dma_start3A_1505, %dma_start3A_1506] : memref<6x1024x256xf32, #tpu.memory_space<vmem>> -> memref<1x1024x256xf32, #tpu.memory_space<vmem>>
    %dma_start3A_1508 = tpu.memref_squeeze %dma_start3A_1507 : memref<1x1024x256xf32, #tpu.memory_space<vmem>> -> memref<1024x256xf32, #tpu.memory_space<vmem>>
    %dma_start3A_1509 = arith.constant 21504 : i32
    %dma_start3A_1510 = arith.constant 0 : i32
    %dma_start3A_1511 = tpu.memref_slice %arg0[%dma_start3A_1509, %dma_start3A_1510] : memref<32768x256xf32, #tpu.memory_space<any>> -> memref<1024x256xf32, #tpu.memory_space<any>>
    tpu.enqueue_dma source(%dma_start3A_1511 : memref<1024x256xf32, #tpu.memory_space<any>>) target(%dma_start3A_1508 : memref<1024x256xf32, #tpu.memory_space<vmem>>) target_semaphore(%dma_start3A_1504 : memref<!tpu.dma_semaphore, #tpu.memory_space<semaphore_mem>>)
    %dma_start3A_1512 = arith.constant 3 : i32
    %dma_start3A_1513 = arith.constant 3 : i32
    %dma_start3A_1514 = tpu.memref_slice %arg7[%dma_start3A_1513] : memref<6x!tpu.dma_semaphore, #tpu.memory_space<semaphore_mem>> -> memref<1x!tpu.dma_semaphore, #tpu.memory_space<semaphore_mem>>
    %dma_start3A_1515 = tpu.memref_squeeze %dma_start3A_1514 : memref<1x!tpu.dma_semaphore, #tpu.memory_space<semaphore_mem>> -> memref<!tpu.dma_semaphore, #tpu.memory_space<semaphore_mem>>
    %dma_start3A_1516 = arith.constant 0 : i32
    %dma_start3A_1517 = arith.constant 0 : i32
    %dma_start3A_1518 = tpu.memref_slice %arg5[%dma_start3A_1512, %dma_start3A_1516, %dma_start3A_1517] : memref<6x1024x256xf32, #tpu.memory_space<vmem>> -> memref<1x1024x256xf32, #tpu.memory_space<vmem>>
    %dma_start3A_1519 = tpu.memref_squeeze %dma_start3A_1518 : memref<1x1024x256xf32, #tpu.memory_space<vmem>> -> memref<1024x256xf32, #tpu.memory_space<vmem>>
    %dma_start3A_1520 = arith.constant 21504 : i32
    %dma_start3A_1521 = arith.constant 0 : i32
    %dma_start3A_1522 = tpu.memref_slice %arg1[%dma_start3A_1520, %dma_start3A_1521] : memref<32768x256xf32, #tpu.memory_space<any>> -> memref<1024x256xf32, #tpu.memory_space<any>>
    tpu.enqueue_dma source(%dma_start3A_1522 : memref<1024x256xf32, #tpu.memory_space<any>>) target(%dma_start3A_1519 : memref<1024x256xf32, #tpu.memory_space<vmem>>) target_semaphore(%dma_start3A_1515 : memref<!tpu.dma_semaphore, #tpu.memory_space<semaphore_mem>>)
    %dma_wait3A_1523 = arith.constant 4 : i32
    %dma_wait3A_1524 = arith.constant 4 : i32
    %dma_wait3A_1525 = tpu.memref_slice %arg7[%dma_wait3A_1524] : memref<6x!tpu.dma_semaphore, #tpu.memory_space<semaphore_mem>> -> memref<1x!tpu.dma_semaphore, #tpu.memory_space<semaphore_mem>>
    %dma_wait3A_1526 = tpu.memref_squeeze %dma_wait3A_1525 : memref<1x!tpu.dma_semaphore, #tpu.memory_space<semaphore_mem>> -> memref<!tpu.dma_semaphore, #tpu.memory_space<semaphore_mem>>
    %dma_wait3A_1527 = arith.constant 0 : i32
    %dma_wait3A_1528 = arith.constant 0 : i32
    %dma_wait3A_1529 = tpu.memref_slice %arg4[%dma_wait3A_1523, %dma_wait3A_1527, %dma_wait3A_1528] : memref<6x1024x256xf32, #tpu.memory_space<vmem>> -> memref<1x1024x256xf32, #tpu.memory_space<vmem>>
    %dma_wait3A_1530 = tpu.memref_squeeze %dma_wait3A_1529 : memref<1x1024x256xf32, #tpu.memory_space<vmem>> -> memref<1024x256xf32, #tpu.memory_space<vmem>>
    %dma_wait3A_1531 = arith.constant 0 : i32
    %dma_wait3A_1532 = arith.constant 0 : i32
    %dma_wait3A_1533 = tpu.memref_slice %arg0[%dma_wait3A_1531, %dma_wait3A_1532] : memref<32768x256xf32, #tpu.memory_space<any>> -> memref<1024x256xf32, #tpu.memory_space<any>>
    tpu.wait_dma2 semaphore(%dma_wait3A_1526 : memref<!tpu.dma_semaphore, #tpu.memory_space<semaphore_mem>>) src(%dma_wait3A_1533 : memref<1024x256xf32, #tpu.memory_space<any>>) dst(%dma_wait3A_1530 : memref<1024x256xf32, #tpu.memory_space<vmem>>)
    %dma_wait3A_1534 = arith.constant 4 : i32
    %dma_wait3A_1535 = arith.constant 4 : i32
    %dma_wait3A_1536 = tpu.memref_slice %arg7[%dma_wait3A_1535] : memref<6x!tpu.dma_semaphore, #tpu.memory_space<semaphore_mem>> -> memref<1x!tpu.dma_semaphore, #tpu.memory_space<semaphore_mem>>
    %dma_wait3A_1537 = tpu.memref_squeeze %dma_wait3A_1536 : memref<1x!tpu.dma_semaphore, #tpu.memory_space<semaphore_mem>> -> memref<!tpu.dma_semaphore, #tpu.memory_space<semaphore_mem>>
    %dma_wait3A_1538 = arith.constant 0 : i32
    %dma_wait3A_1539 = arith.constant 0 : i32
    %dma_wait3A_1540 = tpu.memref_slice %arg5[%dma_wait3A_1534, %dma_wait3A_1538, %dma_wait3A_1539] : memref<6x1024x256xf32, #tpu.memory_space<vmem>> -> memref<1x1024x256xf32, #tpu.memory_space<vmem>>
    %dma_wait3A_1541 = tpu.memref_squeeze %dma_wait3A_1540 : memref<1x1024x256xf32, #tpu.memory_space<vmem>> -> memref<1024x256xf32, #tpu.memory_space<vmem>>
    %dma_wait3A_1542 = arith.constant 0 : i32
    %dma_wait3A_1543 = arith.constant 0 : i32
    %dma_wait3A_1544 = tpu.memref_slice %arg1[%dma_wait3A_1542, %dma_wait3A_1543] : memref<32768x256xf32, #tpu.memory_space<any>> -> memref<1024x256xf32, #tpu.memory_space<any>>
    tpu.wait_dma2 semaphore(%dma_wait3A_1537 : memref<!tpu.dma_semaphore, #tpu.memory_space<semaphore_mem>>) src(%dma_wait3A_1544 : memref<1024x256xf32, #tpu.memory_space<any>>) dst(%dma_wait3A_1541 : memref<1024x256xf32, #tpu.memory_space<vmem>>)
    %dma_wait3A_1545 = arith.constant 4 : i32
    %dma_wait3A_1546 = arith.constant 4 : i32
    %dma_wait3A_1547 = tpu.memref_slice %arg8[%dma_wait3A_1546] : memref<6x!tpu.dma_semaphore, #tpu.memory_space<semaphore_mem>> -> memref<1x!tpu.dma_semaphore, #tpu.memory_space<semaphore_mem>>
    %dma_wait3A_1548 = tpu.memref_squeeze %dma_wait3A_1547 : memref<1x!tpu.dma_semaphore, #tpu.memory_space<semaphore_mem>> -> memref<!tpu.dma_semaphore, #tpu.memory_space<semaphore_mem>>
    %dma_wait3A_1549 = arith.constant 0 : i32
    %dma_wait3A_1550 = arith.constant 0 : i32
    %dma_wait3A_1551 = tpu.memref_slice %arg3[%dma_wait3A_1549, %dma_wait3A_1550] : memref<32768x256xf32, #tpu.memory_space<any>> -> memref<1024x256xf32, #tpu.memory_space<any>>
    %dma_wait3A_1552 = arith.constant 0 : i32
    %dma_wait3A_1553 = arith.constant 0 : i32
    %dma_wait3A_1554 = tpu.memref_slice %arg6[%dma_wait3A_1545, %dma_wait3A_1552, %dma_wait3A_1553] : memref<6x1024x256xf32, #tpu.memory_space<vmem>> -> memref<1x1024x256xf32, #tpu.memory_space<vmem>>
    %dma_wait3A_1555 = tpu.memref_squeeze %dma_wait3A_1554 : memref<1x1024x256xf32, #tpu.memory_space<vmem>> -> memref<1024x256xf32, #tpu.memory_space<vmem>>
    tpu.wait_dma2 semaphore(%dma_wait3A_1548 : memref<!tpu.dma_semaphore, #tpu.memory_space<semaphore_mem>>) src(%dma_wait3A_1555 : memref<1024x256xf32, #tpu.memory_space<vmem>>) dst(%dma_wait3A_1551 : memref<1024x256xf32, #tpu.memory_space<any>>)
    %get3A_1556 = arith.constant 4 : index
    %get3A_1557 = arith.constant 0 : index
    %get3A_1558 = arith.constant 0 : index
    %get3A_1559 = vector.load %arg5[%get3A_1556, %get3A_1557, %get3A_1558] : memref<6x1024x256xf32, #tpu.memory_space<vmem>>, vector<1x1024x256xf32>
    %get3A_1560 = vector.shape_cast %get3A_1559 : vector<1x1024x256xf32> to vector<1024x256xf32>
    %get3A_1561 = arith.constant 4 : index
    %get3A_1562 = arith.constant 0 : index
    %get3A_1563 = arith.constant 0 : index
    %get3A_1564 = vector.load %arg4[%get3A_1561, %get3A_1562, %get3A_1563] : memref<6x1024x256xf32, #tpu.memory_space<vmem>>, vector<1x1024x256xf32>
    %get3A_1565 = vector.shape_cast %get3A_1564 : vector<1x1024x256xf32> to vector<1024x256xf32>
    %get3A_1566 = arith.constant 4 : index
    %get3A_1567 = arith.constant 0 : index
    %get3A_1568 = arith.constant 0 : index
    %get3A_1569 = vector.load %arg5[%get3A_1566, %get3A_1567, %get3A_1568] : memref<6x1024x256xf32, #tpu.memory_space<vmem>>, vector<1x1024x256xf32>
    %get3A_1570 = vector.shape_cast %get3A_1569 : vector<1x1024x256xf32> to vector<1024x256xf32>
    %sub3A_1571 = arith.subf %get3A_1565, %get3A_1570 : vector<1024x256xf32>
    %mul3A_1572 = vector.broadcast %logistic3A_6 : vector<1x256xf32> to vector<1024x256xf32>
    %mul3A_1573 = arith.mulf %mul3A_1572, %sub3A_1571 : vector<1024x256xf32>
    %add3A_1574 = arith.addf %get3A_1560, %mul3A_1573 : vector<1024x256xf32>
    %swap3A_1575 = arith.constant 4 : index
    %swap3A_1576 = arith.constant 0 : index
    %swap3A_1577 = arith.constant 0 : index
    %swap3A_1578 = vector.load %arg6[%swap3A_1575, %swap3A_1576, %swap3A_1577] : memref<6x1024x256xf32, #tpu.memory_space<vmem>>, vector<1x1024x256xf32>
    %swap3A_1579 = vector.shape_cast %swap3A_1578 : vector<1x1024x256xf32> to vector<1024x256xf32>
    %swap3A_1580 = vector.shape_cast %add3A_1574 : vector<1024x256xf32> to vector<1x1024x256xf32>
    tpu.vector_store %arg6[%swap3A_1575, %swap3A_1576, %swap3A_1577], %swap3A_1580 {strides = array<i32>} : memref<6x1024x256xf32, #tpu.memory_space<vmem>>, vector<1x1024x256xf32>,
    %dma_start3A_1581 = arith.constant 4 : i32
    %dma_start3A_1582 = arith.constant 4 : i32
    %dma_start3A_1583 = tpu.memref_slice %arg8[%dma_start3A_1582] : memref<6x!tpu.dma_semaphore, #tpu.memory_space<semaphore_mem>> -> memref<1x!tpu.dma_semaphore, #tpu.memory_space<semaphore_mem>>
    %dma_start3A_1584 = tpu.memref_squeeze %dma_start3A_1583 : memref<1x!tpu.dma_semaphore, #tpu.memory_space<semaphore_mem>> -> memref<!tpu.dma_semaphore, #tpu.memory_space<semaphore_mem>>
    %dma_start3A_1585 = arith.constant 16384 : i32
    %dma_start3A_1586 = arith.constant 0 : i32
    %dma_start3A_1587 = tpu.memref_slice %arg3[%dma_start3A_1585, %dma_start3A_1586] : memref<32768x256xf32, #tpu.memory_space<any>> -> memref<1024x256xf32, #tpu.memory_space<any>>
    %dma_start3A_1588 = arith.constant 0 : i32
    %dma_start3A_1589 = arith.constant 0 : i32
    %dma_start3A_1590 = tpu.memref_slice %arg6[%dma_start3A_1581, %dma_start3A_1588, %dma_start3A_1589] : memref<6x1024x256xf32, #tpu.memory_space<vmem>> -> memref<1x1024x256xf32, #tpu.memory_space<vmem>>
    %dma_start3A_1591 = tpu.memref_squeeze %dma_start3A_1590 : memref<1x1024x256xf32, #tpu.memory_space<vmem>> -> memref<1024x256xf32, #tpu.memory_space<vmem>>
    tpu.enqueue_dma source(%dma_start3A_1591 : memref<1024x256xf32, #tpu.memory_space<vmem>>) target(%dma_start3A_1587 : memref<1024x256xf32, #tpu.memory_space<any>>) target_semaphore(%dma_start3A_1584 : memref<!tpu.dma_semaphore, #tpu.memory_space<semaphore_mem>>)
    %dma_start3A_1592 = arith.constant 4 : i32
    %dma_start3A_1593 = arith.constant 4 : i32
    %dma_start3A_1594 = tpu.memref_slice %arg7[%dma_start3A_1593] : memref<6x!tpu.dma_semaphore, #tpu.memory_space<semaphore_mem>> -> memref<1x!tpu.dma_semaphore, #tpu.memory_space<semaphore_mem>>
    %dma_start3A_1595 = tpu.memref_squeeze %dma_start3A_1594 : memref<1x!tpu.dma_semaphore, #tpu.memory_space<semaphore_mem>> -> memref<!tpu.dma_semaphore, #tpu.memory_space<semaphore_mem>>
    %dma_start3A_1596 = arith.constant 0 : i32
    %dma_start3A_1597 = arith.constant 0 : i32
    %dma_start3A_1598 = tpu.memref_slice %arg4[%dma_start3A_1592, %dma_start3A_1596, %dma_start3A_1597] : memref<6x1024x256xf32, #tpu.memory_space<vmem>> -> memref<1x1024x256xf32, #tpu.memory_space<vmem>>
    %dma_start3A_1599 = tpu.memref_squeeze %dma_start3A_1598 : memref<1x1024x256xf32, #tpu.memory_space<vmem>> -> memref<1024x256xf32, #tpu.memory_space<vmem>>
    %dma_start3A_1600 = arith.constant 22528 : i32
    %dma_start3A_1601 = arith.constant 0 : i32
    %dma_start3A_1602 = tpu.memref_slice %arg0[%dma_start3A_1600, %dma_start3A_1601] : memref<32768x256xf32, #tpu.memory_space<any>> -> memref<1024x256xf32, #tpu.memory_space<any>>
    tpu.enqueue_dma source(%dma_start3A_1602 : memref<1024x256xf32, #tpu.memory_space<any>>) target(%dma_start3A_1599 : memref<1024x256xf32, #tpu.memory_space<vmem>>) target_semaphore(%dma_start3A_1595 : memref<!tpu.dma_semaphore, #tpu.memory_space<semaphore_mem>>)
    %dma_start3A_1603 = arith.constant 4 : i32
    %dma_start3A_1604 = arith.constant 4 : i32
    %dma_start3A_1605 = tpu.memref_slice %arg7[%dma_start3A_1604] : memref<6x!tpu.dma_semaphore, #tpu.memory_space<semaphore_mem>> -> memref<1x!tpu.dma_semaphore, #tpu.memory_space<semaphore_mem>>
    %dma_start3A_1606 = tpu.memref_squeeze %dma_start3A_1605 : memref<1x!tpu.dma_semaphore, #tpu.memory_space<semaphore_mem>> -> memref<!tpu.dma_semaphore, #tpu.memory_space<semaphore_mem>>
    %dma_start3A_1607 = arith.constant 0 : i32
    %dma_start3A_1608 = arith.constant 0 : i32
    %dma_start3A_1609 = tpu.memref_slice %arg5[%dma_start3A_1603, %dma_start3A_1607, %dma_start3A_1608] : memref<6x1024x256xf32, #tpu.memory_space<vmem>> -> memref<1x1024x256xf32, #tpu.memory_space<vmem>>
    %dma_start3A_1610 = tpu.memref_squeeze %dma_start3A_1609 : memref<1x1024x256xf32, #tpu.memory_space<vmem>> -> memref<1024x256xf32, #tpu.memory_space<vmem>>
    %dma_start3A_1611 = arith.constant 22528 : i32
    %dma_start3A_1612 = arith.constant 0 : i32
    %dma_start3A_1613 = tpu.memref_slice %arg1[%dma_start3A_1611, %dma_start3A_1612] : memref<32768x256xf32, #tpu.memory_space<any>> -> memref<1024x256xf32, #tpu.memory_space<any>>
    tpu.enqueue_dma source(%dma_start3A_1613 : memref<1024x256xf32, #tpu.memory_space<any>>) target(%dma_start3A_1610 : memref<1024x256xf32, #tpu.memory_space<vmem>>) target_semaphore(%dma_start3A_1606 : memref<!tpu.dma_semaphore, #tpu.memory_space<semaphore_mem>>)
    %dma_wait3A_1614 = arith.constant 5 : i32
    %dma_wait3A_1615 = arith.constant 5 : i32
    %dma_wait3A_1616 = tpu.memref_slice %arg7[%dma_wait3A_1615] : memref<6x!tpu.dma_semaphore, #tpu.memory_space<semaphore_mem>> -> memref<1x!tpu.dma_semaphore, #tpu.memory_space<semaphore_mem>>
    %dma_wait3A_1617 = tpu.memref_squeeze %dma_wait3A_1616 : memref<1x!tpu.dma_semaphore, #tpu.memory_space<semaphore_mem>> -> memref<!tpu.dma_semaphore, #tpu.memory_space<semaphore_mem>>
    %dma_wait3A_1618 = arith.constant 0 : i32
    %dma_wait3A_1619 = arith.constant 0 : i32
    %dma_wait3A_1620 = tpu.memref_slice %arg4[%dma_wait3A_1614, %dma_wait3A_1618, %dma_wait3A_1619] : memref<6x1024x256xf32, #tpu.memory_space<vmem>> -> memref<1x1024x256xf32, #tpu.memory_space<vmem>>
    %dma_wait3A_1621 = tpu.memref_squeeze %dma_wait3A_1620 : memref<1x1024x256xf32, #tpu.memory_space<vmem>> -> memref<1024x256xf32, #tpu.memory_space<vmem>>
    %dma_wait3A_1622 = arith.constant 0 : i32
    %dma_wait3A_1623 = arith.constant 0 : i32
    %dma_wait3A_1624 = tpu.memref_slice %arg0[%dma_wait3A_1622, %dma_wait3A_1623] : memref<32768x256xf32, #tpu.memory_space<any>> -> memref<1024x256xf32, #tpu.memory_space<any>>
    tpu.wait_dma2 semaphore(%dma_wait3A_1617 : memref<!tpu.dma_semaphore, #tpu.memory_space<semaphore_mem>>) src(%dma_wait3A_1624 : memref<1024x256xf32, #tpu.memory_space<any>>) dst(%dma_wait3A_1621 : memref<1024x256xf32, #tpu.memory_space<vmem>>)
    %dma_wait3A_1625 = arith.constant 5 : i32
    %dma_wait3A_1626 = arith.constant 5 : i32
    %dma_wait3A_1627 = tpu.memref_slice %arg7[%dma_wait3A_1626] : memref<6x!tpu.dma_semaphore, #tpu.memory_space<semaphore_mem>> -> memref<1x!tpu.dma_semaphore, #tpu.memory_space<semaphore_mem>>
    %dma_wait3A_1628 = tpu.memref_squeeze %dma_wait3A_1627 : memref<1x!tpu.dma_semaphore, #tpu.memory_space<semaphore_mem>> -> memref<!tpu.dma_semaphore, #tpu.memory_space<semaphore_mem>>
    %dma_wait3A_1629 = arith.constant 0 : i32
    %dma_wait3A_1630 = arith.constant 0 : i32
    %dma_wait3A_1631 = tpu.memref_slice %arg5[%dma_wait3A_1625, %dma_wait3A_1629, %dma_wait3A_1630] : memref<6x1024x256xf32, #tpu.memory_space<vmem>> -> memref<1x1024x256xf32, #tpu.memory_space<vmem>>
    %dma_wait3A_1632 = tpu.memref_squeeze %dma_wait3A_1631 : memref<1x1024x256xf32, #tpu.memory_space<vmem>> -> memref<1024x256xf32, #tpu.memory_space<vmem>>
    %dma_wait3A_1633 = arith.constant 0 : i32
    %dma_wait3A_1634 = arith.constant 0 : i32
    %dma_wait3A_1635 = tpu.memref_slice %arg1[%dma_wait3A_1633, %dma_wait3A_1634] : memref<32768x256xf32, #tpu.memory_space<any>> -> memref<1024x256xf32, #tpu.memory_space<any>>
    tpu.wait_dma2 semaphore(%dma_wait3A_1628 : memref<!tpu.dma_semaphore, #tpu.memory_space<semaphore_mem>>) src(%dma_wait3A_1635 : memref<1024x256xf32, #tpu.memory_space<any>>) dst(%dma_wait3A_1632 : memref<1024x256xf32, #tpu.memory_space<vmem>>)
    %dma_wait3A_1636 = arith.constant 5 : i32
    %dma_wait3A_1637 = arith.constant 5 : i32
    %dma_wait3A_1638 = tpu.memref_slice %arg8[%dma_wait3A_1637] : memref<6x!tpu.dma_semaphore, #tpu.memory_space<semaphore_mem>> -> memref<1x!tpu.dma_semaphore, #tpu.memory_space<semaphore_mem>>
    %dma_wait3A_1639 = tpu.memref_squeeze %dma_wait3A_1638 : memref<1x!tpu.dma_semaphore, #tpu.memory_space<semaphore_mem>> -> memref<!tpu.dma_semaphore, #tpu.memory_space<semaphore_mem>>
    %dma_wait3A_1640 = arith.constant 0 : i32
    %dma_wait3A_1641 = arith.constant 0 : i32
    %dma_wait3A_1642 = tpu.memref_slice %arg3[%dma_wait3A_1640, %dma_wait3A_1641] : memref<32768x256xf32, #tpu.memory_space<any>> -> memref<1024x256xf32, #tpu.memory_space<any>>
    %dma_wait3A_1643 = arith.constant 0 : i32
    %dma_wait3A_1644 = arith.constant 0 : i32
    %dma_wait3A_1645 = tpu.memref_slice %arg6[%dma_wait3A_1636, %dma_wait3A_1643, %dma_wait3A_1644] : memref<6x1024x256xf32, #tpu.memory_space<vmem>> -> memref<1x1024x256xf32, #tpu.memory_space<vmem>>
    %dma_wait3A_1646 = tpu.memref_squeeze %dma_wait3A_1645 : memref<1x1024x256xf32, #tpu.memory_space<vmem>> -> memref<1024x256xf32, #tpu.memory_space<vmem>>
    tpu.wait_dma2 semaphore(%dma_wait3A_1639 : memref<!tpu.dma_semaphore, #tpu.memory_space<semaphore_mem>>) src(%dma_wait3A_1646 : memref<1024x256xf32, #tpu.memory_space<vmem>>) dst(%dma_wait3A_1642 : memref<1024x256xf32, #tpu.memory_space<any>>)
    %get3A_1647 = arith.constant 5 : index
    %get3A_1648 = arith.constant 0 : index
    %get3A_1649 = arith.constant 0 : index
    %get3A_1650 = vector.load %arg5[%get3A_1647, %get3A_1648, %get3A_1649] : memref<6x1024x256xf32, #tpu.memory_space<vmem>>, vector<1x1024x256xf32>
    %get3A_1651 = vector.shape_cast %get3A_1650 : vector<1x1024x256xf32> to vector<1024x256xf32>
    %get3A_1652 = arith.constant 5 : index
    %get3A_1653 = arith.constant 0 : index
    %get3A_1654 = arith.constant 0 : index
    %get3A_1655 = vector.load %arg4[%get3A_1652, %get3A_1653, %get3A_1654] : memref<6x1024x256xf32, #tpu.memory_space<vmem>>, vector<1x1024x256xf32>
    %get3A_1656 = vector.shape_cast %get3A_1655 : vector<1x1024x256xf32> to vector<1024x256xf32>
    %get3A_1657 = arith.constant 5 : index
    %get3A_1658 = arith.constant 0 : index
    %get3A_1659 = arith.constant 0 : index
    %get3A_1660 = vector.load %arg5[%get3A_1657, %get3A_1658, %get3A_1659] : memref<6x1024x256xf32, #tpu.memory_space<vmem>>, vector<1x1024x256xf32>
    %get3A_1661 = vector.shape_cast %get3A_1660 : vector<1x1024x256xf32> to vector<1024x256xf32>
    %sub3A_1662 = arith.subf %get3A_1656, %get3A_1661 : vector<1024x256xf32>
    %mul3A_1663 = vector.broadcast %logistic3A_6 : vector<1x256xf32> to vector<1024x256xf32>
    %mul3A_1664 = arith.mulf %mul3A_1663, %sub3A_1662 : vector<1024x256xf32>
    %add3A_1665 = arith.addf %get3A_1651, %mul3A_1664 : vector<1024x256xf32>
    %swap3A_1666 = arith.constant 5 : index
    %swap3A_1667 = arith.constant 0 : index
    %swap3A_1668 = arith.constant 0 : index
    %swap3A_1669 = vector.load %arg6[%swap3A_1666, %swap3A_1667, %swap3A_1668] : memref<6x1024x256xf32, #tpu.memory_space<vmem>>, vector<1x1024x256xf32>
    %swap3A_1670 = vector.shape_cast %swap3A_1669 : vector<1x1024x256xf32> to vector<1024x256xf32>
    %swap3A_1671 = vector.shape_cast %add3A_1665 : vector<1024x256xf32> to vector<1x1024x256xf32>
    tpu.vector_store %arg6[%swap3A_1666, %swap3A_1667, %swap3A_1668], %swap3A_1671 {strides = array<i32>} : memref<6x1024x256xf32, #tpu.memory_space<vmem>>, vector<1x1024x256xf32>,
    %dma_start3A_1672 = arith.constant 5 : i32
    %dma_start3A_1673 = arith.constant 5 : i32
    %dma_start3A_1674 = tpu.memref_slice %arg8[%dma_start3A_1673] : memref<6x!tpu.dma_semaphore, #tpu.memory_space<semaphore_mem>> -> memref<1x!tpu.dma_semaphore, #tpu.memory_space<semaphore_mem>>
    %dma_start3A_1675 = tpu.memref_squeeze %dma_start3A_1674 : memref<1x!tpu.dma_semaphore, #tpu.memory_space<semaphore_mem>> -> memref<!tpu.dma_semaphore, #tpu.memory_space<semaphore_mem>>
    %dma_start3A_1676 = arith.constant 17408 : i32
    %dma_start3A_1677 = arith.constant 0 : i32
    %dma_start3A_1678 = tpu.memref_slice %arg3[%dma_start3A_1676, %dma_start3A_1677] : memref<32768x256xf32, #tpu.memory_space<any>> -> memref<1024x256xf32, #tpu.memory_space<any>>
    %dma_start3A_1679 = arith.constant 0 : i32
    %dma_start3A_1680 = arith.constant 0 : i32
    %dma_start3A_1681 = tpu.memref_slice %arg6[%dma_start3A_1672, %dma_start3A_1679, %dma_start3A_1680] : memref<6x1024x256xf32, #tpu.memory_space<vmem>> -> memref<1x1024x256xf32, #tpu.memory_space<vmem>>
    %dma_start3A_1682 = tpu.memref_squeeze %dma_start3A_1681 : memref<1x1024x256xf32, #tpu.memory_space<vmem>> -> memref<1024x256xf32, #tpu.memory_space<vmem>>
    tpu.enqueue_dma source(%dma_start3A_1682 : memref<1024x256xf32, #tpu.memory_space<vmem>>) target(%dma_start3A_1678 : memref<1024x256xf32, #tpu.memory_space<any>>) target_semaphore(%dma_start3A_1675 : memref<!tpu.dma_semaphore, #tpu.memory_space<semaphore_mem>>)
    %dma_start3A_1683 = arith.constant 5 : i32
    %dma_start3A_1684 = arith.constant 5 : i32
    %dma_start3A_1685 = tpu.memref_slice %arg7[%dma_start3A_1684] : memref<6x!tpu.dma_semaphore, #tpu.memory_space<semaphore_mem>> -> memref<1x!tpu.dma_semaphore, #tpu.memory_space<semaphore_mem>>
    %dma_start3A_1686 = tpu.memref_squeeze %dma_start3A_1685 : memref<1x!tpu.dma_semaphore, #tpu.memory_space<semaphore_mem>> -> memref<!tpu.dma_semaphore, #tpu.memory_space<semaphore_mem>>
    %dma_start3A_1687 = arith.constant 0 : i32
    %dma_start3A_1688 = arith.constant 0 : i32
    %dma_start3A_1689 = tpu.memref_slice %arg4[%dma_start3A_1683, %dma_start3A_1687, %dma_start3A_1688] : memref<6x1024x256xf32, #tpu.memory_space<vmem>> -> memref<1x1024x256xf32, #tpu.memory_space<vmem>>
    %dma_start3A_1690 = tpu.memref_squeeze %dma_start3A_1689 : memref<1x1024x256xf32, #tpu.memory_space<vmem>> -> memref<1024x256xf32, #tpu.memory_space<vmem>>
    %dma_start3A_1691 = arith.constant 23552 : i32
    %dma_start3A_1692 = arith.constant 0 : i32
    %dma_start3A_1693 = tpu.memref_slice %arg0[%dma_start3A_1691, %dma_start3A_1692] : memref<32768x256xf32, #tpu.memory_space<any>> -> memref<1024x256xf32, #tpu.memory_space<any>>
    tpu.enqueue_dma source(%dma_start3A_1693 : memref<1024x256xf32, #tpu.memory_space<any>>) target(%dma_start3A_1690 : memref<1024x256xf32, #tpu.memory_space<vmem>>) target_semaphore(%dma_start3A_1686 : memref<!tpu.dma_semaphore, #tpu.memory_space<semaphore_mem>>)
    %dma_start3A_1694 = arith.constant 5 : i32
    %dma_start3A_1695 = arith.constant 5 : i32
    %dma_start3A_1696 = tpu.memref_slice %arg7[%dma_start3A_1695] : memref<6x!tpu.dma_semaphore, #tpu.memory_space<semaphore_mem>> -> memref<1x!tpu.dma_semaphore, #tpu.memory_space<semaphore_mem>>
    %dma_start3A_1697 = tpu.memref_squeeze %dma_start3A_1696 : memref<1x!tpu.dma_semaphore, #tpu.memory_space<semaphore_mem>> -> memref<!tpu.dma_semaphore, #tpu.memory_space<semaphore_mem>>
    %dma_start3A_1698 = arith.constant 0 : i32
    %dma_start3A_1699 = arith.constant 0 : i32
    %dma_start3A_1700 = tpu.memref_slice %arg5[%dma_start3A_1694, %dma_start3A_1698, %dma_start3A_1699] : memref<6x1024x256xf32, #tpu.memory_space<vmem>> -> memref<1x1024x256xf32, #tpu.memory_space<vmem>>
    %dma_start3A_1701 = tpu.memref_squeeze %dma_start3A_1700 : memref<1x1024x256xf32, #tpu.memory_space<vmem>> -> memref<1024x256xf32, #tpu.memory_space<vmem>>
    %dma_start3A_1702 = arith.constant 23552 : i32
    %dma_start3A_1703 = arith.constant 0 : i32
    %dma_start3A_1704 = tpu.memref_slice %arg1[%dma_start3A_1702, %dma_start3A_1703] : memref<32768x256xf32, #tpu.memory_space<any>> -> memref<1024x256xf32, #tpu.memory_space<any>>
    tpu.enqueue_dma source(%dma_start3A_1704 : memref<1024x256xf32, #tpu.memory_space<any>>) target(%dma_start3A_1701 : memref<1024x256xf32, #tpu.memory_space<vmem>>) target_semaphore(%dma_start3A_1697 : memref<!tpu.dma_semaphore, #tpu.memory_space<semaphore_mem>>)
    %dma_wait3A_1705 = arith.constant 0 : i32
    %dma_wait3A_1706 = arith.constant 0 : i32
    %dma_wait3A_1707 = tpu.memref_slice %arg7[%dma_wait3A_1706] : memref<6x!tpu.dma_semaphore, #tpu.memory_space<semaphore_mem>> -> memref<1x!tpu.dma_semaphore, #tpu.memory_space<semaphore_mem>>
    %dma_wait3A_1708 = tpu.memref_squeeze %dma_wait3A_1707 : memref<1x!tpu.dma_semaphore, #tpu.memory_space<semaphore_mem>> -> memref<!tpu.dma_semaphore, #tpu.memory_space<semaphore_mem>>
    %dma_wait3A_1709 = arith.constant 0 : i32
    %dma_wait3A_1710 = arith.constant 0 : i32
    %dma_wait3A_1711 = tpu.memref_slice %arg4[%dma_wait3A_1705, %dma_wait3A_1709, %dma_wait3A_1710] : memref<6x1024x256xf32, #tpu.memory_space<vmem>> -> memref<1x1024x256xf32, #tpu.memory_space<vmem>>
    %dma_wait3A_1712 = tpu.memref_squeeze %dma_wait3A_1711 : memref<1x1024x256xf32, #tpu.memory_space<vmem>> -> memref<1024x256xf32, #tpu.memory_space<vmem>>
    %dma_wait3A_1713 = arith.constant 0 : i32
    %dma_wait3A_1714 = arith.constant 0 : i32
    %dma_wait3A_1715 = tpu.memref_slice %arg0[%dma_wait3A_1713, %dma_wait3A_1714] : memref<32768x256xf32, #tpu.memory_space<any>> -> memref<1024x256xf32, #tpu.memory_space<any>>
    tpu.wait_dma2 semaphore(%dma_wait3A_1708 : memref<!tpu.dma_semaphore, #tpu.memory_space<semaphore_mem>>) src(%dma_wait3A_1715 : memref<1024x256xf32, #tpu.memory_space<any>>) dst(%dma_wait3A_1712 : memref<1024x256xf32, #tpu.memory_space<vmem>>)
    %dma_wait3A_1716 = arith.constant 0 : i32
    %dma_wait3A_1717 = arith.constant 0 : i32
    %dma_wait3A_1718 = tpu.memref_slice %arg7[%dma_wait3A_1717] : memref<6x!tpu.dma_semaphore, #tpu.memory_space<semaphore_mem>> -> memref<1x!tpu.dma_semaphore, #tpu.memory_space<semaphore_mem>>
    %dma_wait3A_1719 = tpu.memref_squeeze %dma_wait3A_1718 : memref<1x!tpu.dma_semaphore, #tpu.memory_space<semaphore_mem>> -> memref<!tpu.dma_semaphore, #tpu.memory_space<semaphore_mem>>
    %dma_wait3A_1720 = arith.constant 0 : i32
    %dma_wait3A_1721 = arith.constant 0 : i32
    %dma_wait3A_1722 = tpu.memref_slice %arg5[%dma_wait3A_1716, %dma_wait3A_1720, %dma_wait3A_1721] : memref<6x1024x256xf32, #tpu.memory_space<vmem>> -> memref<1x1024x256xf32, #tpu.memory_space<vmem>>
    %dma_wait3A_1723 = tpu.memref_squeeze %dma_wait3A_1722 : memref<1x1024x256xf32, #tpu.memory_space<vmem>> -> memref<1024x256xf32, #tpu.memory_space<vmem>>
    %dma_wait3A_1724 = arith.constant 0 : i32
    %dma_wait3A_1725 = arith.constant 0 : i32
    %dma_wait3A_1726 = tpu.memref_slice %arg1[%dma_wait3A_1724, %dma_wait3A_1725] : memref<32768x256xf32, #tpu.memory_space<any>> -> memref<1024x256xf32, #tpu.memory_space<any>>
    tpu.wait_dma2 semaphore(%dma_wait3A_1719 : memref<!tpu.dma_semaphore, #tpu.memory_space<semaphore_mem>>) src(%dma_wait3A_1726 : memref<1024x256xf32, #tpu.memory_space<any>>) dst(%dma_wait3A_1723 : memref<1024x256xf32, #tpu.memory_space<vmem>>)
    %dma_wait3A_1727 = arith.constant 0 : i32
    %dma_wait3A_1728 = arith.constant 0 : i32
    %dma_wait3A_1729 = tpu.memref_slice %arg8[%dma_wait3A_1728] : memref<6x!tpu.dma_semaphore, #tpu.memory_space<semaphore_mem>> -> memref<1x!tpu.dma_semaphore, #tpu.memory_space<semaphore_mem>>
    %dma_wait3A_1730 = tpu.memref_squeeze %dma_wait3A_1729 : memref<1x!tpu.dma_semaphore, #tpu.memory_space<semaphore_mem>> -> memref<!tpu.dma_semaphore, #tpu.memory_space<semaphore_mem>>
    %dma_wait3A_1731 = arith.constant 0 : i32
    %dma_wait3A_1732 = arith.constant 0 : i32
    %dma_wait3A_1733 = tpu.memref_slice %arg3[%dma_wait3A_1731, %dma_wait3A_1732] : memref<32768x256xf32, #tpu.memory_space<any>> -> memref<1024x256xf32, #tpu.memory_space<any>>
    %dma_wait3A_1734 = arith.constant 0 : i32
    %dma_wait3A_1735 = arith.constant 0 : i32
    %dma_wait3A_1736 = tpu.memref_slice %arg6[%dma_wait3A_1727, %dma_wait3A_1734, %dma_wait3A_1735] : memref<6x1024x256xf32, #tpu.memory_space<vmem>> -> memref<1x1024x256xf32, #tpu.memory_space<vmem>>
    %dma_wait3A_1737 = tpu.memref_squeeze %dma_wait3A_1736 : memref<1x1024x256xf32, #tpu.memory_space<vmem>> -> memref<1024x256xf32, #tpu.memory_space<vmem>>
    tpu.wait_dma2 semaphore(%dma_wait3A_1730 : memref<!tpu.dma_semaphore, #tpu.memory_space<semaphore_mem>>) src(%dma_wait3A_1737 : memref<1024x256xf32, #tpu.memory_space<vmem>>) dst(%dma_wait3A_1733 : memref<1024x256xf32, #tpu.memory_space<any>>)
    %get3A_1738 = arith.constant 0 : index
    %get3A_1739 = arith.constant 0 : index
    %get3A_1740 = arith.constant 0 : index
    %get3A_1741 = vector.load %arg5[%get3A_1738, %get3A_1739, %get3A_1740] : memref<6x1024x256xf32, #tpu.memory_space<vmem>>, vector<1x1024x256xf32>
    %get3A_1742 = vector.shape_cast %get3A_1741 : vector<1x1024x256xf32> to vector<1024x256xf32>
    %get3A_1743 = arith.constant 0 : index
    %get3A_1744 = arith.constant 0 : index
    %get3A_1745 = arith.constant 0 : index
    %get3A_1746 = vector.load %arg4[%get3A_1743, %get3A_1744, %get3A_1745] : memref<6x1024x256xf32, #tpu.memory_space<vmem>>, vector<1x1024x256xf32>
    %get3A_1747 = vector.shape_cast %get3A_1746 : vector<1x1024x256xf32> to vector<1024x256xf32>
    %get3A_1748 = arith.constant 0 : index
    %get3A_1749 = arith.constant 0 : index
    %get3A_1750 = arith.constant 0 : index
    %get3A_1751 = vector.load %arg5[%get3A_1748, %get3A_1749, %get3A_1750] : memref<6x1024x256xf32, #tpu.memory_space<vmem>>, vector<1x1024x256xf32>
    %get3A_1752 = vector.shape_cast %get3A_1751 : vector<1x1024x256xf32> to vector<1024x256xf32>
    %sub3A_1753 = arith.subf %get3A_1747, %get3A_1752 : vector<1024x256xf32>
    %mul3A_1754 = vector.broadcast %logistic3A_6 : vector<1x256xf32> to vector<1024x256xf32>
    %mul3A_1755 = arith.mulf %mul3A_1754, %sub3A_1753 : vector<1024x256xf32>
    %add3A_1756 = arith.addf %get3A_1742, %mul3A_1755 : vector<1024x256xf32>
    %swap3A_1757 = arith.constant 0 : index
    %swap3A_1758 = arith.constant 0 : index
    %swap3A_1759 = arith.constant 0 : index
    %swap3A_1760 = vector.load %arg6[%swap3A_1757, %swap3A_1758, %swap3A_1759] : memref<6x1024x256xf32, #tpu.memory_space<vmem>>, vector<1x1024x256xf32>
    %swap3A_1761 = vector.shape_cast %swap3A_1760 : vector<1x1024x256xf32> to vector<1024x256xf32>
    %swap3A_1762 = vector.shape_cast %add3A_1756 : vector<1024x256xf32> to vector<1x1024x256xf32>
    tpu.vector_store %arg6[%swap3A_1757, %swap3A_1758, %swap3A_1759], %swap3A_1762 {strides = array<i32>} : memref<6x1024x256xf32, #tpu.memory_space<vmem>>, vector<1x1024x256xf32>,
    %dma_start3A_1763 = arith.constant 0 : i32
    %dma_start3A_1764 = arith.constant 0 : i32
    %dma_start3A_1765 = tpu.memref_slice %arg8[%dma_start3A_1764] : memref<6x!tpu.dma_semaphore, #tpu.memory_space<semaphore_mem>> -> memref<1x!tpu.dma_semaphore, #tpu.memory_space<semaphore_mem>>
    %dma_start3A_1766 = tpu.memref_squeeze %dma_start3A_1765 : memref<1x!tpu.dma_semaphore, #tpu.memory_space<semaphore_mem>> -> memref<!tpu.dma_semaphore, #tpu.memory_space<semaphore_mem>>
    %dma_start3A_1767 = arith.constant 18432 : i32
    %dma_start3A_1768 = arith.constant 0 : i32
    %dma_start3A_1769 = tpu.memref_slice %arg3[%dma_start3A_1767, %dma_start3A_1768] : memref<32768x256xf32, #tpu.memory_space<any>> -> memref<1024x256xf32, #tpu.memory_space<any>>
    %dma_start3A_1770 = arith.constant 0 : i32
    %dma_start3A_1771 = arith.constant 0 : i32
    %dma_start3A_1772 = tpu.memref_slice %arg6[%dma_start3A_1763, %dma_start3A_1770, %dma_start3A_1771] : memref<6x1024x256xf32, #tpu.memory_space<vmem>> -> memref<1x1024x256xf32, #tpu.memory_space<vmem>>
    %dma_start3A_1773 = tpu.memref_squeeze %dma_start3A_1772 : memref<1x1024x256xf32, #tpu.memory_space<vmem>> -> memref<1024x256xf32, #tpu.memory_space<vmem>>
    tpu.enqueue_dma source(%dma_start3A_1773 : memref<1024x256xf32, #tpu.memory_space<vmem>>) target(%dma_start3A_1769 : memref<1024x256xf32, #tpu.memory_space<any>>) target_semaphore(%dma_start3A_1766 : memref<!tpu.dma_semaphore, #tpu.memory_space<semaphore_mem>>)
    %dma_start3A_1774 = arith.constant 0 : i32
    %dma_start3A_1775 = arith.constant 0 : i32
    %dma_start3A_1776 = tpu.memref_slice %arg7[%dma_start3A_1775] : memref<6x!tpu.dma_semaphore, #tpu.memory_space<semaphore_mem>> -> memref<1x!tpu.dma_semaphore, #tpu.memory_space<semaphore_mem>>
    %dma_start3A_1777 = tpu.memref_squeeze %dma_start3A_1776 : memref<1x!tpu.dma_semaphore, #tpu.memory_space<semaphore_mem>> -> memref<!tpu.dma_semaphore, #tpu.memory_space<semaphore_mem>>
    %dma_start3A_1778 = arith.constant 0 : i32
    %dma_start3A_1779 = arith.constant 0 : i32
    %dma_start3A_1780 = tpu.memref_slice %arg4[%dma_start3A_1774, %dma_start3A_1778, %dma_start3A_1779] : memref<6x1024x256xf32, #tpu.memory_space<vmem>> -> memref<1x1024x256xf32, #tpu.memory_space<vmem>>
    %dma_start3A_1781 = tpu.memref_squeeze %dma_start3A_1780 : memref<1x1024x256xf32, #tpu.memory_space<vmem>> -> memref<1024x256xf32, #tpu.memory_space<vmem>>
    %dma_start3A_1782 = arith.constant 24576 : i32
    %dma_start3A_1783 = arith.constant 0 : i32
    %dma_start3A_1784 = tpu.memref_slice %arg0[%dma_start3A_1782, %dma_start3A_1783] : memref<32768x256xf32, #tpu.memory_space<any>> -> memref<1024x256xf32, #tpu.memory_space<any>>
    tpu.enqueue_dma source(%dma_start3A_1784 : memref<1024x256xf32, #tpu.memory_space<any>>) target(%dma_start3A_1781 : memref<1024x256xf32, #tpu.memory_space<vmem>>) target_semaphore(%dma_start3A_1777 : memref<!tpu.dma_semaphore, #tpu.memory_space<semaphore_mem>>)
    %dma_start3A_1785 = arith.constant 0 : i32
    %dma_start3A_1786 = arith.constant 0 : i32
    %dma_start3A_1787 = tpu.memref_slice %arg7[%dma_start3A_1786] : memref<6x!tpu.dma_semaphore, #tpu.memory_space<semaphore_mem>> -> memref<1x!tpu.dma_semaphore, #tpu.memory_space<semaphore_mem>>
    %dma_start3A_1788 = tpu.memref_squeeze %dma_start3A_1787 : memref<1x!tpu.dma_semaphore, #tpu.memory_space<semaphore_mem>> -> memref<!tpu.dma_semaphore, #tpu.memory_space<semaphore_mem>>
    %dma_start3A_1789 = arith.constant 0 : i32
    %dma_start3A_1790 = arith.constant 0 : i32
    %dma_start3A_1791 = tpu.memref_slice %arg5[%dma_start3A_1785, %dma_start3A_1789, %dma_start3A_1790] : memref<6x1024x256xf32, #tpu.memory_space<vmem>> -> memref<1x1024x256xf32, #tpu.memory_space<vmem>>
    %dma_start3A_1792 = tpu.memref_squeeze %dma_start3A_1791 : memref<1x1024x256xf32, #tpu.memory_space<vmem>> -> memref<1024x256xf32, #tpu.memory_space<vmem>>
    %dma_start3A_1793 = arith.constant 24576 : i32
    %dma_start3A_1794 = arith.constant 0 : i32
    %dma_start3A_1795 = tpu.memref_slice %arg1[%dma_start3A_1793, %dma_start3A_1794] : memref<32768x256xf32, #tpu.memory_space<any>> -> memref<1024x256xf32, #tpu.memory_space<any>>
    tpu.enqueue_dma source(%dma_start3A_1795 : memref<1024x256xf32, #tpu.memory_space<any>>) target(%dma_start3A_1792 : memref<1024x256xf32, #tpu.memory_space<vmem>>) target_semaphore(%dma_start3A_1788 : memref<!tpu.dma_semaphore, #tpu.memory_space<semaphore_mem>>)
    %dma_wait3A_1796 = arith.constant 1 : i32
    %dma_wait3A_1797 = arith.constant 1 : i32
    %dma_wait3A_1798 = tpu.memref_slice %arg7[%dma_wait3A_1797] : memref<6x!tpu.dma_semaphore, #tpu.memory_space<semaphore_mem>> -> memref<1x!tpu.dma_semaphore, #tpu.memory_space<semaphore_mem>>
    %dma_wait3A_1799 = tpu.memref_squeeze %dma_wait3A_1798 : memref<1x!tpu.dma_semaphore, #tpu.memory_space<semaphore_mem>> -> memref<!tpu.dma_semaphore, #tpu.memory_space<semaphore_mem>>
    %dma_wait3A_1800 = arith.constant 0 : i32
    %dma_wait3A_1801 = arith.constant 0 : i32
    %dma_wait3A_1802 = tpu.memref_slice %arg4[%dma_wait3A_1796, %dma_wait3A_1800, %dma_wait3A_1801] : memref<6x1024x256xf32, #tpu.memory_space<vmem>> -> memref<1x1024x256xf32, #tpu.memory_space<vmem>>
    %dma_wait3A_1803 = tpu.memref_squeeze %dma_wait3A_1802 : memref<1x1024x256xf32, #tpu.memory_space<vmem>> -> memref<1024x256xf32, #tpu.memory_space<vmem>>
    %dma_wait3A_1804 = arith.constant 0 : i32
    %dma_wait3A_1805 = arith.constant 0 : i32
    %dma_wait3A_1806 = tpu.memref_slice %arg0[%dma_wait3A_1804, %dma_wait3A_1805] : memref<32768x256xf32, #tpu.memory_space<any>> -> memref<1024x256xf32, #tpu.memory_space<any>>
    tpu.wait_dma2 semaphore(%dma_wait3A_1799 : memref<!tpu.dma_semaphore, #tpu.memory_space<semaphore_mem>>) src(%dma_wait3A_1806 : memref<1024x256xf32, #tpu.memory_space<any>>) dst(%dma_wait3A_1803 : memref<1024x256xf32, #tpu.memory_space<vmem>>)
    %dma_wait3A_1807 = arith.constant 1 : i32
    %dma_wait3A_1808 = arith.constant 1 : i32
    %dma_wait3A_1809 = tpu.memref_slice %arg7[%dma_wait3A_1808] : memref<6x!tpu.dma_semaphore, #tpu.memory_space<semaphore_mem>> -> memref<1x!tpu.dma_semaphore, #tpu.memory_space<semaphore_mem>>
    %dma_wait3A_1810 = tpu.memref_squeeze %dma_wait3A_1809 : memref<1x!tpu.dma_semaphore, #tpu.memory_space<semaphore_mem>> -> memref<!tpu.dma_semaphore, #tpu.memory_space<semaphore_mem>>
    %dma_wait3A_1811 = arith.constant 0 : i32
    %dma_wait3A_1812 = arith.constant 0 : i32
    %dma_wait3A_1813 = tpu.memref_slice %arg5[%dma_wait3A_1807, %dma_wait3A_1811, %dma_wait3A_1812] : memref<6x1024x256xf32, #tpu.memory_space<vmem>> -> memref<1x1024x256xf32, #tpu.memory_space<vmem>>
    %dma_wait3A_1814 = tpu.memref_squeeze %dma_wait3A_1813 : memref<1x1024x256xf32, #tpu.memory_space<vmem>> -> memref<1024x256xf32, #tpu.memory_space<vmem>>
    %dma_wait3A_1815 = arith.constant 0 : i32
    %dma_wait3A_1816 = arith.constant 0 : i32
    %dma_wait3A_1817 = tpu.memref_slice %arg1[%dma_wait3A_1815, %dma_wait3A_1816] : memref<32768x256xf32, #tpu.memory_space<any>> -> memref<1024x256xf32, #tpu.memory_space<any>>
    tpu.wait_dma2 semaphore(%dma_wait3A_1810 : memref<!tpu.dma_semaphore, #tpu.memory_space<semaphore_mem>>) src(%dma_wait3A_1817 : memref<1024x256xf32, #tpu.memory_space<any>>) dst(%dma_wait3A_1814 : memref<1024x256xf32, #tpu.memory_space<vmem>>)
    %dma_wait3A_1818 = arith.constant 1 : i32
    %dma_wait3A_1819 = arith.constant 1 : i32
    %dma_wait3A_1820 = tpu.memref_slice %arg8[%dma_wait3A_1819] : memref<6x!tpu.dma_semaphore, #tpu.memory_space<semaphore_mem>> -> memref<1x!tpu.dma_semaphore, #tpu.memory_space<semaphore_mem>>
    %dma_wait3A_1821 = tpu.memref_squeeze %dma_wait3A_1820 : memref<1x!tpu.dma_semaphore, #tpu.memory_space<semaphore_mem>> -> memref<!tpu.dma_semaphore, #tpu.memory_space<semaphore_mem>>
    %dma_wait3A_1822 = arith.constant 0 : i32
    %dma_wait3A_1823 = arith.constant 0 : i32
    %dma_wait3A_1824 = tpu.memref_slice %arg3[%dma_wait3A_1822, %dma_wait3A_1823] : memref<32768x256xf32, #tpu.memory_space<any>> -> memref<1024x256xf32, #tpu.memory_space<any>>
    %dma_wait3A_1825 = arith.constant 0 : i32
    %dma_wait3A_1826 = arith.constant 0 : i32
    %dma_wait3A_1827 = tpu.memref_slice %arg6[%dma_wait3A_1818, %dma_wait3A_1825, %dma_wait3A_1826] : memref<6x1024x256xf32, #tpu.memory_space<vmem>> -> memref<1x1024x256xf32, #tpu.memory_space<vmem>>
    %dma_wait3A_1828 = tpu.memref_squeeze %dma_wait3A_1827 : memref<1x1024x256xf32, #tpu.memory_space<vmem>> -> memref<1024x256xf32, #tpu.memory_space<vmem>>
    tpu.wait_dma2 semaphore(%dma_wait3A_1821 : memref<!tpu.dma_semaphore, #tpu.memory_space<semaphore_mem>>) src(%dma_wait3A_1828 : memref<1024x256xf32, #tpu.memory_space<vmem>>) dst(%dma_wait3A_1824 : memref<1024x256xf32, #tpu.memory_space<any>>)
    %get3A_1829 = arith.constant 1 : index
    %get3A_1830 = arith.constant 0 : index
    %get3A_1831 = arith.constant 0 : index
    %get3A_1832 = vector.load %arg5[%get3A_1829, %get3A_1830, %get3A_1831] : memref<6x1024x256xf32, #tpu.memory_space<vmem>>, vector<1x1024x256xf32>
    %get3A_1833 = vector.shape_cast %get3A_1832 : vector<1x1024x256xf32> to vector<1024x256xf32>
    %get3A_1834 = arith.constant 1 : index
    %get3A_1835 = arith.constant 0 : index
    %get3A_1836 = arith.constant 0 : index
    %get3A_1837 = vector.load %arg4[%get3A_1834, %get3A_1835, %get3A_1836] : memref<6x1024x256xf32, #tpu.memory_space<vmem>>, vector<1x1024x256xf32>
    %get3A_1838 = vector.shape_cast %get3A_1837 : vector<1x1024x256xf32> to vector<1024x256xf32>
    %get3A_1839 = arith.constant 1 : index
    %get3A_1840 = arith.constant 0 : index
    %get3A_1841 = arith.constant 0 : index
    %get3A_1842 = vector.load %arg5[%get3A_1839, %get3A_1840, %get3A_1841] : memref<6x1024x256xf32, #tpu.memory_space<vmem>>, vector<1x1024x256xf32>
    %get3A_1843 = vector.shape_cast %get3A_1842 : vector<1x1024x256xf32> to vector<1024x256xf32>
    %sub3A_1844 = arith.subf %get3A_1838, %get3A_1843 : vector<1024x256xf32>
    %mul3A_1845 = vector.broadcast %logistic3A_6 : vector<1x256xf32> to vector<1024x256xf32>
    %mul3A_1846 = arith.mulf %mul3A_1845, %sub3A_1844 : vector<1024x256xf32>
    %add3A_1847 = arith.addf %get3A_1833, %mul3A_1846 : vector<1024x256xf32>
    %swap3A_1848 = arith.constant 1 : index
    %swap3A_1849 = arith.constant 0 : index
    %swap3A_1850 = arith.constant 0 : index
    %swap3A_1851 = vector.load %arg6[%swap3A_1848, %swap3A_1849, %swap3A_1850] : memref<6x1024x256xf32, #tpu.memory_space<vmem>>, vector<1x1024x256xf32>
    %swap3A_1852 = vector.shape_cast %swap3A_1851 : vector<1x1024x256xf32> to vector<1024x256xf32>
    %swap3A_1853 = vector.shape_cast %add3A_1847 : vector<1024x256xf32> to vector<1x1024x256xf32>
    tpu.vector_store %arg6[%swap3A_1848, %swap3A_1849, %swap3A_1850], %swap3A_1853 {strides = array<i32>} : memref<6x1024x256xf32, #tpu.memory_space<vmem>>, vector<1x1024x256xf32>,
    %dma_start3A_1854 = arith.constant 1 : i32
    %dma_start3A_1855 = arith.constant 1 : i32
    %dma_start3A_1856 = tpu.memref_slice %arg8[%dma_start3A_1855] : memref<6x!tpu.dma_semaphore, #tpu.memory_space<semaphore_mem>> -> memref<1x!tpu.dma_semaphore, #tpu.memory_space<semaphore_mem>>
    %dma_start3A_1857 = tpu.memref_squeeze %dma_start3A_1856 : memref<1x!tpu.dma_semaphore, #tpu.memory_space<semaphore_mem>> -> memref<!tpu.dma_semaphore, #tpu.memory_space<semaphore_mem>>
    %dma_start3A_1858 = arith.constant 19456 : i32
    %dma_start3A_1859 = arith.constant 0 : i32
    %dma_start3A_1860 = tpu.memref_slice %arg3[%dma_start3A_1858, %dma_start3A_1859] : memref<32768x256xf32, #tpu.memory_space<any>> -> memref<1024x256xf32, #tpu.memory_space<any>>
    %dma_start3A_1861 = arith.constant 0 : i32
    %dma_start3A_1862 = arith.constant 0 : i32
    %dma_start3A_1863 = tpu.memref_slice %arg6[%dma_start3A_1854, %dma_start3A_1861, %dma_start3A_1862] : memref<6x1024x256xf32, #tpu.memory_space<vmem>> -> memref<1x1024x256xf32, #tpu.memory_space<vmem>>
    %dma_start3A_1864 = tpu.memref_squeeze %dma_start3A_1863 : memref<1x1024x256xf32, #tpu.memory_space<vmem>> -> memref<1024x256xf32, #tpu.memory_space<vmem>>
    tpu.enqueue_dma source(%dma_start3A_1864 : memref<1024x256xf32, #tpu.memory_space<vmem>>) target(%dma_start3A_1860 : memref<1024x256xf32, #tpu.memory_space<any>>) target_semaphore(%dma_start3A_1857 : memref<!tpu.dma_semaphore, #tpu.memory_space<semaphore_mem>>)
    %dma_start3A_1865 = arith.constant 1 : i32
    %dma_start3A_1866 = arith.constant 1 : i32
    %dma_start3A_1867 = tpu.memref_slice %arg7[%dma_start3A_1866] : memref<6x!tpu.dma_semaphore, #tpu.memory_space<semaphore_mem>> -> memref<1x!tpu.dma_semaphore, #tpu.memory_space<semaphore_mem>>
    %dma_start3A_1868 = tpu.memref_squeeze %dma_start3A_1867 : memref<1x!tpu.dma_semaphore, #tpu.memory_space<semaphore_mem>> -> memref<!tpu.dma_semaphore, #tpu.memory_space<semaphore_mem>>
    %dma_start3A_1869 = arith.constant 0 : i32
    %dma_start3A_1870 = arith.constant 0 : i32
    %dma_start3A_1871 = tpu.memref_slice %arg4[%dma_start3A_1865, %dma_start3A_1869, %dma_start3A_1870] : memref<6x1024x256xf32, #tpu.memory_space<vmem>> -> memref<1x1024x256xf32, #tpu.memory_space<vmem>>
    %dma_start3A_1872 = tpu.memref_squeeze %dma_start3A_1871 : memref<1x1024x256xf32, #tpu.memory_space<vmem>> -> memref<1024x256xf32, #tpu.memory_space<vmem>>
    %dma_start3A_1873 = arith.constant 25600 : i32
    %dma_start3A_1874 = arith.constant 0 : i32
    %dma_start3A_1875 = tpu.memref_slice %arg0[%dma_start3A_1873, %dma_start3A_1874] : memref<32768x256xf32, #tpu.memory_space<any>> -> memref<1024x256xf32, #tpu.memory_space<any>>
    tpu.enqueue_dma source(%dma_start3A_1875 : memref<1024x256xf32, #tpu.memory_space<any>>) target(%dma_start3A_1872 : memref<1024x256xf32, #tpu.memory_space<vmem>>) target_semaphore(%dma_start3A_1868 : memref<!tpu.dma_semaphore, #tpu.memory_space<semaphore_mem>>)
    %dma_start3A_1876 = arith.constant 1 : i32
    %dma_start3A_1877 = arith.constant 1 : i32
    %dma_start3A_1878 = tpu.memref_slice %arg7[%dma_start3A_1877] : memref<6x!tpu.dma_semaphore, #tpu.memory_space<semaphore_mem>> -> memref<1x!tpu.dma_semaphore, #tpu.memory_space<semaphore_mem>>
    %dma_start3A_1879 = tpu.memref_squeeze %dma_start3A_1878 : memref<1x!tpu.dma_semaphore, #tpu.memory_space<semaphore_mem>> -> memref<!tpu.dma_semaphore, #tpu.memory_space<semaphore_mem>>
    %dma_start3A_1880 = arith.constant 0 : i32
    %dma_start3A_1881 = arith.constant 0 : i32
    %dma_start3A_1882 = tpu.memref_slice %arg5[%dma_start3A_1876, %dma_start3A_1880, %dma_start3A_1881] : memref<6x1024x256xf32, #tpu.memory_space<vmem>> -> memref<1x1024x256xf32, #tpu.memory_space<vmem>>
    %dma_start3A_1883 = tpu.memref_squeeze %dma_start3A_1882 : memref<1x1024x256xf32, #tpu.memory_space<vmem>> -> memref<1024x256xf32, #tpu.memory_space<vmem>>
    %dma_start3A_1884 = arith.constant 25600 : i32
    %dma_start3A_1885 = arith.constant 0 : i32
    %dma_start3A_1886 = tpu.memref_slice %arg1[%dma_start3A_1884, %dma_start3A_1885] : memref<32768x256xf32, #tpu.memory_space<any>> -> memref<1024x256xf32, #tpu.memory_space<any>>
    tpu.enqueue_dma source(%dma_start3A_1886 : memref<1024x256xf32, #tpu.memory_space<any>>) target(%dma_start3A_1883 : memref<1024x256xf32, #tpu.memory_space<vmem>>) target_semaphore(%dma_start3A_1879 : memref<!tpu.dma_semaphore, #tpu.memory_space<semaphore_mem>>)
    %dma_wait3A_1887 = arith.constant 2 : i32
    %dma_wait3A_1888 = arith.constant 2 : i32
    %dma_wait3A_1889 = tpu.memref_slice %arg7[%dma_wait3A_1888] : memref<6x!tpu.dma_semaphore, #tpu.memory_space<semaphore_mem>> -> memref<1x!tpu.dma_semaphore, #tpu.memory_space<semaphore_mem>>
    %dma_wait3A_1890 = tpu.memref_squeeze %dma_wait3A_1889 : memref<1x!tpu.dma_semaphore, #tpu.memory_space<semaphore_mem>> -> memref<!tpu.dma_semaphore, #tpu.memory_space<semaphore_mem>>
    %dma_wait3A_1891 = arith.constant 0 : i32
    %dma_wait3A_1892 = arith.constant 0 : i32
    %dma_wait3A_1893 = tpu.memref_slice %arg4[%dma_wait3A_1887, %dma_wait3A_1891, %dma_wait3A_1892] : memref<6x1024x256xf32, #tpu.memory_space<vmem>> -> memref<1x1024x256xf32, #tpu.memory_space<vmem>>
    %dma_wait3A_1894 = tpu.memref_squeeze %dma_wait3A_1893 : memref<1x1024x256xf32, #tpu.memory_space<vmem>> -> memref<1024x256xf32, #tpu.memory_space<vmem>>
    %dma_wait3A_1895 = arith.constant 0 : i32
    %dma_wait3A_1896 = arith.constant 0 : i32
    %dma_wait3A_1897 = tpu.memref_slice %arg0[%dma_wait3A_1895, %dma_wait3A_1896] : memref<32768x256xf32, #tpu.memory_space<any>> -> memref<1024x256xf32, #tpu.memory_space<any>>
    tpu.wait_dma2 semaphore(%dma_wait3A_1890 : memref<!tpu.dma_semaphore, #tpu.memory_space<semaphore_mem>>) src(%dma_wait3A_1897 : memref<1024x256xf32, #tpu.memory_space<any>>) dst(%dma_wait3A_1894 : memref<1024x256xf32, #tpu.memory_space<vmem>>)
    %dma_wait3A_1898 = arith.constant 2 : i32
    %dma_wait3A_1899 = arith.constant 2 : i32
    %dma_wait3A_1900 = tpu.memref_slice %arg7[%dma_wait3A_1899] : memref<6x!tpu.dma_semaphore, #tpu.memory_space<semaphore_mem>> -> memref<1x!tpu.dma_semaphore, #tpu.memory_space<semaphore_mem>>
    %dma_wait3A_1901 = tpu.memref_squeeze %dma_wait3A_1900 : memref<1x!tpu.dma_semaphore, #tpu.memory_space<semaphore_mem>> -> memref<!tpu.dma_semaphore, #tpu.memory_space<semaphore_mem>>
    %dma_wait3A_1902 = arith.constant 0 : i32
    %dma_wait3A_1903 = arith.constant 0 : i32
    %dma_wait3A_1904 = tpu.memref_slice %arg5[%dma_wait3A_1898, %dma_wait3A_1902, %dma_wait3A_1903] : memref<6x1024x256xf32, #tpu.memory_space<vmem>> -> memref<1x1024x256xf32, #tpu.memory_space<vmem>>
    %dma_wait3A_1905 = tpu.memref_squeeze %dma_wait3A_1904 : memref<1x1024x256xf32, #tpu.memory_space<vmem>> -> memref<1024x256xf32, #tpu.memory_space<vmem>>
    %dma_wait3A_1906 = arith.constant 0 : i32
    %dma_wait3A_1907 = arith.constant 0 : i32
    %dma_wait3A_1908 = tpu.memref_slice %arg1[%dma_wait3A_1906, %dma_wait3A_1907] : memref<32768x256xf32, #tpu.memory_space<any>> -> memref<1024x256xf32, #tpu.memory_space<any>>
    tpu.wait_dma2 semaphore(%dma_wait3A_1901 : memref<!tpu.dma_semaphore, #tpu.memory_space<semaphore_mem>>) src(%dma_wait3A_1908 : memref<1024x256xf32, #tpu.memory_space<any>>) dst(%dma_wait3A_1905 : memref<1024x256xf32, #tpu.memory_space<vmem>>)
    %dma_wait3A_1909 = arith.constant 2 : i32
    %dma_wait3A_1910 = arith.constant 2 : i32
    %dma_wait3A_1911 = tpu.memref_slice %arg8[%dma_wait3A_1910] : memref<6x!tpu.dma_semaphore, #tpu.memory_space<semaphore_mem>> -> memref<1x!tpu.dma_semaphore, #tpu.memory_space<semaphore_mem>>
    %dma_wait3A_1912 = tpu.memref_squeeze %dma_wait3A_1911 : memref<1x!tpu.dma_semaphore, #tpu.memory_space<semaphore_mem>> -> memref<!tpu.dma_semaphore, #tpu.memory_space<semaphore_mem>>
    %dma_wait3A_1913 = arith.constant 0 : i32
    %dma_wait3A_1914 = arith.constant 0 : i32
    %dma_wait3A_1915 = tpu.memref_slice %arg3[%dma_wait3A_1913, %dma_wait3A_1914] : memref<32768x256xf32, #tpu.memory_space<any>> -> memref<1024x256xf32, #tpu.memory_space<any>>
    %dma_wait3A_1916 = arith.constant 0 : i32
    %dma_wait3A_1917 = arith.constant 0 : i32
    %dma_wait3A_1918 = tpu.memref_slice %arg6[%dma_wait3A_1909, %dma_wait3A_1916, %dma_wait3A_1917] : memref<6x1024x256xf32, #tpu.memory_space<vmem>> -> memref<1x1024x256xf32, #tpu.memory_space<vmem>>
    %dma_wait3A_1919 = tpu.memref_squeeze %dma_wait3A_1918 : memref<1x1024x256xf32, #tpu.memory_space<vmem>> -> memref<1024x256xf32, #tpu.memory_space<vmem>>
    tpu.wait_dma2 semaphore(%dma_wait3A_1912 : memref<!tpu.dma_semaphore, #tpu.memory_space<semaphore_mem>>) src(%dma_wait3A_1919 : memref<1024x256xf32, #tpu.memory_space<vmem>>) dst(%dma_wait3A_1915 : memref<1024x256xf32, #tpu.memory_space<any>>)
    %get3A_1920 = arith.constant 2 : index
    %get3A_1921 = arith.constant 0 : index
    %get3A_1922 = arith.constant 0 : index
    %get3A_1923 = vector.load %arg5[%get3A_1920, %get3A_1921, %get3A_1922] : memref<6x1024x256xf32, #tpu.memory_space<vmem>>, vector<1x1024x256xf32>
    %get3A_1924 = vector.shape_cast %get3A_1923 : vector<1x1024x256xf32> to vector<1024x256xf32>
    %get3A_1925 = arith.constant 2 : index
    %get3A_1926 = arith.constant 0 : index
    %get3A_1927 = arith.constant 0 : index
    %get3A_1928 = vector.load %arg4[%get3A_1925, %get3A_1926, %get3A_1927] : memref<6x1024x256xf32, #tpu.memory_space<vmem>>, vector<1x1024x256xf32>
    %get3A_1929 = vector.shape_cast %get3A_1928 : vector<1x1024x256xf32> to vector<1024x256xf32>
    %get3A_1930 = arith.constant 2 : index
    %get3A_1931 = arith.constant 0 : index
    %get3A_1932 = arith.constant 0 : index
    %get3A_1933 = vector.load %arg5[%get3A_1930, %get3A_1931, %get3A_1932] : memref<6x1024x256xf32, #tpu.memory_space<vmem>>, vector<1x1024x256xf32>
    %get3A_1934 = vector.shape_cast %get3A_1933 : vector<1x1024x256xf32> to vector<1024x256xf32>
    %sub3A_1935 = arith.subf %get3A_1929, %get3A_1934 : vector<1024x256xf32>
    %mul3A_1936 = vector.broadcast %logistic3A_6 : vector<1x256xf32> to vector<1024x256xf32>
    %mul3A_1937 = arith.mulf %mul3A_1936, %sub3A_1935 : vector<1024x256xf32>
    %add3A_1938 = arith.addf %get3A_1924, %mul3A_1937 : vector<1024x256xf32>
    %swap3A_1939 = arith.constant 2 : index
    %swap3A_1940 = arith.constant 0 : index
    %swap3A_1941 = arith.constant 0 : index
    %swap3A_1942 = vector.load %arg6[%swap3A_1939, %swap3A_1940, %swap3A_1941] : memref<6x1024x256xf32, #tpu.memory_space<vmem>>, vector<1x1024x256xf32>
    %swap3A_1943 = vector.shape_cast %swap3A_1942 : vector<1x1024x256xf32> to vector<1024x256xf32>
    %swap3A_1944 = vector.shape_cast %add3A_1938 : vector<1024x256xf32> to vector<1x1024x256xf32>
    tpu.vector_store %arg6[%swap3A_1939, %swap3A_1940, %swap3A_1941], %swap3A_1944 {strides = array<i32>} : memref<6x1024x256xf32, #tpu.memory_space<vmem>>, vector<1x1024x256xf32>,
    %dma_start3A_1945 = arith.constant 2 : i32
    %dma_start3A_1946 = arith.constant 2 : i32
    %dma_start3A_1947 = tpu.memref_slice %arg8[%dma_start3A_1946] : memref<6x!tpu.dma_semaphore, #tpu.memory_space<semaphore_mem>> -> memref<1x!tpu.dma_semaphore, #tpu.memory_space<semaphore_mem>>
    %dma_start3A_1948 = tpu.memref_squeeze %dma_start3A_1947 : memref<1x!tpu.dma_semaphore, #tpu.memory_space<semaphore_mem>> -> memref<!tpu.dma_semaphore, #tpu.memory_space<semaphore_mem>>
    %dma_start3A_1949 = arith.constant 20480 : i32
    %dma_start3A_1950 = arith.constant 0 : i32
    %dma_start3A_1951 = tpu.memref_slice %arg3[%dma_start3A_1949, %dma_start3A_1950] : memref<32768x256xf32, #tpu.memory_space<any>> -> memref<1024x256xf32, #tpu.memory_space<any>>
    %dma_start3A_1952 = arith.constant 0 : i32
    %dma_start3A_1953 = arith.constant 0 : i32
    %dma_start3A_1954 = tpu.memref_slice %arg6[%dma_start3A_1945, %dma_start3A_1952, %dma_start3A_1953] : memref<6x1024x256xf32, #tpu.memory_space<vmem>> -> memref<1x1024x256xf32, #tpu.memory_space<vmem>>
    %dma_start3A_1955 = tpu.memref_squeeze %dma_start3A_1954 : memref<1x1024x256xf32, #tpu.memory_space<vmem>> -> memref<1024x256xf32, #tpu.memory_space<vmem>>
    tpu.enqueue_dma source(%dma_start3A_1955 : memref<1024x256xf32, #tpu.memory_space<vmem>>) target(%dma_start3A_1951 : memref<1024x256xf32, #tpu.memory_space<any>>) target_semaphore(%dma_start3A_1948 : memref<!tpu.dma_semaphore, #tpu.memory_space<semaphore_mem>>)
    %dma_start3A_1956 = arith.constant 2 : i32
    %dma_start3A_1957 = arith.constant 2 : i32
    %dma_start3A_1958 = tpu.memref_slice %arg7[%dma_start3A_1957] : memref<6x!tpu.dma_semaphore, #tpu.memory_space<semaphore_mem>> -> memref<1x!tpu.dma_semaphore, #tpu.memory_space<semaphore_mem>>
    %dma_start3A_1959 = tpu.memref_squeeze %dma_start3A_1958 : memref<1x!tpu.dma_semaphore, #tpu.memory_space<semaphore_mem>> -> memref<!tpu.dma_semaphore, #tpu.memory_space<semaphore_mem>>
    %dma_start3A_1960 = arith.constant 0 : i32
    %dma_start3A_1961 = arith.constant 0 : i32
    %dma_start3A_1962 = tpu.memref_slice %arg4[%dma_start3A_1956, %dma_start3A_1960, %dma_start3A_1961] : memref<6x1024x256xf32, #tpu.memory_space<vmem>> -> memref<1x1024x256xf32, #tpu.memory_space<vmem>>
    %dma_start3A_1963 = tpu.memref_squeeze %dma_start3A_1962 : memref<1x1024x256xf32, #tpu.memory_space<vmem>> -> memref<1024x256xf32, #tpu.memory_space<vmem>>
    %dma_start3A_1964 = arith.constant 26624 : i32
    %dma_start3A_1965 = arith.constant 0 : i32
    %dma_start3A_1966 = tpu.memref_slice %arg0[%dma_start3A_1964, %dma_start3A_1965] : memref<32768x256xf32, #tpu.memory_space<any>> -> memref<1024x256xf32, #tpu.memory_space<any>>
    tpu.enqueue_dma source(%dma_start3A_1966 : memref<1024x256xf32, #tpu.memory_space<any>>) target(%dma_start3A_1963 : memref<1024x256xf32, #tpu.memory_space<vmem>>) target_semaphore(%dma_start3A_1959 : memref<!tpu.dma_semaphore, #tpu.memory_space<semaphore_mem>>)
    %dma_start3A_1967 = arith.constant 2 : i32
    %dma_start3A_1968 = arith.constant 2 : i32
    %dma_start3A_1969 = tpu.memref_slice %arg7[%dma_start3A_1968] : memref<6x!tpu.dma_semaphore, #tpu.memory_space<semaphore_mem>> -> memref<1x!tpu.dma_semaphore, #tpu.memory_space<semaphore_mem>>
    %dma_start3A_1970 = tpu.memref_squeeze %dma_start3A_1969 : memref<1x!tpu.dma_semaphore, #tpu.memory_space<semaphore_mem>> -> memref<!tpu.dma_semaphore, #tpu.memory_space<semaphore_mem>>
    %dma_start3A_1971 = arith.constant 0 : i32
    %dma_start3A_1972 = arith.constant 0 : i32
    %dma_start3A_1973 = tpu.memref_slice %arg5[%dma_start3A_1967, %dma_start3A_1971, %dma_start3A_1972] : memref<6x1024x256xf32, #tpu.memory_space<vmem>> -> memref<1x1024x256xf32, #tpu.memory_space<vmem>>
    %dma_start3A_1974 = tpu.memref_squeeze %dma_start3A_1973 : memref<1x1024x256xf32, #tpu.memory_space<vmem>> -> memref<1024x256xf32, #tpu.memory_space<vmem>>
    %dma_start3A_1975 = arith.constant 26624 : i32
    %dma_start3A_1976 = arith.constant 0 : i32
    %dma_start3A_1977 = tpu.memref_slice %arg1[%dma_start3A_1975, %dma_start3A_1976] : memref<32768x256xf32, #tpu.memory_space<any>> -> memref<1024x256xf32, #tpu.memory_space<any>>
    tpu.enqueue_dma source(%dma_start3A_1977 : memref<1024x256xf32, #tpu.memory_space<any>>) target(%dma_start3A_1974 : memref<1024x256xf32, #tpu.memory_space<vmem>>) target_semaphore(%dma_start3A_1970 : memref<!tpu.dma_semaphore, #tpu.memory_space<semaphore_mem>>)
    %dma_wait3A_1978 = arith.constant 3 : i32
    %dma_wait3A_1979 = arith.constant 3 : i32
    %dma_wait3A_1980 = tpu.memref_slice %arg7[%dma_wait3A_1979] : memref<6x!tpu.dma_semaphore, #tpu.memory_space<semaphore_mem>> -> memref<1x!tpu.dma_semaphore, #tpu.memory_space<semaphore_mem>>
    %dma_wait3A_1981 = tpu.memref_squeeze %dma_wait3A_1980 : memref<1x!tpu.dma_semaphore, #tpu.memory_space<semaphore_mem>> -> memref<!tpu.dma_semaphore, #tpu.memory_space<semaphore_mem>>
    %dma_wait3A_1982 = arith.constant 0 : i32
    %dma_wait3A_1983 = arith.constant 0 : i32
    %dma_wait3A_1984 = tpu.memref_slice %arg4[%dma_wait3A_1978, %dma_wait3A_1982, %dma_wait3A_1983] : memref<6x1024x256xf32, #tpu.memory_space<vmem>> -> memref<1x1024x256xf32, #tpu.memory_space<vmem>>
    %dma_wait3A_1985 = tpu.memref_squeeze %dma_wait3A_1984 : memref<1x1024x256xf32, #tpu.memory_space<vmem>> -> memref<1024x256xf32, #tpu.memory_space<vmem>>
    %dma_wait3A_1986 = arith.constant 0 : i32
    %dma_wait3A_1987 = arith.constant 0 : i32
    %dma_wait3A_1988 = tpu.memref_slice %arg0[%dma_wait3A_1986, %dma_wait3A_1987] : memref<32768x256xf32, #tpu.memory_space<any>> -> memref<1024x256xf32, #tpu.memory_space<any>>
    tpu.wait_dma2 semaphore(%dma_wait3A_1981 : memref<!tpu.dma_semaphore, #tpu.memory_space<semaphore_mem>>) src(%dma_wait3A_1988 : memref<1024x256xf32, #tpu.memory_space<any>>) dst(%dma_wait3A_1985 : memref<1024x256xf32, #tpu.memory_space<vmem>>)
    %dma_wait3A_1989 = arith.constant 3 : i32
    %dma_wait3A_1990 = arith.constant 3 : i32
    %dma_wait3A_1991 = tpu.memref_slice %arg7[%dma_wait3A_1990] : memref<6x!tpu.dma_semaphore, #tpu.memory_space<semaphore_mem>> -> memref<1x!tpu.dma_semaphore, #tpu.memory_space<semaphore_mem>>
    %dma_wait3A_1992 = tpu.memref_squeeze %dma_wait3A_1991 : memref<1x!tpu.dma_semaphore, #tpu.memory_space<semaphore_mem>> -> memref<!tpu.dma_semaphore, #tpu.memory_space<semaphore_mem>>
    %dma_wait3A_1993 = arith.constant 0 : i32
    %dma_wait3A_1994 = arith.constant 0 : i32
    %dma_wait3A_1995 = tpu.memref_slice %arg5[%dma_wait3A_1989, %dma_wait3A_1993, %dma_wait3A_1994] : memref<6x1024x256xf32, #tpu.memory_space<vmem>> -> memref<1x1024x256xf32, #tpu.memory_space<vmem>>
    %dma_wait3A_1996 = tpu.memref_squeeze %dma_wait3A_1995 : memref<1x1024x256xf32, #tpu.memory_space<vmem>> -> memref<1024x256xf32, #tpu.memory_space<vmem>>
    %dma_wait3A_1997 = arith.constant 0 : i32
    %dma_wait3A_1998 = arith.constant 0 : i32
    %dma_wait3A_1999 = tpu.memref_slice %arg1[%dma_wait3A_1997, %dma_wait3A_1998] : memref<32768x256xf32, #tpu.memory_space<any>> -> memref<1024x256xf32, #tpu.memory_space<any>>
    tpu.wait_dma2 semaphore(%dma_wait3A_1992 : memref<!tpu.dma_semaphore, #tpu.memory_space<semaphore_mem>>) src(%dma_wait3A_1999 : memref<1024x256xf32, #tpu.memory_space<any>>) dst(%dma_wait3A_1996 : memref<1024x256xf32, #tpu.memory_space<vmem>>)
    %dma_wait3A_2000 = arith.constant 3 : i32
    %dma_wait3A_2001 = arith.constant 3 : i32
    %dma_wait3A_2002 = tpu.memref_slice %arg8[%dma_wait3A_2001] : memref<6x!tpu.dma_semaphore, #tpu.memory_space<semaphore_mem>> -> memref<1x!tpu.dma_semaphore, #tpu.memory_space<semaphore_mem>>
    %dma_wait3A_2003 = tpu.memref_squeeze %dma_wait3A_2002 : memref<1x!tpu.dma_semaphore, #tpu.memory_space<semaphore_mem>> -> memref<!tpu.dma_semaphore, #tpu.memory_space<semaphore_mem>>
    %dma_wait3A_2004 = arith.constant 0 : i32
    %dma_wait3A_2005 = arith.constant 0 : i32
    %dma_wait3A_2006 = tpu.memref_slice %arg3[%dma_wait3A_2004, %dma_wait3A_2005] : memref<32768x256xf32, #tpu.memory_space<any>> -> memref<1024x256xf32, #tpu.memory_space<any>>
    %dma_wait3A_2007 = arith.constant 0 : i32
    %dma_wait3A_2008 = arith.constant 0 : i32
    %dma_wait3A_2009 = tpu.memref_slice %arg6[%dma_wait3A_2000, %dma_wait3A_2007, %dma_wait3A_2008] : memref<6x1024x256xf32, #tpu.memory_space<vmem>> -> memref<1x1024x256xf32, #tpu.memory_space<vmem>>
    %dma_wait3A_2010 = tpu.memref_squeeze %dma_wait3A_2009 : memref<1x1024x256xf32, #tpu.memory_space<vmem>> -> memref<1024x256xf32, #tpu.memory_space<vmem>>
    tpu.wait_dma2 semaphore(%dma_wait3A_2003 : memref<!tpu.dma_semaphore, #tpu.memory_space<semaphore_mem>>) src(%dma_wait3A_2010 : memref<1024x256xf32, #tpu.memory_space<vmem>>) dst(%dma_wait3A_2006 : memref<1024x256xf32, #tpu.memory_space<any>>)
    %get3A_2011 = arith.constant 3 : index
    %get3A_2012 = arith.constant 0 : index
    %get3A_2013 = arith.constant 0 : index
    %get3A_2014 = vector.load %arg5[%get3A_2011, %get3A_2012, %get3A_2013] : memref<6x1024x256xf32, #tpu.memory_space<vmem>>, vector<1x1024x256xf32>
    %get3A_2015 = vector.shape_cast %get3A_2014 : vector<1x1024x256xf32> to vector<1024x256xf32>
    %get3A_2016 = arith.constant 3 : index
    %get3A_2017 = arith.constant 0 : index
    %get3A_2018 = arith.constant 0 : index
    %get3A_2019 = vector.load %arg4[%get3A_2016, %get3A_2017, %get3A_2018] : memref<6x1024x256xf32, #tpu.memory_space<vmem>>, vector<1x1024x256xf32>
    %get3A_2020 = vector.shape_cast %get3A_2019 : vector<1x1024x256xf32> to vector<1024x256xf32>
    %get3A_2021 = arith.constant 3 : index
    %get3A_2022 = arith.constant 0 : index
    %get3A_2023 = arith.constant 0 : index
    %get3A_2024 = vector.load %arg5[%get3A_2021, %get3A_2022, %get3A_2023] : memref<6x1024x256xf32, #tpu.memory_space<vmem>>, vector<1x1024x256xf32>
    %get3A_2025 = vector.shape_cast %get3A_2024 : vector<1x1024x256xf32> to vector<1024x256xf32>
    %sub3A_2026 = arith.subf %get3A_2020, %get3A_2025 : vector<1024x256xf32>
    %mul3A_2027 = vector.broadcast %logistic3A_6 : vector<1x256xf32> to vector<1024x256xf32>
    %mul3A_2028 = arith.mulf %mul3A_2027, %sub3A_2026 : vector<1024x256xf32>
    %add3A_2029 = arith.addf %get3A_2015, %mul3A_2028 : vector<1024x256xf32>
    %swap3A_2030 = arith.constant 3 : index
    %swap3A_2031 = arith.constant 0 : index
    %swap3A_2032 = arith.constant 0 : index
    %swap3A_2033 = vector.load %arg6[%swap3A_2030, %swap3A_2031, %swap3A_2032] : memref<6x1024x256xf32, #tpu.memory_space<vmem>>, vector<1x1024x256xf32>
    %swap3A_2034 = vector.shape_cast %swap3A_2033 : vector<1x1024x256xf32> to vector<1024x256xf32>
    %swap3A_2035 = vector.shape_cast %add3A_2029 : vector<1024x256xf32> to vector<1x1024x256xf32>
    tpu.vector_store %arg6[%swap3A_2030, %swap3A_2031, %swap3A_2032], %swap3A_2035 {strides = array<i32>} : memref<6x1024x256xf32, #tpu.memory_space<vmem>>, vector<1x1024x256xf32>,
    %dma_start3A_2036 = arith.constant 3 : i32
    %dma_start3A_2037 = arith.constant 3 : i32
    %dma_start3A_2038 = tpu.memref_slice %arg8[%dma_start3A_2037] : memref<6x!tpu.dma_semaphore, #tpu.memory_space<semaphore_mem>> -> memref<1x!tpu.dma_semaphore, #tpu.memory_space<semaphore_mem>>
    %dma_start3A_2039 = tpu.memref_squeeze %dma_start3A_2038 : memref<1x!tpu.dma_semaphore, #tpu.memory_space<semaphore_mem>> -> memref<!tpu.dma_semaphore, #tpu.memory_space<semaphore_mem>>
    %dma_start3A_2040 = arith.constant 21504 : i32
    %dma_start3A_2041 = arith.constant 0 : i32
    %dma_start3A_2042 = tpu.memref_slice %arg3[%dma_start3A_2040, %dma_start3A_2041] : memref<32768x256xf32, #tpu.memory_space<any>> -> memref<1024x256xf32, #tpu.memory_space<any>>
    %dma_start3A_2043 = arith.constant 0 : i32
    %dma_start3A_2044 = arith.constant 0 : i32
    %dma_start3A_2045 = tpu.memref_slice %arg6[%dma_start3A_2036, %dma_start3A_2043, %dma_start3A_2044] : memref<6x1024x256xf32, #tpu.memory_space<vmem>> -> memref<1x1024x256xf32, #tpu.memory_space<vmem>>
    %dma_start3A_2046 = tpu.memref_squeeze %dma_start3A_2045 : memref<1x1024x256xf32, #tpu.memory_space<vmem>> -> memref<1024x256xf32, #tpu.memory_space<vmem>>
    tpu.enqueue_dma source(%dma_start3A_2046 : memref<1024x256xf32, #tpu.memory_space<vmem>>) target(%dma_start3A_2042 : memref<1024x256xf32, #tpu.memory_space<any>>) target_semaphore(%dma_start3A_2039 : memref<!tpu.dma_semaphore, #tpu.memory_space<semaphore_mem>>)
    %dma_start3A_2047 = arith.constant 3 : i32
    %dma_start3A_2048 = arith.constant 3 : i32
    %dma_start3A_2049 = tpu.memref_slice %arg7[%dma_start3A_2048] : memref<6x!tpu.dma_semaphore, #tpu.memory_space<semaphore_mem>> -> memref<1x!tpu.dma_semaphore, #tpu.memory_space<semaphore_mem>>
    %dma_start3A_2050 = tpu.memref_squeeze %dma_start3A_2049 : memref<1x!tpu.dma_semaphore, #tpu.memory_space<semaphore_mem>> -> memref<!tpu.dma_semaphore, #tpu.memory_space<semaphore_mem>>
    %dma_start3A_2051 = arith.constant 0 : i32
    %dma_start3A_2052 = arith.constant 0 : i32
    %dma_start3A_2053 = tpu.memref_slice %arg4[%dma_start3A_2047, %dma_start3A_2051, %dma_start3A_2052] : memref<6x1024x256xf32, #tpu.memory_space<vmem>> -> memref<1x1024x256xf32, #tpu.memory_space<vmem>>
    %dma_start3A_2054 = tpu.memref_squeeze %dma_start3A_2053 : memref<1x1024x256xf32, #tpu.memory_space<vmem>> -> memref<1024x256xf32, #tpu.memory_space<vmem>>
    %dma_start3A_2055 = arith.constant 27648 : i32
    %dma_start3A_2056 = arith.constant 0 : i32
    %dma_start3A_2057 = tpu.memref_slice %arg0[%dma_start3A_2055, %dma_start3A_2056] : memref<32768x256xf32, #tpu.memory_space<any>> -> memref<1024x256xf32, #tpu.memory_space<any>>
    tpu.enqueue_dma source(%dma_start3A_2057 : memref<1024x256xf32, #tpu.memory_space<any>>) target(%dma_start3A_2054 : memref<1024x256xf32, #tpu.memory_space<vmem>>) target_semaphore(%dma_start3A_2050 : memref<!tpu.dma_semaphore, #tpu.memory_space<semaphore_mem>>)
    %dma_start3A_2058 = arith.constant 3 : i32
    %dma_start3A_2059 = arith.constant 3 : i32
    %dma_start3A_2060 = tpu.memref_slice %arg7[%dma_start3A_2059] : memref<6x!tpu.dma_semaphore, #tpu.memory_space<semaphore_mem>> -> memref<1x!tpu.dma_semaphore, #tpu.memory_space<semaphore_mem>>
    %dma_start3A_2061 = tpu.memref_squeeze %dma_start3A_2060 : memref<1x!tpu.dma_semaphore, #tpu.memory_space<semaphore_mem>> -> memref<!tpu.dma_semaphore, #tpu.memory_space<semaphore_mem>>
    %dma_start3A_2062 = arith.constant 0 : i32
    %dma_start3A_2063 = arith.constant 0 : i32
    %dma_start3A_2064 = tpu.memref_slice %arg5[%dma_start3A_2058, %dma_start3A_2062, %dma_start3A_2063] : memref<6x1024x256xf32, #tpu.memory_space<vmem>> -> memref<1x1024x256xf32, #tpu.memory_space<vmem>>
    %dma_start3A_2065 = tpu.memref_squeeze %dma_start3A_2064 : memref<1x1024x256xf32, #tpu.memory_space<vmem>> -> memref<1024x256xf32, #tpu.memory_space<vmem>>
    %dma_start3A_2066 = arith.constant 27648 : i32
    %dma_start3A_2067 = arith.constant 0 : i32
    %dma_start3A_2068 = tpu.memref_slice %arg1[%dma_start3A_2066, %dma_start3A_2067] : memref<32768x256xf32, #tpu.memory_space<any>> -> memref<1024x256xf32, #tpu.memory_space<any>>
    tpu.enqueue_dma source(%dma_start3A_2068 : memref<1024x256xf32, #tpu.memory_space<any>>) target(%dma_start3A_2065 : memref<1024x256xf32, #tpu.memory_space<vmem>>) target_semaphore(%dma_start3A_2061 : memref<!tpu.dma_semaphore, #tpu.memory_space<semaphore_mem>>)
    %dma_wait3A_2069 = arith.constant 4 : i32
    %dma_wait3A_2070 = arith.constant 4 : i32
    %dma_wait3A_2071 = tpu.memref_slice %arg7[%dma_wait3A_2070] : memref<6x!tpu.dma_semaphore, #tpu.memory_space<semaphore_mem>> -> memref<1x!tpu.dma_semaphore, #tpu.memory_space<semaphore_mem>>
    %dma_wait3A_2072 = tpu.memref_squeeze %dma_wait3A_2071 : memref<1x!tpu.dma_semaphore, #tpu.memory_space<semaphore_mem>> -> memref<!tpu.dma_semaphore, #tpu.memory_space<semaphore_mem>>
    %dma_wait3A_2073 = arith.constant 0 : i32
    %dma_wait3A_2074 = arith.constant 0 : i32
    %dma_wait3A_2075 = tpu.memref_slice %arg4[%dma_wait3A_2069, %dma_wait3A_2073, %dma_wait3A_2074] : memref<6x1024x256xf32, #tpu.memory_space<vmem>> -> memref<1x1024x256xf32, #tpu.memory_space<vmem>>
    %dma_wait3A_2076 = tpu.memref_squeeze %dma_wait3A_2075 : memref<1x1024x256xf32, #tpu.memory_space<vmem>> -> memref<1024x256xf32, #tpu.memory_space<vmem>>
    %dma_wait3A_2077 = arith.constant 0 : i32
    %dma_wait3A_2078 = arith.constant 0 : i32
    %dma_wait3A_2079 = tpu.memref_slice %arg0[%dma_wait3A_2077, %dma_wait3A_2078] : memref<32768x256xf32, #tpu.memory_space<any>> -> memref<1024x256xf32, #tpu.memory_space<any>>
    tpu.wait_dma2 semaphore(%dma_wait3A_2072 : memref<!tpu.dma_semaphore, #tpu.memory_space<semaphore_mem>>) src(%dma_wait3A_2079 : memref<1024x256xf32, #tpu.memory_space<any>>) dst(%dma_wait3A_2076 : memref<1024x256xf32, #tpu.memory_space<vmem>>)
    %dma_wait3A_2080 = arith.constant 4 : i32
    %dma_wait3A_2081 = arith.constant 4 : i32
    %dma_wait3A_2082 = tpu.memref_slice %arg7[%dma_wait3A_2081] : memref<6x!tpu.dma_semaphore, #tpu.memory_space<semaphore_mem>> -> memref<1x!tpu.dma_semaphore, #tpu.memory_space<semaphore_mem>>
    %dma_wait3A_2083 = tpu.memref_squeeze %dma_wait3A_2082 : memref<1x!tpu.dma_semaphore, #tpu.memory_space<semaphore_mem>> -> memref<!tpu.dma_semaphore, #tpu.memory_space<semaphore_mem>>
    %dma_wait3A_2084 = arith.constant 0 : i32
    %dma_wait3A_2085 = arith.constant 0 : i32
    %dma_wait3A_2086 = tpu.memref_slice %arg5[%dma_wait3A_2080, %dma_wait3A_2084, %dma_wait3A_2085] : memref<6x1024x256xf32, #tpu.memory_space<vmem>> -> memref<1x1024x256xf32, #tpu.memory_space<vmem>>
    %dma_wait3A_2087 = tpu.memref_squeeze %dma_wait3A_2086 : memref<1x1024x256xf32, #tpu.memory_space<vmem>> -> memref<1024x256xf32, #tpu.memory_space<vmem>>
    %dma_wait3A_2088 = arith.constant 0 : i32
    %dma_wait3A_2089 = arith.constant 0 : i32
    %dma_wait3A_2090 = tpu.memref_slice %arg1[%dma_wait3A_2088, %dma_wait3A_2089] : memref<32768x256xf32, #tpu.memory_space<any>> -> memref<1024x256xf32, #tpu.memory_space<any>>
    tpu.wait_dma2 semaphore(%dma_wait3A_2083 : memref<!tpu.dma_semaphore, #tpu.memory_space<semaphore_mem>>) src(%dma_wait3A_2090 : memref<1024x256xf32, #tpu.memory_space<any>>) dst(%dma_wait3A_2087 : memref<1024x256xf32, #tpu.memory_space<vmem>>)
    %dma_wait3A_2091 = arith.constant 4 : i32
    %dma_wait3A_2092 = arith.constant 4 : i32
    %dma_wait3A_2093 = tpu.memref_slice %arg8[%dma_wait3A_2092] : memref<6x!tpu.dma_semaphore, #tpu.memory_space<semaphore_mem>> -> memref<1x!tpu.dma_semaphore, #tpu.memory_space<semaphore_mem>>
    %dma_wait3A_2094 = tpu.memref_squeeze %dma_wait3A_2093 : memref<1x!tpu.dma_semaphore, #tpu.memory_space<semaphore_mem>> -> memref<!tpu.dma_semaphore, #tpu.memory_space<semaphore_mem>>
    %dma_wait3A_2095 = arith.constant 0 : i32
    %dma_wait3A_2096 = arith.constant 0 : i32
    %dma_wait3A_2097 = tpu.memref_slice %arg3[%dma_wait3A_2095, %dma_wait3A_2096] : memref<32768x256xf32, #tpu.memory_space<any>> -> memref<1024x256xf32, #tpu.memory_space<any>>
    %dma_wait3A_2098 = arith.constant 0 : i32
    %dma_wait3A_2099 = arith.constant 0 : i32
    %dma_wait3A_2100 = tpu.memref_slice %arg6[%dma_wait3A_2091, %dma_wait3A_2098, %dma_wait3A_2099] : memref<6x1024x256xf32, #tpu.memory_space<vmem>> -> memref<1x1024x256xf32, #tpu.memory_space<vmem>>
    %dma_wait3A_2101 = tpu.memref_squeeze %dma_wait3A_2100 : memref<1x1024x256xf32, #tpu.memory_space<vmem>> -> memref<1024x256xf32, #tpu.memory_space<vmem>>
    tpu.wait_dma2 semaphore(%dma_wait3A_2094 : memref<!tpu.dma_semaphore, #tpu.memory_space<semaphore_mem>>) src(%dma_wait3A_2101 : memref<1024x256xf32, #tpu.memory_space<vmem>>) dst(%dma_wait3A_2097 : memref<1024x256xf32, #tpu.memory_space<any>>)
    %get3A_2102 = arith.constant 4 : index
    %get3A_2103 = arith.constant 0 : index
    %get3A_2104 = arith.constant 0 : index
    %get3A_2105 = vector.load %arg5[%get3A_2102, %get3A_2103, %get3A_2104] : memref<6x1024x256xf32, #tpu.memory_space<vmem>>, vector<1x1024x256xf32>
    %get3A_2106 = vector.shape_cast %get3A_2105 : vector<1x1024x256xf32> to vector<1024x256xf32>
    %get3A_2107 = arith.constant 4 : index
    %get3A_2108 = arith.constant 0 : index
    %get3A_2109 = arith.constant 0 : index
    %get3A_2110 = vector.load %arg4[%get3A_2107, %get3A_2108, %get3A_2109] : memref<6x1024x256xf32, #tpu.memory_space<vmem>>, vector<1x1024x256xf32>
    %get3A_2111 = vector.shape_cast %get3A_2110 : vector<1x1024x256xf32> to vector<1024x256xf32>
    %get3A_2112 = arith.constant 4 : index
    %get3A_2113 = arith.constant 0 : index
    %get3A_2114 = arith.constant 0 : index
    %get3A_2115 = vector.load %arg5[%get3A_2112, %get3A_2113, %get3A_2114] : memref<6x1024x256xf32, #tpu.memory_space<vmem>>, vector<1x1024x256xf32>
    %get3A_2116 = vector.shape_cast %get3A_2115 : vector<1x1024x256xf32> to vector<1024x256xf32>
    %sub3A_2117 = arith.subf %get3A_2111, %get3A_2116 : vector<1024x256xf32>
    %mul3A_2118 = vector.broadcast %logistic3A_6 : vector<1x256xf32> to vector<1024x256xf32>
    %mul3A_2119 = arith.mulf %mul3A_2118, %sub3A_2117 : vector<1024x256xf32>
    %add3A_2120 = arith.addf %get3A_2106, %mul3A_2119 : vector<1024x256xf32>
    %swap3A_2121 = arith.constant 4 : index
    %swap3A_2122 = arith.constant 0 : index
    %swap3A_2123 = arith.constant 0 : index
    %swap3A_2124 = vector.load %arg6[%swap3A_2121, %swap3A_2122, %swap3A_2123] : memref<6x1024x256xf32, #tpu.memory_space<vmem>>, vector<1x1024x256xf32>
    %swap3A_2125 = vector.shape_cast %swap3A_2124 : vector<1x1024x256xf32> to vector<1024x256xf32>
    %swap3A_2126 = vector.shape_cast %add3A_2120 : vector<1024x256xf32> to vector<1x1024x256xf32>
    tpu.vector_store %arg6[%swap3A_2121, %swap3A_2122, %swap3A_2123], %swap3A_2126 {strides = array<i32>} : memref<6x1024x256xf32, #tpu.memory_space<vmem>>, vector<1x1024x256xf32>,
    %dma_start3A_2127 = arith.constant 4 : i32
    %dma_start3A_2128 = arith.constant 4 : i32
    %dma_start3A_2129 = tpu.memref_slice %arg8[%dma_start3A_2128] : memref<6x!tpu.dma_semaphore, #tpu.memory_space<semaphore_mem>> -> memref<1x!tpu.dma_semaphore, #tpu.memory_space<semaphore_mem>>
    %dma_start3A_2130 = tpu.memref_squeeze %dma_start3A_2129 : memref<1x!tpu.dma_semaphore, #tpu.memory_space<semaphore_mem>> -> memref<!tpu.dma_semaphore, #tpu.memory_space<semaphore_mem>>
    %dma_start3A_2131 = arith.constant 22528 : i32
    %dma_start3A_2132 = arith.constant 0 : i32
    %dma_start3A_2133 = tpu.memref_slice %arg3[%dma_start3A_2131, %dma_start3A_2132] : memref<32768x256xf32, #tpu.memory_space<any>> -> memref<1024x256xf32, #tpu.memory_space<any>>
    %dma_start3A_2134 = arith.constant 0 : i32
    %dma_start3A_2135 = arith.constant 0 : i32
    %dma_start3A_2136 = tpu.memref_slice %arg6[%dma_start3A_2127, %dma_start3A_2134, %dma_start3A_2135] : memref<6x1024x256xf32, #tpu.memory_space<vmem>> -> memref<1x1024x256xf32, #tpu.memory_space<vmem>>
    %dma_start3A_2137 = tpu.memref_squeeze %dma_start3A_2136 : memref<1x1024x256xf32, #tpu.memory_space<vmem>> -> memref<1024x256xf32, #tpu.memory_space<vmem>>
    tpu.enqueue_dma source(%dma_start3A_2137 : memref<1024x256xf32, #tpu.memory_space<vmem>>) target(%dma_start3A_2133 : memref<1024x256xf32, #tpu.memory_space<any>>) target_semaphore(%dma_start3A_2130 : memref<!tpu.dma_semaphore, #tpu.memory_space<semaphore_mem>>)
    %dma_start3A_2138 = arith.constant 4 : i32
    %dma_start3A_2139 = arith.constant 4 : i32
    %dma_start3A_2140 = tpu.memref_slice %arg7[%dma_start3A_2139] : memref<6x!tpu.dma_semaphore, #tpu.memory_space<semaphore_mem>> -> memref<1x!tpu.dma_semaphore, #tpu.memory_space<semaphore_mem>>
    %dma_start3A_2141 = tpu.memref_squeeze %dma_start3A_2140 : memref<1x!tpu.dma_semaphore, #tpu.memory_space<semaphore_mem>> -> memref<!tpu.dma_semaphore, #tpu.memory_space<semaphore_mem>>
    %dma_start3A_2142 = arith.constant 0 : i32
    %dma_start3A_2143 = arith.constant 0 : i32
    %dma_start3A_2144 = tpu.memref_slice %arg4[%dma_start3A_2138, %dma_start3A_2142, %dma_start3A_2143] : memref<6x1024x256xf32, #tpu.memory_space<vmem>> -> memref<1x1024x256xf32, #tpu.memory_space<vmem>>
    %dma_start3A_2145 = tpu.memref_squeeze %dma_start3A_2144 : memref<1x1024x256xf32, #tpu.memory_space<vmem>> -> memref<1024x256xf32, #tpu.memory_space<vmem>>
    %dma_start3A_2146 = arith.constant 28672 : i32
    %dma_start3A_2147 = arith.constant 0 : i32
    %dma_start3A_2148 = tpu.memref_slice %arg0[%dma_start3A_2146, %dma_start3A_2147] : memref<32768x256xf32, #tpu.memory_space<any>> -> memref<1024x256xf32, #tpu.memory_space<any>>
    tpu.enqueue_dma source(%dma_start3A_2148 : memref<1024x256xf32, #tpu.memory_space<any>>) target(%dma_start3A_2145 : memref<1024x256xf32, #tpu.memory_space<vmem>>) target_semaphore(%dma_start3A_2141 : memref<!tpu.dma_semaphore, #tpu.memory_space<semaphore_mem>>)
    %dma_start3A_2149 = arith.constant 4 : i32
    %dma_start3A_2150 = arith.constant 4 : i32
    %dma_start3A_2151 = tpu.memref_slice %arg7[%dma_start3A_2150] : memref<6x!tpu.dma_semaphore, #tpu.memory_space<semaphore_mem>> -> memref<1x!tpu.dma_semaphore, #tpu.memory_space<semaphore_mem>>
    %dma_start3A_2152 = tpu.memref_squeeze %dma_start3A_2151 : memref<1x!tpu.dma_semaphore, #tpu.memory_space<semaphore_mem>> -> memref<!tpu.dma_semaphore, #tpu.memory_space<semaphore_mem>>
    %dma_start3A_2153 = arith.constant 0 : i32
    %dma_start3A_2154 = arith.constant 0 : i32
    %dma_start3A_2155 = tpu.memref_slice %arg5[%dma_start3A_2149, %dma_start3A_2153, %dma_start3A_2154] : memref<6x1024x256xf32, #tpu.memory_space<vmem>> -> memref<1x1024x256xf32, #tpu.memory_space<vmem>>
    %dma_start3A_2156 = tpu.memref_squeeze %dma_start3A_2155 : memref<1x1024x256xf32, #tpu.memory_space<vmem>> -> memref<1024x256xf32, #tpu.memory_space<vmem>>
    %dma_start3A_2157 = arith.constant 28672 : i32
    %dma_start3A_2158 = arith.constant 0 : i32
    %dma_start3A_2159 = tpu.memref_slice %arg1[%dma_start3A_2157, %dma_start3A_2158] : memref<32768x256xf32, #tpu.memory_space<any>> -> memref<1024x256xf32, #tpu.memory_space<any>>
    tpu.enqueue_dma source(%dma_start3A_2159 : memref<1024x256xf32, #tpu.memory_space<any>>) target(%dma_start3A_2156 : memref<1024x256xf32, #tpu.memory_space<vmem>>) target_semaphore(%dma_start3A_2152 : memref<!tpu.dma_semaphore, #tpu.memory_space<semaphore_mem>>)
    %dma_wait3A_2160 = arith.constant 5 : i32
    %dma_wait3A_2161 = arith.constant 5 : i32
    %dma_wait3A_2162 = tpu.memref_slice %arg7[%dma_wait3A_2161] : memref<6x!tpu.dma_semaphore, #tpu.memory_space<semaphore_mem>> -> memref<1x!tpu.dma_semaphore, #tpu.memory_space<semaphore_mem>>
    %dma_wait3A_2163 = tpu.memref_squeeze %dma_wait3A_2162 : memref<1x!tpu.dma_semaphore, #tpu.memory_space<semaphore_mem>> -> memref<!tpu.dma_semaphore, #tpu.memory_space<semaphore_mem>>
    %dma_wait3A_2164 = arith.constant 0 : i32
    %dma_wait3A_2165 = arith.constant 0 : i32
    %dma_wait3A_2166 = tpu.memref_slice %arg4[%dma_wait3A_2160, %dma_wait3A_2164, %dma_wait3A_2165] : memref<6x1024x256xf32, #tpu.memory_space<vmem>> -> memref<1x1024x256xf32, #tpu.memory_space<vmem>>
    %dma_wait3A_2167 = tpu.memref_squeeze %dma_wait3A_2166 : memref<1x1024x256xf32, #tpu.memory_space<vmem>> -> memref<1024x256xf32, #tpu.memory_space<vmem>>
    %dma_wait3A_2168 = arith.constant 0 : i32
    %dma_wait3A_2169 = arith.constant 0 : i32
    %dma_wait3A_2170 = tpu.memref_slice %arg0[%dma_wait3A_2168, %dma_wait3A_2169] : memref<32768x256xf32, #tpu.memory_space<any>> -> memref<1024x256xf32, #tpu.memory_space<any>>
    tpu.wait_dma2 semaphore(%dma_wait3A_2163 : memref<!tpu.dma_semaphore, #tpu.memory_space<semaphore_mem>>) src(%dma_wait3A_2170 : memref<1024x256xf32, #tpu.memory_space<any>>) dst(%dma_wait3A_2167 : memref<1024x256xf32, #tpu.memory_space<vmem>>)
    %dma_wait3A_2171 = arith.constant 5 : i32
    %dma_wait3A_2172 = arith.constant 5 : i32
    %dma_wait3A_2173 = tpu.memref_slice %arg7[%dma_wait3A_2172] : memref<6x!tpu.dma_semaphore, #tpu.memory_space<semaphore_mem>> -> memref<1x!tpu.dma_semaphore, #tpu.memory_space<semaphore_mem>>
    %dma_wait3A_2174 = tpu.memref_squeeze %dma_wait3A_2173 : memref<1x!tpu.dma_semaphore, #tpu.memory_space<semaphore_mem>> -> memref<!tpu.dma_semaphore, #tpu.memory_space<semaphore_mem>>
    %dma_wait3A_2175 = arith.constant 0 : i32
    %dma_wait3A_2176 = arith.constant 0 : i32
    %dma_wait3A_2177 = tpu.memref_slice %arg5[%dma_wait3A_2171, %dma_wait3A_2175, %dma_wait3A_2176] : memref<6x1024x256xf32, #tpu.memory_space<vmem>> -> memref<1x1024x256xf32, #tpu.memory_space<vmem>>
    %dma_wait3A_2178 = tpu.memref_squeeze %dma_wait3A_2177 : memref<1x1024x256xf32, #tpu.memory_space<vmem>> -> memref<1024x256xf32, #tpu.memory_space<vmem>>
    %dma_wait3A_2179 = arith.constant 0 : i32
    %dma_wait3A_2180 = arith.constant 0 : i32
    %dma_wait3A_2181 = tpu.memref_slice %arg1[%dma_wait3A_2179, %dma_wait3A_2180] : memref<32768x256xf32, #tpu.memory_space<any>> -> memref<1024x256xf32, #tpu.memory_space<any>>
    tpu.wait_dma2 semaphore(%dma_wait3A_2174 : memref<!tpu.dma_semaphore, #tpu.memory_space<semaphore_mem>>) src(%dma_wait3A_2181 : memref<1024x256xf32, #tpu.memory_space<any>>) dst(%dma_wait3A_2178 : memref<1024x256xf32, #tpu.memory_space<vmem>>)
    %dma_wait3A_2182 = arith.constant 5 : i32
    %dma_wait3A_2183 = arith.constant 5 : i32
    %dma_wait3A_2184 = tpu.memref_slice %arg8[%dma_wait3A_2183] : memref<6x!tpu.dma_semaphore, #tpu.memory_space<semaphore_mem>> -> memref<1x!tpu.dma_semaphore, #tpu.memory_space<semaphore_mem>>
    %dma_wait3A_2185 = tpu.memref_squeeze %dma_wait3A_2184 : memref<1x!tpu.dma_semaphore, #tpu.memory_space<semaphore_mem>> -> memref<!tpu.dma_semaphore, #tpu.memory_space<semaphore_mem>>
    %dma_wait3A_2186 = arith.constant 0 : i32
    %dma_wait3A_2187 = arith.constant 0 : i32
    %dma_wait3A_2188 = tpu.memref_slice %arg3[%dma_wait3A_2186, %dma_wait3A_2187] : memref<32768x256xf32, #tpu.memory_space<any>> -> memref<1024x256xf32, #tpu.memory_space<any>>
    %dma_wait3A_2189 = arith.constant 0 : i32
    %dma_wait3A_2190 = arith.constant 0 : i32
    %dma_wait3A_2191 = tpu.memref_slice %arg6[%dma_wait3A_2182, %dma_wait3A_2189, %dma_wait3A_2190] : memref<6x1024x256xf32, #tpu.memory_space<vmem>> -> memref<1x1024x256xf32, #tpu.memory_space<vmem>>
    %dma_wait3A_2192 = tpu.memref_squeeze %dma_wait3A_2191 : memref<1x1024x256xf32, #tpu.memory_space<vmem>> -> memref<1024x256xf32, #tpu.memory_space<vmem>>
    tpu.wait_dma2 semaphore(%dma_wait3A_2185 : memref<!tpu.dma_semaphore, #tpu.memory_space<semaphore_mem>>) src(%dma_wait3A_2192 : memref<1024x256xf32, #tpu.memory_space<vmem>>) dst(%dma_wait3A_2188 : memref<1024x256xf32, #tpu.memory_space<any>>)
    %get3A_2193 = arith.constant 5 : index
    %get3A_2194 = arith.constant 0 : index
    %get3A_2195 = arith.constant 0 : index
    %get3A_2196 = vector.load %arg5[%get3A_2193, %get3A_2194, %get3A_2195] : memref<6x1024x256xf32, #tpu.memory_space<vmem>>, vector<1x1024x256xf32>
    %get3A_2197 = vector.shape_cast %get3A_2196 : vector<1x1024x256xf32> to vector<1024x256xf32>
    %get3A_2198 = arith.constant 5 : index
    %get3A_2199 = arith.constant 0 : index
    %get3A_2200 = arith.constant 0 : index
    %get3A_2201 = vector.load %arg4[%get3A_2198, %get3A_2199, %get3A_2200] : memref<6x1024x256xf32, #tpu.memory_space<vmem>>, vector<1x1024x256xf32>
    %get3A_2202 = vector.shape_cast %get3A_2201 : vector<1x1024x256xf32> to vector<1024x256xf32>
    %get3A_2203 = arith.constant 5 : index
    %get3A_2204 = arith.constant 0 : index
    %get3A_2205 = arith.constant 0 : index
    %get3A_2206 = vector.load %arg5[%get3A_2203, %get3A_2204, %get3A_2205] : memref<6x1024x256xf32, #tpu.memory_space<vmem>>, vector<1x1024x256xf32>
    %get3A_2207 = vector.shape_cast %get3A_2206 : vector<1x1024x256xf32> to vector<1024x256xf32>
    %sub3A_2208 = arith.subf %get3A_2202, %get3A_2207 : vector<1024x256xf32>
    %mul3A_2209 = vector.broadcast %logistic3A_6 : vector<1x256xf32> to vector<1024x256xf32>
    %mul3A_2210 = arith.mulf %mul3A_2209, %sub3A_2208 : vector<1024x256xf32>
    %add3A_2211 = arith.addf %get3A_2197, %mul3A_2210 : vector<1024x256xf32>
    %swap3A_2212 = arith.constant 5 : index
    %swap3A_2213 = arith.constant 0 : index
    %swap3A_2214 = arith.constant 0 : index
    %swap3A_2215 = vector.load %arg6[%swap3A_2212, %swap3A_2213, %swap3A_2214] : memref<6x1024x256xf32, #tpu.memory_space<vmem>>, vector<1x1024x256xf32>
    %swap3A_2216 = vector.shape_cast %swap3A_2215 : vector<1x1024x256xf32> to vector<1024x256xf32>
    %swap3A_2217 = vector.shape_cast %add3A_2211 : vector<1024x256xf32> to vector<1x1024x256xf32>
    tpu.vector_store %arg6[%swap3A_2212, %swap3A_2213, %swap3A_2214], %swap3A_2217 {strides = array<i32>} : memref<6x1024x256xf32, #tpu.memory_space<vmem>>, vector<1x1024x256xf32>,
    %dma_start3A_2218 = arith.constant 5 : i32
    %dma_start3A_2219 = arith.constant 5 : i32
    %dma_start3A_2220 = tpu.memref_slice %arg8[%dma_start3A_2219] : memref<6x!tpu.dma_semaphore, #tpu.memory_space<semaphore_mem>> -> memref<1x!tpu.dma_semaphore, #tpu.memory_space<semaphore_mem>>
    %dma_start3A_2221 = tpu.memref_squeeze %dma_start3A_2220 : memref<1x!tpu.dma_semaphore, #tpu.memory_space<semaphore_mem>> -> memref<!tpu.dma_semaphore, #tpu.memory_space<semaphore_mem>>
    %dma_start3A_2222 = arith.constant 23552 : i32
    %dma_start3A_2223 = arith.constant 0 : i32
    %dma_start3A_2224 = tpu.memref_slice %arg3[%dma_start3A_2222, %dma_start3A_2223] : memref<32768x256xf32, #tpu.memory_space<any>> -> memref<1024x256xf32, #tpu.memory_space<any>>
    %dma_start3A_2225 = arith.constant 0 : i32
    %dma_start3A_2226 = arith.constant 0 : i32
    %dma_start3A_2227 = tpu.memref_slice %arg6[%dma_start3A_2218, %dma_start3A_2225, %dma_start3A_2226] : memref<6x1024x256xf32, #tpu.memory_space<vmem>> -> memref<1x1024x256xf32, #tpu.memory_space<vmem>>
    %dma_start3A_2228 = tpu.memref_squeeze %dma_start3A_2227 : memref<1x1024x256xf32, #tpu.memory_space<vmem>> -> memref<1024x256xf32, #tpu.memory_space<vmem>>
    tpu.enqueue_dma source(%dma_start3A_2228 : memref<1024x256xf32, #tpu.memory_space<vmem>>) target(%dma_start3A_2224 : memref<1024x256xf32, #tpu.memory_space<any>>) target_semaphore(%dma_start3A_2221 : memref<!tpu.dma_semaphore, #tpu.memory_space<semaphore_mem>>)
    %dma_start3A_2229 = arith.constant 5 : i32
    %dma_start3A_2230 = arith.constant 5 : i32
    %dma_start3A_2231 = tpu.memref_slice %arg7[%dma_start3A_2230] : memref<6x!tpu.dma_semaphore, #tpu.memory_space<semaphore_mem>> -> memref<1x!tpu.dma_semaphore, #tpu.memory_space<semaphore_mem>>
    %dma_start3A_2232 = tpu.memref_squeeze %dma_start3A_2231 : memref<1x!tpu.dma_semaphore, #tpu.memory_space<semaphore_mem>> -> memref<!tpu.dma_semaphore, #tpu.memory_space<semaphore_mem>>
    %dma_start3A_2233 = arith.constant 0 : i32
    %dma_start3A_2234 = arith.constant 0 : i32
    %dma_start3A_2235 = tpu.memref_slice %arg4[%dma_start3A_2229, %dma_start3A_2233, %dma_start3A_2234] : memref<6x1024x256xf32, #tpu.memory_space<vmem>> -> memref<1x1024x256xf32, #tpu.memory_space<vmem>>
    %dma_start3A_2236 = tpu.memref_squeeze %dma_start3A_2235 : memref<1x1024x256xf32, #tpu.memory_space<vmem>> -> memref<1024x256xf32, #tpu.memory_space<vmem>>
    %dma_start3A_2237 = arith.constant 29696 : i32
    %dma_start3A_2238 = arith.constant 0 : i32
    %dma_start3A_2239 = tpu.memref_slice %arg0[%dma_start3A_2237, %dma_start3A_2238] : memref<32768x256xf32, #tpu.memory_space<any>> -> memref<1024x256xf32, #tpu.memory_space<any>>
    tpu.enqueue_dma source(%dma_start3A_2239 : memref<1024x256xf32, #tpu.memory_space<any>>) target(%dma_start3A_2236 : memref<1024x256xf32, #tpu.memory_space<vmem>>) target_semaphore(%dma_start3A_2232 : memref<!tpu.dma_semaphore, #tpu.memory_space<semaphore_mem>>)
    %dma_start3A_2240 = arith.constant 5 : i32
    %dma_start3A_2241 = arith.constant 5 : i32
    %dma_start3A_2242 = tpu.memref_slice %arg7[%dma_start3A_2241] : memref<6x!tpu.dma_semaphore, #tpu.memory_space<semaphore_mem>> -> memref<1x!tpu.dma_semaphore, #tpu.memory_space<semaphore_mem>>
    %dma_start3A_2243 = tpu.memref_squeeze %dma_start3A_2242 : memref<1x!tpu.dma_semaphore, #tpu.memory_space<semaphore_mem>> -> memref<!tpu.dma_semaphore, #tpu.memory_space<semaphore_mem>>
    %dma_start3A_2244 = arith.constant 0 : i32
    %dma_start3A_2245 = arith.constant 0 : i32
    %dma_start3A_2246 = tpu.memref_slice %arg5[%dma_start3A_2240, %dma_start3A_2244, %dma_start3A_2245] : memref<6x1024x256xf32, #tpu.memory_space<vmem>> -> memref<1x1024x256xf32, #tpu.memory_space<vmem>>
    %dma_start3A_2247 = tpu.memref_squeeze %dma_start3A_2246 : memref<1x1024x256xf32, #tpu.memory_space<vmem>> -> memref<1024x256xf32, #tpu.memory_space<vmem>>
    %dma_start3A_2248 = arith.constant 29696 : i32
    %dma_start3A_2249 = arith.constant 0 : i32
    %dma_start3A_2250 = tpu.memref_slice %arg1[%dma_start3A_2248, %dma_start3A_2249] : memref<32768x256xf32, #tpu.memory_space<any>> -> memref<1024x256xf32, #tpu.memory_space<any>>
    tpu.enqueue_dma source(%dma_start3A_2250 : memref<1024x256xf32, #tpu.memory_space<any>>) target(%dma_start3A_2247 : memref<1024x256xf32, #tpu.memory_space<vmem>>) target_semaphore(%dma_start3A_2243 : memref<!tpu.dma_semaphore, #tpu.memory_space<semaphore_mem>>)
    %dma_wait3A_2251 = arith.constant 0 : i32
    %dma_wait3A_2252 = arith.constant 0 : i32
    %dma_wait3A_2253 = tpu.memref_slice %arg7[%dma_wait3A_2252] : memref<6x!tpu.dma_semaphore, #tpu.memory_space<semaphore_mem>> -> memref<1x!tpu.dma_semaphore, #tpu.memory_space<semaphore_mem>>
    %dma_wait3A_2254 = tpu.memref_squeeze %dma_wait3A_2253 : memref<1x!tpu.dma_semaphore, #tpu.memory_space<semaphore_mem>> -> memref<!tpu.dma_semaphore, #tpu.memory_space<semaphore_mem>>
    %dma_wait3A_2255 = arith.constant 0 : i32
    %dma_wait3A_2256 = arith.constant 0 : i32
    %dma_wait3A_2257 = tpu.memref_slice %arg4[%dma_wait3A_2251, %dma_wait3A_2255, %dma_wait3A_2256] : memref<6x1024x256xf32, #tpu.memory_space<vmem>> -> memref<1x1024x256xf32, #tpu.memory_space<vmem>>
    %dma_wait3A_2258 = tpu.memref_squeeze %dma_wait3A_2257 : memref<1x1024x256xf32, #tpu.memory_space<vmem>> -> memref<1024x256xf32, #tpu.memory_space<vmem>>
    %dma_wait3A_2259 = arith.constant 0 : i32
    %dma_wait3A_2260 = arith.constant 0 : i32
    %dma_wait3A_2261 = tpu.memref_slice %arg0[%dma_wait3A_2259, %dma_wait3A_2260] : memref<32768x256xf32, #tpu.memory_space<any>> -> memref<1024x256xf32, #tpu.memory_space<any>>
    tpu.wait_dma2 semaphore(%dma_wait3A_2254 : memref<!tpu.dma_semaphore, #tpu.memory_space<semaphore_mem>>) src(%dma_wait3A_2261 : memref<1024x256xf32, #tpu.memory_space<any>>) dst(%dma_wait3A_2258 : memref<1024x256xf32, #tpu.memory_space<vmem>>)
    %dma_wait3A_2262 = arith.constant 0 : i32
    %dma_wait3A_2263 = arith.constant 0 : i32
    %dma_wait3A_2264 = tpu.memref_slice %arg7[%dma_wait3A_2263] : memref<6x!tpu.dma_semaphore, #tpu.memory_space<semaphore_mem>> -> memref<1x!tpu.dma_semaphore, #tpu.memory_space<semaphore_mem>>
    %dma_wait3A_2265 = tpu.memref_squeeze %dma_wait3A_2264 : memref<1x!tpu.dma_semaphore, #tpu.memory_space<semaphore_mem>> -> memref<!tpu.dma_semaphore, #tpu.memory_space<semaphore_mem>>
    %dma_wait3A_2266 = arith.constant 0 : i32
    %dma_wait3A_2267 = arith.constant 0 : i32
    %dma_wait3A_2268 = tpu.memref_slice %arg5[%dma_wait3A_2262, %dma_wait3A_2266, %dma_wait3A_2267] : memref<6x1024x256xf32, #tpu.memory_space<vmem>> -> memref<1x1024x256xf32, #tpu.memory_space<vmem>>
    %dma_wait3A_2269 = tpu.memref_squeeze %dma_wait3A_2268 : memref<1x1024x256xf32, #tpu.memory_space<vmem>> -> memref<1024x256xf32, #tpu.memory_space<vmem>>
    %dma_wait3A_2270 = arith.constant 0 : i32
    %dma_wait3A_2271 = arith.constant 0 : i32
    %dma_wait3A_2272 = tpu.memref_slice %arg1[%dma_wait3A_2270, %dma_wait3A_2271] : memref<32768x256xf32, #tpu.memory_space<any>> -> memref<1024x256xf32, #tpu.memory_space<any>>
    tpu.wait_dma2 semaphore(%dma_wait3A_2265 : memref<!tpu.dma_semaphore, #tpu.memory_space<semaphore_mem>>) src(%dma_wait3A_2272 : memref<1024x256xf32, #tpu.memory_space<any>>) dst(%dma_wait3A_2269 : memref<1024x256xf32, #tpu.memory_space<vmem>>)
    %dma_wait3A_2273 = arith.constant 0 : i32
    %dma_wait3A_2274 = arith.constant 0 : i32
    %dma_wait3A_2275 = tpu.memref_slice %arg8[%dma_wait3A_2274] : memref<6x!tpu.dma_semaphore, #tpu.memory_space<semaphore_mem>> -> memref<1x!tpu.dma_semaphore, #tpu.memory_space<semaphore_mem>>
    %dma_wait3A_2276 = tpu.memref_squeeze %dma_wait3A_2275 : memref<1x!tpu.dma_semaphore, #tpu.memory_space<semaphore_mem>> -> memref<!tpu.dma_semaphore, #tpu.memory_space<semaphore_mem>>
    %dma_wait3A_2277 = arith.constant 0 : i32
    %dma_wait3A_2278 = arith.constant 0 : i32
    %dma_wait3A_2279 = tpu.memref_slice %arg3[%dma_wait3A_2277, %dma_wait3A_2278] : memref<32768x256xf32, #tpu.memory_space<any>> -> memref<1024x256xf32, #tpu.memory_space<any>>
    %dma_wait3A_2280 = arith.constant 0 : i32
    %dma_wait3A_2281 = arith.constant 0 : i32
    %dma_wait3A_2282 = tpu.memref_slice %arg6[%dma_wait3A_2273, %dma_wait3A_2280, %dma_wait3A_2281] : memref<6x1024x256xf32, #tpu.memory_space<vmem>> -> memref<1x1024x256xf32, #tpu.memory_space<vmem>>
    %dma_wait3A_2283 = tpu.memref_squeeze %dma_wait3A_2282 : memref<1x1024x256xf32, #tpu.memory_space<vmem>> -> memref<1024x256xf32, #tpu.memory_space<vmem>>
    tpu.wait_dma2 semaphore(%dma_wait3A_2276 : memref<!tpu.dma_semaphore, #tpu.memory_space<semaphore_mem>>) src(%dma_wait3A_2283 : memref<1024x256xf32, #tpu.memory_space<vmem>>) dst(%dma_wait3A_2279 : memref<1024x256xf32, #tpu.memory_space<any>>)
    %get3A_2284 = arith.constant 0 : index
    %get3A_2285 = arith.constant 0 : index
    %get3A_2286 = arith.constant 0 : index
    %get3A_2287 = vector.load %arg5[%get3A_2284, %get3A_2285, %get3A_2286] : memref<6x1024x256xf32, #tpu.memory_space<vmem>>, vector<1x1024x256xf32>
    %get3A_2288 = vector.shape_cast %get3A_2287 : vector<1x1024x256xf32> to vector<1024x256xf32>
    %get3A_2289 = arith.constant 0 : index
    %get3A_2290 = arith.constant 0 : index
    %get3A_2291 = arith.constant 0 : index
    %get3A_2292 = vector.load %arg4[%get3A_2289, %get3A_2290, %get3A_2291] : memref<6x1024x256xf32, #tpu.memory_space<vmem>>, vector<1x1024x256xf32>
    %get3A_2293 = vector.shape_cast %get3A_2292 : vector<1x1024x256xf32> to vector<1024x256xf32>
    %get3A_2294 = arith.constant 0 : index
    %get3A_2295 = arith.constant 0 : index
    %get3A_2296 = arith.constant 0 : index
    %get3A_2297 = vector.load %arg5[%get3A_2294, %get3A_2295, %get3A_2296] : memref<6x1024x256xf32, #tpu.memory_space<vmem>>, vector<1x1024x256xf32>
    %get3A_2298 = vector.shape_cast %get3A_2297 : vector<1x1024x256xf32> to vector<1024x256xf32>
    %sub3A_2299 = arith.subf %get3A_2293, %get3A_2298 : vector<1024x256xf32>
    %mul3A_2300 = vector.broadcast %logistic3A_6 : vector<1x256xf32> to vector<1024x256xf32>
    %mul3A_2301 = arith.mulf %mul3A_2300, %sub3A_2299 : vector<1024x256xf32>
    %add3A_2302 = arith.addf %get3A_2288, %mul3A_2301 : vector<1024x256xf32>
    %swap3A_2303 = arith.constant 0 : index
    %swap3A_2304 = arith.constant 0 : index
    %swap3A_2305 = arith.constant 0 : index
    %swap3A_2306 = vector.load %arg6[%swap3A_2303, %swap3A_2304, %swap3A_2305] : memref<6x1024x256xf32, #tpu.memory_space<vmem>>, vector<1x1024x256xf32>
    %swap3A_2307 = vector.shape_cast %swap3A_2306 : vector<1x1024x256xf32> to vector<1024x256xf32>
    %swap3A_2308 = vector.shape_cast %add3A_2302 : vector<1024x256xf32> to vector<1x1024x256xf32>
    tpu.vector_store %arg6[%swap3A_2303, %swap3A_2304, %swap3A_2305], %swap3A_2308 {strides = array<i32>} : memref<6x1024x256xf32, #tpu.memory_space<vmem>>, vector<1x1024x256xf32>,
    %dma_start3A_2309 = arith.constant 0 : i32
    %dma_start3A_2310 = arith.constant 0 : i32
    %dma_start3A_2311 = tpu.memref_slice %arg8[%dma_start3A_2310] : memref<6x!tpu.dma_semaphore, #tpu.memory_space<semaphore_mem>> -> memref<1x!tpu.dma_semaphore, #tpu.memory_space<semaphore_mem>>
    %dma_start3A_2312 = tpu.memref_squeeze %dma_start3A_2311 : memref<1x!tpu.dma_semaphore, #tpu.memory_space<semaphore_mem>> -> memref<!tpu.dma_semaphore, #tpu.memory_space<semaphore_mem>>
    %dma_start3A_2313 = arith.constant 24576 : i32
    %dma_start3A_2314 = arith.constant 0 : i32
    %dma_start3A_2315 = tpu.memref_slice %arg3[%dma_start3A_2313, %dma_start3A_2314] : memref<32768x256xf32, #tpu.memory_space<any>> -> memref<1024x256xf32, #tpu.memory_space<any>>
    %dma_start3A_2316 = arith.constant 0 : i32
    %dma_start3A_2317 = arith.constant 0 : i32
    %dma_start3A_2318 = tpu.memref_slice %arg6[%dma_start3A_2309, %dma_start3A_2316, %dma_start3A_2317] : memref<6x1024x256xf32, #tpu.memory_space<vmem>> -> memref<1x1024x256xf32, #tpu.memory_space<vmem>>
    %dma_start3A_2319 = tpu.memref_squeeze %dma_start3A_2318 : memref<1x1024x256xf32, #tpu.memory_space<vmem>> -> memref<1024x256xf32, #tpu.memory_space<vmem>>
    tpu.enqueue_dma source(%dma_start3A_2319 : memref<1024x256xf32, #tpu.memory_space<vmem>>) target(%dma_start3A_2315 : memref<1024x256xf32, #tpu.memory_space<any>>) target_semaphore(%dma_start3A_2312 : memref<!tpu.dma_semaphore, #tpu.memory_space<semaphore_mem>>)
    %dma_wait3A_2320 = arith.constant 1 : i32
    %dma_wait3A_2321 = arith.constant 1 : i32
    %dma_wait3A_2322 = tpu.memref_slice %arg7[%dma_wait3A_2321] : memref<6x!tpu.dma_semaphore, #tpu.memory_space<semaphore_mem>> -> memref<1x!tpu.dma_semaphore, #tpu.memory_space<semaphore_mem>>
    %dma_wait3A_2323 = tpu.memref_squeeze %dma_wait3A_2322 : memref<1x!tpu.dma_semaphore, #tpu.memory_space<semaphore_mem>> -> memref<!tpu.dma_semaphore, #tpu.memory_space<semaphore_mem>>
    %dma_wait3A_2324 = arith.constant 0 : i32
    %dma_wait3A_2325 = arith.constant 0 : i32
    %dma_wait3A_2326 = tpu.memref_slice %arg4[%dma_wait3A_2320, %dma_wait3A_2324, %dma_wait3A_2325] : memref<6x1024x256xf32, #tpu.memory_space<vmem>> -> memref<1x1024x256xf32, #tpu.memory_space<vmem>>
    %dma_wait3A_2327 = tpu.memref_squeeze %dma_wait3A_2326 : memref<1x1024x256xf32, #tpu.memory_space<vmem>> -> memref<1024x256xf32, #tpu.memory_space<vmem>>
    %dma_wait3A_2328 = arith.constant 0 : i32
    %dma_wait3A_2329 = arith.constant 0 : i32
    %dma_wait3A_2330 = tpu.memref_slice %arg0[%dma_wait3A_2328, %dma_wait3A_2329] : memref<32768x256xf32, #tpu.memory_space<any>> -> memref<1024x256xf32, #tpu.memory_space<any>>
    tpu.wait_dma2 semaphore(%dma_wait3A_2323 : memref<!tpu.dma_semaphore, #tpu.memory_space<semaphore_mem>>) src(%dma_wait3A_2330 : memref<1024x256xf32, #tpu.memory_space<any>>) dst(%dma_wait3A_2327 : memref<1024x256xf32, #tpu.memory_space<vmem>>)
    %dma_wait3A_2331 = arith.constant 1 : i32
    %dma_wait3A_2332 = arith.constant 1 : i32
    %dma_wait3A_2333 = tpu.memref_slice %arg7[%dma_wait3A_2332] : memref<6x!tpu.dma_semaphore, #tpu.memory_space<semaphore_mem>> -> memref<1x!tpu.dma_semaphore, #tpu.memory_space<semaphore_mem>>
    %dma_wait3A_2334 = tpu.memref_squeeze %dma_wait3A_2333 : memref<1x!tpu.dma_semaphore, #tpu.memory_space<semaphore_mem>> -> memref<!tpu.dma_semaphore, #tpu.memory_space<semaphore_mem>>
    %dma_wait3A_2335 = arith.constant 0 : i32
    %dma_wait3A_2336 = arith.constant 0 : i32
    %dma_wait3A_2337 = tpu.memref_slice %arg5[%dma_wait3A_2331, %dma_wait3A_2335, %dma_wait3A_2336] : memref<6x1024x256xf32, #tpu.memory_space<vmem>> -> memref<1x1024x256xf32, #tpu.memory_space<vmem>>
    %dma_wait3A_2338 = tpu.memref_squeeze %dma_wait3A_2337 : memref<1x1024x256xf32, #tpu.memory_space<vmem>> -> memref<1024x256xf32, #tpu.memory_space<vmem>>
    %dma_wait3A_2339 = arith.constant 0 : i32
    %dma_wait3A_2340 = arith.constant 0 : i32
    %dma_wait3A_2341 = tpu.memref_slice %arg1[%dma_wait3A_2339, %dma_wait3A_2340] : memref<32768x256xf32, #tpu.memory_space<any>> -> memref<1024x256xf32, #tpu.memory_space<any>>
    tpu.wait_dma2 semaphore(%dma_wait3A_2334 : memref<!tpu.dma_semaphore, #tpu.memory_space<semaphore_mem>>) src(%dma_wait3A_2341 : memref<1024x256xf32, #tpu.memory_space<any>>) dst(%dma_wait3A_2338 : memref<1024x256xf32, #tpu.memory_space<vmem>>)
    %dma_wait3A_2342 = arith.constant 1 : i32
    %dma_wait3A_2343 = arith.constant 1 : i32
    %dma_wait3A_2344 = tpu.memref_slice %arg8[%dma_wait3A_2343] : memref<6x!tpu.dma_semaphore, #tpu.memory_space<semaphore_mem>> -> memref<1x!tpu.dma_semaphore, #tpu.memory_space<semaphore_mem>>
    %dma_wait3A_2345 = tpu.memref_squeeze %dma_wait3A_2344 : memref<1x!tpu.dma_semaphore, #tpu.memory_space<semaphore_mem>> -> memref<!tpu.dma_semaphore, #tpu.memory_space<semaphore_mem>>
    %dma_wait3A_2346 = arith.constant 0 : i32
    %dma_wait3A_2347 = arith.constant 0 : i32
    %dma_wait3A_2348 = tpu.memref_slice %arg3[%dma_wait3A_2346, %dma_wait3A_2347] : memref<32768x256xf32, #tpu.memory_space<any>> -> memref<1024x256xf32, #tpu.memory_space<any>>
    %dma_wait3A_2349 = arith.constant 0 : i32
    %dma_wait3A_2350 = arith.constant 0 : i32
    %dma_wait3A_2351 = tpu.memref_slice %arg6[%dma_wait3A_2342, %dma_wait3A_2349, %dma_wait3A_2350] : memref<6x1024x256xf32, #tpu.memory_space<vmem>> -> memref<1x1024x256xf32, #tpu.memory_space<vmem>>
    %dma_wait3A_2352 = tpu.memref_squeeze %dma_wait3A_2351 : memref<1x1024x256xf32, #tpu.memory_space<vmem>> -> memref<1024x256xf32, #tpu.memory_space<vmem>>
    tpu.wait_dma2 semaphore(%dma_wait3A_2345 : memref<!tpu.dma_semaphore, #tpu.memory_space<semaphore_mem>>) src(%dma_wait3A_2352 : memref<1024x256xf32, #tpu.memory_space<vmem>>) dst(%dma_wait3A_2348 : memref<1024x256xf32, #tpu.memory_space<any>>)
    %get3A_2353 = arith.constant 1 : index
    %get3A_2354 = arith.constant 0 : index
    %get3A_2355 = arith.constant 0 : index
    %get3A_2356 = vector.load %arg5[%get3A_2353, %get3A_2354, %get3A_2355] : memref<6x1024x256xf32, #tpu.memory_space<vmem>>, vector<1x1024x256xf32>
    %get3A_2357 = vector.shape_cast %get3A_2356 : vector<1x1024x256xf32> to vector<1024x256xf32>
    %get3A_2358 = arith.constant 1 : index
    %get3A_2359 = arith.constant 0 : index
    %get3A_2360 = arith.constant 0 : index
    %get3A_2361 = vector.load %arg4[%get3A_2358, %get3A_2359, %get3A_2360] : memref<6x1024x256xf32, #tpu.memory_space<vmem>>, vector<1x1024x256xf32>
    %get3A_2362 = vector.shape_cast %get3A_2361 : vector<1x1024x256xf32> to vector<1024x256xf32>
    %get3A_2363 = arith.constant 1 : index
    %get3A_2364 = arith.constant 0 : index
    %get3A_2365 = arith.constant 0 : index
    %get3A_2366 = vector.load %arg5[%get3A_2363, %get3A_2364, %get3A_2365] : memref<6x1024x256xf32, #tpu.memory_space<vmem>>, vector<1x1024x256xf32>
    %get3A_2367 = vector.shape_cast %get3A_2366 : vector<1x1024x256xf32> to vector<1024x256xf32>
    %sub3A_2368 = arith.subf %get3A_2362, %get3A_2367 : vector<1024x256xf32>
    %mul3A_2369 = vector.broadcast %logistic3A_6 : vector<1x256xf32> to vector<1024x256xf32>
    %mul3A_2370 = arith.mulf %mul3A_2369, %sub3A_2368 : vector<1024x256xf32>
    %add3A_2371 = arith.addf %get3A_2357, %mul3A_2370 : vector<1024x256xf32>
    %swap3A_2372 = arith.constant 1 : index
    %swap3A_2373 = arith.constant 0 : index
    %swap3A_2374 = arith.constant 0 : index
    %swap3A_2375 = vector.load %arg6[%swap3A_2372, %swap3A_2373, %swap3A_2374] : memref<6x1024x256xf32, #tpu.memory_space<vmem>>, vector<1x1024x256xf32>
    %swap3A_2376 = vector.shape_cast %swap3A_2375 : vector<1x1024x256xf32> to vector<1024x256xf32>
    %swap3A_2377 = vector.shape_cast %add3A_2371 : vector<1024x256xf32> to vector<1x1024x256xf32>
    tpu.vector_store %arg6[%swap3A_2372, %swap3A_2373, %swap3A_2374], %swap3A_2377 {strides = array<i32>} : memref<6x1024x256xf32, #tpu.memory_space<vmem>>, vector<1x1024x256xf32>,
    %dma_start3A_2378 = arith.constant 1 : i32
    %dma_start3A_2379 = arith.constant 1 : i32
    %dma_start3A_2380 = tpu.memref_slice %arg8[%dma_start3A_2379] : memref<6x!tpu.dma_semaphore, #tpu.memory_space<semaphore_mem>> -> memref<1x!tpu.dma_semaphore, #tpu.memory_space<semaphore_mem>>
    %dma_start3A_2381 = tpu.memref_squeeze %dma_start3A_2380 : memref<1x!tpu.dma_semaphore, #tpu.memory_space<semaphore_mem>> -> memref<!tpu.dma_semaphore, #tpu.memory_space<semaphore_mem>>
    %dma_start3A_2382 = arith.constant 25600 : i32
    %dma_start3A_2383 = arith.constant 0 : i32
    %dma_start3A_2384 = tpu.memref_slice %arg3[%dma_start3A_2382, %dma_start3A_2383] : memref<32768x256xf32, #tpu.memory_space<any>> -> memref<1024x256xf32, #tpu.memory_space<any>>
    %dma_start3A_2385 = arith.constant 0 : i32
    %dma_start3A_2386 = arith.constant 0 : i32
    %dma_start3A_2387 = tpu.memref_slice %arg6[%dma_start3A_2378, %dma_start3A_2385, %dma_start3A_2386] : memref<6x1024x256xf32, #tpu.memory_space<vmem>> -> memref<1x1024x256xf32, #tpu.memory_space<vmem>>
    %dma_start3A_2388 = tpu.memref_squeeze %dma_start3A_2387 : memref<1x1024x256xf32, #tpu.memory_space<vmem>> -> memref<1024x256xf32, #tpu.memory_space<vmem>>
    tpu.enqueue_dma source(%dma_start3A_2388 : memref<1024x256xf32, #tpu.memory_space<vmem>>) target(%dma_start3A_2384 : memref<1024x256xf32, #tpu.memory_space<any>>) target_semaphore(%dma_start3A_2381 : memref<!tpu.dma_semaphore, #tpu.memory_space<semaphore_mem>>)
    %dma_wait3A_2389 = arith.constant 2 : i32
    %dma_wait3A_2390 = arith.constant 2 : i32
    %dma_wait3A_2391 = tpu.memref_slice %arg7[%dma_wait3A_2390] : memref<6x!tpu.dma_semaphore, #tpu.memory_space<semaphore_mem>> -> memref<1x!tpu.dma_semaphore, #tpu.memory_space<semaphore_mem>>
    %dma_wait3A_2392 = tpu.memref_squeeze %dma_wait3A_2391 : memref<1x!tpu.dma_semaphore, #tpu.memory_space<semaphore_mem>> -> memref<!tpu.dma_semaphore, #tpu.memory_space<semaphore_mem>>
    %dma_wait3A_2393 = arith.constant 0 : i32
    %dma_wait3A_2394 = arith.constant 0 : i32
    %dma_wait3A_2395 = tpu.memref_slice %arg4[%dma_wait3A_2389, %dma_wait3A_2393, %dma_wait3A_2394] : memref<6x1024x256xf32, #tpu.memory_space<vmem>> -> memref<1x1024x256xf32, #tpu.memory_space<vmem>>
    %dma_wait3A_2396 = tpu.memref_squeeze %dma_wait3A_2395 : memref<1x1024x256xf32, #tpu.memory_space<vmem>> -> memref<1024x256xf32, #tpu.memory_space<vmem>>
    %dma_wait3A_2397 = arith.constant 0 : i32
    %dma_wait3A_2398 = arith.constant 0 : i32
    %dma_wait3A_2399 = tpu.memref_slice %arg0[%dma_wait3A_2397, %dma_wait3A_2398] : memref<32768x256xf32, #tpu.memory_space<any>> -> memref<1024x256xf32, #tpu.memory_space<any>>
    tpu.wait_dma2 semaphore(%dma_wait3A_2392 : memref<!tpu.dma_semaphore, #tpu.memory_space<semaphore_mem>>) src(%dma_wait3A_2399 : memref<1024x256xf32, #tpu.memory_space<any>>) dst(%dma_wait3A_2396 : memref<1024x256xf32, #tpu.memory_space<vmem>>)
    %dma_wait3A_2400 = arith.constant 2 : i32
    %dma_wait3A_2401 = arith.constant 2 : i32
    %dma_wait3A_2402 = tpu.memref_slice %arg7[%dma_wait3A_2401] : memref<6x!tpu.dma_semaphore, #tpu.memory_space<semaphore_mem>> -> memref<1x!tpu.dma_semaphore, #tpu.memory_space<semaphore_mem>>
    %dma_wait3A_2403 = tpu.memref_squeeze %dma_wait3A_2402 : memref<1x!tpu.dma_semaphore, #tpu.memory_space<semaphore_mem>> -> memref<!tpu.dma_semaphore, #tpu.memory_space<semaphore_mem>>
    %dma_wait3A_2404 = arith.constant 0 : i32
    %dma_wait3A_2405 = arith.constant 0 : i32
    %dma_wait3A_2406 = tpu.memref_slice %arg5[%dma_wait3A_2400, %dma_wait3A_2404, %dma_wait3A_2405] : memref<6x1024x256xf32, #tpu.memory_space<vmem>> -> memref<1x1024x256xf32, #tpu.memory_space<vmem>>
    %dma_wait3A_2407 = tpu.memref_squeeze %dma_wait3A_2406 : memref<1x1024x256xf32, #tpu.memory_space<vmem>> -> memref<1024x256xf32, #tpu.memory_space<vmem>>
    %dma_wait3A_2408 = arith.constant 0 : i32
    %dma_wait3A_2409 = arith.constant 0 : i32
    %dma_wait3A_2410 = tpu.memref_slice %arg1[%dma_wait3A_2408, %dma_wait3A_2409] : memref<32768x256xf32, #tpu.memory_space<any>> -> memref<1024x256xf32, #tpu.memory_space<any>>
    tpu.wait_dma2 semaphore(%dma_wait3A_2403 : memref<!tpu.dma_semaphore, #tpu.memory_space<semaphore_mem>>) src(%dma_wait3A_2410 : memref<1024x256xf32, #tpu.memory_space<any>>) dst(%dma_wait3A_2407 : memref<1024x256xf32, #tpu.memory_space<vmem>>)
    %dma_wait3A_2411 = arith.constant 2 : i32
    %dma_wait3A_2412 = arith.constant 2 : i32
    %dma_wait3A_2413 = tpu.memref_slice %arg8[%dma_wait3A_2412] : memref<6x!tpu.dma_semaphore, #tpu.memory_space<semaphore_mem>> -> memref<1x!tpu.dma_semaphore, #tpu.memory_space<semaphore_mem>>
    %dma_wait3A_2414 = tpu.memref_squeeze %dma_wait3A_2413 : memref<1x!tpu.dma_semaphore, #tpu.memory_space<semaphore_mem>> -> memref<!tpu.dma_semaphore, #tpu.memory_space<semaphore_mem>>
    %dma_wait3A_2415 = arith.constant 0 : i32
    %dma_wait3A_2416 = arith.constant 0 : i32
    %dma_wait3A_2417 = tpu.memref_slice %arg3[%dma_wait3A_2415, %dma_wait3A_2416] : memref<32768x256xf32, #tpu.memory_space<any>> -> memref<1024x256xf32, #tpu.memory_space<any>>
    %dma_wait3A_2418 = arith.constant 0 : i32
    %dma_wait3A_2419 = arith.constant 0 : i32
    %dma_wait3A_2420 = tpu.memref_slice %arg6[%dma_wait3A_2411, %dma_wait3A_2418, %dma_wait3A_2419] : memref<6x1024x256xf32, #tpu.memory_space<vmem>> -> memref<1x1024x256xf32, #tpu.memory_space<vmem>>
    %dma_wait3A_2421 = tpu.memref_squeeze %dma_wait3A_2420 : memref<1x1024x256xf32, #tpu.memory_space<vmem>> -> memref<1024x256xf32, #tpu.memory_space<vmem>>
    tpu.wait_dma2 semaphore(%dma_wait3A_2414 : memref<!tpu.dma_semaphore, #tpu.memory_space<semaphore_mem>>) src(%dma_wait3A_2421 : memref<1024x256xf32, #tpu.memory_space<vmem>>) dst(%dma_wait3A_2417 : memref<1024x256xf32, #tpu.memory_space<any>>)
    %get3A_2422 = arith.constant 2 : index
    %get3A_2423 = arith.constant 0 : index
    %get3A_2424 = arith.constant 0 : index
    %get3A_2425 = vector.load %arg5[%get3A_2422, %get3A_2423, %get3A_2424] : memref<6x1024x256xf32, #tpu.memory_space<vmem>>, vector<1x1024x256xf32>
    %get3A_2426 = vector.shape_cast %get3A_2425 : vector<1x1024x256xf32> to vector<1024x256xf32>
    %get3A_2427 = arith.constant 2 : index
    %get3A_2428 = arith.constant 0 : index
    %get3A_2429 = arith.constant 0 : index
    %get3A_2430 = vector.load %arg4[%get3A_2427, %get3A_2428, %get3A_2429] : memref<6x1024x256xf32, #tpu.memory_space<vmem>>, vector<1x1024x256xf32>
    %get3A_2431 = vector.shape_cast %get3A_2430 : vector<1x1024x256xf32> to vector<1024x256xf32>
    %get3A_2432 = arith.constant 2 : index
    %get3A_2433 = arith.constant 0 : index
    %get3A_2434 = arith.constant 0 : index
    %get3A_2435 = vector.load %arg5[%get3A_2432, %get3A_2433, %get3A_2434] : memref<6x1024x256xf32, #tpu.memory_space<vmem>>, vector<1x1024x256xf32>
    %get3A_2436 = vector.shape_cast %get3A_2435 : vector<1x1024x256xf32> to vector<1024x256xf32>
    %sub3A_2437 = arith.subf %get3A_2431, %get3A_2436 : vector<1024x256xf32>
    %mul3A_2438 = vector.broadcast %logistic3A_6 : vector<1x256xf32> to vector<1024x256xf32>
    %mul3A_2439 = arith.mulf %mul3A_2438, %sub3A_2437 : vector<1024x256xf32>
    %add3A_2440 = arith.addf %get3A_2426, %mul3A_2439 : vector<1024x256xf32>
    %swap3A_2441 = arith.constant 2 : index
    %swap3A_2442 = arith.constant 0 : index
    %swap3A_2443 = arith.constant 0 : index
    %swap3A_2444 = vector.load %arg6[%swap3A_2441, %swap3A_2442, %swap3A_2443] : memref<6x1024x256xf32, #tpu.memory_space<vmem>>, vector<1x1024x256xf32>
    %swap3A_2445 = vector.shape_cast %swap3A_2444 : vector<1x1024x256xf32> to vector<1024x256xf32>
    %swap3A_2446 = vector.shape_cast %add3A_2440 : vector<1024x256xf32> to vector<1x1024x256xf32>
    tpu.vector_store %arg6[%swap3A_2441, %swap3A_2442, %swap3A_2443], %swap3A_2446 {strides = array<i32>} : memref<6x1024x256xf32, #tpu.memory_space<vmem>>, vector<1x1024x256xf32>,
    %dma_start3A_2447 = arith.constant 2 : i32
    %dma_start3A_2448 = arith.constant 2 : i32
    %dma_start3A_2449 = tpu.memref_slice %arg8[%dma_start3A_2448] : memref<6x!tpu.dma_semaphore, #tpu.memory_space<semaphore_mem>> -> memref<1x!tpu.dma_semaphore, #tpu.memory_space<semaphore_mem>>
    %dma_start3A_2450 = tpu.memref_squeeze %dma_start3A_2449 : memref<1x!tpu.dma_semaphore, #tpu.memory_space<semaphore_mem>> -> memref<!tpu.dma_semaphore, #tpu.memory_space<semaphore_mem>>
    %dma_start3A_2451 = arith.constant 26624 : i32
    %dma_start3A_2452 = arith.constant 0 : i32
    %dma_start3A_2453 = tpu.memref_slice %arg3[%dma_start3A_2451, %dma_start3A_2452] : memref<32768x256xf32, #tpu.memory_space<any>> -> memref<1024x256xf32, #tpu.memory_space<any>>
    %dma_start3A_2454 = arith.constant 0 : i32
    %dma_start3A_2455 = arith.constant 0 : i32
    %dma_start3A_2456 = tpu.memref_slice %arg6[%dma_start3A_2447, %dma_start3A_2454, %dma_start3A_2455] : memref<6x1024x256xf32, #tpu.memory_space<vmem>> -> memref<1x1024x256xf32, #tpu.memory_space<vmem>>
    %dma_start3A_2457 = tpu.memref_squeeze %dma_start3A_2456 : memref<1x1024x256xf32, #tpu.memory_space<vmem>> -> memref<1024x256xf32, #tpu.memory_space<vmem>>
    tpu.enqueue_dma source(%dma_start3A_2457 : memref<1024x256xf32, #tpu.memory_space<vmem>>) target(%dma_start3A_2453 : memref<1024x256xf32, #tpu.memory_space<any>>) target_semaphore(%dma_start3A_2450 : memref<!tpu.dma_semaphore, #tpu.memory_space<semaphore_mem>>)
    %dma_wait3A_2458 = arith.constant 3 : i32
    %dma_wait3A_2459 = arith.constant 3 : i32
    %dma_wait3A_2460 = tpu.memref_slice %arg7[%dma_wait3A_2459] : memref<6x!tpu.dma_semaphore, #tpu.memory_space<semaphore_mem>> -> memref<1x!tpu.dma_semaphore, #tpu.memory_space<semaphore_mem>>
    %dma_wait3A_2461 = tpu.memref_squeeze %dma_wait3A_2460 : memref<1x!tpu.dma_semaphore, #tpu.memory_space<semaphore_mem>> -> memref<!tpu.dma_semaphore, #tpu.memory_space<semaphore_mem>>
    %dma_wait3A_2462 = arith.constant 0 : i32
    %dma_wait3A_2463 = arith.constant 0 : i32
    %dma_wait3A_2464 = tpu.memref_slice %arg4[%dma_wait3A_2458, %dma_wait3A_2462, %dma_wait3A_2463] : memref<6x1024x256xf32, #tpu.memory_space<vmem>> -> memref<1x1024x256xf32, #tpu.memory_space<vmem>>
    %dma_wait3A_2465 = tpu.memref_squeeze %dma_wait3A_2464 : memref<1x1024x256xf32, #tpu.memory_space<vmem>> -> memref<1024x256xf32, #tpu.memory_space<vmem>>
    %dma_wait3A_2466 = arith.constant 0 : i32
    %dma_wait3A_2467 = arith.constant 0 : i32
    %dma_wait3A_2468 = tpu.memref_slice %arg0[%dma_wait3A_2466, %dma_wait3A_2467] : memref<32768x256xf32, #tpu.memory_space<any>> -> memref<1024x256xf32, #tpu.memory_space<any>>
    tpu.wait_dma2 semaphore(%dma_wait3A_2461 : memref<!tpu.dma_semaphore, #tpu.memory_space<semaphore_mem>>) src(%dma_wait3A_2468 : memref<1024x256xf32, #tpu.memory_space<any>>) dst(%dma_wait3A_2465 : memref<1024x256xf32, #tpu.memory_space<vmem>>)
    %dma_wait3A_2469 = arith.constant 3 : i32
    %dma_wait3A_2470 = arith.constant 3 : i32
    %dma_wait3A_2471 = tpu.memref_slice %arg7[%dma_wait3A_2470] : memref<6x!tpu.dma_semaphore, #tpu.memory_space<semaphore_mem>> -> memref<1x!tpu.dma_semaphore, #tpu.memory_space<semaphore_mem>>
    %dma_wait3A_2472 = tpu.memref_squeeze %dma_wait3A_2471 : memref<1x!tpu.dma_semaphore, #tpu.memory_space<semaphore_mem>> -> memref<!tpu.dma_semaphore, #tpu.memory_space<semaphore_mem>>
    %dma_wait3A_2473 = arith.constant 0 : i32
    %dma_wait3A_2474 = arith.constant 0 : i32
    %dma_wait3A_2475 = tpu.memref_slice %arg5[%dma_wait3A_2469, %dma_wait3A_2473, %dma_wait3A_2474] : memref<6x1024x256xf32, #tpu.memory_space<vmem>> -> memref<1x1024x256xf32, #tpu.memory_space<vmem>>
    %dma_wait3A_2476 = tpu.memref_squeeze %dma_wait3A_2475 : memref<1x1024x256xf32, #tpu.memory_space<vmem>> -> memref<1024x256xf32, #tpu.memory_space<vmem>>
    %dma_wait3A_2477 = arith.constant 0 : i32
    %dma_wait3A_2478 = arith.constant 0 : i32
    %dma_wait3A_2479 = tpu.memref_slice %arg1[%dma_wait3A_2477, %dma_wait3A_2478] : memref<32768x256xf32, #tpu.memory_space<any>> -> memref<1024x256xf32, #tpu.memory_space<any>>
    tpu.wait_dma2 semaphore(%dma_wait3A_2472 : memref<!tpu.dma_semaphore, #tpu.memory_space<semaphore_mem>>) src(%dma_wait3A_2479 : memref<1024x256xf32, #tpu.memory_space<any>>) dst(%dma_wait3A_2476 : memref<1024x256xf32, #tpu.memory_space<vmem>>)
    %dma_wait3A_2480 = arith.constant 3 : i32
    %dma_wait3A_2481 = arith.constant 3 : i32
    %dma_wait3A_2482 = tpu.memref_slice %arg8[%dma_wait3A_2481] : memref<6x!tpu.dma_semaphore, #tpu.memory_space<semaphore_mem>> -> memref<1x!tpu.dma_semaphore, #tpu.memory_space<semaphore_mem>>
    %dma_wait3A_2483 = tpu.memref_squeeze %dma_wait3A_2482 : memref<1x!tpu.dma_semaphore, #tpu.memory_space<semaphore_mem>> -> memref<!tpu.dma_semaphore, #tpu.memory_space<semaphore_mem>>
    %dma_wait3A_2484 = arith.constant 0 : i32
    %dma_wait3A_2485 = arith.constant 0 : i32
    %dma_wait3A_2486 = tpu.memref_slice %arg3[%dma_wait3A_2484, %dma_wait3A_2485] : memref<32768x256xf32, #tpu.memory_space<any>> -> memref<1024x256xf32, #tpu.memory_space<any>>
    %dma_wait3A_2487 = arith.constant 0 : i32
    %dma_wait3A_2488 = arith.constant 0 : i32
    %dma_wait3A_2489 = tpu.memref_slice %arg6[%dma_wait3A_2480, %dma_wait3A_2487, %dma_wait3A_2488] : memref<6x1024x256xf32, #tpu.memory_space<vmem>> -> memref<1x1024x256xf32, #tpu.memory_space<vmem>>
    %dma_wait3A_2490 = tpu.memref_squeeze %dma_wait3A_2489 : memref<1x1024x256xf32, #tpu.memory_space<vmem>> -> memref<1024x256xf32, #tpu.memory_space<vmem>>
    tpu.wait_dma2 semaphore(%dma_wait3A_2483 : memref<!tpu.dma_semaphore, #tpu.memory_space<semaphore_mem>>) src(%dma_wait3A_2490 : memref<1024x256xf32, #tpu.memory_space<vmem>>) dst(%dma_wait3A_2486 : memref<1024x256xf32, #tpu.memory_space<any>>)
    %get3A_2491 = arith.constant 3 : index
    %get3A_2492 = arith.constant 0 : index
    %get3A_2493 = arith.constant 0 : index
    %get3A_2494 = vector.load %arg5[%get3A_2491, %get3A_2492, %get3A_2493] : memref<6x1024x256xf32, #tpu.memory_space<vmem>>, vector<1x1024x256xf32>
    %get3A_2495 = vector.shape_cast %get3A_2494 : vector<1x1024x256xf32> to vector<1024x256xf32>
    %get3A_2496 = arith.constant 3 : index
    %get3A_2497 = arith.constant 0 : index
    %get3A_2498 = arith.constant 0 : index
    %get3A_2499 = vector.load %arg4[%get3A_2496, %get3A_2497, %get3A_2498] : memref<6x1024x256xf32, #tpu.memory_space<vmem>>, vector<1x1024x256xf32>
    %get3A_2500 = vector.shape_cast %get3A_2499 : vector<1x1024x256xf32> to vector<1024x256xf32>
    %get3A_2501 = arith.constant 3 : index
    %get3A_2502 = arith.constant 0 : index
    %get3A_2503 = arith.constant 0 : index
    %get3A_2504 = vector.load %arg5[%get3A_2501, %get3A_2502, %get3A_2503] : memref<6x1024x256xf32, #tpu.memory_space<vmem>>, vector<1x1024x256xf32>
    %get3A_2505 = vector.shape_cast %get3A_2504 : vector<1x1024x256xf32> to vector<1024x256xf32>
    %sub3A_2506 = arith.subf %get3A_2500, %get3A_2505 : vector<1024x256xf32>
    %mul3A_2507 = vector.broadcast %logistic3A_6 : vector<1x256xf32> to vector<1024x256xf32>
    %mul3A_2508 = arith.mulf %mul3A_2507, %sub3A_2506 : vector<1024x256xf32>
    %add3A_2509 = arith.addf %get3A_2495, %mul3A_2508 : vector<1024x256xf32>
    %swap3A_2510 = arith.constant 3 : index
    %swap3A_2511 = arith.constant 0 : index
    %swap3A_2512 = arith.constant 0 : index
    %swap3A_2513 = vector.load %arg6[%swap3A_2510, %swap3A_2511, %swap3A_2512] : memref<6x1024x256xf32, #tpu.memory_space<vmem>>, vector<1x1024x256xf32>
    %swap3A_2514 = vector.shape_cast %swap3A_2513 : vector<1x1024x256xf32> to vector<1024x256xf32>
    %swap3A_2515 = vector.shape_cast %add3A_2509 : vector<1024x256xf32> to vector<1x1024x256xf32>
    tpu.vector_store %arg6[%swap3A_2510, %swap3A_2511, %swap3A_2512], %swap3A_2515 {strides = array<i32>} : memref<6x1024x256xf32, #tpu.memory_space<vmem>>, vector<1x1024x256xf32>,
    %dma_start3A_2516 = arith.constant 3 : i32
    %dma_start3A_2517 = arith.constant 3 : i32
    %dma_start3A_2518 = tpu.memref_slice %arg8[%dma_start3A_2517] : memref<6x!tpu.dma_semaphore, #tpu.memory_space<semaphore_mem>> -> memref<1x!tpu.dma_semaphore, #tpu.memory_space<semaphore_mem>>
    %dma_start3A_2519 = tpu.memref_squeeze %dma_start3A_2518 : memref<1x!tpu.dma_semaphore, #tpu.memory_space<semaphore_mem>> -> memref<!tpu.dma_semaphore, #tpu.memory_space<semaphore_mem>>
    %dma_start3A_2520 = arith.constant 27648 : i32
    %dma_start3A_2521 = arith.constant 0 : i32
    %dma_start3A_2522 = tpu.memref_slice %arg3[%dma_start3A_2520, %dma_start3A_2521] : memref<32768x256xf32, #tpu.memory_space<any>> -> memref<1024x256xf32, #tpu.memory_space<any>>
    %dma_start3A_2523 = arith.constant 0 : i32
    %dma_start3A_2524 = arith.constant 0 : i32
    %dma_start3A_2525 = tpu.memref_slice %arg6[%dma_start3A_2516, %dma_start3A_2523, %dma_start3A_2524] : memref<6x1024x256xf32, #tpu.memory_space<vmem>> -> memref<1x1024x256xf32, #tpu.memory_space<vmem>>
    %dma_start3A_2526 = tpu.memref_squeeze %dma_start3A_2525 : memref<1x1024x256xf32, #tpu.memory_space<vmem>> -> memref<1024x256xf32, #tpu.memory_space<vmem>>
    tpu.enqueue_dma source(%dma_start3A_2526 : memref<1024x256xf32, #tpu.memory_space<vmem>>) target(%dma_start3A_2522 : memref<1024x256xf32, #tpu.memory_space<any>>) target_semaphore(%dma_start3A_2519 : memref<!tpu.dma_semaphore, #tpu.memory_space<semaphore_mem>>)
    %dma_wait3A_2527 = arith.constant 4 : i32
    %dma_wait3A_2528 = arith.constant 4 : i32
    %dma_wait3A_2529 = tpu.memref_slice %arg7[%dma_wait3A_2528] : memref<6x!tpu.dma_semaphore, #tpu.memory_space<semaphore_mem>> -> memref<1x!tpu.dma_semaphore, #tpu.memory_space<semaphore_mem>>
    %dma_wait3A_2530 = tpu.memref_squeeze %dma_wait3A_2529 : memref<1x!tpu.dma_semaphore, #tpu.memory_space<semaphore_mem>> -> memref<!tpu.dma_semaphore, #tpu.memory_space<semaphore_mem>>
    %dma_wait3A_2531 = arith.constant 0 : i32
    %dma_wait3A_2532 = arith.constant 0 : i32
    %dma_wait3A_2533 = tpu.memref_slice %arg4[%dma_wait3A_2527, %dma_wait3A_2531, %dma_wait3A_2532] : memref<6x1024x256xf32, #tpu.memory_space<vmem>> -> memref<1x1024x256xf32, #tpu.memory_space<vmem>>
    %dma_wait3A_2534 = tpu.memref_squeeze %dma_wait3A_2533 : memref<1x1024x256xf32, #tpu.memory_space<vmem>> -> memref<1024x256xf32, #tpu.memory_space<vmem>>
    %dma_wait3A_2535 = arith.constant 0 : i32
    %dma_wait3A_2536 = arith.constant 0 : i32
    %dma_wait3A_2537 = tpu.memref_slice %arg0[%dma_wait3A_2535, %dma_wait3A_2536] : memref<32768x256xf32, #tpu.memory_space<any>> -> memref<1024x256xf32, #tpu.memory_space<any>>
    tpu.wait_dma2 semaphore(%dma_wait3A_2530 : memref<!tpu.dma_semaphore, #tpu.memory_space<semaphore_mem>>) src(%dma_wait3A_2537 : memref<1024x256xf32, #tpu.memory_space<any>>) dst(%dma_wait3A_2534 : memref<1024x256xf32, #tpu.memory_space<vmem>>)
    %dma_wait3A_2538 = arith.constant 4 : i32
    %dma_wait3A_2539 = arith.constant 4 : i32
    %dma_wait3A_2540 = tpu.memref_slice %arg7[%dma_wait3A_2539] : memref<6x!tpu.dma_semaphore, #tpu.memory_space<semaphore_mem>> -> memref<1x!tpu.dma_semaphore, #tpu.memory_space<semaphore_mem>>
    %dma_wait3A_2541 = tpu.memref_squeeze %dma_wait3A_2540 : memref<1x!tpu.dma_semaphore, #tpu.memory_space<semaphore_mem>> -> memref<!tpu.dma_semaphore, #tpu.memory_space<semaphore_mem>>
    %dma_wait3A_2542 = arith.constant 0 : i32
    %dma_wait3A_2543 = arith.constant 0 : i32
    %dma_wait3A_2544 = tpu.memref_slice %arg5[%dma_wait3A_2538, %dma_wait3A_2542, %dma_wait3A_2543] : memref<6x1024x256xf32, #tpu.memory_space<vmem>> -> memref<1x1024x256xf32, #tpu.memory_space<vmem>>
    %dma_wait3A_2545 = tpu.memref_squeeze %dma_wait3A_2544 : memref<1x1024x256xf32, #tpu.memory_space<vmem>> -> memref<1024x256xf32, #tpu.memory_space<vmem>>
    %dma_wait3A_2546 = arith.constant 0 : i32
    %dma_wait3A_2547 = arith.constant 0 : i32
    %dma_wait3A_2548 = tpu.memref_slice %arg1[%dma_wait3A_2546, %dma_wait3A_2547] : memref<32768x256xf32, #tpu.memory_space<any>> -> memref<1024x256xf32, #tpu.memory_space<any>>
    tpu.wait_dma2 semaphore(%dma_wait3A_2541 : memref<!tpu.dma_semaphore, #tpu.memory_space<semaphore_mem>>) src(%dma_wait3A_2548 : memref<1024x256xf32, #tpu.memory_space<any>>) dst(%dma_wait3A_2545 : memref<1024x256xf32, #tpu.memory_space<vmem>>)
    %dma_wait3A_2549 = arith.constant 4 : i32
    %dma_wait3A_2550 = arith.constant 4 : i32
    %dma_wait3A_2551 = tpu.memref_slice %arg8[%dma_wait3A_2550] : memref<6x!tpu.dma_semaphore, #tpu.memory_space<semaphore_mem>> -> memref<1x!tpu.dma_semaphore, #tpu.memory_space<semaphore_mem>>
    %dma_wait3A_2552 = tpu.memref_squeeze %dma_wait3A_2551 : memref<1x!tpu.dma_semaphore, #tpu.memory_space<semaphore_mem>> -> memref<!tpu.dma_semaphore, #tpu.memory_space<semaphore_mem>>
    %dma_wait3A_2553 = arith.constant 0 : i32
    %dma_wait3A_2554 = arith.constant 0 : i32
    %dma_wait3A_2555 = tpu.memref_slice %arg3[%dma_wait3A_2553, %dma_wait3A_2554] : memref<32768x256xf32, #tpu.memory_space<any>> -> memref<1024x256xf32, #tpu.memory_space<any>>
    %dma_wait3A_2556 = arith.constant 0 : i32
    %dma_wait3A_2557 = arith.constant 0 : i32
    %dma_wait3A_2558 = tpu.memref_slice %arg6[%dma_wait3A_2549, %dma_wait3A_2556, %dma_wait3A_2557] : memref<6x1024x256xf32, #tpu.memory_space<vmem>> -> memref<1x1024x256xf32, #tpu.memory_space<vmem>>
    %dma_wait3A_2559 = tpu.memref_squeeze %dma_wait3A_2558 : memref<1x1024x256xf32, #tpu.memory_space<vmem>> -> memref<1024x256xf32, #tpu.memory_space<vmem>>
    tpu.wait_dma2 semaphore(%dma_wait3A_2552 : memref<!tpu.dma_semaphore, #tpu.memory_space<semaphore_mem>>) src(%dma_wait3A_2559 : memref<1024x256xf32, #tpu.memory_space<vmem>>) dst(%dma_wait3A_2555 : memref<1024x256xf32, #tpu.memory_space<any>>)
    %get3A_2560 = arith.constant 4 : index
    %get3A_2561 = arith.constant 0 : index
    %get3A_2562 = arith.constant 0 : index
    %get3A_2563 = vector.load %arg5[%get3A_2560, %get3A_2561, %get3A_2562] : memref<6x1024x256xf32, #tpu.memory_space<vmem>>, vector<1x1024x256xf32>
    %get3A_2564 = vector.shape_cast %get3A_2563 : vector<1x1024x256xf32> to vector<1024x256xf32>
    %get3A_2565 = arith.constant 4 : index
    %get3A_2566 = arith.constant 0 : index
    %get3A_2567 = arith.constant 0 : index
    %get3A_2568 = vector.load %arg4[%get3A_2565, %get3A_2566, %get3A_2567] : memref<6x1024x256xf32, #tpu.memory_space<vmem>>, vector<1x1024x256xf32>
    %get3A_2569 = vector.shape_cast %get3A_2568 : vector<1x1024x256xf32> to vector<1024x256xf32>
    %get3A_2570 = arith.constant 4 : index
    %get3A_2571 = arith.constant 0 : index
    %get3A_2572 = arith.constant 0 : index
    %get3A_2573 = vector.load %arg5[%get3A_2570, %get3A_2571, %get3A_2572] : memref<6x1024x256xf32, #tpu.memory_space<vmem>>, vector<1x1024x256xf32>
    %get3A_2574 = vector.shape_cast %get3A_2573 : vector<1x1024x256xf32> to vector<1024x256xf32>
    %sub3A_2575 = arith.subf %get3A_2569, %get3A_2574 : vector<1024x256xf32>
    %mul3A_2576 = vector.broadcast %logistic3A_6 : vector<1x256xf32> to vector<1024x256xf32>
    %mul3A_2577 = arith.mulf %mul3A_2576, %sub3A_2575 : vector<1024x256xf32>
    %add3A_2578 = arith.addf %get3A_2564, %mul3A_2577 : vector<1024x256xf32>
    %swap3A_2579 = arith.constant 4 : index
    %swap3A_2580 = arith.constant 0 : index
    %swap3A_2581 = arith.constant 0 : index
    %swap3A_2582 = vector.load %arg6[%swap3A_2579, %swap3A_2580, %swap3A_2581] : memref<6x1024x256xf32, #tpu.memory_space<vmem>>, vector<1x1024x256xf32>
    %swap3A_2583 = vector.shape_cast %swap3A_2582 : vector<1x1024x256xf32> to vector<1024x256xf32>
    %swap3A_2584 = vector.shape_cast %add3A_2578 : vector<1024x256xf32> to vector<1x1024x256xf32>
    tpu.vector_store %arg6[%swap3A_2579, %swap3A_2580, %swap3A_2581], %swap3A_2584 {strides = array<i32>} : memref<6x1024x256xf32, #tpu.memory_space<vmem>>, vector<1x1024x256xf32>,
    %dma_start3A_2585 = arith.constant 4 : i32
    %dma_start3A_2586 = arith.constant 4 : i32
    %dma_start3A_2587 = tpu.memref_slice %arg8[%dma_start3A_2586] : memref<6x!tpu.dma_semaphore, #tpu.memory_space<semaphore_mem>> -> memref<1x!tpu.dma_semaphore, #tpu.memory_space<semaphore_mem>>
    %dma_start3A_2588 = tpu.memref_squeeze %dma_start3A_2587 : memref<1x!tpu.dma_semaphore, #tpu.memory_space<semaphore_mem>> -> memref<!tpu.dma_semaphore, #tpu.memory_space<semaphore_mem>>
    %dma_start3A_2589 = arith.constant 28672 : i32
    %dma_start3A_2590 = arith.constant 0 : i32
    %dma_start3A_2591 = tpu.memref_slice %arg3[%dma_start3A_2589, %dma_start3A_2590] : memref<32768x256xf32, #tpu.memory_space<any>> -> memref<1024x256xf32, #tpu.memory_space<any>>
    %dma_start3A_2592 = arith.constant 0 : i32
    %dma_start3A_2593 = arith.constant 0 : i32
    %dma_start3A_2594 = tpu.memref_slice %arg6[%dma_start3A_2585, %dma_start3A_2592, %dma_start3A_2593] : memref<6x1024x256xf32, #tpu.memory_space<vmem>> -> memref<1x1024x256xf32, #tpu.memory_space<vmem>>
    %dma_start3A_2595 = tpu.memref_squeeze %dma_start3A_2594 : memref<1x1024x256xf32, #tpu.memory_space<vmem>> -> memref<1024x256xf32, #tpu.memory_space<vmem>>
    tpu.enqueue_dma source(%dma_start3A_2595 : memref<1024x256xf32, #tpu.memory_space<vmem>>) target(%dma_start3A_2591 : memref<1024x256xf32, #tpu.memory_space<any>>) target_semaphore(%dma_start3A_2588 : memref<!tpu.dma_semaphore, #tpu.memory_space<semaphore_mem>>)
    %dma_wait3A_2596 = arith.constant 5 : i32
    %dma_wait3A_2597 = arith.constant 5 : i32
    %dma_wait3A_2598 = tpu.memref_slice %arg7[%dma_wait3A_2597] : memref<6x!tpu.dma_semaphore, #tpu.memory_space<semaphore_mem>> -> memref<1x!tpu.dma_semaphore, #tpu.memory_space<semaphore_mem>>
    %dma_wait3A_2599 = tpu.memref_squeeze %dma_wait3A_2598 : memref<1x!tpu.dma_semaphore, #tpu.memory_space<semaphore_mem>> -> memref<!tpu.dma_semaphore, #tpu.memory_space<semaphore_mem>>
    %dma_wait3A_2600 = arith.constant 0 : i32
    %dma_wait3A_2601 = arith.constant 0 : i32
    %dma_wait3A_2602 = tpu.memref_slice %arg4[%dma_wait3A_2596, %dma_wait3A_2600, %dma_wait3A_2601] : memref<6x1024x256xf32, #tpu.memory_space<vmem>> -> memref<1x1024x256xf32, #tpu.memory_space<vmem>>
    %dma_wait3A_2603 = tpu.memref_squeeze %dma_wait3A_2602 : memref<1x1024x256xf32, #tpu.memory_space<vmem>> -> memref<1024x256xf32, #tpu.memory_space<vmem>>
    %dma_wait3A_2604 = arith.constant 0 : i32
    %dma_wait3A_2605 = arith.constant 0 : i32
    %dma_wait3A_2606 = tpu.memref_slice %arg0[%dma_wait3A_2604, %dma_wait3A_2605] : memref<32768x256xf32, #tpu.memory_space<any>> -> memref<1024x256xf32, #tpu.memory_space<any>>
    tpu.wait_dma2 semaphore(%dma_wait3A_2599 : memref<!tpu.dma_semaphore, #tpu.memory_space<semaphore_mem>>) src(%dma_wait3A_2606 : memref<1024x256xf32, #tpu.memory_space<any>>) dst(%dma_wait3A_2603 : memref<1024x256xf32, #tpu.memory_space<vmem>>)
    %dma_wait3A_2607 = arith.constant 5 : i32
    %dma_wait3A_2608 = arith.constant 5 : i32
    %dma_wait3A_2609 = tpu.memref_slice %arg7[%dma_wait3A_2608] : memref<6x!tpu.dma_semaphore, #tpu.memory_space<semaphore_mem>> -> memref<1x!tpu.dma_semaphore, #tpu.memory_space<semaphore_mem>>
    %dma_wait3A_2610 = tpu.memref_squeeze %dma_wait3A_2609 : memref<1x!tpu.dma_semaphore, #tpu.memory_space<semaphore_mem>> -> memref<!tpu.dma_semaphore, #tpu.memory_space<semaphore_mem>>
    %dma_wait3A_2611 = arith.constant 0 : i32
    %dma_wait3A_2612 = arith.constant 0 : i32
    %dma_wait3A_2613 = tpu.memref_slice %arg5[%dma_wait3A_2607, %dma_wait3A_2611, %dma_wait3A_2612] : memref<6x1024x256xf32, #tpu.memory_space<vmem>> -> memref<1x1024x256xf32, #tpu.memory_space<vmem>>
    %dma_wait3A_2614 = tpu.memref_squeeze %dma_wait3A_2613 : memref<1x1024x256xf32, #tpu.memory_space<vmem>> -> memref<1024x256xf32, #tpu.memory_space<vmem>>
    %dma_wait3A_2615 = arith.constant 0 : i32
    %dma_wait3A_2616 = arith.constant 0 : i32
    %dma_wait3A_2617 = tpu.memref_slice %arg1[%dma_wait3A_2615, %dma_wait3A_2616] : memref<32768x256xf32, #tpu.memory_space<any>> -> memref<1024x256xf32, #tpu.memory_space<any>>
    tpu.wait_dma2 semaphore(%dma_wait3A_2610 : memref<!tpu.dma_semaphore, #tpu.memory_space<semaphore_mem>>) src(%dma_wait3A_2617 : memref<1024x256xf32, #tpu.memory_space<any>>) dst(%dma_wait3A_2614 : memref<1024x256xf32, #tpu.memory_space<vmem>>)
    %dma_wait3A_2618 = arith.constant 5 : i32
    %dma_wait3A_2619 = arith.constant 5 : i32
    %dma_wait3A_2620 = tpu.memref_slice %arg8[%dma_wait3A_2619] : memref<6x!tpu.dma_semaphore, #tpu.memory_space<semaphore_mem>> -> memref<1x!tpu.dma_semaphore, #tpu.memory_space<semaphore_mem>>
    %dma_wait3A_2621 = tpu.memref_squeeze %dma_wait3A_2620 : memref<1x!tpu.dma_semaphore, #tpu.memory_space<semaphore_mem>> -> memref<!tpu.dma_semaphore, #tpu.memory_space<semaphore_mem>>
    %dma_wait3A_2622 = arith.constant 0 : i32
    %dma_wait3A_2623 = arith.constant 0 : i32
    %dma_wait3A_2624 = tpu.memref_slice %arg3[%dma_wait3A_2622, %dma_wait3A_2623] : memref<32768x256xf32, #tpu.memory_space<any>> -> memref<1024x256xf32, #tpu.memory_space<any>>
    %dma_wait3A_2625 = arith.constant 0 : i32
    %dma_wait3A_2626 = arith.constant 0 : i32
    %dma_wait3A_2627 = tpu.memref_slice %arg6[%dma_wait3A_2618, %dma_wait3A_2625, %dma_wait3A_2626] : memref<6x1024x256xf32, #tpu.memory_space<vmem>> -> memref<1x1024x256xf32, #tpu.memory_space<vmem>>
    %dma_wait3A_2628 = tpu.memref_squeeze %dma_wait3A_2627 : memref<1x1024x256xf32, #tpu.memory_space<vmem>> -> memref<1024x256xf32, #tpu.memory_space<vmem>>
    tpu.wait_dma2 semaphore(%dma_wait3A_2621 : memref<!tpu.dma_semaphore, #tpu.memory_space<semaphore_mem>>) src(%dma_wait3A_2628 : memref<1024x256xf32, #tpu.memory_space<vmem>>) dst(%dma_wait3A_2624 : memref<1024x256xf32, #tpu.memory_space<any>>)
    %get3A_2629 = arith.constant 5 : index
    %get3A_2630 = arith.constant 0 : index
    %get3A_2631 = arith.constant 0 : index
    %get3A_2632 = vector.load %arg5[%get3A_2629, %get3A_2630, %get3A_2631] : memref<6x1024x256xf32, #tpu.memory_space<vmem>>, vector<1x1024x256xf32>
    %get3A_2633 = vector.shape_cast %get3A_2632 : vector<1x1024x256xf32> to vector<1024x256xf32>
    %get3A_2634 = arith.constant 5 : index
    %get3A_2635 = arith.constant 0 : index
    %get3A_2636 = arith.constant 0 : index
    %get3A_2637 = vector.load %arg4[%get3A_2634, %get3A_2635, %get3A_2636] : memref<6x1024x256xf32, #tpu.memory_space<vmem>>, vector<1x1024x256xf32>
    %get3A_2638 = vector.shape_cast %get3A_2637 : vector<1x1024x256xf32> to vector<1024x256xf32>
    %get3A_2639 = arith.constant 5 : index
    %get3A_2640 = arith.constant 0 : index
    %get3A_2641 = arith.constant 0 : index
    %get3A_2642 = vector.load %arg5[%get3A_2639, %get3A_2640, %get3A_2641] : memref<6x1024x256xf32, #tpu.memory_space<vmem>>, vector<1x1024x256xf32>
    %get3A_2643 = vector.shape_cast %get3A_2642 : vector<1x1024x256xf32> to vector<1024x256xf32>
    %sub3A_2644 = arith.subf %get3A_2638, %get3A_2643 : vector<1024x256xf32>
    %mul3A_2645 = vector.broadcast %logistic3A_6 : vector<1x256xf32> to vector<1024x256xf32>
    %mul3A_2646 = arith.mulf %mul3A_2645, %sub3A_2644 : vector<1024x256xf32>
    %add3A_2647 = arith.addf %get3A_2633, %mul3A_2646 : vector<1024x256xf32>
    %swap3A_2648 = arith.constant 5 : index
    %swap3A_2649 = arith.constant 0 : index
    %swap3A_2650 = arith.constant 0 : index
    %swap3A_2651 = vector.load %arg6[%swap3A_2648, %swap3A_2649, %swap3A_2650] : memref<6x1024x256xf32, #tpu.memory_space<vmem>>, vector<1x1024x256xf32>
    %swap3A_2652 = vector.shape_cast %swap3A_2651 : vector<1x1024x256xf32> to vector<1024x256xf32>
    %swap3A_2653 = vector.shape_cast %add3A_2647 : vector<1024x256xf32> to vector<1x1024x256xf32>
    tpu.vector_store %arg6[%swap3A_2648, %swap3A_2649, %swap3A_2650], %swap3A_2653 {strides = array<i32>} : memref<6x1024x256xf32, #tpu.memory_space<vmem>>, vector<1x1024x256xf32>,
    %dma_start3A_2654 = arith.constant 5 : i32
    %dma_start3A_2655 = arith.constant 5 : i32
    %dma_start3A_2656 = tpu.memref_slice %arg8[%dma_start3A_2655] : memref<6x!tpu.dma_semaphore, #tpu.memory_space<semaphore_mem>> -> memref<1x!tpu.dma_semaphore, #tpu.memory_space<semaphore_mem>>
    %dma_start3A_2657 = tpu.memref_squeeze %dma_start3A_2656 : memref<1x!tpu.dma_semaphore, #tpu.memory_space<semaphore_mem>> -> memref<!tpu.dma_semaphore, #tpu.memory_space<semaphore_mem>>
    %dma_start3A_2658 = arith.constant 29696 : i32
    %dma_start3A_2659 = arith.constant 0 : i32
    %dma_start3A_2660 = tpu.memref_slice %arg3[%dma_start3A_2658, %dma_start3A_2659] : memref<32768x256xf32, #tpu.memory_space<any>> -> memref<1024x256xf32, #tpu.memory_space<any>>
    %dma_start3A_2661 = arith.constant 0 : i32
    %dma_start3A_2662 = arith.constant 0 : i32
    %dma_start3A_2663 = tpu.memref_slice %arg6[%dma_start3A_2654, %dma_start3A_2661, %dma_start3A_2662] : memref<6x1024x256xf32, #tpu.memory_space<vmem>> -> memref<1x1024x256xf32, #tpu.memory_space<vmem>>
    %dma_start3A_2664 = tpu.memref_squeeze %dma_start3A_2663 : memref<1x1024x256xf32, #tpu.memory_space<vmem>> -> memref<1024x256xf32, #tpu.memory_space<vmem>>
    tpu.enqueue_dma source(%dma_start3A_2664 : memref<1024x256xf32, #tpu.memory_space<vmem>>) target(%dma_start3A_2660 : memref<1024x256xf32, #tpu.memory_space<any>>) target_semaphore(%dma_start3A_2657 : memref<!tpu.dma_semaphore, #tpu.memory_space<semaphore_mem>>)
    %dma_wait3A_2665 = arith.constant 0 : i32
    %dma_wait3A_2666 = arith.constant 0 : i32
    %dma_wait3A_2667 = tpu.memref_slice %arg8[%dma_wait3A_2666] : memref<6x!tpu.dma_semaphore, #tpu.memory_space<semaphore_mem>> -> memref<1x!tpu.dma_semaphore, #tpu.memory_space<semaphore_mem>>
    %dma_wait3A_2668 = tpu.memref_squeeze %dma_wait3A_2667 : memref<1x!tpu.dma_semaphore, #tpu.memory_space<semaphore_mem>> -> memref<!tpu.dma_semaphore, #tpu.memory_space<semaphore_mem>>
    %dma_wait3A_2669 = arith.constant 0 : i32
    %dma_wait3A_2670 = arith.constant 0 : i32
    %dma_wait3A_2671 = tpu.memref_slice %arg3[%dma_wait3A_2669, %dma_wait3A_2670] : memref<32768x256xf32, #tpu.memory_space<any>> -> memref<1024x256xf32, #tpu.memory_space<any>>
    %dma_wait3A_2672 = arith.constant 0 : i32
    %dma_wait3A_2673 = arith.constant 0 : i32
    %dma_wait3A_2674 = tpu.memref_slice %arg6[%dma_wait3A_2665, %dma_wait3A_2672, %dma_wait3A_2673] : memref<6x1024x256xf32, #tpu.memory_space<vmem>> -> memref<1x1024x256xf32, #tpu.memory_space<vmem>>
    %dma_wait3A_2675 = tpu.memref_squeeze %dma_wait3A_2674 : memref<1x1024x256xf32, #tpu.memory_space<vmem>> -> memref<1024x256xf32, #tpu.memory_space<vmem>>
    tpu.wait_dma2 semaphore(%dma_wait3A_2668 : memref<!tpu.dma_semaphore, #tpu.memory_space<semaphore_mem>>) src(%dma_wait3A_2675 : memref<1024x256xf32, #tpu.memory_space<vmem>>) dst(%dma_wait3A_2671 : memref<1024x256xf32, #tpu.memory_space<any>>)
    %dma_wait3A_2676 = arith.constant 1 : i32
    %dma_wait3A_2677 = arith.constant 1 : i32
    %dma_wait3A_2678 = tpu.memref_slice %arg8[%dma_wait3A_2677] : memref<6x!tpu.dma_semaphore, #tpu.memory_space<semaphore_mem>> -> memref<1x!tpu.dma_semaphore, #tpu.memory_space<semaphore_mem>>
    %dma_wait3A_2679 = tpu.memref_squeeze %dma_wait3A_2678 : memref<1x!tpu.dma_semaphore, #tpu.memory_space<semaphore_mem>> -> memref<!tpu.dma_semaphore, #tpu.memory_space<semaphore_mem>>
    %dma_wait3A_2680 = arith.constant 0 : i32
    %dma_wait3A_2681 = arith.constant 0 : i32
    %dma_wait3A_2682 = tpu.memref_slice %arg3[%dma_wait3A_2680, %dma_wait3A_2681] : memref<32768x256xf32, #tpu.memory_space<any>> -> memref<1024x256xf32, #tpu.memory_space<any>>
    %dma_wait3A_2683 = arith.constant 0 : i32
    %dma_wait3A_2684 = arith.constant 0 : i32
    %dma_wait3A_2685 = tpu.memref_slice %arg6[%dma_wait3A_2676, %dma_wait3A_2683, %dma_wait3A_2684] : memref<6x1024x256xf32, #tpu.memory_space<vmem>> -> memref<1x1024x256xf32, #tpu.memory_space<vmem>>
    %dma_wait3A_2686 = tpu.memref_squeeze %dma_wait3A_2685 : memref<1x1024x256xf32, #tpu.memory_space<vmem>> -> memref<1024x256xf32, #tpu.memory_space<vmem>>
    tpu.wait_dma2 semaphore(%dma_wait3A_2679 : memref<!tpu.dma_semaphore, #tpu.memory_space<semaphore_mem>>) src(%dma_wait3A_2686 : memref<1024x256xf32, #tpu.memory_space<vmem>>) dst(%dma_wait3A_2682 : memref<1024x256xf32, #tpu.memory_space<any>>)
    %dma_wait3A_2687 = arith.constant 2 : i32
    %dma_wait3A_2688 = arith.constant 2 : i32
    %dma_wait3A_2689 = tpu.memref_slice %arg8[%dma_wait3A_2688] : memref<6x!tpu.dma_semaphore, #tpu.memory_space<semaphore_mem>> -> memref<1x!tpu.dma_semaphore, #tpu.memory_space<semaphore_mem>>
    %dma_wait3A_2690 = tpu.memref_squeeze %dma_wait3A_2689 : memref<1x!tpu.dma_semaphore, #tpu.memory_space<semaphore_mem>> -> memref<!tpu.dma_semaphore, #tpu.memory_space<semaphore_mem>>
    %dma_wait3A_2691 = arith.constant 0 : i32
    %dma_wait3A_2692 = arith.constant 0 : i32
    %dma_wait3A_2693 = tpu.memref_slice %arg3[%dma_wait3A_2691, %dma_wait3A_2692] : memref<32768x256xf32, #tpu.memory_space<any>> -> memref<1024x256xf32, #tpu.memory_space<any>>
    %dma_wait3A_2694 = arith.constant 0 : i32
    %dma_wait3A_2695 = arith.constant 0 : i32
    %dma_wait3A_2696 = tpu.memref_slice %arg6[%dma_wait3A_2687, %dma_wait3A_2694, %dma_wait3A_2695] : memref<6x1024x256xf32, #tpu.memory_space<vmem>> -> memref<1x1024x256xf32, #tpu.memory_space<vmem>>
    %dma_wait3A_2697 = tpu.memref_squeeze %dma_wait3A_2696 : memref<1x1024x256xf32, #tpu.memory_space<vmem>> -> memref<1024x256xf32, #tpu.memory_space<vmem>>
    tpu.wait_dma2 semaphore(%dma_wait3A_2690 : memref<!tpu.dma_semaphore, #tpu.memory_space<semaphore_mem>>) src(%dma_wait3A_2697 : memref<1024x256xf32, #tpu.memory_space<vmem>>) dst(%dma_wait3A_2693 : memref<1024x256xf32, #tpu.memory_space<any>>)
    %dma_wait3A_2698 = arith.constant 3 : i32
    %dma_wait3A_2699 = arith.constant 3 : i32
    %dma_wait3A_2700 = tpu.memref_slice %arg8[%dma_wait3A_2699] : memref<6x!tpu.dma_semaphore, #tpu.memory_space<semaphore_mem>> -> memref<1x!tpu.dma_semaphore, #tpu.memory_space<semaphore_mem>>
    %dma_wait3A_2701 = tpu.memref_squeeze %dma_wait3A_2700 : memref<1x!tpu.dma_semaphore, #tpu.memory_space<semaphore_mem>> -> memref<!tpu.dma_semaphore, #tpu.memory_space<semaphore_mem>>
    %dma_wait3A_2702 = arith.constant 0 : i32
    %dma_wait3A_2703 = arith.constant 0 : i32
    %dma_wait3A_2704 = tpu.memref_slice %arg3[%dma_wait3A_2702, %dma_wait3A_2703] : memref<32768x256xf32, #tpu.memory_space<any>> -> memref<1024x256xf32, #tpu.memory_space<any>>
    %dma_wait3A_2705 = arith.constant 0 : i32
    %dma_wait3A_2706 = arith.constant 0 : i32
    %dma_wait3A_2707 = tpu.memref_slice %arg6[%dma_wait3A_2698, %dma_wait3A_2705, %dma_wait3A_2706] : memref<6x1024x256xf32, #tpu.memory_space<vmem>> -> memref<1x1024x256xf32, #tpu.memory_space<vmem>>
    %dma_wait3A_2708 = tpu.memref_squeeze %dma_wait3A_2707 : memref<1x1024x256xf32, #tpu.memory_space<vmem>> -> memref<1024x256xf32, #tpu.memory_space<vmem>>
    tpu.wait_dma2 semaphore(%dma_wait3A_2701 : memref<!tpu.dma_semaphore, #tpu.memory_space<semaphore_mem>>) src(%dma_wait3A_2708 : memref<1024x256xf32, #tpu.memory_space<vmem>>) dst(%dma_wait3A_2704 : memref<1024x256xf32, #tpu.memory_space<any>>)
    %dma_wait3A_2709 = arith.constant 4 : i32
    %dma_wait3A_2710 = arith.constant 4 : i32
    %dma_wait3A_2711 = tpu.memref_slice %arg8[%dma_wait3A_2710] : memref<6x!tpu.dma_semaphore, #tpu.memory_space<semaphore_mem>> -> memref<1x!tpu.dma_semaphore, #tpu.memory_space<semaphore_mem>>
    %dma_wait3A_2712 = tpu.memref_squeeze %dma_wait3A_2711 : memref<1x!tpu.dma_semaphore, #tpu.memory_space<semaphore_mem>> -> memref<!tpu.dma_semaphore, #tpu.memory_space<semaphore_mem>>
    %dma_wait3A_2713 = arith.constant 0 : i32
    %dma_wait3A_2714 = arith.constant 0 : i32
    %dma_wait3A_2715 = tpu.memref_slice %arg3[%dma_wait3A_2713, %dma_wait3A_2714] : memref<32768x256xf32, #tpu.memory_space<any>> -> memref<1024x256xf32, #tpu.memory_space<any>>
    %dma_wait3A_2716 = arith.constant 0 : i32
    %dma_wait3A_2717 = arith.constant 0 : i32
    %dma_wait3A_2718 = tpu.memref_slice %arg6[%dma_wait3A_2709, %dma_wait3A_2716, %dma_wait3A_2717] : memref<6x1024x256xf32, #tpu.memory_space<vmem>> -> memref<1x1024x256xf32, #tpu.memory_space<vmem>>
    %dma_wait3A_2719 = tpu.memref_squeeze %dma_wait3A_2718 : memref<1x1024x256xf32, #tpu.memory_space<vmem>> -> memref<1024x256xf32, #tpu.memory_space<vmem>>
    tpu.wait_dma2 semaphore(%dma_wait3A_2712 : memref<!tpu.dma_semaphore, #tpu.memory_space<semaphore_mem>>) src(%dma_wait3A_2719 : memref<1024x256xf32, #tpu.memory_space<vmem>>) dst(%dma_wait3A_2715 : memref<1024x256xf32, #tpu.memory_space<any>>)
    %dma_wait3A_2720 = arith.constant 5 : i32
    %dma_wait3A_2721 = arith.constant 5 : i32
    %dma_wait3A_2722 = tpu.memref_slice %arg8[%dma_wait3A_2721] : memref<6x!tpu.dma_semaphore, #tpu.memory_space<semaphore_mem>> -> memref<1x!tpu.dma_semaphore, #tpu.memory_space<semaphore_mem>>
    %dma_wait3A_2723 = tpu.memref_squeeze %dma_wait3A_2722 : memref<1x!tpu.dma_semaphore, #tpu.memory_space<semaphore_mem>> -> memref<!tpu.dma_semaphore, #tpu.memory_space<semaphore_mem>>
    %dma_wait3A_2724 = arith.constant 0 : i32
    %dma_wait3A_2725 = arith.constant 0 : i32
    %dma_wait3A_2726 = tpu.memref_slice %arg3[%dma_wait3A_2724, %dma_wait3A_2725] : memref<32768x256xf32, #tpu.memory_space<any>> -> memref<1024x256xf32, #tpu.memory_space<any>>
    %dma_wait3A_2727 = arith.constant 0 : i32
    %dma_wait3A_2728 = arith.constant 0 : i32
    %dma_wait3A_2729 = tpu.memref_slice %arg6[%dma_wait3A_2720, %dma_wait3A_2727, %dma_wait3A_2728] : memref<6x1024x256xf32, #tpu.memory_space<vmem>> -> memref<1x1024x256xf32, #tpu.memory_space<vmem>>
    %dma_wait3A_2730 = tpu.memref_squeeze %dma_wait3A_2729 : memref<1x1024x256xf32, #tpu.memory_space<vmem>> -> memref<1024x256xf32, #tpu.memory_space<vmem>>
    tpu.wait_dma2 semaphore(%dma_wait3A_2723 : memref<!tpu.dma_semaphore, #tpu.memory_space<semaphore_mem>>) src(%dma_wait3A_2730 : memref<1024x256xf32, #tpu.memory_space<vmem>>) dst(%dma_wait3A_2726 : memref<1024x256xf32, #tpu.memory_space<any>>)
    return
  }
}

</mosaic_0001>

<sc_bundles>
// kernel: kernel.4.cloned.1.call-start
scs
__scs_entry_jumppad:
0x0: {  	(pc) =	sbr.rel $0x88, $3  }
0x1: {  	(tag) =	ssettag $0x0;
	lr =	simm.s32 $0x1  }
0x2: {  	[smem:$0x3F9E] =	sst lr;
	_ =	strace $0xD0000000  }
0x3: {  	_ = 	snop  }
0x4: {  	_ = 	snop  }
0x5: {  	_ = 	snop  }
0x6: {  	_ = 	snop  }
0x7: {  	_ = 	snop  }
__scs_overlays_trampoline_lowered:
0x8: {  	[smem:$0x3FAD] =	sst s0  }
0x9: {  	[smem:$0x3FAE] =	sst s1  }
0xa: {  	[smem:$0x3FAF] =	sst s2  }
0xb: {  	[smem:$0x3FB0] =	sst s3  }
0xc: {  	[smem:$0x3FB1] =	sst s4  }
0xd: {  	[smem:$0x3FB2] =	sst s5  }
0xe: {  	[smem:$0x3FB3] =	sst s6  }
0xf: {  	[smem:$0x3FB4] =	sst s7  }
0x10: {  	[smem:$0x3FB5] =	sst s8  }
0x11: {  	[smem:$0x3FB6] =	sst s9;
	s0 =	simm.s32 @!p0 $0x0  }
0x12: {  	s1 =	sld [smem:$0x3F9C];
	s0 =	simm.s32 @p0 $0x1  }
0x13: {  	[smem:$0x3FB7] =	sst s0;
	s0 =	simm.s32 @!p1 $0x0  }
0x14: {  	s2 =	sld [smem:$0x3F9B];
	s0 =	simm.s32 @p1 $0x1  }
0x15: {  	[smem:$0x3FB8] =	sst s0;
	s0 =	simm.s32 @!p2 $0x0  }
0x16: {  	s3 =	sld [smem:$0x3FDB];
	s0 =	simm.s32 @p2 $0x1  }
0x17: {  	s4 =	simm.s32 $0x1BF5;
	[smem:$0x3FBA] =	sst s0  }
0x18: {  	s0 =	sld [smem:$0x3F9D];
	_ =	swait.ge [sflag:s4], $0x0  }
0x19: {  	s7 =	sld [smem:$0x3F9E]  }
0x1a: {  	s8 =	sadd.s32 $0xFFFFE003, lr  }
0x1b: {  	s9 =	sadd.s32 $0xFFFFFEF7, lr;
	s5 =	simm.s32 $0xFFFFFFFF;
	p2 =	slt.u32 s8, $0xFFFFF086  }
0x1c: {  	p1 =	slt.u32 s9, $0xF7A;
	s5 =	simm.s32 @!p2 $0x0  }
0x1d: {  	s5 =	simm.s32 @p1 $0x1;
	p0 =	seq.s32 s7, s2  }
0x1e: {  	s7 =	smul.u32 @!p0 $0xF7A, s2;
	p2 =	seq.s32 @!p0 s5, $0x0  }
0x1f: {  	s9 =	smul.u32 $0xF7A, s1;
	s8 =	simm.s32 @!p0 $0x1BF5;
	p2 =	por !p2, p0  }
0x20: {  	[sflag:s8] =	ssyncset.s32 @!p0 $0xFFFFF086;
	s6 =	sadd.s32 @!p0 s3, s7;
	s7 =	simm.s32 @!p0 $0x108  }
0x21: {  	s3 =	sadd.s32 s3, s9;
	s6 =	sadd.s32 @!p0 $0x88, s6;
	s7 =	simm.s32 @p2 $0x1082  }
0x22: {  	[simem:s7], [sflag:s8] =	dma.local @!p0 [hbm:s6], $0xF7A  }
0x23: {  	s9 =	sor.u32 $0xD0000000, s2;
	s6 =	simm.s32 $0x108;
	_ =	swait.ge @!p0 [sflag:s8], $0x0  }
0x24: {  	s3 =	sadd.s32 $0x88, s3;
	s6 =	simm.s32 @!p1 $0x1082;
	[sflag:s4] =	ssyncset.s32 $0xFFFFF086  }
0x25: {  	[simem:s6], [sflag:s4] =	dma.local [hbm:s3], $0xF7A  }
0x26: {  	[smem:$0x3F9E] =	sst s1;
	(tag) =	ssettag s2;
	_ =	strace s9  }
0x27: {  	s1 =	sld [smem:$0x3FAE]  }
0x28: {  	s2 =	sld [smem:$0x3FAF]  }
0x29: {  	s4 =	sld [smem:$0x3FB1]  }
0x2a: {  	p0 =	seq.s32 s5, $0x0;
	s5 =	sld [smem:$0x3FB2]  }
0x2b: {  	s6 =	sld [smem:$0x3FB3]  }
0x2c: {  	s7 =	sld [smem:$0x3FB4]  }
0x2d: {  	s3 =	simm.s32 $0x108;
	s8 =	sld [smem:$0x3FB5]  }
0x2e: {  	s3 =	simm.s32 @!p0 $0x1082;
	s9 =	sld [smem:$0x3FB6]  }
0x2f: {  	lr =	sadd.s32 s0, s3;
	s0 =	sld [smem:$0x3FAD]  }
0x30: {  	s3 =	sld [smem:$0x3FB0]  }
0x31: {  	[smem:$0x3FB9] =	sst s10  }
0x32: {  	s10 =	sld [smem:$0x3FB7];
	_ =	sdelay $0x3  }
0x33: {  	p0 =	seq.s32 s10, $0x1;
	s10 =	sld [smem:$0x3FB9];
	_ =	sdelay $0x3  }
0x34: {  	[smem:$0x3FB9] =	sst s10  }
0x35: {  	s10 =	sld [smem:$0x3FB8];
	_ =	sdelay $0x3  }
0x36: {  	p1 =	seq.s32 s10, $0x1;
	s10 =	sld [smem:$0x3FB9];
	_ =	sdelay $0x3  }
0x37: {  	[smem:$0x3FB9] =	sst s10  }
0x38: {  	s10 =	sld [smem:$0x3FBA]  }
0x39: {  	_ = 	snop;
	(pc) =	sbr.ind lr, $3  }
0x3a: {  	_ = 	snop  }
0x3b: {  	_ = 	snop  }
0x3c: {  	p2 =	seq.s32 s10, $0x1;
	s10 =	sld [smem:$0x3FB9]  }
0x3d: {  	_ =	shalt  }
0x3e: {  	_ =	shalt  }
0x3f: {  	_ =	shalt  }
0x40: {  	_ =	shalt  }
0x41: {  	_ =	shalt  }
0x42: {  	_ =	shalt  }
0x43: {  	_ =	shalt  }
0x44: {  	_ =	shalt  }
0x45: {  	_ =	shalt  }
0x46: {  	_ =	shalt  }
0x47: {  	_ =	shalt  }
0x48: {  	_ =	shalt  }
0x49: {  	_ =	shalt  }
0x4a: {  	_ =	shalt  }
0x4b: {  	_ =	shalt  }
0x4c: {  	_ =	shalt  }
0x4d: {  	_ =	shalt  }
0x4e: {  	_ =	shalt  }
0x4f: {  	_ =	shalt  }
0x50: {  	_ =	shalt  }
0x51: {  	_ =	shalt  }
0x52: {  	_ =	shalt  }
0x53: {  	_ =	shalt  }
0x54: {  	_ =	shalt  }
0x55: {  	_ =	shalt  }
0x56: {  	_ =	shalt  }
0x57: {  	_ =	shalt  }
0x58: {  	_ =	shalt  }
0x59: {  	_ =	shalt  }
0x5a: {  	_ =	shalt  }
0x5b: {  	_ =	shalt  }
0x5c: {  	_ =	shalt  }
0x5d: {  	_ =	shalt  }
0x5e: {  	_ =	shalt  }
0x5f: {  	_ =	shalt  }
0x60: {  	_ =	shalt  }
0x61: {  	_ =	shalt  }
0x62: {  	_ =	shalt  }
0x63: {  	_ =	shalt  }
0x64: {  	_ =	shalt  }
0x65: {  	_ =	shalt  }
0x66: {  	_ =	shalt  }
0x67: {  	_ =	shalt  }
0x68: {  	_ =	shalt  }
0x69: {  	_ =	shalt  }
0x6a: {  	_ =	shalt  }
0x6b: {  	_ =	shalt  }
0x6c: {  	_ =	shalt  }
0x6d: {  	_ =	shalt  }
0x6e: {  	_ =	shalt  }
0x6f: {  	_ =	shalt  }
0x70: {  	_ =	shalt  }
0x71: {  	_ =	shalt  }
0x72: {  	_ =	shalt  }
0x73: {  	_ =	shalt  }
0x74: {  	_ =	shalt  }
0x75: {  	_ =	shalt  }
0x76: {  	_ =	shalt  }
0x77: {  	_ =	shalt  }
0x78: {  	_ =	shalt  }
0x79: {  	_ =	shalt  }
0x7a: {  	_ =	shalt  }
0x7b: {  	_ =	shalt  }
0x7c: {  	_ =	shalt  }
0x7d: {  	_ =	shalt  }
0x7e: {  	_ =	shalt  }
0x7f: {  	_ =	shalt  }
0x80: {  	_ =	shalt  }
0x81: {  	_ =	shalt  }
0x82: {  	_ =	shalt  }
0x83: {  	_ =	shalt  }
0x84: {  	_ =	shalt  }
0x85: {  	_ =	shalt  }
0x86: {  	_ =	shalt  }
0x87: {  	_ =	shalt  }
.Lfunc_end0:
.L_simem_size_0:
called_computation_lowered:
.L_overlay_start_0:
0x88: {  	s0 =	sld [smem:$0x3FD9]  }
0x89: {  	s1 =	sld [smem:$0x3FFE];
	_ =	sdelay $0x3  }
0x8a: {  	s0 =	sadd.s32 s1, s0  }
0x8b: {  	[smem:$0x3FC5] =	sst s0  }
0x8c: {  	_ = 	snop  }
0x8d: {  	s0 =	sld [smem:$0x3FC9]  }
0x8e: {  	s16 =	sld [smem:$0x3FC8]  }
0x8f: {  	s2 =	sld [smem:$0x3FC7];
	(tm) =	ssettm $0x1  }
0x90: {  	s3 =	sld [smem:$0x3FFB];
	_ =	sdelay $0x3  }
0x91: {  	_ =	strace s3  }
0x92: {  	s3 =	sld [smem:$0x3FFC];
	_ =	sdelay $0x3  }
0x93: {  	_ =	strace s3  }
0x94: {  	s3 =	sld [smem:$0x3FFD];
	_ =	sdelay $0x3  }
0x95: {  	_ =	strace s3  }
0x96: {  	_ =	strace $0x8FFFFFFF  }
0x97: {  	s17 =	sld [smem:$0x3FDB];
	_ =	sdelay $0x1  }
0x98: {  	s4 =	simm.s32 $_scs_section_size  }
0x99: {  	s5 =	simm.s32 $_size__tile_overlayer_lowered;
	s6 =	simm.s32 $_tile_overlayer_lowered  }
0x9a: {  	s20 =	simm.s32 $0x1BFF;
	s19 =	sshll.u32 s6, $0x1;
	s3 =	sadd.s32 s4, s17  }
0x9b: {  	s7 =	simm.s32 $0x0;
	s18 =	sshll.u32 s5, $0x1;
	s5 =	sadd.s32 s19, s3  }
0x9c: {  	[timem:s7], [sflag:s20] =	dma.local [hbm:s5], s18  }
0x9d: {  	_ =	swait.ge [sflag:s20], s18  }
0x9e: {  	s4 =	ssub.s32 $0x0, s18;
	[sflag:s20] =	ssyncset.done $0x0  }
0x9f: {  	[sflag:s20] =	ssyncadd.s32 s4;
	_ =	sdelay $0x1  }
0xa0: {  	s21 =	simm.s32 $0x1B8B  }
0xa1: {  	_ =	swait.ge [sflag:s21], $0x1  }
0xa2: {  	[sflag:s21] =	ssyncset.done $0x0  }
0xa3: {  	s23 =	simm.s32 $0x1B8E;
	s22 =	sld [smem:$0x3FFE];
	[sflag:s21] =	ssyncadd.s32 $0xFFFFFFFF  }
0xa4: {  	s24 =	simm.s32 $execute0_lowered;
	[smem:$0x3FD2] =	sst s23  }
0xa5: {  	s5 =	sshll.u32 s24, $0x1;
	_ =	strace $0x80000046;
	[dreg:$0x1] =	wrdreg $0xFFFFFFFF  }
0xa6: {  	s25 =	simm.s32 $_size_execute0_lowered;
	s3 =	sadd.s32 s3, s5;
	[dreg:$0x0] =	wrdreg $0x0  }
0xa7: {  	s5 =	sshll.u32 s25, $0x1;
	[dreg:$0x2] =	wrdreg s3  }
0xa8: {  	[dreg:$0x3] =	wrdreg s5  }
0xa9: {  	[dreg:$0x4] =	wrdreg $0xC0  }
0xaa: {  	_ =	task [dreg:s7], $0x5FFFF  }
0xab: {  	[dreg:$0x1] =	wrdreg $0xFFFFFFFF  }
0xac: {  	[dreg:$0x0] =	wrdreg $0x60  }
0xad: {  	[dreg:$0x2] =	wrdreg s0  }
0xae: {  	[dreg:$0x3] =	wrdreg s16  }
0xaf: {  	[dreg:$0x4] =	wrdreg s2  }
0xb0: {  	[dreg:$0x5] =	wrdreg s22  }
0xb1: {  	[dreg:$0x6] =	wrdreg $0x9  }
0xb2: {  	_ =	task.clear_ibuf [dreg:s7], $0x7FFFF;
	_ =	strace $0x90000046  }
0xb3: {  	s26 =	simm.s32 $0x9;
	_ =	strace $0x80000048  }
0xb4: {  	_ =	swait.ge [sflag:s26], $0x1  }
0xb5: {  	[sflag:s26] =	ssyncadd.s32 $0xFFFFFFFF  }
0xb6: {  	_ =	strace $0x90000048  }
0xb7: {  	_ =	sfence  }
0xb8: {  	s28 =	sld [smem:$0x0];
	_ =	sdelay $0x1  }
0xb9: {  	s29 =	srdreg.scid  }
0xba: {  	s30 =	sshll.u32 s29, $0xD;
	s31 =	sshrl.u32 s29, $0x2  }
0xbb: {  	s1 =	sand.u32 $0x1, s29;
	s2 =	sand.u32 $0x4000, s30;
	s0 =	sadd.s32 s31, s28  }
0xbc: {  	s1 =	sor.u32 s2, s1;
	s0 =	sshll.u32 s0, $0x11  }
0xbd: {  	s0 =	sor.u32 s0, s1  }
0xbe: {  	s0 =	sadd.s32 $0x8F2B, s0  }
0xbf: {  	[sflag:s0] =	ssyncadd.remote.s32 $0x1  }
0xc0: {  	_ =	sfence.sel $0xFFFF  }
0xc1: {  	[dreg:$0x0] =	wrdreg $0xFFFFFFFF;
	(pc) =	sbr.abs _section_cstart, $3  }
0xc2: {  	[dreg:$0x1] =	wrdreg $0xFFFFFFFF  }
0xc3: {  	_ =	task.clear_ibuf [dreg:s7], $0x2FFFF;
	_ =	strace $0x9FFFFFFF  }
0xc4: {  	(tm) =	ssettm $0x7FFFFFFF  }
0xc5: {  	_ =	shalt  }
tec
execute0_lowered:
.L_overlay_start_1:
0x0: {  	(tag) =	ssettag $0x1  }
0x1: {  	s6 =	rddreg [dreg:$0x0]  }
0x2: {  	s5 =	rddreg [dreg:$0x1]  }
0x3: {  	s1 =	rddreg [dreg:$0x2]  }
0x4: {  	s3 =	rddreg [dreg:$0x3];
	s4 =	simm.s32 $0x0  }
0x5: {  	[smem:$0x7FF] =	sst s4  }
0x6: {  	s0 =	rddreg [dreg:$0x4];
	s22 =	simm.s32 $0x3;
	_ =	strace $0x80000047  }
0x7: {  	[tilespmem:s4], [sflag:$0x3] =	stream.linear.gather [hbm4b:s1+s4], $0x100, $0x38;
	[tilespmem:$0x18100] =	vst v63  }
0x8: {  	_ =	swait.ge [sflag:s22], $0x100  }
0x9: {  	[sflag:s22] =	ssyncset.done $0x0  }
0xa: {  	[sflag:s22] =	ssyncadd.s32 $0xFFFFFF00  }
0xb: {  	v0 =	vld [tilespmem:$0x0];
	_ =	sdelay $0x4  }
0xc: {  	v0 =	vsub.f32 $0.0e+00, v0;
	_ =	sdelay $0x1  }
0xd: {  	v0 =	vmul.f32 $1.442695020e+00, v0;
	_ =	sdelay $0x1  }
0xe: {  	(erf) = vpow2.f32 v0;
	_ =	sdelay $0x3  }
0xf: {  	v0 =	vld [tilespmem:$0x10];
	_ =	sdelay $0x4  }
0x10: {  	v0 =	vsub.f32 $0.0e+00, v0;
	v1 =	vpop (erf)  }
0x11: {  	v1 =	vadd.f32 $1.000000000e+00, v1  }
0x12: {  	v0 =	vmul.f32 $1.442695020e+00, v0  }
0x13: {  	(erf) = vrcp.f32 v1  }
0x14: {  	(erf) = vpow2.f32 v0;
	_ =	sdelay $0x3  }
0x15: {  	v1 =	vld [tilespmem:$0x20];
	_ =	sdelay $0x3  }
0x16: {  	v0 =	vpop (erf)  }
0x17: {  	v1 =	vsub.f32 $0.0e+00, v1;
	v2 =	vpop (erf)  }
0x18: {  	v2 =	vadd.f32 $1.000000000e+00, v2  }
0x19: {  	v1 =	vmul.f32 $1.442695020e+00, v1  }
0x1a: {  	(erf) = vrcp.f32 v2  }
0x1b: {  	(erf) = vpow2.f32 v1;
	_ =	sdelay $0x3  }
0x1c: {  	v2 =	vld [tilespmem:$0x30];
	_ =	sdelay $0x3  }
0x1d: {  	v1 =	vpop (erf)  }
0x1e: {  	v2 =	vsub.f32 $0.0e+00, v2;
	v3 =	vpop (erf)  }
0x1f: {  	v3 =	vadd.f32 $1.000000000e+00, v3  }
0x20: {  	v2 =	vmul.f32 $1.442695020e+00, v2  }
0x21: {  	(erf) = vrcp.f32 v3  }
0x22: {  	(erf) = vpow2.f32 v2;
	_ =	sdelay $0x3  }
0x23: {  	v3 =	vld [tilespmem:$0x40];
	_ =	sdelay $0x3  }
0x24: {  	v2 =	vpop (erf)  }
0x25: {  	v3 =	vsub.f32 $0.0e+00, v3;
	v4 =	vpop (erf)  }
0x26: {  	v4 =	vadd.f32 $1.000000000e+00, v4  }
0x27: {  	v3 =	vmul.f32 $1.442695020e+00, v3  }
0x28: {  	(erf) = vrcp.f32 v4  }
0x29: {  	(erf) = vpow2.f32 v3;
	_ =	sdelay $0x3  }
0x2a: {  	v4 =	vld [tilespmem:$0x50];
	_ =	sdelay $0x3  }
0x2b: {  	v3 =	vpop (erf)  }
0x2c: {  	v4 =	vsub.f32 $0.0e+00, v4;
	v5 =	vpop (erf)  }
0x2d: {  	v5 =	vadd.f32 $1.000000000e+00, v5  }
0x2e: {  	v4 =	vmul.f32 $1.442695020e+00, v4  }
0x2f: {  	(erf) = vrcp.f32 v5  }
0x30: {  	(erf) = vpow2.f32 v4;
	_ =	sdelay $0x3  }
0x31: {  	v5 =	vld [tilespmem:$0x60];
	_ =	sdelay $0x3  }
0x32: {  	v4 =	vpop (erf)  }
0x33: {  	v5 =	vsub.f32 $0.0e+00, v5;
	v6 =	vpop (erf)  }
0x34: {  	v6 =	vadd.f32 $1.000000000e+00, v6  }
0x35: {  	v5 =	vmul.f32 $1.442695020e+00, v5  }
0x36: {  	(erf) = vrcp.f32 v6  }
0x37: {  	(erf) = vpow2.f32 v5;
	_ =	sdelay $0x3  }
0x38: {  	v6 =	vld [tilespmem:$0x70];
	_ =	sdelay $0x3  }
0x39: {  	v5 =	vpop (erf)  }
0x3a: {  	v6 =	vsub.f32 $0.0e+00, v6;
	v7 =	vpop (erf)  }
0x3b: {  	v7 =	vadd.f32 $1.000000000e+00, v7  }
0x3c: {  	v6 =	vmul.f32 $1.442695020e+00, v6  }
0x3d: {  	(erf) = vrcp.f32 v7  }
0x3e: {  	(erf) = vpow2.f32 v6;
	_ =	sdelay $0x3  }
0x3f: {  	v7 =	vld [tilespmem:$0x80];
	_ =	sdelay $0x3  }
0x40: {  	v6 =	vpop (erf)  }
0x41: {  	v7 =	vsub.f32 $0.0e+00, v7;
	v8 =	vpop (erf)  }
0x42: {  	v8 =	vadd.f32 $1.000000000e+00, v8  }
0x43: {  	v7 =	vmul.f32 $1.442695020e+00, v7  }
0x44: {  	(erf) = vrcp.f32 v8  }
0x45: {  	(erf) = vpow2.f32 v7;
	_ =	sdelay $0x3  }
0x46: {  	v7 =	vld [tilespmem:$0x90];
	_ =	sdelay $0x3  }
0x47: {  	v8 =	vpop (erf)  }
0x48: {  	v7 =	vsub.f32 $0.0e+00, v7;
	v9 =	vpop (erf)  }
0x49: {  	v9 =	vadd.f32 $1.000000000e+00, v9  }
0x4a: {  	v7 =	vmul.f32 $1.442695020e+00, v7  }
0x4b: {  	(erf) = vrcp.f32 v9  }
0x4c: {  	(erf) = vpow2.f32 v7;
	_ =	sdelay $0x3  }
0x4d: {  	v7 =	vld [tilespmem:$0xA0];
	_ =	sdelay $0x3  }
0x4e: {  	v9 =	vpop (erf)  }
0x4f: {  	v7 =	vsub.f32 $0.0e+00, v7;
	v10 =	vpop (erf)  }
0x50: {  	v10 =	vadd.f32 $1.000000000e+00, v10  }
0x51: {  	v7 =	vmul.f32 $1.442695020e+00, v7  }
0x52: {  	(erf) = vrcp.f32 v10  }
0x53: {  	(erf) = vpow2.f32 v7;
	_ =	sdelay $0x3  }
0x54: {  	v10 =	vld [tilespmem:$0xB0];
	_ =	sdelay $0x3  }
0x55: {  	v7 =	vpop (erf)  }
0x56: {  	v10 =	vsub.f32 $0.0e+00, v10;
	v11 =	vpop (erf)  }
0x57: {  	v11 =	vadd.f32 $1.000000000e+00, v11  }
0x58: {  	v10 =	vmul.f32 $1.442695020e+00, v10  }
0x59: {  	(erf) = vrcp.f32 v11  }
0x5a: {  	(erf) = vpow2.f32 v10;
	_ =	sdelay $0x3  }
0x5b: {  	v11 =	vld [tilespmem:$0xC0];
	_ =	sdelay $0x3  }
0x5c: {  	v10 =	vpop (erf)  }
0x5d: {  	v11 =	vsub.f32 $0.0e+00, v11;
	v12 =	vpop (erf)  }
0x5e: {  	v12 =	vadd.f32 $1.000000000e+00, v12  }
0x5f: {  	v11 =	vmul.f32 $1.442695020e+00, v11  }
0x60: {  	(erf) = vrcp.f32 v12  }
0x61: {  	(erf) = vpow2.f32 v11;
	_ =	sdelay $0x3  }
0x62: {  	v12 =	vld [tilespmem:$0xD0];
	_ =	sdelay $0x3  }
0x63: {  	v11 =	vpop (erf)  }
0x64: {  	v12 =	vsub.f32 $0.0e+00, v12;
	v13 =	vpop (erf)  }
0x65: {  	v13 =	vadd.f32 $1.000000000e+00, v13  }
0x66: {  	v12 =	vmul.f32 $1.442695020e+00, v12  }
0x67: {  	(erf) = vrcp.f32 v13  }
0x68: {  	(erf) = vpow2.f32 v12;
	_ =	sdelay $0x3  }
0x69: {  	v13 =	vld [tilespmem:$0xE0];
	_ =	sdelay $0x3  }
0x6a: {  	v12 =	vpop (erf)  }
0x6b: {  	v13 =	vsub.f32 $0.0e+00, v13;
	v14 =	vpop (erf)  }
0x6c: {  	v14 =	vadd.f32 $1.000000000e+00, v14  }
0x6d: {  	v13 =	vmul.f32 $1.442695020e+00, v13  }
0x6e: {  	(erf) = vrcp.f32 v14  }
0x6f: {  	(erf) = vpow2.f32 v13;
	_ =	sdelay $0x3  }
0x70: {  	v14 =	vld [tilespmem:$0xF0];
	_ =	sdelay $0x3  }
0x71: {  	v13 =	vpop (erf)  }
0x72: {  	v14 =	vsub.f32 $0.0e+00, v14;
	v15 =	vpop (erf)  }
0x73: {  	v15 =	vadd.f32 $1.000000000e+00, v15  }
0x74: {  	v14 =	vmul.f32 $1.442695020e+00, v14  }
0x75: {  	(erf) = vrcp.f32 v15  }
0x76: {  	(erf) = vpow2.f32 v14;
	_ =	sdelay $0x7  }
0x77: {  	v14 =	vpop (erf)  }
0x78: {  	v15 =	vpop (erf)  }
0x79: {  	v15 =	vadd.f32 $1.000000000e+00, v15  }
0x7a: {  	s1 =	stileid.u32  }
0x7b: {  	s2 =	sshll.u32 s1, $0xC;
	(erf) = vrcp.f32 v15  }
0x7c: {  	s7 =	sor.u32 $0xF0000, s2  }
0x7d: {  	s9 =	simm.s32 $0x100;
	s8 =	sadd.s32 s6, s7  }
0x7e: {  	[tilespmem:s9], [sflag:$0x1] =	stream.linear.gather [hbm4b:s8+s4], $0x4000, $0x38;
	[tilespmem:$0x18100] =	vst v63  }
0x7f: {  	s24 =	simm.s32 $0x8100;
	s23 =	sor.u32 $0xF0800, s2;
	s7 =	sadd.s32 s5, s7  }
0x80: {  	[tilespmem:s24], [sflag:$0x1] =	stream.linear.gather [hbm4b:s7+s4], $0x4000, $0x38;
	[tilespmem:$0x18100] =	vst v63  }
0x81: {  	s25 =	simm.s32 $0x4100;
	s6 =	sadd.s32 s6, s23  }
0x82: {  	[tilespmem:s25], [sflag:$0x1] =	stream.linear.gather [hbm4b:s6+s4], $0x4000, $0x38;
	[tilespmem:$0x18100] =	vst v63  }
0x83: {  	s26 =	simm.s32 $0xC100;
	s28 =	simm.s32 $0x1;
	s5 =	sadd.s32 s5, s23  }
0x84: {  	[tilespmem:s26], [sflag:$0x1] =	stream.linear.gather [hbm4b:s5+s4], $0x4000, $0x38;
	v15 =	vpop (erf);
	[tilespmem:$0x18100] =	vst v63  }
0x85: {  	_ =	swait.ge [sflag:s28], $0x4000  }
0x86: {  	[sflag:s28] =	ssyncset.done $0x0  }
0x87: {  	[sflag:s28] =	ssyncadd.s32 $0xFFFFC000  }
0x88: {  	_ =	swait.ge [sflag:s28], $0x4000  }
0x89: {  	s29 =	sand.u32 $0x3800, s4;
	s4 =	sand.u32 $0x380, s4;
	[sflag:s28] =	ssyncset.done $0x0  }
0x8a: {  	s4 =	sor.u32 s4, s29;
	[sflag:s28] =	ssyncadd.s32 $0xFFFFC000  }
0x8b: {  	v16 =	vld [tilespmem:s4+$0x570]  }
0x8c: {  	v17 =	vld [tilespmem:s4+$0x8570]  }
0x8d: {  	v18 =	vld [tilespmem:s4+$0x100]  }
0x8e: {  	v19 =	vld [tilespmem:s4+$0x8100]  }
0x8f: {  	v20 =	vld [tilespmem:s4+$0x110]  }
0x90: {  	v21 =	vld [tilespmem:s4+$0x8110]  }
0x91: {  	v22 =	vld [tilespmem:s4+$0x120];
	v16 =	vsub.f32 v16, v17  }
0x92: {  	v23 =	vld [tilespmem:s4+$0x8120]  }
0x93: {  	v24 =	vld [tilespmem:s4+$0x130];
	v18 =	vsub.f32 v18, v19;
	v16 =	vmul.f32 v16, v15  }
0x94: {  	v25 =	vld [tilespmem:s4+$0x8130]  }
0x95: {  	v26 =	vld [tilespmem:s4+$0x140];
	v20 =	vsub.f32 v20, v21;
	v18 =	vmul.f32 v18, v0;
	v16 =	vadd.f32 v16, v17  }
0x96: {  	v17 =	vld [tilespmem:s4+$0x8140]  }
0x97: {  	v27 =	vld [tilespmem:s4+$0x150];
	v18 =	vadd.f32 v18, v19;
	[tilespmem:s4+$0x10570] =	vst v16;
	v16 =	vmul.f32 v20, v1;
	v20 =	vsub.f32 v22, v23  }
0x98: {  	v19 =	vld [tilespmem:s4+$0x8150]  }
0x99: {  	[tilespmem:s4+$0x10100] =	vst v18;
	v18 =	vld [tilespmem:s4+$0x160];
	v22 =	vsub.f32 v24, v25;
	v16 =	vadd.f32 v16, v21;
	v20 =	vmul.f32 v20, v2  }
0x9a: {  	v21 =	vld [tilespmem:s4+$0x8160]  }
0x9b: {  	v22 =	vmul.f32 v22, v3;
	v24 =	vsub.f32 v26, v17;
	[tilespmem:s4+$0x10110] =	vst v16;
	v16 =	vadd.f32 v20, v23;
	v20 =	vld [tilespmem:s4+$0x170]  }
0x9c: {  	v23 =	vld [tilespmem:s4+$0x8170]  }
0x9d: {  	v26 =	vsub.f32 v27, v19;
	v24 =	vmul.f32 v24, v4;
	[tilespmem:s4+$0x10120] =	vst v16;
	v16 =	vadd.f32 v22, v25;
	v22 =	vld [tilespmem:s4+$0x500]  }
0x9e: {  	v25 =	vld [tilespmem:s4+$0x8500]  }
0x9f: {  	v18 =	vsub.f32 v18, v21;
	[tilespmem:s4+$0x10130] =	vst v16;
	v16 =	vadd.f32 v24, v17;
	v24 =	vld [tilespmem:s4+$0x510];
	v17 =	vmul.f32 v26, v5  }
0xa0: {  	v26 =	vld [tilespmem:s4+$0x8510]  }
0xa1: {  	v27 =	vld [tilespmem:s4+$0x520];
	v18 =	vmul.f32 v18, v6;
	[tilespmem:s4+$0x10140] =	vst v16;
	v16 =	vadd.f32 v17, v19;
	v19 =	vsub.f32 v20, v23  }
0xa2: {  	v17 =	vld [tilespmem:s4+$0x8520]  }
0xa3: {  	v20 =	vld [tilespmem:s4+$0x530];
	v22 =	vsub.f32 v22, v25;
	[tilespmem:s4+$0x10150] =	vst v16;
	v16 =	vadd.f32 v18, v21;
	v18 =	vmul.f32 v19, v8  }
0xa4: {  	v19 =	vld [tilespmem:s4+$0x8530]  }
0xa5: {  	v21 =	vld [tilespmem:s4+$0x540];
	v22 =	vmul.f32 v22, v9;
	[tilespmem:s4+$0x10160] =	vst v16;
	v16 =	vadd.f32 v18, v23;
	v23 =	vsub.f32 v24, v26  }
0xa6: {  	v18 =	vld [tilespmem:s4+$0x8540]  }
0xa7: {  	v24 =	vadd.f32 v22, v25;
	v22 =	vld [tilespmem:s4+$0x550];
	v27 =	vsub.f32 v27, v17;
	v25 =	vmul.f32 v23, v7  }
0xa8: {  	s30 =	simm.s32 $0x100;
	s6 =	simm.s32 $0x80;
	[tilespmem:s4+$0x10170] =	vst v16;
	v16 =	vld [tilespmem:s4+$0x8550]  }
0xa9: {  	s31 =	sand.u32 $0x380, s6;
	s5 =	sand.u32 $0x3800, s30;
	v23 =	vld [tilespmem:s4+$0x560];
	[tilespmem:s4+$0x10500] =	vst v24;
	v24 =	vsub.f32 v20, v19;
	v25 =	vadd.f32 v25, v26;
	v26 =	vmul.f32 v27, v10  }
0xaa: {  	s3 =	sadd.s32 $0x600, s3;
	s7 =	simm.s32 $0x200;
	s5 =	sor.u32 s31, s5;
	v20 =	vld [tilespmem:s4+$0x8560]  }
.LBB2_1:
0xab: {  	p0 =	sne.s32 s7, $0x3F00;
	v27 =	vld [tilespmem:s5+$0x570];
	[tilespmem:s4+$0x10510] =	vst v25;
	v17 =	vadd.f32 v26, v17;
	v24 =	vmul.f32 v24, v11;
	v21 =	vsub.f32 v21, v18  }
0xac: {  	v25 =	vld [tilespmem:s5+$0x8570]  }
0xad: {  	v26 =	vld [tilespmem:s5+$0x100];
	[tilespmem:s4+$0x10520] =	vst v17;
	v17 =	vadd.f32 v24, v19;
	v19 =	vmul.f32 v21, v12;
	v21 =	vsub.f32 v22, v16  }
0xae: {  	v22 =	vld [tilespmem:s5+$0x8100]  }
0xaf: {  	v24 =	vld [tilespmem:s5+$0x110];
	[tilespmem:s4+$0x10530] =	vst v17;
	v17 =	vadd.f32 v19, v18;
	v18 =	vmul.f32 v21, v13;
	v19 =	vsub.f32 v23, v20  }
0xb0: {  	v21 =	vld [tilespmem:s5+$0x8110]  }
0xb1: {  	v23 =	vld [tilespmem:s5+$0x120];
	v27 =	vsub.f32 v27, v25;
	[tilespmem:s4+$0x10540] =	vst v17;
	v16 =	vadd.f32 v18, v16;
	v17 =	vmul.f32 v19, v14  }
0xb2: {  	v18 =	vld [tilespmem:s5+$0x8120]  }
0xb3: {  	v19 =	vsub.f32 v26, v22;
	v26 =	vld [tilespmem:s5+$0x130];
	v27 =	vmul.f32 v27, v15;
	[tilespmem:s4+$0x10550] =	vst v16;
	v16 =	vadd.f32 v17, v20  }
0xb4: {  	v17 =	vld [tilespmem:s5+$0x8130]  }
0xb5: {  	v19 =	vmul.f32 v19, v0;
	v20 =	vsub.f32 v24, v21;
	v24 =	vld [tilespmem:s5+$0x140];
	v25 =	vadd.f32 v27, v25;
	[tilespmem:s4+$0x10560] =	vst v16;
	s4 =	smov.u32 s5  }
0xb6: {  	v16 =	vld [tilespmem:s4+$0x8140]  }
0xb7: {  	v19 =	vadd.f32 v19, v22;
	v20 =	vmul.f32 v20, v1;
	v22 =	vsub.f32 v23, v18;
	v23 =	vld [tilespmem:s4+$0x150];
	[tilespmem:s4+$0x10570] =	vst v25  }
0xb8: {  	v25 =	vld [tilespmem:s4+$0x8150]  }
0xb9: {  	[tilespmem:s4+$0x10100] =	vst v19;
	v19 =	vadd.f32 v20, v21;
	v20 =	vmul.f32 v22, v2;
	v21 =	vsub.f32 v26, v17;
	v22 =	vld [tilespmem:s4+$0x160]  }
0xba: {  	v26 =	vld [tilespmem:s4+$0x8160]  }
0xbb: {  	[tilespmem:s4+$0x10110] =	vst v19;
	v18 =	vadd.f32 v20, v18;
	v19 =	vmul.f32 v21, v3;
	v20 =	vsub.f32 v24, v16;
	v21 =	vld [tilespmem:s4+$0x170]  }
0xbc: {  	v24 =	vld [tilespmem:s4+$0x8170]  }
0xbd: {  	[tilespmem:s4+$0x10120] =	vst v18;
	v17 =	vadd.f32 v19, v17;
	v18 =	vmul.f32 v20, v4;
	v19 =	vsub.f32 v23, v25;
	v20 =	vld [tilespmem:s4+$0x500]  }
0xbe: {  	v23 =	vld [tilespmem:s4+$0x8500]  }
0xbf: {  	[tilespmem:s4+$0x10130] =	vst v17;
	v16 =	vadd.f32 v18, v16;
	v17 =	vmul.f32 v19, v5;
	v18 =	vsub.f32 v22, v26;
	v22 =	vld [tilespmem:s4+$0x510]  }
0xc0: {  	v27 =	vld [tilespmem:s4+$0x8510]  }
0xc1: {  	[tilespmem:s4+$0x10140] =	vst v16;
	v16 =	vadd.f32 v17, v25;
	v18 =	vmul.f32 v18, v6;
	v19 =	vsub.f32 v21, v24;
	v25 =	vld [tilespmem:s4+$0x520]  }
0xc2: {  	v17 =	vld [tilespmem:s4+$0x8520]  }
0xc3: {  	[tilespmem:s4+$0x10150] =	vst v16;
	v16 =	vadd.f32 v18, v26;
	v18 =	vmul.f32 v19, v8;
	v20 =	vsub.f32 v20, v23;
	v28 =	vld [tilespmem:s4+$0x530]  }
0xc4: {  	v19 =	vld [tilespmem:s4+$0x8530]  }
0xc5: {  	[tilespmem:s4+$0x10160] =	vst v16;
	v16 =	vadd.f32 v18, v24;
	v20 =	vmul.f32 v20, v9;
	v22 =	vsub.f32 v22, v27;
	v21 =	vld [tilespmem:s4+$0x540]  }
.Ltmp0:
0xc6: {  	v18 =	vld [tilespmem:s4+$0x8540];
	(pc) =	sbr.rel @p0 .LBB2_1-.Ltmp0, $4  }
0xc7: {  	[tilespmem:s4+$0x10170] =	vst v16;
	v20 =	vadd.f32 v20, v23;
	v23 =	vmul.f32 v22, v7;
	v24 =	vsub.f32 v25, v17;
	v22 =	vld [tilespmem:s4+$0x550]  }
0xc8: {  	s6 =	sadd.s32 $0x80, s6;
	v16 =	vld [tilespmem:s4+$0x8550]  }
0xc9: {  	s8 =	sand.u32 $0x380, s6;
	s5 =	sand.u32 $0x3800, s7;
	[tilespmem:s4+$0x10500] =	vst v20;
	v25 =	vadd.f32 v23, v27;
	v26 =	vmul.f32 v24, v10;
	v24 =	vsub.f32 v28, v19;
	v23 =	vld [tilespmem:s4+$0x560]  }
0xca: {  	s7 =	sadd.s32 $0x100, s7;
	s5 =	sor.u32 s8, s5;
	v20 =	vld [tilespmem:s4+$0x8560]  }
0xcb: {  	v27 =	vld [tilespmem:s5+$0x570];
	[tilespmem:s4+$0x10510] =	vst v25;
	v17 =	vadd.f32 v26, v17;
	v24 =	vmul.f32 v24, v11;
	v21 =	vsub.f32 v21, v18  }
0xcc: {  	v25 =	vld [tilespmem:s5+$0x8570]  }
0xcd: {  	v26 =	vld [tilespmem:s5+$0x100];
	[tilespmem:s4+$0x10520] =	vst v17;
	v17 =	vadd.f32 v24, v19;
	v21 =	vmul.f32 v21, v12;
	v22 =	vsub.f32 v22, v16  }
0xce: {  	v19 =	vld [tilespmem:s5+$0x8100]  }
0xcf: {  	v24 =	vld [tilespmem:s5+$0x110];
	[tilespmem:s4+$0x10530] =	vst v17;
	v17 =	vadd.f32 v21, v18;
	v21 =	vmul.f32 v22, v13;
	v23 =	vsub.f32 v23, v20  }
0xd0: {  	v18 =	vld [tilespmem:s5+$0x8110]  }
0xd1: {  	v22 =	vld [tilespmem:s5+$0x120];
	[tilespmem:s4+$0x10540] =	vst v17;
	v16 =	vadd.f32 v21, v16;
	v21 =	vmul.f32 v23, v14  }
0xd2: {  	v27 =	vsub.f32 v27, v25;
	v17 =	vld [tilespmem:s5+$0x8120]  }
0xd3: {  	v23 =	vld [tilespmem:s5+$0x130];
	[tilespmem:s4+$0x10550] =	vst v16;
	v16 =	vadd.f32 v21, v20;
	v21 =	vsub.f32 v26, v19  }
0xd4: {  	v26 =	vmul.f32 v27, v15;
	v20 =	vld [tilespmem:s5+$0x8130]  }
0xd5: {  	v27 =	vld [tilespmem:s5+$0x140];
	[tilespmem:s4+$0x10560] =	vst v16;
	v16 =	vmul.f32 v21, v0;
	v24 =	vsub.f32 v24, v18  }
0xd6: {  	v21 =	vadd.f32 v26, v25;
	v25 =	vld [tilespmem:s5+$0x8140]  }
0xd7: {  	v26 =	vld [tilespmem:s5+$0x150];
	v16 =	vadd.f32 v16, v19;
	v19 =	vmul.f32 v24, v1;
	v22 =	vsub.f32 v22, v17  }
0xd8: {  	[tilespmem:s5+$0x10570] =	vst v21;
	v21 =	vld [tilespmem:s5+$0x8150]  }
0xd9: {  	[tilespmem:s5+$0x10100] =	vst v16;
	v16 =	vadd.f32 v19, v18;
	v18 =	vld [tilespmem:s5+$0x160];
	v19 =	vmul.f32 v22, v2  }
0xda: {  	v22 =	vld [tilespmem:s5+$0x8160];
	v23 =	vsub.f32 v23, v20  }
0xdb: {  	[tilespmem:s5+$0x10110] =	vst v16;
	v16 =	vadd.f32 v19, v17;
	v17 =	vld [tilespmem:s5+$0x170]  }
0xdc: {  	v19 =	vmul.f32 v23, v3;
	v23 =	vld [tilespmem:s5+$0x8170];
	v24 =	vsub.f32 v27, v25  }
0xdd: {  	v27 =	vld [tilespmem:s5+$0x8560]  }
0xde: {  	v26 =	vsub.f32 v26, v21;
	[tilespmem:s5+$0x10120] =	vst v16;
	v16 =	vadd.f32 v19, v20;
	v19 =	vld [tilespmem:s5+$0x500];
	v20 =	vmul.f32 v24, v4  }
0xdf: {  	v24 =	vld [tilespmem:s5+$0x8500]  }
0xe0: {  	v18 =	vsub.f32 v18, v22;
	[tilespmem:s5+$0x10130] =	vst v16;
	v16 =	vadd.f32 v20, v25;
	v20 =	vld [tilespmem:s5+$0x510];
	v25 =	vmul.f32 v26, v5  }
0xe1: {  	v26 =	vld [tilespmem:s5+$0x8510]  }
0xe2: {  	v18 =	vmul.f32 v18, v6;
	v17 =	vsub.f32 v17, v23;
	[tilespmem:s5+$0x10140] =	vst v16;
	v16 =	vadd.f32 v25, v21;
	v21 =	vld [tilespmem:s5+$0x520]  }
0xe3: {  	v25 =	vld [tilespmem:s5+$0x8520]  }
0xe4: {  	v17 =	vmul.f32 v17, v8;
	v19 =	vsub.f32 v19, v24;
	[tilespmem:s5+$0x10150] =	vst v16;
	v16 =	vadd.f32 v18, v22;
	v18 =	vld [tilespmem:s5+$0x530]  }
0xe5: {  	v22 =	vld [tilespmem:s5+$0x8530]  }
0xe6: {  	v19 =	vmul.f32 v19, v9;
	[tilespmem:s5+$0x10160] =	vst v16;
	v16 =	vadd.f32 v17, v23;
	v17 =	vld [tilespmem:s5+$0x540]  }
0xe7: {  	v23 =	vld [tilespmem:s5+$0x8540]  }
0xe8: {  	[tilespmem:s5+$0x10170] =	vst v16;
	v16 =	vadd.f32 v19, v24;
	v19 =	vld [tilespmem:s5+$0x550]  }
0xe9: {  	v24 =	vld [tilespmem:s5+$0x8550]  }
0xea: {  	v20 =	vsub.f32 v20, v26;
	[tilespmem:s5+$0x10500] =	vst v16;
	v16 =	vld [tilespmem:s5+$0x560]  }
0xeb: {  	v21 =	vsub.f32 v21, v25  }
0xec: {  	v20 =	vmul.f32 v20, v7;
	v18 =	vsub.f32 v18, v22  }
0xed: {  	v21 =	vmul.f32 v21, v10;
	v17 =	vsub.f32 v17, v23  }
0xee: {  	v20 =	vadd.f32 v20, v26;
	v18 =	vmul.f32 v18, v11;
	v19 =	vsub.f32 v19, v24  }
0xef: {  	v21 =	vadd.f32 v21, v25;
	v17 =	vmul.f32 v17, v12;
	v16 =	vsub.f32 v16, v27  }
0xf0: {  	[tilespmem:s5+$0x10510] =	vst v20;
	v18 =	vadd.f32 v18, v22;
	v19 =	vmul.f32 v19, v13  }
0xf1: {  	[tilespmem:s5+$0x10520] =	vst v21;
	v17 =	vadd.f32 v17, v23;
	v16 =	vmul.f32 v16, v14  }
0xf2: {  	[tilespmem:s5+$0x10530] =	vst v18;
	v18 =	vadd.f32 v19, v24  }
0xf3: {  	[tilespmem:s5+$0x10540] =	vst v17;
	v16 =	vadd.f32 v16, v27  }
0xf4: {  	s26 =	sadd.s32 s3, s2;
	[tilespmem:s5+$0x10550] =	vst v18  }
0xf5: {  	s28 =	simm.s32 $0x0;
	s6 =	simm.s32 $0x10100;
	s29 =	simm.s32 $0x1;
	[tilespmem:s5+$0x10560] =	vst v16  }
0xf6: {  	[hbm4b:s26+s28] =	stream.linear.scatter [tilespmem:s6], [sflag:$0x2], $0x4000, $0x38;
	[tilespmem:$0x18100] =	vst v63  }
0xf7: {  	_ =	swait.ge [sflag:s29], $0x4000  }
0xf8: {  	[sflag:s29] =	ssyncset.done $0x0  }
0xf9: {  	[sflag:s29] =	ssyncadd.s32 $0xFFFFC000  }
0xfa: {  	_ =	swait.ge [sflag:s29], $0x4000  }
0xfb: {  	s30 =	sand.u32 $0x3800, s28;
	s5 =	sand.u32 $0x380, s28;
	[sflag:s29] =	ssyncset.done $0x0  }
0xfc: {  	s4 =	sor.u32 s5, s30;
	[sflag:s29] =	ssyncadd.s32 $0xFFFFC000  }
0xfd: {  	v16 =	vld [tilespmem:s4+$0x4570]  }
0xfe: {  	v17 =	vld [tilespmem:s4+$0xC570]  }
0xff: {  	v18 =	vld [tilespmem:s4+$0x4100]  }
0x100: {  	v19 =	vld [tilespmem:s4+$0xC100]  }
0x101: {  	v20 =	vld [tilespmem:s4+$0x4110]  }
0x102: {  	v21 =	vld [tilespmem:s4+$0xC110]  }
0x103: {  	v22 =	vld [tilespmem:s4+$0x4120];
	v16 =	vsub.f32 v16, v17  }
0x104: {  	v23 =	vld [tilespmem:s4+$0xC120]  }
0x105: {  	v24 =	vld [tilespmem:s4+$0x4130];
	v18 =	vsub.f32 v18, v19;
	v16 =	vmul.f32 v16, v15  }
0x106: {  	v25 =	vld [tilespmem:s4+$0xC130]  }
0x107: {  	v26 =	vld [tilespmem:s4+$0x4140];
	v20 =	vsub.f32 v20, v21;
	v18 =	vmul.f32 v18, v0;
	v16 =	vadd.f32 v16, v17  }
0x108: {  	v17 =	vld [tilespmem:s4+$0xC140]  }
0x109: {  	v27 =	vld [tilespmem:s4+$0x4150];
	v18 =	vadd.f32 v18, v19;
	[tilespmem:s4+$0x14570] =	vst v16;
	v16 =	vmul.f32 v20, v1;
	v20 =	vsub.f32 v22, v23  }
0x10a: {  	v19 =	vld [tilespmem:s4+$0xC150]  }
0x10b: {  	[tilespmem:s4+$0x14100] =	vst v18;
	v18 =	vld [tilespmem:s4+$0x4160];
	v22 =	vsub.f32 v24, v25;
	v16 =	vadd.f32 v16, v21;
	v20 =	vmul.f32 v20, v2  }
0x10c: {  	v21 =	vld [tilespmem:s4+$0xC160]  }
0x10d: {  	v22 =	vmul.f32 v22, v3;
	v24 =	vsub.f32 v26, v17;
	[tilespmem:s4+$0x14110] =	vst v16;
	v16 =	vadd.f32 v20, v23;
	v20 =	vld [tilespmem:s4+$0x4170]  }
0x10e: {  	v23 =	vld [tilespmem:s4+$0xC170]  }
0x10f: {  	v26 =	vsub.f32 v27, v19;
	v24 =	vmul.f32 v24, v4;
	[tilespmem:s4+$0x14120] =	vst v16;
	v16 =	vadd.f32 v22, v25;
	v22 =	vld [tilespmem:s4+$0x4500]  }
0x110: {  	v25 =	vld [tilespmem:s4+$0xC500]  }
0x111: {  	v18 =	vsub.f32 v18, v21;
	[tilespmem:s4+$0x14130] =	vst v16;
	v16 =	vadd.f32 v24, v17;
	v24 =	vld [tilespmem:s4+$0x4510];
	v17 =	vmul.f32 v26, v5  }
0x112: {  	v26 =	vld [tilespmem:s4+$0xC510]  }
0x113: {  	v27 =	vld [tilespmem:s4+$0x4520];
	v18 =	vmul.f32 v18, v6;
	[tilespmem:s4+$0x14140] =	vst v16;
	v16 =	vadd.f32 v17, v19;
	v19 =	vsub.f32 v20, v23  }
0x114: {  	v17 =	vld [tilespmem:s4+$0xC520]  }
0x115: {  	v20 =	vld [tilespmem:s4+$0x4530];
	v22 =	vsub.f32 v22, v25;
	[tilespmem:s4+$0x14150] =	vst v16;
	v16 =	vadd.f32 v18, v21;
	v18 =	vmul.f32 v19, v8  }
0x116: {  	v19 =	vld [tilespmem:s4+$0xC530]  }
0x117: {  	v21 =	vld [tilespmem:s4+$0x4540];
	v22 =	vmul.f32 v22, v9;
	[tilespmem:s4+$0x14160] =	vst v16;
	v16 =	vadd.f32 v18, v23;
	v23 =	vsub.f32 v24, v26  }
0x118: {  	v18 =	vld [tilespmem:s4+$0xC540]  }
0x119: {  	v24 =	vadd.f32 v22, v25;
	v22 =	vld [tilespmem:s4+$0x4550];
	v27 =	vsub.f32 v27, v17;
	v25 =	vmul.f32 v23, v7  }
0x11a: {  	s31 =	simm.s32 $0x100;
	s6 =	simm.s32 $0x80;
	[tilespmem:s4+$0x14170] =	vst v16;
	v16 =	vld [tilespmem:s4+$0xC550]  }
0x11b: {  	s5 =	sand.u32 $0x3800, s31;
	s7 =	sand.u32 $0x380, s6;
	v23 =	vld [tilespmem:s4+$0x4560];
	[tilespmem:s4+$0x14500] =	vst v24;
	v24 =	vsub.f32 v20, v19;
	v25 =	vadd.f32 v25, v26;
	v26 =	vmul.f32 v27, v10  }
0x11c: {  	s5 =	sor.u32 s7, s5;
	s7 =	simm.s32 $0x200;
	v20 =	vld [tilespmem:s4+$0xC560]  }
.LBB2_3:
0x11d: {  	p0 =	sne.s32 s7, $0x3F00;
	v27 =	vld [tilespmem:s5+$0x4570];
	[tilespmem:s4+$0x14510] =	vst v25;
	v17 =	vadd.f32 v26, v17;
	v24 =	vmul.f32 v24, v11;
	v21 =	vsub.f32 v21, v18  }
0x11e: {  	v25 =	vld [tilespmem:s5+$0xC570]  }
0x11f: {  	v26 =	vld [tilespmem:s5+$0x4100];
	[tilespmem:s4+$0x14520] =	vst v17;
	v17 =	vadd.f32 v24, v19;
	v19 =	vmul.f32 v21, v12;
	v21 =	vsub.f32 v22, v16  }
0x120: {  	v22 =	vld [tilespmem:s5+$0xC100]  }
0x121: {  	v24 =	vld [tilespmem:s5+$0x4110];
	[tilespmem:s4+$0x14530] =	vst v17;
	v17 =	vadd.f32 v19, v18;
	v18 =	vmul.f32 v21, v13;
	v19 =	vsub.f32 v23, v20  }
0x122: {  	v21 =	vld [tilespmem:s5+$0xC110]  }
0x123: {  	v23 =	vld [tilespmem:s5+$0x4120];
	v27 =	vsub.f32 v27, v25;
	[tilespmem:s4+$0x14540] =	vst v17;
	v16 =	vadd.f32 v18, v16;
	v17 =	vmul.f32 v19, v14  }
0x124: {  	v18 =	vld [tilespmem:s5+$0xC120]  }
0x125: {  	v19 =	vsub.f32 v26, v22;
	v26 =	vld [tilespmem:s5+$0x4130];
	v27 =	vmul.f32 v27, v15;
	[tilespmem:s4+$0x14550] =	vst v16;
	v16 =	vadd.f32 v17, v20  }
0x126: {  	v17 =	vld [tilespmem:s5+$0xC130]  }
0x127: {  	v19 =	vmul.f32 v19, v0;
	v20 =	vsub.f32 v24, v21;
	v24 =	vld [tilespmem:s5+$0x4140];
	v25 =	vadd.f32 v27, v25;
	[tilespmem:s4+$0x14560] =	vst v16;
	s4 =	smov.u32 s5  }
0x128: {  	v16 =	vld [tilespmem:s4+$0xC140]  }
0x129: {  	v19 =	vadd.f32 v19, v22;
	v20 =	vmul.f32 v20, v1;
	v22 =	vsub.f32 v23, v18;
	v23 =	vld [tilespmem:s4+$0x4150];
	[tilespmem:s4+$0x14570] =	vst v25  }
0x12a: {  	v25 =	vld [tilespmem:s4+$0xC150]  }
0x12b: {  	[tilespmem:s4+$0x14100] =	vst v19;
	v19 =	vadd.f32 v20, v21;
	v20 =	vmul.f32 v22, v2;
	v21 =	vsub.f32 v26, v17;
	v22 =	vld [tilespmem:s4+$0x4160]  }
0x12c: {  	v26 =	vld [tilespmem:s4+$0xC160]  }
0x12d: {  	[tilespmem:s4+$0x14110] =	vst v19;
	v18 =	vadd.f32 v20, v18;
	v19 =	vmul.f32 v21, v3;
	v20 =	vsub.f32 v24, v16;
	v21 =	vld [tilespmem:s4+$0x4170]  }
0x12e: {  	v24 =	vld [tilespmem:s4+$0xC170]  }
0x12f: {  	[tilespmem:s4+$0x14120] =	vst v18;
	v17 =	vadd.f32 v19, v17;
	v18 =	vmul.f32 v20, v4;
	v19 =	vsub.f32 v23, v25;
	v20 =	vld [tilespmem:s4+$0x4500]  }
0x130: {  	v23 =	vld [tilespmem:s4+$0xC500]  }
0x131: {  	[tilespmem:s4+$0x14130] =	vst v17;
	v16 =	vadd.f32 v18, v16;
	v17 =	vmul.f32 v19, v5;
	v18 =	vsub.f32 v22, v26;
	v22 =	vld [tilespmem:s4+$0x4510]  }
0x132: {  	v27 =	vld [tilespmem:s4+$0xC510]  }
0x133: {  	[tilespmem:s4+$0x14140] =	vst v16;
	v16 =	vadd.f32 v17, v25;
	v18 =	vmul.f32 v18, v6;
	v19 =	vsub.f32 v21, v24;
	v25 =	vld [tilespmem:s4+$0x4520]  }
0x134: {  	v17 =	vld [tilespmem:s4+$0xC520]  }
0x135: {  	[tilespmem:s4+$0x14150] =	vst v16;
	v16 =	vadd.f32 v18, v26;
	v18 =	vmul.f32 v19, v8;
	v20 =	vsub.f32 v20, v23;
	v28 =	vld [tilespmem:s4+$0x4530]  }
0x136: {  	v19 =	vld [tilespmem:s4+$0xC530]  }
0x137: {  	[tilespmem:s4+$0x14160] =	vst v16;
	v16 =	vadd.f32 v18, v24;
	v20 =	vmul.f32 v20, v9;
	v22 =	vsub.f32 v22, v27;
	v21 =	vld [tilespmem:s4+$0x4540]  }
.Ltmp1:
0x138: {  	v18 =	vld [tilespmem:s4+$0xC540];
	(pc) =	sbr.rel @p0 .LBB2_3-.Ltmp1, $4  }
0x139: {  	[tilespmem:s4+$0x14170] =	vst v16;
	v20 =	vadd.f32 v20, v23;
	v23 =	vmul.f32 v22, v7;
	v24 =	vsub.f32 v25, v17;
	v22 =	vld [tilespmem:s4+$0x4550]  }
0x13a: {  	s6 =	sadd.s32 $0x80, s6;
	v16 =	vld [tilespmem:s4+$0xC550]  }
0x13b: {  	s8 =	sand.u32 $0x380, s6;
	s5 =	sand.u32 $0x3800, s7;
	[tilespmem:s4+$0x14500] =	vst v20;
	v25 =	vadd.f32 v23, v27;
	v26 =	vmul.f32 v24, v10;
	v24 =	vsub.f32 v28, v19;
	v23 =	vld [tilespmem:s4+$0x4560]  }
0x13c: {  	s7 =	sadd.s32 $0x100, s7;
	s5 =	sor.u32 s8, s5;
	v20 =	vld [tilespmem:s4+$0xC560]  }
0x13d: {  	v27 =	vld [tilespmem:s5+$0x4570];
	[tilespmem:s4+$0x14510] =	vst v25;
	v17 =	vadd.f32 v26, v17;
	v24 =	vmul.f32 v24, v11;
	v21 =	vsub.f32 v21, v18  }
0x13e: {  	v25 =	vld [tilespmem:s5+$0xC570]  }
0x13f: {  	v51 =	vld [tilespmem:s5+$0x4100];
	[tilespmem:s4+$0x14520] =	vst v17;
	v52 =	vadd.f32 v24, v19;
	v21 =	vmul.f32 v21, v12;
	v22 =	vsub.f32 v22, v16  }
0x140: {  	v53 =	vld [tilespmem:s5+$0xC100]  }
0x141: {  	v54 =	vld [tilespmem:s5+$0x4110];
	[tilespmem:s4+$0x14530] =	vst v52;
	v55 =	vadd.f32 v21, v18;
	v57 =	vmul.f32 v22, v13;
	v23 =	vsub.f32 v23, v20  }
0x142: {  	v56 =	vld [tilespmem:s5+$0xC110]  }
0x143: {  	v58 =	vld [tilespmem:s5+$0x4120];
	[tilespmem:s4+$0x14540] =	vst v55;
	v59 =	vadd.f32 v57, v16;
	v60 =	vmul.f32 v23, v14  }
0x144: {  	v17 =	vld [tilespmem:s5+$0xC120]  }
0x145: {  	v61 =	vld [tilespmem:s5+$0x4130];
	[tilespmem:s4+$0x14550] =	vst v59;
	v62 =	vadd.f32 v60, v20  }
0x146: {  	v63 =	vld [tilespmem:s5+$0xC130]  }
0x147: {  	v29 =	vld [tilespmem:s5+$0x4140];
	[tilespmem:s4+$0x14560] =	vst v62  }
0x148: {  	v16 =	vld [tilespmem:s5+$0xC140]  }
0x149: {  	v31 =	vld [tilespmem:s5+$0x4150]  }
0x14a: {  	v32 =	vld [tilespmem:s5+$0xC150]  }
0x14b: {  	v35 =	vld [tilespmem:s5+$0x4160]  }
0x14c: {  	v36 =	vld [tilespmem:s5+$0xC160]  }
0x14d: {  	v39 =	vld [tilespmem:s5+$0x4170]  }
0x14e: {  	v40 =	vld [tilespmem:s5+$0xC170]  }
0x14f: {  	v43 =	vld [tilespmem:s5+$0x4500]  }
0x150: {  	v44 =	vld [tilespmem:s5+$0xC500]  }
0x151: {  	v47 =	vld [tilespmem:s5+$0x4510]  }
0x152: {  	v27 =	vsub.f32 v27, v25;
	v48 =	vld [tilespmem:s5+$0xC510]  }
0x153: {  	v28 =	vsub.f32 v51, v53;
	v50 =	vld [tilespmem:s5+$0x4520]  }
0x154: {  	v15 =	vmul.f32 v27, v15;
	v30 =	vsub.f32 v54, v56;
	v51 =	vld [tilespmem:s5+$0xC520]  }
0x155: {  	v0 =	vmul.f32 v28, v0;
	v54 =	vld [tilespmem:s5+$0xC530];
	v33 =	vsub.f32 v58, v17  }
0x156: {  	v15 =	vadd.f32 v15, v25;
	v62 =	vld [tilespmem:s5+$0xC560];
	v1 =	vmul.f32 v30, v1;
	v37 =	vsub.f32 v61, v63  }
0x157: {  	v0 =	vadd.f32 v0, v53;
	v2 =	vmul.f32 v33, v2;
	v61 =	vld [tilespmem:s5+$0x4560];
	v41 =	vsub.f32 v29, v16  }
0x158: {  	v57 =	vld [tilespmem:s5+$0xC540];
	[tilespmem:s5+$0x14570] =	vst v15;
	v34 =	vadd.f32 v1, v56;
	v3 =	vmul.f32 v37, v3;
	v45 =	vsub.f32 v31, v32  }
0x159: {  	v59 =	vld [tilespmem:s5+$0x4550];
	[tilespmem:s5+$0x14100] =	vst v0;
	v38 =	vadd.f32 v2, v17;
	v1 =	vsub.f32 v35, v36;
	v4 =	vmul.f32 v41, v4  }
0x15a: {  	v53 =	vld [tilespmem:s5+$0x4530];
	[tilespmem:s5+$0x14110] =	vst v34;
	v2 =	vsub.f32 v39, v40;
	v42 =	vadd.f32 v3, v63;
	v5 =	vmul.f32 v45, v5  }
0x15b: {  	v56 =	vld [tilespmem:s5+$0x4540];
	[tilespmem:s5+$0x14120] =	vst v38;
	v1 =	vmul.f32 v1, v6;
	v3 =	vsub.f32 v43, v44;
	v46 =	vadd.f32 v4, v16  }
0x15c: {  	v60 =	vld [tilespmem:s5+$0xC550];
	v2 =	vmul.f32 v2, v8;
	v0 =	vsub.f32 v61, v62;
	[tilespmem:s5+$0x14130] =	vst v42;
	v49 =	vadd.f32 v5, v32  }
0x15d: {  	v52 =	vadd.f32 v1, v36;
	v3 =	vmul.f32 v3, v9;
	v4 =	vsub.f32 v47, v48;
	[tilespmem:s5+$0x14140] =	vst v46  }
0x15e: {  	v55 =	vadd.f32 v2, v40;
	v5 =	vsub.f32 v50, v51;
	v0 =	vmul.f32 v0, v14;
	[tilespmem:s5+$0x14150] =	vst v49  }
0x15f: {  	v1 =	vsub.f32 v53, v54;
	[tilespmem:s5+$0x14160] =	vst v52;
	v58 =	vadd.f32 v3, v44;
	v4 =	vmul.f32 v4, v7  }
0x160: {  	v2 =	vsub.f32 v56, v57;
	[tilespmem:s5+$0x14170] =	vst v55;
	v5 =	vmul.f32 v5, v10;
	v0 =	vadd.f32 v0, v62  }
0x161: {  	v1 =	vmul.f32 v1, v11;
	v3 =	vsub.f32 v59, v60;
	[tilespmem:s5+$0x14500] =	vst v58;
	v4 =	vadd.f32 v4, v48  }
0x162: {  	v2 =	vmul.f32 v2, v12;
	v5 =	vadd.f32 v5, v51;
	[tilespmem:s5+$0x14560] =	vst v0  }
0x163: {  	v1 =	vadd.f32 v1, v54;
	v3 =	vmul.f32 v3, v13;
	[tilespmem:s5+$0x14510] =	vst v4  }
0x164: {  	v2 =	vadd.f32 v2, v57;
	[tilespmem:s5+$0x14520] =	vst v5  }
0x165: {  	[tilespmem:s5+$0x14530] =	vst v1;
	v63 =	vadd.f32 v3, v60  }
0x166: {  	s2 =	sadd.s32 s2, s3;
	s29 =	simm.s32 $0x0;
	[tilespmem:s5+$0x14540] =	vst v2  }
0x167: {  	s30 =	simm.s32 $0x14100;
	s31 =	simm.s32 $0x2;
	s2 =	sadd.s32 $0x800, s2;
	[tilespmem:s5+$0x14550] =	vst v63  }
0x168: {  	[hbm4b:s2+s29] =	stream.linear.scatter [tilespmem:s30], [sflag:$0x2], $0x4000, $0x38;
	[tilespmem:$0x18100] =	vst v63  }
0x169: {  	_ =	swait.ge [sflag:s31], $0x4000  }
0x16a: {  	[sflag:s31] =	ssyncset.done $0x0  }
0x16b: {  	[sflag:s31] =	ssyncadd.s32 $0xFFFFC000  }
0x16c: {  	_ =	swait.ge [sflag:s31], $0x4000  }
0x16d: {  	[sflag:s31] =	ssyncset.done $0x0  }
0x16e: {  	[sflag:s31] =	ssyncadd.s32 $0xFFFFC000  }
0x16f: {  	_ =	sfence.sel $0x180000  }
0x170: {  	[bflag:$0x0] =	sbarrier.arrive $0xFFFF  }
0x171: {  	p0 =	sne.s32 s1, $0x0;
	_ =	strace $0x90000047  }
0x172: {  	s0 =	sadd.s32 @!p0 $0x100000, s0;
	[bflag:$0x2] =	sbarrier.arrive $0xFFFF  }
0x173: {  	[sflag:s0] =	ssyncadd.tile.s32 @!p0 $0x1;
	_ =	shalt  }
.Lfunc_end2:
_tile_overlayer_lowered:
.L_overlay_start_2:
0x174: {  	(tag) =	ssettag $0x2  }
0x175: {  	s0 =	rddreg [dreg:$0x0];
	s2 =	stileid.u32  }
0x176: {  	s1 =	rddreg [dreg:$0x1];
	p0 =	sne.s32 s2, $0x0  }
0x177: {  	s3 =	rddreg [dreg:$0x2];
	[bflag:$0x3] =	sbarrier.arrive $0xFFFF;
	s2 =	simm.s32 @!p0 $0x1C03  }
0x178: {  	[timem:s3], [sflag:s2] =	dma.local @!p0 [hbm:s0], s1  }
0x179: {  	s0 =	simm.s32 @!p0 $0x3  }
0x17a: {  	_ =	swait.ge @!p0 [sflag:s0], s1  }
0x17b: {  	s1 =	ssub.s32 @!p0 $0x0, s1;
	[sflag:s0] =	ssyncset.done @!p0 $0x0  }
0x17c: {  	[sflag:s0] =	ssyncadd.s32 @!p0 s1  }
0x17d: {  	[bflag:$0x3] =	sbarrier.arrive $0xFFFF  }
0x17e: {  	_ =	shalt  }

</sc_bundles>
